<compile_context>
chip_gen: v7x
topology: tpu7x:2x2x1
jax: 0.10.2.dev20260603
libtpu: 0.0.44.dev20260713+nightly
codegen_flags: <defaults>
</compile_context>

<pallas_src>
import functools

import jax
import jax.numpy as jnp
import numpy as np
from jax import lax
from jax.experimental import pallas as pl
from jax.experimental.pallas import tpu as pltpu
from jax.experimental.pallas import tpu_sc as plsc

N = 10000
E = 320000
NEG = 0.2

NTILES = 32
EPT = E // NTILES
G = 80
NCHUNK = EPT // G
RPT = 640


def _interleave_perm(HC):
    P = np.zeros((HC, HC), np.float32)
    for t in range(HC):
        k, j = t // 32, t % 32
        s = 32 * k + (j % 2) * 16 + j // 2
        P[s, t] = 1.0
    return jnp.asarray(P)


def _lrelu(a):
    return jnp.where(a >= 0, a, NEG * a)


def _lrelu_max(a):
    return jnp.maximum(a, NEG * a)


def _lane_gather(vec, idx):
    return lax.gather(
        vec, idx[:, None],
        dimension_numbers=lax.GatherDimensionNumbers(
            offset_dims=(), collapsed_slice_dims=(0,), start_index_map=(0,)),
        slice_sizes=(1,),
        mode=lax.GatherScatterMode.PROMISE_IN_BOUNDS)


def _make_sc_edge_pass(HC, HEADS):
    W = HC + 16

    mesh = plsc.VectorSubcoreMesh(core_axis_name="c", subcore_axis_name="s")

    @functools.partial(
        pl.kernel, mesh=mesh,
        compiler_params=pltpu.CompilerParams(use_tc_tiling_on_sc=False),
        out_type=jax.ShapeDtypeStruct((2, N, W), jnp.float32),
        scratch_types=[
            pltpu.VMEM((2, G), jnp.int32),
            pltpu.VMEM((2, G), jnp.int32),
            pltpu.VMEM((G,), jnp.int32),
            pltpu.VMEM((G, HC // 2), jnp.int32),
            pltpu.VMEM((G, HC // 2), jnp.int32),
            pltpu.VMEM((G, 16), jnp.float32),
            pltpu.VMEM((G, 16), jnp.float32),
            pltpu.VMEM((G, 16), jnp.float32),
            pltpu.VMEM((G, 16), jnp.float32),
            pltpu.VMEM((G, W), jnp.float32),
            pltpu.SemaphoreType.DMA,
            pltpu.SemaphoreType.DMA,
            pltpu.SemaphoreType.DMA,
            pltpu.SemaphoreType.DMA,
            pltpu.SemaphoreType.DMA,
            pltpu.VMEM_SHARED((N, W), jnp.float32),
        ],
    )
    def edge_pass(hb_hbm, ast_hbm, adt_hbm, sd_hbm, out_hbm,
                  sdv0, sdv1, dstv, hb0, hb1, as0, as1, ad0, ad1, outv,
                  isem0, isem1, gsem0, gsem1, ssem, accum):
        c_ax = lax.axis_index("c")
        s = lax.axis_index("s")
        wid = c_ax * 16 + s
        wbase = wid * NCHUNK

        sdv = (sdv0, sdv1)
        hbb = (hb0, hb1)
        asb = (as0, as1)
        adb = (ad0, ad1)
        isem = (isem0, isem1)
        gsem = (gsem0, gsem1)

        zero16 = jnp.zeros((16,), jnp.float32)

        def zrow(i, _):
            for k in range(W // 16):
                outv[i, pl.ds(16 * k, 16)] = zero16
            return 0

        lax.fori_loop(0, G, zrow, 0)

        def zcopy(i, _):
            @pl.when(s * RPT + i * G < N)
            def _():
                pltpu.sync_copy(outv, accum.at[pl.ds(s * RPT + i * G, G)])
            return 0

        lax.fori_loop(0, RPT // G, zcopy, 0)
        plsc.subcore_barrier()

        def fire_idx(c, p):
            pltpu.async_copy(sd_hbm.at[pl.ds(2 * (wbase + c), 2)],
                             sdv[p], isem[p])

        def wait_idx(c, p):
            pltpu.make_async_copy(sd_hbm.at[pl.ds(2 * (wbase + c), 2)],
                                  sdv[p], isem[p]).wait()

        def fire_gath(p):
            pltpu.async_copy(hb_hbm.at[sdv[p].at[0]], hbb[p], gsem[p])
            pltpu.async_copy(ast_hbm.at[sdv[p].at[0]], asb[p], gsem[p])
            pltpu.async_copy(adt_hbm.at[sdv[p].at[1]], adb[p], gsem[p])

        def wait_gath(p):
            pltpu.make_async_copy(hb_hbm.at[sdv[p].at[0]],
                                  hbb[p], gsem[p]).wait()
            pltpu.make_async_copy(ast_hbm.at[sdv[p].at[0]],
                                  asb[p], gsem[p]).wait()
            pltpu.make_async_copy(adt_hbm.at[sdv[p].at[1]],
                                  adb[p], gsem[p]).wait()

        def wait_scat():
            pltpu.make_async_copy(outv, accum.at[dstv], ssem).wait()

        lane = lax.iota(jnp.int32, 16)
        half = lax.div(lane, 8)

        def do_chunk(c, p):
            hb_s, as_s, ad_s = hbb[p], asb[p], adb[p]
            wait_gath(p)

            @pl.when(c >= 1)
            def _():
                wait_scat()

            for k in range(G // 16):
                dstv[pl.ds(16 * k, 16)] = sdv[p][1, pl.ds(16 * k, 16)]

            @pl.when(c + 2 < NCHUNK)
            def _():
                fire_idx(c + 2, p)

            @pl.when(c + 1 < NCHUNK)
            def _():
                wait_idx(c + 1, 1 - p)
                fire_gath(1 - p)

            @plsc.parallel_loop(0, G, step=1, unroll=4)
            def edge(e):
                ex = jnp.exp(_lrelu_max(as_s[e, :] + ad_s[e, :]))
                outv[e, pl.ds(HC, 16)] = ex
                if HEADS == 1:
                    pa = _lane_gather(ex, lane * 0)
                for k in range(HC // 32):
                    vi = hb_s[e, pl.ds(16 * k, 16)]
                    a = lax.bitcast_convert_type(
                        lax.shift_left(vi, 16), jnp.float32)
                    b = lax.bitcast_convert_type(
                        jnp.bitwise_and(vi, jnp.int32(-65536)), jnp.float32)
                    if HEADS == 1:
                        pka, pkb = pa, pa
                    else:
                        pka = _lane_gather(ex, half + 4 * k)
                        pkb = _lane_gather(ex, half + 4 * k + 2)
                    outv[e, pl.ds(32 * k, 16)] = a * pka
                    outv[e, pl.ds(32 * k + 16, 16)] = b * pkb

            pltpu.async_copy(outv, accum.at[dstv], ssem, add=True)

        fire_idx(0, 0)
        fire_idx(1, 1)
        wait_idx(0, 0)
        fire_gath(0)

        def pair(i, _):
            do_chunk(2 * i, 0)

            @pl.when(2 * i + 1 < NCHUNK)
            def _():
                do_chunk(2 * i + 1, 1)
            return 0

        lax.fori_loop(0, (NCHUNK + 1) // 2, pair, 0)
        wait_scat()
        plsc.subcore_barrier()

        def ocopy(i, _):
            @pl.when(s * RPT + i * G < N)
            def _():
                pltpu.sync_copy(accum.at[pl.ds(s * RPT + i * G, G)],
                                out_hbm.at[c_ax, pl.ds(s * RPT + i * G, G)])
            return 0

        lax.fori_loop(0, RPT // G, ocopy, 0)

    return edge_pass


_sc_l1 = _make_sc_edge_pass(64, 8)
_sc_l2 = _make_sc_edge_pass(128, 1)


_BN = 2000


def _rspec(cols):
    return pl.BlockSpec((_BN, cols), lambda i: (i, 0))


def _wspec(shape):
    nd = len(shape)
    return pl.BlockSpec(shape, lambda i: (0,) * nd)


def _tc_stage_a(x, W1, S1, D1, P64):
    def body(x_r, w_r, s_r, d_r, p_r, h_r, hb_r, ast_r, adt_r):
        h = jnp.dot(x_r[...], w_r[...], preferred_element_type=jnp.float32)
        h_r[...] = h
        hb_r[...] = jnp.dot(
            h, p_r[...], preferred_element_type=jnp.float32).astype(jnp.bfloat16)
        z = jnp.zeros((h.shape[0], 8), jnp.float32)
        ast_r[...] = jnp.concatenate(
            [jnp.dot(h, s_r[...], preferred_element_type=jnp.float32), z], 1)
        adt_r[...] = jnp.concatenate(
            [jnp.dot(h, d_r[...], preferred_element_type=jnp.float32), z], 1)

    return pl.pallas_call(
        body,
        grid=(N // _BN,),
        in_specs=[_rspec(128), _wspec((128, 64)), _wspec((64, 8)),
                  _wspec((64, 8)), _wspec((64, 64))],
        out_specs=(_rspec(64), _rspec(64), _rspec(16), _rspec(16)),
        out_shape=(jax.ShapeDtypeStruct((N, 64), jnp.float32),
                   jax.ShapeDtypeStruct((N, 64), jnp.bfloat16),
                   jax.ShapeDtypeStruct((N, 16), jnp.float32),
                   jax.ShapeDtypeStruct((N, 16), jnp.float32)),
    )(x, W1, S1, D1, P64)


def _tc_stage_c(acc1, h1, ast1, adt1, b1, W2, as2v, ad2v, P128):
    def body(a_r, h_r, ast_r, adt_r, b_r, w_r, asv_r, adv_r, p_r,
             h2_r, hb2_r, ast2_r, adt2_r):
        a = a_r[0] + a_r[1]
        h = h_r[...]
        exs = jnp.exp(_lrelu(ast_r[...][:, :8] + adt_r[...][:, :8]))
        den = a[:, 64:72] + exs + 1e-16
        num = a[:, :64] + jnp.repeat(exs, 8, axis=1) * h
        o1 = num / jnp.repeat(den, 8, axis=1) + b_r[...][None, :]
        e1 = jnp.where(o1 > 0, o1, jnp.exp(o1) - 1.0)
        h2 = jnp.dot(e1, w_r[...], preferred_element_type=jnp.float32)
        h2_r[...] = h2
        hb2_r[...] = jnp.dot(
            h2, p_r[...], preferred_element_type=jnp.float32).astype(jnp.bfloat16)
        as2 = jnp.dot(h2, asv_r[...], preferred_element_type=jnp.float32)
        ad2 = jnp.dot(h2, adv_r[...], preferred_element_type=jnp.float32)
        z = jnp.zeros((h2.shape[0], 8), jnp.float32)
        ast2_r[...] = jnp.concatenate([jnp.repeat(as2, 8, axis=1), z], 1)
        adt2_r[...] = jnp.concatenate([jnp.repeat(ad2, 8, axis=1), z], 1)

    return pl.pallas_call(
        body,
        grid=(N // _BN,),
        in_specs=[pl.BlockSpec((2, _BN, 80), lambda i: (0, i, 0)),
                  _rspec(64), _rspec(16), _rspec(16),
                  _wspec((64,)), _wspec((64, 128)),
                  _wspec((128, 1)), _wspec((128, 1)), _wspec((128, 128))],
        out_specs=(_rspec(128), _rspec(128), _rspec(16), _rspec(16)),
        out_shape=(jax.ShapeDtypeStruct((N, 128), jnp.float32),
                   jax.ShapeDtypeStruct((N, 128), jnp.bfloat16),
                   jax.ShapeDtypeStruct((N, 16), jnp.float32),
                   jax.ShapeDtypeStruct((N, 16), jnp.float32)),
    )(acc1, h1, ast1, adt1, b1, W2, as2v, ad2v, P128)


def _tc_stage_e(acc2, h2, ast2, adt2, b2):
    def body(a_r, h_r, ast_r, adt_r, b_r, out_r):
        a = a_r[0] + a_r[1]
        h = h_r[...]
        exs = jnp.exp(_lrelu(ast_r[...][:, :1] + adt_r[...][:, :1]))
        den = a[:, 128:129] + exs + 1e-16
        num = a[:, :128] + exs * h
        out_r[...] = num / den + b_r[...][None, :]

    return pl.pallas_call(
        body,
        grid=(N // _BN,),
        in_specs=[pl.BlockSpec((2, _BN, 144), lambda i: (0, i, 0)),
                  _rspec(128), _rspec(16), _rspec(16), _wspec((128,))],
        out_specs=_rspec(128),
        out_shape=jax.ShapeDtypeStruct((N, 128), jnp.float32),
    )(acc2, h2, ast2, adt2, b2)


def kernel(x, edge_index, W1, att_src1, att_dst1, b1,
           W2, att_src2, att_dst2, b2):
    src3 = edge_index[0].reshape(NTILES * NCHUNK, 1, G)
    dst3 = edge_index[1].reshape(NTILES * NCHUNK, 1, G)
    sd = jnp.concatenate([src3, dst3], 1).reshape(NTILES * NCHUNK * 2, G)

    S1 = (jnp.eye(8, dtype=jnp.float32)[:, None, :]
          * att_src1[:, :, None]).reshape(64, 8)
    D1 = (jnp.eye(8, dtype=jnp.float32)[:, None, :]
          * att_dst1[:, :, None]).reshape(64, 8)
    as2v = att_src2.reshape(128, 1)
    ad2v = att_dst2.reshape(128, 1)

    h1, hb1, ast1, adt1 = _tc_stage_a(x, W1, S1, D1, _interleave_perm(64))
    hb1i = lax.bitcast_convert_type(hb1.reshape(N, 32, 2), jnp.int32)
    acc1 = _sc_l1(hb1i, ast1, adt1, sd)
    h2, hb2, ast2, adt2 = _tc_stage_c(
        acc1, h1, ast1, adt1, b1, W2, as2v, ad2v, _interleave_perm(128))
    hb2i = lax.bitcast_convert_type(hb2.reshape(N, 64, 2), jnp.int32)
    acc2 = _sc_l2(hb2i, ast2, adt2, sd)
    return _tc_stage_e(acc2, h2, ast2, adt2, b2)

# --- scband reference (transcript-rebuilt; emitter-appended) ---
"""Pipeline reference for scband-rmrm-63763084476814 (READ-ONLY COPY).

The authoritative reference and input builder live on the scoring server;
editing this copy changes nothing except your own understanding.
"""

import jax, jax.numpy as jnp
import numpy as np

N = 10000
E = 320000
D = 128
H1, C1 = 8, 8   # conv1: heads=8, out=8 -> concat 64
H2, C2 = 1, 128 # conv2: heads=1, out=128
NEG_SLOPE = 0.2


def setup_inputs(seed: int = 0):
    key = jax.random.key(seed)
    ks = jax.random.split(key, 12)
    x = jax.random.normal(ks[0], (N, D), dtype=jnp.float32)
    edge_index = jax.random.randint(ks[1], (2, E), 0, N, dtype=jnp.int32)
    s1 = 1.0 / np.sqrt(D)
    W1 = jax.random.normal(ks[2], (D, H1 * C1), dtype=jnp.float32) * s1
    att_src1 = jax.random.normal(ks[3], (H1, C1), dtype=jnp.float32) * s1
    att_dst1 = jax.random.normal(ks[4], (H1, C1), dtype=jnp.float32) * s1
    b1 = jnp.zeros((H1 * C1,), dtype=jnp.float32)
    s2 = 1.0 / np.sqrt(H1 * C1)
    W2 = jax.random.normal(ks[5], (H1 * C1, H2 * C2), dtype=jnp.float32) * s2
    att_src2 = jax.random.normal(ks[6], (H2, C2), dtype=jnp.float32) * s2
    att_dst2 = jax.random.normal(ks[7], (H2, C2), dtype=jnp.float32) * s2
    b2 = jnp.zeros((H2 * C2,), dtype=jnp.float32)
    return {"x": x, "edge_index": edge_index,
            "W1": W1, "att_src1": att_src1, "att_dst1": att_dst1, "b1": b1,
            "W2": W2, "att_src2": att_src2, "att_dst2": att_dst2, "b2": b2}


def _gat_conv(x, edge_index, W, att_src, att_dst, bias, heads, out_ch):
    n = x.shape[0]
    # PyG default: add self loops
    loop = jnp.arange(n, dtype=edge_index.dtype)
    ei = jnp.concatenate([edge_index, jnp.stack([loop, loop])], axis=1)
    src, dst = ei[0], ei[1]
    h = (x @ W).reshape(n, heads, out_ch)
    a_src = (h * att_src[None, :, :]).sum(-1)  # [N, heads]
    a_dst = (h * att_dst[None, :, :]).sum(-1)  # [N, heads]
    alpha = a_src[src] + a_dst[dst]            # [E', heads]
    alpha = jax.nn.leaky_relu(alpha, NEG_SLOPE)
    # segment softmax over destination nodes
    amax = jax.ops.segment_max(alpha, dst, num_segments=n)
    amax = jnp.where(jnp.isfinite(amax), amax, 0.0)
    ex = jnp.exp(alpha - amax[dst])
    denom = jax.ops.segment_sum(ex, dst, num_segments=n)
    attn = ex / (denom[dst] + 1e-16)           # [E', heads]
    msg = h[src] * attn[:, :, None]            # [E', heads, out]
    out = jax.ops.segment_sum(msg, dst, num_segments=n)  # [N, heads, out]
    return out.reshape(n, heads * out_ch) + bias[None, :]


def reference(x, edge_index, W1, att_src1, att_dst1, b1, W2, att_src2, att_dst2, b2):
    h = _gat_conv(x, edge_index, W1, att_src1, att_dst1, b1, H1, C1)
    h = jax.nn.elu(h)
    out = _gat_conv(h, edge_index, W2, att_src2, att_dst2, b2, H2, C2)
    return out

if __name__ == "__main__":
    import jax
    _d = setup_inputs()
    print(jax.jit(kernel)(*tuple(_d.values())))

</pallas_src>

<mosaic_0001>
#map = affine_map<(d0, d1) -> (0, 0)>
#map1 = affine_map<(d0, d1) -> (0, 0, 0)>
module attributes {stable_mosaic.version = 14 : i64} {
  func.func @edge_pass(%arg0: i32, %arg1: i32, %arg2: memref<10000x64xi32, #tpu.memory_space<hbm>>, %arg3: memref<10000x16xf32, #tpu.memory_space<hbm>>, %arg4: memref<10000x16xf32, #tpu.memory_space<hbm>>, %arg5: memref<8000x80xi32, #tpu.memory_space<hbm>>, %arg6: memref<2x10000x144xf32, #tpu.memory_space<hbm>>, %arg7: memref<2x80xi32, #tpu.memory_space<vmem>>, %arg8: memref<2x80xi32, #tpu.memory_space<vmem>>, %arg9: memref<80xi32, #tpu.memory_space<vmem>>, %arg10: memref<80x64xi32, #tpu.memory_space<vmem>>, %arg11: memref<80x64xi32, #tpu.memory_space<vmem>>, %arg12: memref<80x16xf32, #tpu.memory_space<vmem>>, %arg13: memref<80x16xf32, #tpu.memory_space<vmem>>, %arg14: memref<80x16xf32, #tpu.memory_space<vmem>>, %arg15: memref<80x16xf32, #tpu.memory_space<vmem>>, %arg16: memref<80x144xf32, #tpu.memory_space<vmem>>, %arg17: memref<!tpu.dma_semaphore, #tpu.memory_space<semaphore_mem>>, %arg18: memref<!tpu.dma_semaphore, #tpu.memory_space<semaphore_mem>>, %arg19: memref<!tpu.dma_semaphore, #tpu.memory_space<semaphore_mem>>, %arg20: memref<!tpu.dma_semaphore, #tpu.memory_space<semaphore_mem>>, %arg21: memref<!tpu.dma_semaphore, #tpu.memory_space<semaphore_mem>>, %arg22: memref<10000x144xf32, #tpu.memory_space<vmem_shared>>) attributes {dimension_semantics = [#tpu.dimension_semantics<core_parallel>, #tpu.dimension_semantics<subcore_parallel>], iteration_bounds = array<i64: 2, 16>, scalar_prefetch = 0 : i64, scratch_operands = 16 : i64, tpu.core_type = #tpu.core_type<sc_vector_subcore>, window_params = [{transform_indices = #map}, {transform_indices = #map}, {transform_indices = #map}, {transform_indices = #map}, {transform_indices = #map1}]} {
    %mul3A = arith.constant 16 : i32
    %mul3A_0 = arith.muli %arg0, %mul3A : i32
    %add3A = arith.addi %mul3A_0, %arg1 : i32
    %mul3A_1 = arith.constant 125 : i32
    %mul3A_2 = arith.muli %add3A, %mul3A_1 : i32
    %broadcast_in_dim3A = arith.constant 0.000000e+00 : f32
    %broadcast_in_dim3A_3 = vector.broadcast %broadcast_in_dim3A : f32 to vector<16xf32>
    %scan3A = arith.constant 0 : i32
    %scan3A_4 = arith.constant 0 : i32
    %scan3A_5 = arith.constant 80 : i32
    %scan3A_6 = arith.addi %scan3A_4, %scan3A_5 : i32
    %scan3A_7 = arith.constant 1 : i32
    %scan3A_8 = scf.for %scan3A_80 = %scan3A_4 to %scan3A_6 step %scan3A_7 iter_args(%scan3A_81 = %scan3A) -> (i32)  : i32 {
      %swap3A = arith.index_cast %scan3A_80 : i32 to index
      %swap3A_82 = arith.constant 0 : index
      %swap3A_83 = tpu.vector_load %arg16[%swap3A, %swap3A_82] {strides = array<i32>} : memref<80x144xf32, #tpu.memory_space<vmem>>, vector<1x16xf32>,
      %swap3A_84 = vector.shape_cast %swap3A_83 : vector<1x16xf32> to vector<16xf32>
      %swap3A_85 = vector.shape_cast %broadcast_in_dim3A_3 : vector<16xf32> to vector<1x16xf32>
      tpu.vector_store %arg16[%swap3A, %swap3A_82], %swap3A_85 {strides = array<i32>} : memref<80x144xf32, #tpu.memory_space<vmem>>, vector<1x16xf32>,
      %swap3A_86 = arith.index_cast %scan3A_80 : i32 to index
      %swap3A_87 = arith.constant 16 : index
      %swap3A_88 = tpu.vector_load %arg16[%swap3A_86, %swap3A_87] {strides = array<i32>} : memref<80x144xf32, #tpu.memory_space<vmem>>, vector<1x16xf32>,
      %swap3A_89 = vector.shape_cast %swap3A_88 : vector<1x16xf32> to vector<16xf32>
      %swap3A_90 = vector.shape_cast %broadcast_in_dim3A_3 : vector<16xf32> to vector<1x16xf32>
      tpu.vector_store %arg16[%swap3A_86, %swap3A_87], %swap3A_90 {strides = array<i32>} : memref<80x144xf32, #tpu.memory_space<vmem>>, vector<1x16xf32>,
      %swap3A_91 = arith.index_cast %scan3A_80 : i32 to index
      %swap3A_92 = arith.constant 32 : index
      %swap3A_93 = tpu.vector_load %arg16[%swap3A_91, %swap3A_92] {strides = array<i32>} : memref<80x144xf32, #tpu.memory_space<vmem>>, vector<1x16xf32>,
      %swap3A_94 = vector.shape_cast %swap3A_93 : vector<1x16xf32> to vector<16xf32>
      %swap3A_95 = vector.shape_cast %broadcast_in_dim3A_3 : vector<16xf32> to vector<1x16xf32>
      tpu.vector_store %arg16[%swap3A_91, %swap3A_92], %swap3A_95 {strides = array<i32>} : memref<80x144xf32, #tpu.memory_space<vmem>>, vector<1x16xf32>,
      %swap3A_96 = arith.index_cast %scan3A_80 : i32 to index
      %swap3A_97 = arith.constant 48 : index
      %swap3A_98 = tpu.vector_load %arg16[%swap3A_96, %swap3A_97] {strides = array<i32>} : memref<80x144xf32, #tpu.memory_space<vmem>>, vector<1x16xf32>,
      %swap3A_99 = vector.shape_cast %swap3A_98 : vector<1x16xf32> to vector<16xf32>
      %swap3A_100 = vector.shape_cast %broadcast_in_dim3A_3 : vector<16xf32> to vector<1x16xf32>
      tpu.vector_store %arg16[%swap3A_96, %swap3A_97], %swap3A_100 {strides = array<i32>} : memref<80x144xf32, #tpu.memory_space<vmem>>, vector<1x16xf32>,
      %swap3A_101 = arith.index_cast %scan3A_80 : i32 to index
      %swap3A_102 = arith.constant 64 : index
      %swap3A_103 = tpu.vector_load %arg16[%swap3A_101, %swap3A_102] {strides = array<i32>} : memref<80x144xf32, #tpu.memory_space<vmem>>, vector<1x16xf32>,
      %swap3A_104 = vector.shape_cast %swap3A_103 : vector<1x16xf32> to vector<16xf32>
      %swap3A_105 = vector.shape_cast %broadcast_in_dim3A_3 : vector<16xf32> to vector<1x16xf32>
      tpu.vector_store %arg16[%swap3A_101, %swap3A_102], %swap3A_105 {strides = array<i32>} : memref<80x144xf32, #tpu.memory_space<vmem>>, vector<1x16xf32>,
      %swap3A_106 = arith.index_cast %scan3A_80 : i32 to index
      %swap3A_107 = arith.constant 80 : index
      %swap3A_108 = tpu.vector_load %arg16[%swap3A_106, %swap3A_107] {strides = array<i32>} : memref<80x144xf32, #tpu.memory_space<vmem>>, vector<1x16xf32>,
      %swap3A_109 = vector.shape_cast %swap3A_108 : vector<1x16xf32> to vector<16xf32>
      %swap3A_110 = vector.shape_cast %broadcast_in_dim3A_3 : vector<16xf32> to vector<1x16xf32>
      tpu.vector_store %arg16[%swap3A_106, %swap3A_107], %swap3A_110 {strides = array<i32>} : memref<80x144xf32, #tpu.memory_space<vmem>>, vector<1x16xf32>,
      %swap3A_111 = arith.index_cast %scan3A_80 : i32 to index
      %swap3A_112 = arith.constant 96 : index
      %swap3A_113 = tpu.vector_load %arg16[%swap3A_111, %swap3A_112] {strides = array<i32>} : memref<80x144xf32, #tpu.memory_space<vmem>>, vector<1x16xf32>,
      %swap3A_114 = vector.shape_cast %swap3A_113 : vector<1x16xf32> to vector<16xf32>
      %swap3A_115 = vector.shape_cast %broadcast_in_dim3A_3 : vector<16xf32> to vector<1x16xf32>
      tpu.vector_store %arg16[%swap3A_111, %swap3A_112], %swap3A_115 {strides = array<i32>} : memref<80x144xf32, #tpu.memory_space<vmem>>, vector<1x16xf32>,
      %swap3A_116 = arith.index_cast %scan3A_80 : i32 to index
      %swap3A_117 = arith.constant 112 : index
      %swap3A_118 = tpu.vector_load %arg16[%swap3A_116, %swap3A_117] {strides = array<i32>} : memref<80x144xf32, #tpu.memory_space<vmem>>, vector<1x16xf32>,
      %swap3A_119 = vector.shape_cast %swap3A_118 : vector<1x16xf32> to vector<16xf32>
      %swap3A_120 = vector.shape_cast %broadcast_in_dim3A_3 : vector<16xf32> to vector<1x16xf32>
      tpu.vector_store %arg16[%swap3A_116, %swap3A_117], %swap3A_120 {strides = array<i32>} : memref<80x144xf32, #tpu.memory_space<vmem>>, vector<1x16xf32>,
      %swap3A_121 = arith.index_cast %scan3A_80 : i32 to index
      %swap3A_122 = arith.constant 128 : index
      %swap3A_123 = tpu.vector_load %arg16[%swap3A_121, %swap3A_122] {strides = array<i32>} : memref<80x144xf32, #tpu.memory_space<vmem>>, vector<1x16xf32>,
      %swap3A_124 = vector.shape_cast %swap3A_123 : vector<1x16xf32> to vector<16xf32>
      %swap3A_125 = vector.shape_cast %broadcast_in_dim3A_3 : vector<16xf32> to vector<1x16xf32>
      tpu.vector_store %arg16[%swap3A_121, %swap3A_122], %swap3A_125 {strides = array<i32>} : memref<80x144xf32, #tpu.memory_space<vmem>>, vector<1x16xf32>,
      %scan3A_126 = arith.constant 0 : i32
      scf.yield %scan3A_126 : i32
    }
    %scan3A_9 = arith.constant 80 : i32
    %scan3A_10 = arith.constant 0 : i32
    %scan3A_11 = arith.constant 0 : i32
    %scan3A_12 = arith.constant 8 : i32
    %scan3A_13 = arith.addi %scan3A_11, %scan3A_12 : i32
    %scan3A_14 = arith.constant 1 : i32
    %scan3A_15 = scf.for %scan3A_80 = %scan3A_11 to %scan3A_13 step %scan3A_14 iter_args(%scan3A_81 = %scan3A_10) -> (i32)  : i32 {
      %mul3A_82 = arith.constant 640 : i32
      %mul3A_83 = arith.muli %arg1, %mul3A_82 : i32
      %mul3A_84 = arith.constant 80 : i32
      %mul3A_85 = arith.muli %scan3A_80, %mul3A_84 : i32
      %add3A_86 = arith.addi %mul3A_83, %mul3A_85 : i32
      %lt3A = arith.constant 10000 : i32
      %lt3A_87 = arith.cmpi slt, %add3A_86, %lt3A : i32
      %convert_element_type3A = arith.extui %lt3A_87 : i1 to i32
      %cond3A = arith.constant 0 : i32
      %cond3A_88 = arith.cmpi ne, %convert_element_type3A, %cond3A : i32
      scf.if %cond3A_88 {
        %mul3A_90 = arith.constant 640 : i32
        %mul3A_91 = arith.muli %arg1, %mul3A_90 : i32
        %mul3A_92 = arith.constant 80 : i32
        %mul3A_93 = arith.muli %scan3A_80, %mul3A_92 : i32
        %add3A_94 = arith.addi %mul3A_91, %mul3A_93 : i32
        "tpu.region"() ({
          %run_scoped3A = tpu.sem_alloc : memref<!tpu.dma_semaphore, #tpu.memory_space<semaphore_mem>>
          %dma_start3A_95 = arith.constant 0 : i32
          %dma_start3A_96 = tpu.memref_slice %arg22[%add3A_94, %dma_start3A_95] : memref<10000x144xf32, #tpu.memory_space<vmem_shared>> -> memref<80x144xf32, #tpu.memory_space<vmem_shared>>
          %dma_start3A_97 = arith.constant 0 : i32
          %dma_start3A_98 = tpu.memref_slice %arg22[%add3A_94, %dma_start3A_97] : memref<10000x144xf32, #tpu.memory_space<vmem_shared>> -> memref<80x144xf32, #tpu.memory_space<vmem_shared>>
          tpu.enqueue_dma source(%arg16 : memref<80x144xf32, #tpu.memory_space<vmem>>) target(%dma_start3A_98 : memref<80x144xf32, #tpu.memory_space<vmem_shared>>) target_semaphore(%run_scoped3A : memref<!tpu.dma_semaphore, #tpu.memory_space<semaphore_mem>>)
          %dma_wait3A_99 = arith.constant 0 : i32
          %dma_wait3A_100 = tpu.memref_slice %arg22[%add3A_94, %dma_wait3A_99] : memref<10000x144xf32, #tpu.memory_space<vmem_shared>> -> memref<80x144xf32, #tpu.memory_space<vmem_shared>>
          %dma_wait3A_101 = arith.constant 0 : i32
          %dma_wait3A_102 = tpu.memref_slice %arg22[%add3A_94, %dma_wait3A_101] : memref<10000x144xf32, #tpu.memory_space<vmem_shared>> -> memref<80x144xf32, #tpu.memory_space<vmem_shared>>
          tpu.wait_dma2 semaphore(%run_scoped3A : memref<!tpu.dma_semaphore, #tpu.memory_space<semaphore_mem>>) src(%arg16 : memref<80x144xf32, #tpu.memory_space<vmem>>) dst(%dma_wait3A_102 : memref<80x144xf32, #tpu.memory_space<vmem_shared>>)
          tpu.yield
        }) : () -> ()
      } else {
      }
      %scan3A_89 = arith.constant 0 : i32
      scf.yield %scan3A_89 : i32
    }
    %scan3A_16 = arith.constant 8 : i32
    %barrier3A = arith.constant 0 : index
    tpu.barrier barrier_id(%barrier3A)
    %iota3A = tpu.iota {dimensions = array<i32: 0>} : vector<16xi32>
    %div3A = arith.constant 8 : i32
    %div3A_17 = vector.broadcast %div3A : i32 to vector<16xi32>
    %div3A_18 = arith.divsi %iota3A, %div3A_17 : vector<16xi32>
    %add3A_19 = arith.constant 0 : i32
    %add3A_20 = arith.addi %mul3A_2, %add3A_19 : i32
    %mul3A_21 = arith.constant 2 : i32
    %mul3A_22 = arith.muli %mul3A_21, %add3A_20 : i32
    %dma_start3A = arith.constant 0 : i32
    %dma_start3A_23 = tpu.memref_slice %arg5[%mul3A_22, %dma_start3A] : memref<8000x80xi32, #tpu.memory_space<hbm>> -> memref<2x80xi32, #tpu.memory_space<hbm>>
    %dma_start3A_24 = arith.constant 0 : i32
    %dma_start3A_25 = tpu.memref_slice %arg5[%mul3A_22, %dma_start3A_24] : memref<8000x80xi32, #tpu.memory_space<hbm>> -> memref<2x80xi32, #tpu.memory_space<hbm>>
    tpu.enqueue_dma source(%dma_start3A_25 : memref<2x80xi32, #tpu.memory_space<hbm>>) target(%arg7 : memref<2x80xi32, #tpu.memory_space<vmem>>) target_semaphore(%arg17 : memref<!tpu.dma_semaphore, #tpu.memory_space<semaphore_mem>>)
    %add3A_26 = arith.constant 1 : i32
    %add3A_27 = arith.addi %mul3A_2, %add3A_26 : i32
    %mul3A_28 = arith.constant 2 : i32
    %mul3A_29 = arith.muli %mul3A_28, %add3A_27 : i32
    %dma_start3A_30 = arith.constant 0 : i32
    %dma_start3A_31 = tpu.memref_slice %arg5[%mul3A_29, %dma_start3A_30] : memref<8000x80xi32, #tpu.memory_space<hbm>> -> memref<2x80xi32, #tpu.memory_space<hbm>>
    %dma_start3A_32 = arith.constant 0 : i32
    %dma_start3A_33 = tpu.memref_slice %arg5[%mul3A_29, %dma_start3A_32] : memref<8000x80xi32, #tpu.memory_space<hbm>> -> memref<2x80xi32, #tpu.memory_space<hbm>>
    tpu.enqueue_dma source(%dma_start3A_33 : memref<2x80xi32, #tpu.memory_space<hbm>>) target(%arg8 : memref<2x80xi32, #tpu.memory_space<vmem>>) target_semaphore(%arg18 : memref<!tpu.dma_semaphore, #tpu.memory_space<semaphore_mem>>)
    %add3A_34 = arith.constant 0 : i32
    %add3A_35 = arith.addi %mul3A_2, %add3A_34 : i32
    %mul3A_36 = arith.constant 2 : i32
    %mul3A_37 = arith.muli %mul3A_36, %add3A_35 : i32
    %dma_wait3A = arith.constant 0 : i32
    %dma_wait3A_38 = tpu.memref_slice %arg5[%mul3A_37, %dma_wait3A] : memref<8000x80xi32, #tpu.memory_space<hbm>> -> memref<2x80xi32, #tpu.memory_space<hbm>>
    %dma_wait3A_39 = arith.constant 0 : i32
    %dma_wait3A_40 = tpu.memref_slice %arg5[%mul3A_37, %dma_wait3A_39] : memref<8000x80xi32, #tpu.memory_space<hbm>> -> memref<2x80xi32, #tpu.memory_space<hbm>>
    tpu.wait_dma2 semaphore(%arg17 : memref<!tpu.dma_semaphore, #tpu.memory_space<semaphore_mem>>) src(%dma_wait3A_40 : memref<2x80xi32, #tpu.memory_space<hbm>>) dst(%arg7 : memref<2x80xi32, #tpu.memory_space<vmem>>)
    %dma_start3A_41 = arith.constant 0 : i32
    %dma_start3A_42 = arith.constant 0 : i32
    %dma_start3A_43 = tpu.memref_slice %arg7[%dma_start3A_41, %dma_start3A_42] : memref<2x80xi32, #tpu.memory_space<vmem>> -> memref<1x80xi32, #tpu.memory_space<vmem>>
    %dma_start3A_44 = tpu.memref_squeeze %dma_start3A_43 : memref<1x80xi32, #tpu.memory_space<vmem>> -> memref<80xi32, #tpu.memory_space<vmem>>
    %dma_start3A_45 = arith.constant 0 : i32
    %dma_start3A_46 = arith.constant 0 : i32
    %dma_start3A_47 = tpu.memref_slice %arg2[%dma_start3A_45, %dma_start3A_46] : memref<10000x64xi32, #tpu.memory_space<hbm>> -> memref<10000x64xi32, #tpu.memory_space<hbm>>
    tpu.enqueue_indirect_dma source(%dma_start3A_47 : memref<10000x64xi32, #tpu.memory_space<hbm>>) target(%arg10 : memref<80x64xi32, #tpu.memory_space<vmem>>) offsets(%dma_start3A_44 : memref<80xi32, #tpu.memory_space<vmem>>) semaphore(%arg19 : memref<!tpu.dma_semaphore, #tpu.memory_space<semaphore_mem>>)
    %dma_start3A_48 = arith.constant 0 : i32
    %dma_start3A_49 = arith.constant 0 : i32
    %dma_start3A_50 = tpu.memref_slice %arg7[%dma_start3A_48, %dma_start3A_49] : memref<2x80xi32, #tpu.memory_space<vmem>> -> memref<1x80xi32, #tpu.memory_space<vmem>>
    %dma_start3A_51 = tpu.memref_squeeze %dma_start3A_50 : memref<1x80xi32, #tpu.memory_space<vmem>> -> memref<80xi32, #tpu.memory_space<vmem>>
    %dma_start3A_52 = arith.constant 0 : i32
    %dma_start3A_53 = arith.constant 0 : i32
    %dma_start3A_54 = tpu.memref_slice %arg3[%dma_start3A_52, %dma_start3A_53] : memref<10000x16xf32, #tpu.memory_space<hbm>> -> memref<10000x16xf32, #tpu.memory_space<hbm>>
    tpu.enqueue_indirect_dma source(%dma_start3A_54 : memref<10000x16xf32, #tpu.memory_space<hbm>>) target(%arg12 : memref<80x16xf32, #tpu.memory_space<vmem>>) offsets(%dma_start3A_51 : memref<80xi32, #tpu.memory_space<vmem>>) semaphore(%arg19 : memref<!tpu.dma_semaphore, #tpu.memory_space<semaphore_mem>>)
    %dma_start3A_55 = arith.constant 1 : i32
    %dma_start3A_56 = arith.constant 0 : i32
    %dma_start3A_57 = tpu.memref_slice %arg7[%dma_start3A_55, %dma_start3A_56] : memref<2x80xi32, #tpu.memory_space<vmem>> -> memref<1x80xi32, #tpu.memory_space<vmem>>
    %dma_start3A_58 = tpu.memref_squeeze %dma_start3A_57 : memref<1x80xi32, #tpu.memory_space<vmem>> -> memref<80xi32, #tpu.memory_space<vmem>>
    %dma_start3A_59 = arith.constant 0 : i32
    %dma_start3A_60 = arith.constant 0 : i32
    %dma_start3A_61 = tpu.memref_slice %arg4[%dma_start3A_59, %dma_start3A_60] : memref<10000x16xf32, #tpu.memory_space<hbm>> -> memref<10000x16xf32, #tpu.memory_space<hbm>>
    tpu.enqueue_indirect_dma source(%dma_start3A_61 : memref<10000x16xf32, #tpu.memory_space<hbm>>) target(%arg14 : memref<80x16xf32, #tpu.memory_space<vmem>>) offsets(%dma_start3A_58 : memref<80xi32, #tpu.memory_space<vmem>>) semaphore(%arg19 : memref<!tpu.dma_semaphore, #tpu.memory_space<semaphore_mem>>)
    %scan3A_62 = arith.constant 0 : i32
    %scan3A_63 = arith.constant 0 : i32
    %scan3A_64 = arith.constant 63 : i32
    %scan3A_65 = arith.addi %scan3A_63, %scan3A_64 : i32
    %scan3A_66 = arith.constant 1 : i32
    %scan3A_67 = scf.for %scan3A_80 = %scan3A_63 to %scan3A_65 step %scan3A_66 iter_args(%scan3A_81 = %scan3A_62) -> (i32)  : i32 {
      %mul3A_82 = arith.constant 2 : i32
      %mul3A_83 = arith.muli %mul3A_82, %scan3A_80 : i32
      %dma_wait3A_84 = arith.constant 0 : i32
      %dma_wait3A_85 = arith.constant 0 : i32
      %dma_wait3A_86 = tpu.memref_slice %arg7[%dma_wait3A_84, %dma_wait3A_85] : memref<2x80xi32, #tpu.memory_space<vmem>> -> memref<1x80xi32, #tpu.memory_space<vmem>>
      %dma_wait3A_87 = tpu.memref_squeeze %dma_wait3A_86 : memref<1x80xi32, #tpu.memory_space<vmem>> -> memref<80xi32, #tpu.memory_space<vmem>>
      %dma_wait3A_88 = arith.constant 0 : i32
      %dma_wait3A_89 = arith.constant 0 : i32
      %dma_wait3A_90 = tpu.memref_slice %arg2[%dma_wait3A_88, %dma_wait3A_89] : memref<10000x64xi32, #tpu.memory_space<hbm>> -> memref<10000x64xi32, #tpu.memory_space<hbm>>
      tpu.wait_indirect_dma semaphore(%arg19 : memref<!tpu.dma_semaphore, #tpu.memory_space<semaphore_mem>>) src(%dma_wait3A_90 : memref<10000x64xi32, #tpu.memory_space<hbm>>) dst(%arg10 : memref<80x64xi32, #tpu.memory_space<vmem>>)
      %dma_wait3A_91 = arith.constant 0 : i32
      %dma_wait3A_92 = arith.constant 0 : i32
      %dma_wait3A_93 = tpu.memref_slice %arg7[%dma_wait3A_91, %dma_wait3A_92] : memref<2x80xi32, #tpu.memory_space<vmem>> -> memref<1x80xi32, #tpu.memory_space<vmem>>
      %dma_wait3A_94 = tpu.memref_squeeze %dma_wait3A_93 : memref<1x80xi32, #tpu.memory_space<vmem>> -> memref<80xi32, #tpu.memory_space<vmem>>
      %dma_wait3A_95 = arith.constant 0 : i32
      %dma_wait3A_96 = arith.constant 0 : i32
      %dma_wait3A_97 = tpu.memref_slice %arg3[%dma_wait3A_95, %dma_wait3A_96] : memref<10000x16xf32, #tpu.memory_space<hbm>> -> memref<10000x16xf32, #tpu.memory_space<hbm>>
      tpu.wait_indirect_dma semaphore(%arg19 : memref<!tpu.dma_semaphore, #tpu.memory_space<semaphore_mem>>) src(%dma_wait3A_97 : memref<10000x16xf32, #tpu.memory_space<hbm>>) dst(%arg12 : memref<80x16xf32, #tpu.memory_space<vmem>>)
      %dma_wait3A_98 = arith.constant 1 : i32
      %dma_wait3A_99 = arith.constant 0 : i32
      %dma_wait3A_100 = tpu.memref_slice %arg7[%dma_wait3A_98, %dma_wait3A_99] : memref<2x80xi32, #tpu.memory_space<vmem>> -> memref<1x80xi32, #tpu.memory_space<vmem>>
      %dma_wait3A_101 = tpu.memref_squeeze %dma_wait3A_100 : memref<1x80xi32, #tpu.memory_space<vmem>> -> memref<80xi32, #tpu.memory_space<vmem>>
      %dma_wait3A_102 = arith.constant 0 : i32
      %dma_wait3A_103 = arith.constant 0 : i32
      %dma_wait3A_104 = tpu.memref_slice %arg4[%dma_wait3A_102, %dma_wait3A_103] : memref<10000x16xf32, #tpu.memory_space<hbm>> -> memref<10000x16xf32, #tpu.memory_space<hbm>>
      tpu.wait_indirect_dma semaphore(%arg19 : memref<!tpu.dma_semaphore, #tpu.memory_space<semaphore_mem>>) src(%dma_wait3A_104 : memref<10000x16xf32, #tpu.memory_space<hbm>>) dst(%arg14 : memref<80x16xf32, #tpu.memory_space<vmem>>)
      %ge3A = arith.constant 1 : i32
      %ge3A_105 = arith.cmpi sge, %mul3A_83, %ge3A : i32
      %convert_element_type3A = arith.extui %ge3A_105 : i1 to i32
      %cond3A = arith.constant 0 : i32
      %cond3A_106 = arith.cmpi ne, %convert_element_type3A, %cond3A : i32
      scf.if %cond3A_106 {
        %dma_wait3A_178 = arith.constant 0 : i32
        %dma_wait3A_179 = arith.constant 0 : i32
        %dma_wait3A_180 = tpu.memref_slice %arg22[%dma_wait3A_178, %dma_wait3A_179] : memref<10000x144xf32, #tpu.memory_space<vmem_shared>> -> memref<10000x144xf32, #tpu.memory_space<vmem_shared>>
        tpu.wait_indirect_dma semaphore(%arg21 : memref<!tpu.dma_semaphore, #tpu.memory_space<semaphore_mem>>) src(%arg16 : memref<80x144xf32, #tpu.memory_space<vmem>>) dst(%dma_wait3A_180 : memref<10000x144xf32, #tpu.memory_space<vmem_shared>>)
      } else {
      }
      %get3A = arith.constant 1 : i32
      %get3A_107 = arith.index_cast %get3A : i32 to index
      %get3A_108 = arith.constant 0 : index
      %get3A_109 = tpu.vector_load %arg7[%get3A_107, %get3A_108] {strides = array<i32>} : memref<2x80xi32, #tpu.memory_space<vmem>>, vector<1x16xi32>,
      %get3A_110 = vector.shape_cast %get3A_109 : vector<1x16xi32> to vector<16xi32>
      %swap3A = arith.constant 0 : index
      %swap3A_111 = tpu.vector_load %arg9[%swap3A] {strides = array<i32>} : memref<80xi32, #tpu.memory_space<vmem>>, vector<16xi32>,
      %swap3A_112 = vector.shape_cast %swap3A_111 : vector<16xi32> to vector<16xi32>
      %swap3A_113 = vector.shape_cast %get3A_110 : vector<16xi32> to vector<16xi32>
      tpu.vector_store %arg9[%swap3A], %swap3A_113 {strides = array<i32>} : memref<80xi32, #tpu.memory_space<vmem>>, vector<16xi32>,
      %get3A_114 = arith.constant 1 : i32
      %get3A_115 = arith.index_cast %get3A_114 : i32 to index
      %get3A_116 = arith.constant 16 : index
      %get3A_117 = tpu.vector_load %arg7[%get3A_115, %get3A_116] {strides = array<i32>} : memref<2x80xi32, #tpu.memory_space<vmem>>, vector<1x16xi32>,
      %get3A_118 = vector.shape_cast %get3A_117 : vector<1x16xi32> to vector<16xi32>
      %swap3A_119 = arith.constant 16 : index
      %swap3A_120 = tpu.vector_load %arg9[%swap3A_119] {strides = array<i32>} : memref<80xi32, #tpu.memory_space<vmem>>, vector<16xi32>,
      %swap3A_121 = vector.shape_cast %swap3A_120 : vector<16xi32> to vector<16xi32>
      %swap3A_122 = vector.shape_cast %get3A_118 : vector<16xi32> to vector<16xi32>
      tpu.vector_store %arg9[%swap3A_119], %swap3A_122 {strides = array<i32>} : memref<80xi32, #tpu.memory_space<vmem>>, vector<16xi32>,
      %get3A_123 = arith.constant 1 : i32
      %get3A_124 = arith.index_cast %get3A_123 : i32 to index
      %get3A_125 = arith.constant 32 : index
      %get3A_126 = tpu.vector_load %arg7[%get3A_124, %get3A_125] {strides = array<i32>} : memref<2x80xi32, #tpu.memory_space<vmem>>, vector<1x16xi32>,
      %get3A_127 = vector.shape_cast %get3A_126 : vector<1x16xi32> to vector<16xi32>
      %swap3A_128 = arith.constant 32 : index
      %swap3A_129 = tpu.vector_load %arg9[%swap3A_128] {strides = array<i32>} : memref<80xi32, #tpu.memory_space<vmem>>, vector<16xi32>,
      %swap3A_130 = vector.shape_cast %swap3A_129 : vector<16xi32> to vector<16xi32>
      %swap3A_131 = vector.shape_cast %get3A_127 : vector<16xi32> to vector<16xi32>
      tpu.vector_store %arg9[%swap3A_128], %swap3A_131 {strides = array<i32>} : memref<80xi32, #tpu.memory_space<vmem>>, vector<16xi32>,
      %get3A_132 = arith.constant 1 : i32
      %get3A_133 = arith.index_cast %get3A_132 : i32 to index
      %get3A_134 = arith.constant 48 : index
      %get3A_135 = tpu.vector_load %arg7[%get3A_133, %get3A_134] {strides = array<i32>} : memref<2x80xi32, #tpu.memory_space<vmem>>, vector<1x16xi32>,
      %get3A_136 = vector.shape_cast %get3A_135 : vector<1x16xi32> to vector<16xi32>
      %swap3A_137 = arith.constant 48 : index
      %swap3A_138 = tpu.vector_load %arg9[%swap3A_137] {strides = array<i32>} : memref<80xi32, #tpu.memory_space<vmem>>, vector<16xi32>,
      %swap3A_139 = vector.shape_cast %swap3A_138 : vector<16xi32> to vector<16xi32>
      %swap3A_140 = vector.shape_cast %get3A_136 : vector<16xi32> to vector<16xi32>
      tpu.vector_store %arg9[%swap3A_137], %swap3A_140 {strides = array<i32>} : memref<80xi32, #tpu.memory_space<vmem>>, vector<16xi32>,
      %get3A_141 = arith.constant 1 : i32
      %get3A_142 = arith.index_cast %get3A_141 : i32 to index
      %get3A_143 = arith.constant 64 : index
      %get3A_144 = tpu.vector_load %arg7[%get3A_142, %get3A_143] {strides = array<i32>} : memref<2x80xi32, #tpu.memory_space<vmem>>, vector<1x16xi32>,
      %get3A_145 = vector.shape_cast %get3A_144 : vector<1x16xi32> to vector<16xi32>
      %swap3A_146 = arith.constant 64 : index
      %swap3A_147 = tpu.vector_load %arg9[%swap3A_146] {strides = array<i32>} : memref<80xi32, #tpu.memory_space<vmem>>, vector<16xi32>,
      %swap3A_148 = vector.shape_cast %swap3A_147 : vector<16xi32> to vector<16xi32>
      %swap3A_149 = vector.shape_cast %get3A_145 : vector<16xi32> to vector<16xi32>
      tpu.vector_store %arg9[%swap3A_146], %swap3A_149 {strides = array<i32>} : memref<80xi32, #tpu.memory_space<vmem>>, vector<16xi32>,
      %add3A_150 = arith.constant 2 : i32
      %add3A_151 = arith.addi %mul3A_83, %add3A_150 : i32
      %lt3A = arith.constant 125 : i32
      %lt3A_152 = arith.cmpi slt, %add3A_151, %lt3A : i32
      %convert_element_type3A_153 = arith.extui %lt3A_152 : i1 to i32
      %cond3A_154 = arith.constant 0 : i32
      %cond3A_155 = arith.cmpi ne, %convert_element_type3A_153, %cond3A_154 : i32
      scf.if %cond3A_155 {
        %add3A_178 = arith.constant 2 : i32
        %add3A_179 = arith.addi %mul3A_83, %add3A_178 : i32
        %add3A_180 = arith.addi %mul3A_2, %add3A_179 : i32
        %mul3A_181 = arith.constant 2 : i32
        %mul3A_182 = arith.muli %mul3A_181, %add3A_180 : i32
        %dma_start3A_183 = arith.constant 0 : i32
        %dma_start3A_184 = tpu.memref_slice %arg5[%mul3A_182, %dma_start3A_183] : memref<8000x80xi32, #tpu.memory_space<hbm>> -> memref<2x80xi32, #tpu.memory_space<hbm>>
        %dma_start3A_185 = arith.constant 0 : i32
        %dma_start3A_186 = tpu.memref_slice %arg5[%mul3A_182, %dma_start3A_185] : memref<8000x80xi32, #tpu.memory_space<hbm>> -> memref<2x80xi32, #tpu.memory_space<hbm>>
        tpu.enqueue_dma source(%dma_start3A_186 : memref<2x80xi32, #tpu.memory_space<hbm>>) target(%arg7 : memref<2x80xi32, #tpu.memory_space<vmem>>) target_semaphore(%arg17 : memref<!tpu.dma_semaphore, #tpu.memory_space<semaphore_mem>>)
      } else {
      }
      %add3A_156 = arith.constant 1 : i32
      %add3A_157 = arith.addi %mul3A_83, %add3A_156 : i32
      %lt3A_158 = arith.constant 125 : i32
      %lt3A_159 = arith.cmpi slt, %add3A_157, %lt3A_158 : i32
      %convert_element_type3A_160 = arith.extui %lt3A_159 : i1 to i32
      %cond3A_161 = arith.constant 0 : i32
      %cond3A_162 = arith.cmpi ne, %convert_element_type3A_160, %cond3A_161 : i32
      scf.if %cond3A_162 {
        %add3A_178 = arith.constant 1 : i32
        %add3A_179 = arith.addi %mul3A_83, %add3A_178 : i32
        %add3A_180 = arith.addi %mul3A_2, %add3A_179 : i32
        %mul3A_181 = arith.constant 2 : i32
        %mul3A_182 = arith.muli %mul3A_181, %add3A_180 : i32
        %dma_wait3A_183 = arith.constant 0 : i32
        %dma_wait3A_184 = tpu.memref_slice %arg5[%mul3A_182, %dma_wait3A_183] : memref<8000x80xi32, #tpu.memory_space<hbm>> -> memref<2x80xi32, #tpu.memory_space<hbm>>
        %dma_wait3A_185 = arith.constant 0 : i32
        %dma_wait3A_186 = tpu.memref_slice %arg5[%mul3A_182, %dma_wait3A_185] : memref<8000x80xi32, #tpu.memory_space<hbm>> -> memref<2x80xi32, #tpu.memory_space<hbm>>
        tpu.wait_dma2 semaphore(%arg18 : memref<!tpu.dma_semaphore, #tpu.memory_space<semaphore_mem>>) src(%dma_wait3A_186 : memref<2x80xi32, #tpu.memory_space<hbm>>) dst(%arg8 : memref<2x80xi32, #tpu.memory_space<vmem>>)
        %dma_start3A_187 = arith.constant 0 : i32
        %dma_start3A_188 = arith.constant 0 : i32
        %dma_start3A_189 = tpu.memref_slice %arg8[%dma_start3A_187, %dma_start3A_188] : memref<2x80xi32, #tpu.memory_space<vmem>> -> memref<1x80xi32, #tpu.memory_space<vmem>>
        %dma_start3A_190 = tpu.memref_squeeze %dma_start3A_189 : memref<1x80xi32, #tpu.memory_space<vmem>> -> memref<80xi32, #tpu.memory_space<vmem>>
        %dma_start3A_191 = arith.constant 0 : i32
        %dma_start3A_192 = arith.constant 0 : i32
        %dma_start3A_193 = tpu.memref_slice %arg2[%dma_start3A_191, %dma_start3A_192] : memref<10000x64xi32, #tpu.memory_space<hbm>> -> memref<10000x64xi32, #tpu.memory_space<hbm>>
        tpu.enqueue_indirect_dma source(%dma_start3A_193 : memref<10000x64xi32, #tpu.memory_space<hbm>>) target(%arg11 : memref<80x64xi32, #tpu.memory_space<vmem>>) offsets(%dma_start3A_190 : memref<80xi32, #tpu.memory_space<vmem>>) semaphore(%arg20 : memref<!tpu.dma_semaphore, #tpu.memory_space<semaphore_mem>>)
        %dma_start3A_194 = arith.constant 0 : i32
        %dma_start3A_195 = arith.constant 0 : i32
        %dma_start3A_196 = tpu.memref_slice %arg8[%dma_start3A_194, %dma_start3A_195] : memref<2x80xi32, #tpu.memory_space<vmem>> -> memref<1x80xi32, #tpu.memory_space<vmem>>
        %dma_start3A_197 = tpu.memref_squeeze %dma_start3A_196 : memref<1x80xi32, #tpu.memory_space<vmem>> -> memref<80xi32, #tpu.memory_space<vmem>>
        %dma_start3A_198 = arith.constant 0 : i32
        %dma_start3A_199 = arith.constant 0 : i32
        %dma_start3A_200 = tpu.memref_slice %arg3[%dma_start3A_198, %dma_start3A_199] : memref<10000x16xf32, #tpu.memory_space<hbm>> -> memref<10000x16xf32, #tpu.memory_space<hbm>>
        tpu.enqueue_indirect_dma source(%dma_start3A_200 : memref<10000x16xf32, #tpu.memory_space<hbm>>) target(%arg13 : memref<80x16xf32, #tpu.memory_space<vmem>>) offsets(%dma_start3A_197 : memref<80xi32, #tpu.memory_space<vmem>>) semaphore(%arg20 : memref<!tpu.dma_semaphore, #tpu.memory_space<semaphore_mem>>)
        %dma_start3A_201 = arith.constant 1 : i32
        %dma_start3A_202 = arith.constant 0 : i32
        %dma_start3A_203 = tpu.memref_slice %arg8[%dma_start3A_201, %dma_start3A_202] : memref<2x80xi32, #tpu.memory_space<vmem>> -> memref<1x80xi32, #tpu.memory_space<vmem>>
        %dma_start3A_204 = tpu.memref_squeeze %dma_start3A_203 : memref<1x80xi32, #tpu.memory_space<vmem>> -> memref<80xi32, #tpu.memory_space<vmem>>
        %dma_start3A_205 = arith.constant 0 : i32
        %dma_start3A_206 = arith.constant 0 : i32
        %dma_start3A_207 = tpu.memref_slice %arg4[%dma_start3A_205, %dma_start3A_206] : memref<10000x16xf32, #tpu.memory_space<hbm>> -> memref<10000x16xf32, #tpu.memory_space<hbm>>
        tpu.enqueue_indirect_dma source(%dma_start3A_207 : memref<10000x16xf32, #tpu.memory_space<hbm>>) target(%arg15 : memref<80x16xf32, #tpu.memory_space<vmem>>) offsets(%dma_start3A_204 : memref<80xi32, #tpu.memory_space<vmem>>) semaphore(%arg20 : memref<!tpu.dma_semaphore, #tpu.memory_space<semaphore_mem>>)
      } else {
      }
      %parallel_loop3A = arith.constant 0 : i32
      %parallel_loop3A_163 = arith.constant 80 : i32
      %parallel_loop3A_164 = arith.constant 1 : i32
      scf.for %parallel_loop3A_178 = %parallel_loop3A to %parallel_loop3A_163 step %parallel_loop3A_164  : i32 {
        %parallel_loop3A_179 = arith.index_cast %parallel_loop3A_178 : i32 to index
        %parallel_loop3A_180 = arith.constant 0 : index
        %parallel_loop3A_181 = tpu.vector_load %arg12[%parallel_loop3A_179, %parallel_loop3A_180] {strides = array<i32>} : memref<80x16xf32, #tpu.memory_space<vmem>>, vector<1x16xf32>,
        %parallel_loop3A_182 = vector.shape_cast %parallel_loop3A_181 : vector<1x16xf32> to vector<16xf32>
        %parallel_loop3A_183 = arith.index_cast %parallel_loop3A_178 : i32 to index
        %parallel_loop3A_184 = arith.constant 0 : index
        %parallel_loop3A_185 = tpu.vector_load %arg14[%parallel_loop3A_183, %parallel_loop3A_184] {strides = array<i32>} : memref<80x16xf32, #tpu.memory_space<vmem>>, vector<1x16xf32>,
        %parallel_loop3A_186 = vector.shape_cast %parallel_loop3A_185 : vector<1x16xf32> to vector<16xf32>
        %parallel_loop3A_187 = arith.addf %parallel_loop3A_182, %parallel_loop3A_186 : vector<16xf32>
        %parallel_loop3A_188 = arith.constant 2.000000e-01 : f32
        %parallel_loop3A_189 = vector.broadcast %parallel_loop3A_188 : f32 to vector<16xf32>
        %parallel_loop3A_190 = arith.mulf %parallel_loop3A_189, %parallel_loop3A_187 : vector<16xf32>
        %parallel_loop3A_191 = arith.maximumf %parallel_loop3A_187, %parallel_loop3A_190 : vector<16xf32>
        %parallel_loop3A_192 = math.exp %parallel_loop3A_191 : vector<16xf32>
        %parallel_loop3A_193 = arith.index_cast %parallel_loop3A_178 : i32 to index
        %parallel_loop3A_194 = arith.constant 128 : index
        %parallel_loop3A_195 = tpu.vector_load %arg16[%parallel_loop3A_193, %parallel_loop3A_194] {strides = array<i32>} : memref<80x144xf32, #tpu.memory_space<vmem>>, vector<1x16xf32>,
        %parallel_loop3A_196 = vector.shape_cast %parallel_loop3A_195 : vector<1x16xf32> to vector<16xf32>
        %parallel_loop3A_197 = vector.shape_cast %parallel_loop3A_192 : vector<16xf32> to vector<1x16xf32>
        tpu.vector_store %arg16[%parallel_loop3A_193, %parallel_loop3A_194], %parallel_loop3A_197 {strides = array<i32>} : memref<80x144xf32, #tpu.memory_space<vmem>>, vector<1x16xf32>,
        %parallel_loop3A_198 = arith.constant 0 : i32
        %parallel_loop3A_199 = vector.broadcast %parallel_loop3A_198 : i32 to vector<16xi32>
        %parallel_loop3A_200 = arith.muli %iota3A, %parallel_loop3A_199 : vector<16xi32>
        %parallel_loop3A_201 = vector.shape_cast %parallel_loop3A_200 : vector<16xi32> to vector<16x1xi32>
        %parallel_loop3A_202 = vector.shape_cast %parallel_loop3A_201 : vector<16x1xi32> to vector<16xi32>
        %parallel_loop3A_203 = tpu.dynamic_gather %parallel_loop3A_192[%parallel_loop3A_202] in [0] : vector<16xf32>, vector<16xi32> -> vector<16xf32>
        %parallel_loop3A_204 = arith.index_cast %parallel_loop3A_178 : i32 to index
        %parallel_loop3A_205 = arith.constant 0 : index
        %parallel_loop3A_206 = tpu.vector_load %arg10[%parallel_loop3A_204, %parallel_loop3A_205] {strides = array<i32>} : memref<80x64xi32, #tpu.memory_space<vmem>>, vector<1x16xi32>,
        %parallel_loop3A_207 = vector.shape_cast %parallel_loop3A_206 : vector<1x16xi32> to vector<16xi32>
        %parallel_loop3A_208 = arith.constant 16 : i32
        %parallel_loop3A_209 = vector.broadcast %parallel_loop3A_208 : i32 to vector<16xi32>
        %parallel_loop3A_210 = arith.shli %parallel_loop3A_207, %parallel_loop3A_209 : vector<16xi32>
        %parallel_loop3A_211 = tpu.bitcast %parallel_loop3A_210 : vector<16xi32> -> vector<16xf32>
        %parallel_loop3A_212 = arith.constant -65536 : i32
        %parallel_loop3A_213 = vector.broadcast %parallel_loop3A_212 : i32 to vector<16xi32>
        %parallel_loop3A_214 = arith.andi %parallel_loop3A_207, %parallel_loop3A_213 : vector<16xi32>
        %parallel_loop3A_215 = tpu.bitcast %parallel_loop3A_214 : vector<16xi32> -> vector<16xf32>
        %parallel_loop3A_216 = arith.mulf %parallel_loop3A_211, %parallel_loop3A_203 : vector<16xf32>
        %parallel_loop3A_217 = arith.index_cast %parallel_loop3A_178 : i32 to index
        %parallel_loop3A_218 = arith.constant 0 : index
        %parallel_loop3A_219 = tpu.vector_load %arg16[%parallel_loop3A_217, %parallel_loop3A_218] {strides = array<i32>} : memref<80x144xf32, #tpu.memory_space<vmem>>, vector<1x16xf32>,
        %parallel_loop3A_220 = vector.shape_cast %parallel_loop3A_219 : vector<1x16xf32> to vector<16xf32>
        %parallel_loop3A_221 = vector.shape_cast %parallel_loop3A_216 : vector<16xf32> to vector<1x16xf32>
        tpu.vector_store %arg16[%parallel_loop3A_217, %parallel_loop3A_218], %parallel_loop3A_221 {strides = array<i32>} : memref<80x144xf32, #tpu.memory_space<vmem>>, vector<1x16xf32>,
        %parallel_loop3A_222 = arith.mulf %parallel_loop3A_215, %parallel_loop3A_203 : vector<16xf32>
        %parallel_loop3A_223 = arith.index_cast %parallel_loop3A_178 : i32 to index
        %parallel_loop3A_224 = arith.constant 16 : index
        %parallel_loop3A_225 = tpu.vector_load %arg16[%parallel_loop3A_223, %parallel_loop3A_224] {strides = array<i32>} : memref<80x144xf32, #tpu.memory_space<vmem>>, vector<1x16xf32>,
        %parallel_loop3A_226 = vector.shape_cast %parallel_loop3A_225 : vector<1x16xf32> to vector<16xf32>
        %parallel_loop3A_227 = vector.shape_cast %parallel_loop3A_222 : vector<16xf32> to vector<1x16xf32>
        tpu.vector_store %arg16[%parallel_loop3A_223, %parallel_loop3A_224], %parallel_loop3A_227 {strides = array<i32>} : memref<80x144xf32, #tpu.memory_space<vmem>>, vector<1x16xf32>,
        %parallel_loop3A_228 = arith.index_cast %parallel_loop3A_178 : i32 to index
        %parallel_loop3A_229 = arith.constant 16 : index
        %parallel_loop3A_230 = tpu.vector_load %arg10[%parallel_loop3A_228, %parallel_loop3A_229] {strides = array<i32>} : memref<80x64xi32, #tpu.memory_space<vmem>>, vector<1x16xi32>,
        %parallel_loop3A_231 = vector.shape_cast %parallel_loop3A_230 : vector<1x16xi32> to vector<16xi32>
        %parallel_loop3A_232 = arith.constant 16 : i32
        %parallel_loop3A_233 = vector.broadcast %parallel_loop3A_232 : i32 to vector<16xi32>
        %parallel_loop3A_234 = arith.shli %parallel_loop3A_231, %parallel_loop3A_233 : vector<16xi32>
        %parallel_loop3A_235 = tpu.bitcast %parallel_loop3A_234 : vector<16xi32> -> vector<16xf32>
        %parallel_loop3A_236 = arith.constant -65536 : i32
        %parallel_loop3A_237 = vector.broadcast %parallel_loop3A_236 : i32 to vector<16xi32>
        %parallel_loop3A_238 = arith.andi %parallel_loop3A_231, %parallel_loop3A_237 : vector<16xi32>
        %parallel_loop3A_239 = tpu.bitcast %parallel_loop3A_238 : vector<16xi32> -> vector<16xf32>
        %parallel_loop3A_240 = arith.mulf %parallel_loop3A_235, %parallel_loop3A_203 : vector<16xf32>
        %parallel_loop3A_241 = arith.index_cast %parallel_loop3A_178 : i32 to index
        %parallel_loop3A_242 = arith.constant 32 : index
        %parallel_loop3A_243 = tpu.vector_load %arg16[%parallel_loop3A_241, %parallel_loop3A_242] {strides = array<i32>} : memref<80x144xf32, #tpu.memory_space<vmem>>, vector<1x16xf32>,
        %parallel_loop3A_244 = vector.shape_cast %parallel_loop3A_243 : vector<1x16xf32> to vector<16xf32>
        %parallel_loop3A_245 = vector.shape_cast %parallel_loop3A_240 : vector<16xf32> to vector<1x16xf32>
        tpu.vector_store %arg16[%parallel_loop3A_241, %parallel_loop3A_242], %parallel_loop3A_245 {strides = array<i32>} : memref<80x144xf32, #tpu.memory_space<vmem>>, vector<1x16xf32>,
        %parallel_loop3A_246 = arith.mulf %parallel_loop3A_239, %parallel_loop3A_203 : vector<16xf32>
        %parallel_loop3A_247 = arith.index_cast %parallel_loop3A_178 : i32 to index
        %parallel_loop3A_248 = arith.constant 48 : index
        %parallel_loop3A_249 = tpu.vector_load %arg16[%parallel_loop3A_247, %parallel_loop3A_248] {strides = array<i32>} : memref<80x144xf32, #tpu.memory_space<vmem>>, vector<1x16xf32>,
        %parallel_loop3A_250 = vector.shape_cast %parallel_loop3A_249 : vector<1x16xf32> to vector<16xf32>
        %parallel_loop3A_251 = vector.shape_cast %parallel_loop3A_246 : vector<16xf32> to vector<1x16xf32>
        tpu.vector_store %arg16[%parallel_loop3A_247, %parallel_loop3A_248], %parallel_loop3A_251 {strides = array<i32>} : memref<80x144xf32, #tpu.memory_space<vmem>>, vector<1x16xf32>,
        %parallel_loop3A_252 = arith.index_cast %parallel_loop3A_178 : i32 to index
        %parallel_loop3A_253 = arith.constant 32 : index
        %parallel_loop3A_254 = tpu.vector_load %arg10[%parallel_loop3A_252, %parallel_loop3A_253] {strides = array<i32>} : memref<80x64xi32, #tpu.memory_space<vmem>>, vector<1x16xi32>,
        %parallel_loop3A_255 = vector.shape_cast %parallel_loop3A_254 : vector<1x16xi32> to vector<16xi32>
        %parallel_loop3A_256 = arith.constant 16 : i32
        %parallel_loop3A_257 = vector.broadcast %parallel_loop3A_256 : i32 to vector<16xi32>
        %parallel_loop3A_258 = arith.shli %parallel_loop3A_255, %parallel_loop3A_257 : vector<16xi32>
        %parallel_loop3A_259 = tpu.bitcast %parallel_loop3A_258 : vector<16xi32> -> vector<16xf32>
        %parallel_loop3A_260 = arith.constant -65536 : i32
        %parallel_loop3A_261 = vector.broadcast %parallel_loop3A_260 : i32 to vector<16xi32>
        %parallel_loop3A_262 = arith.andi %parallel_loop3A_255, %parallel_loop3A_261 : vector<16xi32>
        %parallel_loop3A_263 = tpu.bitcast %parallel_loop3A_262 : vector<16xi32> -> vector<16xf32>
        %parallel_loop3A_264 = arith.mulf %parallel_loop3A_259, %parallel_loop3A_203 : vector<16xf32>
        %parallel_loop3A_265 = arith.index_cast %parallel_loop3A_178 : i32 to index
        %parallel_loop3A_266 = arith.constant 64 : index
        %parallel_loop3A_267 = tpu.vector_load %arg16[%parallel_loop3A_265, %parallel_loop3A_266] {strides = array<i32>} : memref<80x144xf32, #tpu.memory_space<vmem>>, vector<1x16xf32>,
        %parallel_loop3A_268 = vector.shape_cast %parallel_loop3A_267 : vector<1x16xf32> to vector<16xf32>
        %parallel_loop3A_269 = vector.shape_cast %parallel_loop3A_264 : vector<16xf32> to vector<1x16xf32>
        tpu.vector_store %arg16[%parallel_loop3A_265, %parallel_loop3A_266], %parallel_loop3A_269 {strides = array<i32>} : memref<80x144xf32, #tpu.memory_space<vmem>>, vector<1x16xf32>,
        %parallel_loop3A_270 = arith.mulf %parallel_loop3A_263, %parallel_loop3A_203 : vector<16xf32>
        %parallel_loop3A_271 = arith.index_cast %parallel_loop3A_178 : i32 to index
        %parallel_loop3A_272 = arith.constant 80 : index
        %parallel_loop3A_273 = tpu.vector_load %arg16[%parallel_loop3A_271, %parallel_loop3A_272] {strides = array<i32>} : memref<80x144xf32, #tpu.memory_space<vmem>>, vector<1x16xf32>,
        %parallel_loop3A_274 = vector.shape_cast %parallel_loop3A_273 : vector<1x16xf32> to vector<16xf32>
        %parallel_loop3A_275 = vector.shape_cast %parallel_loop3A_270 : vector<16xf32> to vector<1x16xf32>
        tpu.vector_store %arg16[%parallel_loop3A_271, %parallel_loop3A_272], %parallel_loop3A_275 {strides = array<i32>} : memref<80x144xf32, #tpu.memory_space<vmem>>, vector<1x16xf32>,
        %parallel_loop3A_276 = arith.index_cast %parallel_loop3A_178 : i32 to index
        %parallel_loop3A_277 = arith.constant 48 : index
        %parallel_loop3A_278 = tpu.vector_load %arg10[%parallel_loop3A_276, %parallel_loop3A_277] {strides = array<i32>} : memref<80x64xi32, #tpu.memory_space<vmem>>, vector<1x16xi32>,
        %parallel_loop3A_279 = vector.shape_cast %parallel_loop3A_278 : vector<1x16xi32> to vector<16xi32>
        %parallel_loop3A_280 = arith.constant 16 : i32
        %parallel_loop3A_281 = vector.broadcast %parallel_loop3A_280 : i32 to vector<16xi32>
        %parallel_loop3A_282 = arith.shli %parallel_loop3A_279, %parallel_loop3A_281 : vector<16xi32>
        %parallel_loop3A_283 = tpu.bitcast %parallel_loop3A_282 : vector<16xi32> -> vector<16xf32>
        %parallel_loop3A_284 = arith.constant -65536 : i32
        %parallel_loop3A_285 = vector.broadcast %parallel_loop3A_284 : i32 to vector<16xi32>
        %parallel_loop3A_286 = arith.andi %parallel_loop3A_279, %parallel_loop3A_285 : vector<16xi32>
        %parallel_loop3A_287 = tpu.bitcast %parallel_loop3A_286 : vector<16xi32> -> vector<16xf32>
        %parallel_loop3A_288 = arith.mulf %parallel_loop3A_283, %parallel_loop3A_203 : vector<16xf32>
        %parallel_loop3A_289 = arith.index_cast %parallel_loop3A_178 : i32 to index
        %parallel_loop3A_290 = arith.constant 96 : index
        %parallel_loop3A_291 = tpu.vector_load %arg16[%parallel_loop3A_289, %parallel_loop3A_290] {strides = array<i32>} : memref<80x144xf32, #tpu.memory_space<vmem>>, vector<1x16xf32>,
        %parallel_loop3A_292 = vector.shape_cast %parallel_loop3A_291 : vector<1x16xf32> to vector<16xf32>
        %parallel_loop3A_293 = vector.shape_cast %parallel_loop3A_288 : vector<16xf32> to vector<1x16xf32>
        tpu.vector_store %arg16[%parallel_loop3A_289, %parallel_loop3A_290], %parallel_loop3A_293 {strides = array<i32>} : memref<80x144xf32, #tpu.memory_space<vmem>>, vector<1x16xf32>,
        %parallel_loop3A_294 = arith.mulf %parallel_loop3A_287, %parallel_loop3A_203 : vector<16xf32>
        %parallel_loop3A_295 = arith.index_cast %parallel_loop3A_178 : i32 to index
        %parallel_loop3A_296 = arith.constant 112 : index
        %parallel_loop3A_297 = tpu.vector_load %arg16[%parallel_loop3A_295, %parallel_loop3A_296] {strides = array<i32>} : memref<80x144xf32, #tpu.memory_space<vmem>>, vector<1x16xf32>,
        %parallel_loop3A_298 = vector.shape_cast %parallel_loop3A_297 : vector<1x16xf32> to vector<16xf32>
        %parallel_loop3A_299 = vector.shape_cast %parallel_loop3A_294 : vector<16xf32> to vector<1x16xf32>
        tpu.vector_store %arg16[%parallel_loop3A_295, %parallel_loop3A_296], %parallel_loop3A_299 {strides = array<i32>} : memref<80x144xf32, #tpu.memory_space<vmem>>, vector<1x16xf32>,
      } {sc.loop_unroll_factor = 4 : i64, sc.parallel_access}
      %dma_start3A_165 = arith.constant 0 : i32
      %dma_start3A_166 = arith.constant 0 : i32
      %dma_start3A_167 = tpu.memref_slice %arg22[%dma_start3A_165, %dma_start3A_166] : memref<10000x144xf32, #tpu.memory_space<vmem_shared>> -> memref<10000x144xf32, #tpu.memory_space<vmem_shared>>
      tpu.enqueue_indirect_dma source(%arg16 : memref<80x144xf32, #tpu.memory_space<vmem>>) target(%dma_start3A_167 : memref<10000x144xf32, #tpu.memory_space<vmem_shared>>) offsets(%arg9 : memref<80xi32, #tpu.memory_space<vmem>>) semaphore(%arg21 : memref<!tpu.dma_semaphore, #tpu.memory_space<semaphore_mem>>) {add = true}
      %mul3A_168 = arith.constant 2 : i32
      %mul3A_169 = arith.muli %mul3A_168, %scan3A_80 : i32
      %add3A_170 = arith.constant 1 : i32
      %add3A_171 = arith.addi %mul3A_169, %add3A_170 : i32
      %lt3A_172 = arith.constant 125 : i32
      %lt3A_173 = arith.cmpi slt, %add3A_171, %lt3A_172 : i32
      %convert_element_type3A_174 = arith.extui %lt3A_173 : i1 to i32
      %cond3A_175 = arith.constant 0 : i32
      %cond3A_176 = arith.cmpi ne, %convert_element_type3A_174, %cond3A_175 : i32
      scf.if %cond3A_176 {
        %mul3A_178 = arith.constant 2 : i32
        %mul3A_179 = arith.muli %mul3A_178, %scan3A_80 : i32
        %add3A_180 = arith.constant 1 : i32
        %add3A_181 = arith.addi %mul3A_179, %add3A_180 : i32
        %dma_wait3A_182 = arith.constant 0 : i32
        %dma_wait3A_183 = arith.constant 0 : i32
        %dma_wait3A_184 = tpu.memref_slice %arg8[%dma_wait3A_182, %dma_wait3A_183] : memref<2x80xi32, #tpu.memory_space<vmem>> -> memref<1x80xi32, #tpu.memory_space<vmem>>
        %dma_wait3A_185 = tpu.memref_squeeze %dma_wait3A_184 : memref<1x80xi32, #tpu.memory_space<vmem>> -> memref<80xi32, #tpu.memory_space<vmem>>
        %dma_wait3A_186 = arith.constant 0 : i32
        %dma_wait3A_187 = arith.constant 0 : i32
        %dma_wait3A_188 = tpu.memref_slice %arg2[%dma_wait3A_186, %dma_wait3A_187] : memref<10000x64xi32, #tpu.memory_space<hbm>> -> memref<10000x64xi32, #tpu.memory_space<hbm>>
        tpu.wait_indirect_dma semaphore(%arg20 : memref<!tpu.dma_semaphore, #tpu.memory_space<semaphore_mem>>) src(%dma_wait3A_188 : memref<10000x64xi32, #tpu.memory_space<hbm>>) dst(%arg11 : memref<80x64xi32, #tpu.memory_space<vmem>>)
        %dma_wait3A_189 = arith.constant 0 : i32
        %dma_wait3A_190 = arith.constant 0 : i32
        %dma_wait3A_191 = tpu.memref_slice %arg8[%dma_wait3A_189, %dma_wait3A_190] : memref<2x80xi32, #tpu.memory_space<vmem>> -> memref<1x80xi32, #tpu.memory_space<vmem>>
        %dma_wait3A_192 = tpu.memref_squeeze %dma_wait3A_191 : memref<1x80xi32, #tpu.memory_space<vmem>> -> memref<80xi32, #tpu.memory_space<vmem>>
        %dma_wait3A_193 = arith.constant 0 : i32
        %dma_wait3A_194 = arith.constant 0 : i32
        %dma_wait3A_195 = tpu.memref_slice %arg3[%dma_wait3A_193, %dma_wait3A_194] : memref<10000x16xf32, #tpu.memory_space<hbm>> -> memref<10000x16xf32, #tpu.memory_space<hbm>>
        tpu.wait_indirect_dma semaphore(%arg20 : memref<!tpu.dma_semaphore, #tpu.memory_space<semaphore_mem>>) src(%dma_wait3A_195 : memref<10000x16xf32, #tpu.memory_space<hbm>>) dst(%arg13 : memref<80x16xf32, #tpu.memory_space<vmem>>)
        %dma_wait3A_196 = arith.constant 1 : i32
        %dma_wait3A_197 = arith.constant 0 : i32
        %dma_wait3A_198 = tpu.memref_slice %arg8[%dma_wait3A_196, %dma_wait3A_197] : memref<2x80xi32, #tpu.memory_space<vmem>> -> memref<1x80xi32, #tpu.memory_space<vmem>>
        %dma_wait3A_199 = tpu.memref_squeeze %dma_wait3A_198 : memref<1x80xi32, #tpu.memory_space<vmem>> -> memref<80xi32, #tpu.memory_space<vmem>>
        %dma_wait3A_200 = arith.constant 0 : i32
        %dma_wait3A_201 = arith.constant 0 : i32
        %dma_wait3A_202 = tpu.memref_slice %arg4[%dma_wait3A_200, %dma_wait3A_201] : memref<10000x16xf32, #tpu.memory_space<hbm>> -> memref<10000x16xf32, #tpu.memory_space<hbm>>
        tpu.wait_indirect_dma semaphore(%arg20 : memref<!tpu.dma_semaphore, #tpu.memory_space<semaphore_mem>>) src(%dma_wait3A_202 : memref<10000x16xf32, #tpu.memory_space<hbm>>) dst(%arg15 : memref<80x16xf32, #tpu.memory_space<vmem>>)
        %ge3A_203 = arith.constant 1 : i32
        %ge3A_204 = arith.cmpi sge, %add3A_181, %ge3A_203 : i32
        %convert_element_type3A_205 = arith.extui %ge3A_204 : i1 to i32
        %cond3A_206 = arith.constant 0 : i32
        %cond3A_207 = arith.cmpi ne, %convert_element_type3A_205, %cond3A_206 : i32
        scf.if %cond3A_207 {
          %dma_wait3A_273 = arith.constant 0 : i32
          %dma_wait3A_274 = arith.constant 0 : i32
          %dma_wait3A_275 = tpu.memref_slice %arg22[%dma_wait3A_273, %dma_wait3A_274] : memref<10000x144xf32, #tpu.memory_space<vmem_shared>> -> memref<10000x144xf32, #tpu.memory_space<vmem_shared>>
          tpu.wait_indirect_dma semaphore(%arg21 : memref<!tpu.dma_semaphore, #tpu.memory_space<semaphore_mem>>) src(%arg16 : memref<80x144xf32, #tpu.memory_space<vmem>>) dst(%dma_wait3A_275 : memref<10000x144xf32, #tpu.memory_space<vmem_shared>>)
        } else {
        }
        %get3A_208 = arith.constant 1 : i32
        %get3A_209 = arith.index_cast %get3A_208 : i32 to index
        %get3A_210 = arith.constant 0 : index
        %get3A_211 = tpu.vector_load %arg8[%get3A_209, %get3A_210] {strides = array<i32>} : memref<2x80xi32, #tpu.memory_space<vmem>>, vector<1x16xi32>,
        %get3A_212 = vector.shape_cast %get3A_211 : vector<1x16xi32> to vector<16xi32>
        %swap3A_213 = arith.constant 0 : index
        %swap3A_214 = tpu.vector_load %arg9[%swap3A_213] {strides = array<i32>} : memref<80xi32, #tpu.memory_space<vmem>>, vector<16xi32>,
        %swap3A_215 = vector.shape_cast %swap3A_214 : vector<16xi32> to vector<16xi32>
        %swap3A_216 = vector.shape_cast %get3A_212 : vector<16xi32> to vector<16xi32>
        tpu.vector_store %arg9[%swap3A_213], %swap3A_216 {strides = array<i32>} : memref<80xi32, #tpu.memory_space<vmem>>, vector<16xi32>,
        %get3A_217 = arith.constant 1 : i32
        %get3A_218 = arith.index_cast %get3A_217 : i32 to index
        %get3A_219 = arith.constant 16 : index
        %get3A_220 = tpu.vector_load %arg8[%get3A_218, %get3A_219] {strides = array<i32>} : memref<2x80xi32, #tpu.memory_space<vmem>>, vector<1x16xi32>,
        %get3A_221 = vector.shape_cast %get3A_220 : vector<1x16xi32> to vector<16xi32>
        %swap3A_222 = arith.constant 16 : index
        %swap3A_223 = tpu.vector_load %arg9[%swap3A_222] {strides = array<i32>} : memref<80xi32, #tpu.memory_space<vmem>>, vector<16xi32>,
        %swap3A_224 = vector.shape_cast %swap3A_223 : vector<16xi32> to vector<16xi32>
        %swap3A_225 = vector.shape_cast %get3A_221 : vector<16xi32> to vector<16xi32>
        tpu.vector_store %arg9[%swap3A_222], %swap3A_225 {strides = array<i32>} : memref<80xi32, #tpu.memory_space<vmem>>, vector<16xi32>,
        %get3A_226 = arith.constant 1 : i32
        %get3A_227 = arith.index_cast %get3A_226 : i32 to index
        %get3A_228 = arith.constant 32 : index
        %get3A_229 = tpu.vector_load %arg8[%get3A_227, %get3A_228] {strides = array<i32>} : memref<2x80xi32, #tpu.memory_space<vmem>>, vector<1x16xi32>,
        %get3A_230 = vector.shape_cast %get3A_229 : vector<1x16xi32> to vector<16xi32>
        %swap3A_231 = arith.constant 32 : index
        %swap3A_232 = tpu.vector_load %arg9[%swap3A_231] {strides = array<i32>} : memref<80xi32, #tpu.memory_space<vmem>>, vector<16xi32>,
        %swap3A_233 = vector.shape_cast %swap3A_232 : vector<16xi32> to vector<16xi32>
        %swap3A_234 = vector.shape_cast %get3A_230 : vector<16xi32> to vector<16xi32>
        tpu.vector_store %arg9[%swap3A_231], %swap3A_234 {strides = array<i32>} : memref<80xi32, #tpu.memory_space<vmem>>, vector<16xi32>,
        %get3A_235 = arith.constant 1 : i32
        %get3A_236 = arith.index_cast %get3A_235 : i32 to index
        %get3A_237 = arith.constant 48 : index
        %get3A_238 = tpu.vector_load %arg8[%get3A_236, %get3A_237] {strides = array<i32>} : memref<2x80xi32, #tpu.memory_space<vmem>>, vector<1x16xi32>,
        %get3A_239 = vector.shape_cast %get3A_238 : vector<1x16xi32> to vector<16xi32>
        %swap3A_240 = arith.constant 48 : index
        %swap3A_241 = tpu.vector_load %arg9[%swap3A_240] {strides = array<i32>} : memref<80xi32, #tpu.memory_space<vmem>>, vector<16xi32>,
        %swap3A_242 = vector.shape_cast %swap3A_241 : vector<16xi32> to vector<16xi32>
        %swap3A_243 = vector.shape_cast %get3A_239 : vector<16xi32> to vector<16xi32>
        tpu.vector_store %arg9[%swap3A_240], %swap3A_243 {strides = array<i32>} : memref<80xi32, #tpu.memory_space<vmem>>, vector<16xi32>,
        %get3A_244 = arith.constant 1 : i32
        %get3A_245 = arith.index_cast %get3A_244 : i32 to index
        %get3A_246 = arith.constant 64 : index
        %get3A_247 = tpu.vector_load %arg8[%get3A_245, %get3A_246] {strides = array<i32>} : memref<2x80xi32, #tpu.memory_space<vmem>>, vector<1x16xi32>,
        %get3A_248 = vector.shape_cast %get3A_247 : vector<1x16xi32> to vector<16xi32>
        %swap3A_249 = arith.constant 64 : index
        %swap3A_250 = tpu.vector_load %arg9[%swap3A_249] {strides = array<i32>} : memref<80xi32, #tpu.memory_space<vmem>>, vector<16xi32>,
        %swap3A_251 = vector.shape_cast %swap3A_250 : vector<16xi32> to vector<16xi32>
        %swap3A_252 = vector.shape_cast %get3A_248 : vector<16xi32> to vector<16xi32>
        tpu.vector_store %arg9[%swap3A_249], %swap3A_252 {strides = array<i32>} : memref<80xi32, #tpu.memory_space<vmem>>, vector<16xi32>,
        %add3A_253 = arith.constant 2 : i32
        %add3A_254 = arith.addi %add3A_181, %add3A_253 : i32
        %lt3A_255 = arith.constant 125 : i32
        %lt3A_256 = arith.cmpi slt, %add3A_254, %lt3A_255 : i32
        %convert_element_type3A_257 = arith.extui %lt3A_256 : i1 to i32
        %cond3A_258 = arith.constant 0 : i32
        %cond3A_259 = arith.cmpi ne, %convert_element_type3A_257, %cond3A_258 : i32
        scf.if %cond3A_259 {
          %add3A_273 = arith.constant 2 : i32
          %add3A_274 = arith.addi %add3A_181, %add3A_273 : i32
          %add3A_275 = arith.addi %mul3A_2, %add3A_274 : i32
          %mul3A_276 = arith.constant 2 : i32
          %mul3A_277 = arith.muli %mul3A_276, %add3A_275 : i32
          %dma_start3A_278 = arith.constant 0 : i32
          %dma_start3A_279 = tpu.memref_slice %arg5[%mul3A_277, %dma_start3A_278] : memref<8000x80xi32, #tpu.memory_space<hbm>> -> memref<2x80xi32, #tpu.memory_space<hbm>>
          %dma_start3A_280 = arith.constant 0 : i32
          %dma_start3A_281 = tpu.memref_slice %arg5[%mul3A_277, %dma_start3A_280] : memref<8000x80xi32, #tpu.memory_space<hbm>> -> memref<2x80xi32, #tpu.memory_space<hbm>>
          tpu.enqueue_dma source(%dma_start3A_281 : memref<2x80xi32, #tpu.memory_space<hbm>>) target(%arg8 : memref<2x80xi32, #tpu.memory_space<vmem>>) target_semaphore(%arg18 : memref<!tpu.dma_semaphore, #tpu.memory_space<semaphore_mem>>)
        } else {
        }
        %add3A_260 = arith.constant 1 : i32
        %add3A_261 = arith.addi %add3A_181, %add3A_260 : i32
        %lt3A_262 = arith.constant 125 : i32
        %lt3A_263 = arith.cmpi slt, %add3A_261, %lt3A_262 : i32
        %convert_element_type3A_264 = arith.extui %lt3A_263 : i1 to i32
        %cond3A_265 = arith.constant 0 : i32
        %cond3A_266 = arith.cmpi ne, %convert_element_type3A_264, %cond3A_265 : i32
        scf.if %cond3A_266 {
          %add3A_273 = arith.constant 1 : i32
          %add3A_274 = arith.addi %add3A_181, %add3A_273 : i32
          %add3A_275 = arith.addi %mul3A_2, %add3A_274 : i32
          %mul3A_276 = arith.constant 2 : i32
          %mul3A_277 = arith.muli %mul3A_276, %add3A_275 : i32
          %dma_wait3A_278 = arith.constant 0 : i32
          %dma_wait3A_279 = tpu.memref_slice %arg5[%mul3A_277, %dma_wait3A_278] : memref<8000x80xi32, #tpu.memory_space<hbm>> -> memref<2x80xi32, #tpu.memory_space<hbm>>
          %dma_wait3A_280 = arith.constant 0 : i32
          %dma_wait3A_281 = tpu.memref_slice %arg5[%mul3A_277, %dma_wait3A_280] : memref<8000x80xi32, #tpu.memory_space<hbm>> -> memref<2x80xi32, #tpu.memory_space<hbm>>
          tpu.wait_dma2 semaphore(%arg17 : memref<!tpu.dma_semaphore, #tpu.memory_space<semaphore_mem>>) src(%dma_wait3A_281 : memref<2x80xi32, #tpu.memory_space<hbm>>) dst(%arg7 : memref<2x80xi32, #tpu.memory_space<vmem>>)
          %dma_start3A_282 = arith.constant 0 : i32
          %dma_start3A_283 = arith.constant 0 : i32
          %dma_start3A_284 = tpu.memref_slice %arg7[%dma_start3A_282, %dma_start3A_283] : memref<2x80xi32, #tpu.memory_space<vmem>> -> memref<1x80xi32, #tpu.memory_space<vmem>>
          %dma_start3A_285 = tpu.memref_squeeze %dma_start3A_284 : memref<1x80xi32, #tpu.memory_space<vmem>> -> memref<80xi32, #tpu.memory_space<vmem>>
          %dma_start3A_286 = arith.constant 0 : i32
          %dma_start3A_287 = arith.constant 0 : i32
          %dma_start3A_288 = tpu.memref_slice %arg2[%dma_start3A_286, %dma_start3A_287] : memref<10000x64xi32, #tpu.memory_space<hbm>> -> memref<10000x64xi32, #tpu.memory_space<hbm>>
          tpu.enqueue_indirect_dma source(%dma_start3A_288 : memref<10000x64xi32, #tpu.memory_space<hbm>>) target(%arg10 : memref<80x64xi32, #tpu.memory_space<vmem>>) offsets(%dma_start3A_285 : memref<80xi32, #tpu.memory_space<vmem>>) semaphore(%arg19 : memref<!tpu.dma_semaphore, #tpu.memory_space<semaphore_mem>>)
          %dma_start3A_289 = arith.constant 0 : i32
          %dma_start3A_290 = arith.constant 0 : i32
          %dma_start3A_291 = tpu.memref_slice %arg7[%dma_start3A_289, %dma_start3A_290] : memref<2x80xi32, #tpu.memory_space<vmem>> -> memref<1x80xi32, #tpu.memory_space<vmem>>
          %dma_start3A_292 = tpu.memref_squeeze %dma_start3A_291 : memref<1x80xi32, #tpu.memory_space<vmem>> -> memref<80xi32, #tpu.memory_space<vmem>>
          %dma_start3A_293 = arith.constant 0 : i32
          %dma_start3A_294 = arith.constant 0 : i32
          %dma_start3A_295 = tpu.memref_slice %arg3[%dma_start3A_293, %dma_start3A_294] : memref<10000x16xf32, #tpu.memory_space<hbm>> -> memref<10000x16xf32, #tpu.memory_space<hbm>>
          tpu.enqueue_indirect_dma source(%dma_start3A_295 : memref<10000x16xf32, #tpu.memory_space<hbm>>) target(%arg12 : memref<80x16xf32, #tpu.memory_space<vmem>>) offsets(%dma_start3A_292 : memref<80xi32, #tpu.memory_space<vmem>>) semaphore(%arg19 : memref<!tpu.dma_semaphore, #tpu.memory_space<semaphore_mem>>)
          %dma_start3A_296 = arith.constant 1 : i32
          %dma_start3A_297 = arith.constant 0 : i32
          %dma_start3A_298 = tpu.memref_slice %arg7[%dma_start3A_296, %dma_start3A_297] : memref<2x80xi32, #tpu.memory_space<vmem>> -> memref<1x80xi32, #tpu.memory_space<vmem>>
          %dma_start3A_299 = tpu.memref_squeeze %dma_start3A_298 : memref<1x80xi32, #tpu.memory_space<vmem>> -> memref<80xi32, #tpu.memory_space<vmem>>
          %dma_start3A_300 = arith.constant 0 : i32
          %dma_start3A_301 = arith.constant 0 : i32
          %dma_start3A_302 = tpu.memref_slice %arg4[%dma_start3A_300, %dma_start3A_301] : memref<10000x16xf32, #tpu.memory_space<hbm>> -> memref<10000x16xf32, #tpu.memory_space<hbm>>
          tpu.enqueue_indirect_dma source(%dma_start3A_302 : memref<10000x16xf32, #tpu.memory_space<hbm>>) target(%arg14 : memref<80x16xf32, #tpu.memory_space<vmem>>) offsets(%dma_start3A_299 : memref<80xi32, #tpu.memory_space<vmem>>) semaphore(%arg19 : memref<!tpu.dma_semaphore, #tpu.memory_space<semaphore_mem>>)
        } else {
        }
        %parallel_loop3A_267 = arith.constant 0 : i32
        %parallel_loop3A_268 = arith.constant 80 : i32
        %parallel_loop3A_269 = arith.constant 1 : i32
        scf.for %parallel_loop3A_273 = %parallel_loop3A_267 to %parallel_loop3A_268 step %parallel_loop3A_269  : i32 {
          %parallel_loop3A_274 = arith.index_cast %parallel_loop3A_273 : i32 to index
          %parallel_loop3A_275 = arith.constant 0 : index
          %parallel_loop3A_276 = tpu.vector_load %arg13[%parallel_loop3A_274, %parallel_loop3A_275] {strides = array<i32>} : memref<80x16xf32, #tpu.memory_space<vmem>>, vector<1x16xf32>,
          %parallel_loop3A_277 = vector.shape_cast %parallel_loop3A_276 : vector<1x16xf32> to vector<16xf32>
          %parallel_loop3A_278 = arith.index_cast %parallel_loop3A_273 : i32 to index
          %parallel_loop3A_279 = arith.constant 0 : index
          %parallel_loop3A_280 = tpu.vector_load %arg15[%parallel_loop3A_278, %parallel_loop3A_279] {strides = array<i32>} : memref<80x16xf32, #tpu.memory_space<vmem>>, vector<1x16xf32>,
          %parallel_loop3A_281 = vector.shape_cast %parallel_loop3A_280 : vector<1x16xf32> to vector<16xf32>
          %parallel_loop3A_282 = arith.addf %parallel_loop3A_277, %parallel_loop3A_281 : vector<16xf32>
          %parallel_loop3A_283 = arith.constant 2.000000e-01 : f32
          %parallel_loop3A_284 = vector.broadcast %parallel_loop3A_283 : f32 to vector<16xf32>
          %parallel_loop3A_285 = arith.mulf %parallel_loop3A_284, %parallel_loop3A_282 : vector<16xf32>
          %parallel_loop3A_286 = arith.maximumf %parallel_loop3A_282, %parallel_loop3A_285 : vector<16xf32>
          %parallel_loop3A_287 = math.exp %parallel_loop3A_286 : vector<16xf32>
          %parallel_loop3A_288 = arith.index_cast %parallel_loop3A_273 : i32 to index
          %parallel_loop3A_289 = arith.constant 128 : index
          %parallel_loop3A_290 = tpu.vector_load %arg16[%parallel_loop3A_288, %parallel_loop3A_289] {strides = array<i32>} : memref<80x144xf32, #tpu.memory_space<vmem>>, vector<1x16xf32>,
          %parallel_loop3A_291 = vector.shape_cast %parallel_loop3A_290 : vector<1x16xf32> to vector<16xf32>
          %parallel_loop3A_292 = vector.shape_cast %parallel_loop3A_287 : vector<16xf32> to vector<1x16xf32>
          tpu.vector_store %arg16[%parallel_loop3A_288, %parallel_loop3A_289], %parallel_loop3A_292 {strides = array<i32>} : memref<80x144xf32, #tpu.memory_space<vmem>>, vector<1x16xf32>,
          %parallel_loop3A_293 = arith.constant 0 : i32
          %parallel_loop3A_294 = vector.broadcast %parallel_loop3A_293 : i32 to vector<16xi32>
          %parallel_loop3A_295 = arith.muli %iota3A, %parallel_loop3A_294 : vector<16xi32>
          %parallel_loop3A_296 = vector.shape_cast %parallel_loop3A_295 : vector<16xi32> to vector<16x1xi32>
          %parallel_loop3A_297 = vector.shape_cast %parallel_loop3A_296 : vector<16x1xi32> to vector<16xi32>
          %parallel_loop3A_298 = tpu.dynamic_gather %parallel_loop3A_287[%parallel_loop3A_297] in [0] : vector<16xf32>, vector<16xi32> -> vector<16xf32>
          %parallel_loop3A_299 = arith.index_cast %parallel_loop3A_273 : i32 to index
          %parallel_loop3A_300 = arith.constant 0 : index
          %parallel_loop3A_301 = tpu.vector_load %arg11[%parallel_loop3A_299, %parallel_loop3A_300] {strides = array<i32>} : memref<80x64xi32, #tpu.memory_space<vmem>>, vector<1x16xi32>,
          %parallel_loop3A_302 = vector.shape_cast %parallel_loop3A_301 : vector<1x16xi32> to vector<16xi32>
          %parallel_loop3A_303 = arith.constant 16 : i32
          %parallel_loop3A_304 = vector.broadcast %parallel_loop3A_303 : i32 to vector<16xi32>
          %parallel_loop3A_305 = arith.shli %parallel_loop3A_302, %parallel_loop3A_304 : vector<16xi32>
          %parallel_loop3A_306 = tpu.bitcast %parallel_loop3A_305 : vector<16xi32> -> vector<16xf32>
          %parallel_loop3A_307 = arith.constant -65536 : i32
          %parallel_loop3A_308 = vector.broadcast %parallel_loop3A_307 : i32 to vector<16xi32>
          %parallel_loop3A_309 = arith.andi %parallel_loop3A_302, %parallel_loop3A_308 : vector<16xi32>
          %parallel_loop3A_310 = tpu.bitcast %parallel_loop3A_309 : vector<16xi32> -> vector<16xf32>
          %parallel_loop3A_311 = arith.mulf %parallel_loop3A_306, %parallel_loop3A_298 : vector<16xf32>
          %parallel_loop3A_312 = arith.index_cast %parallel_loop3A_273 : i32 to index
          %parallel_loop3A_313 = arith.constant 0 : index
          %parallel_loop3A_314 = tpu.vector_load %arg16[%parallel_loop3A_312, %parallel_loop3A_313] {strides = array<i32>} : memref<80x144xf32, #tpu.memory_space<vmem>>, vector<1x16xf32>,
          %parallel_loop3A_315 = vector.shape_cast %parallel_loop3A_314 : vector<1x16xf32> to vector<16xf32>
          %parallel_loop3A_316 = vector.shape_cast %parallel_loop3A_311 : vector<16xf32> to vector<1x16xf32>
          tpu.vector_store %arg16[%parallel_loop3A_312, %parallel_loop3A_313], %parallel_loop3A_316 {strides = array<i32>} : memref<80x144xf32, #tpu.memory_space<vmem>>, vector<1x16xf32>,
          %parallel_loop3A_317 = arith.mulf %parallel_loop3A_310, %parallel_loop3A_298 : vector<16xf32>
          %parallel_loop3A_318 = arith.index_cast %parallel_loop3A_273 : i32 to index
          %parallel_loop3A_319 = arith.constant 16 : index
          %parallel_loop3A_320 = tpu.vector_load %arg16[%parallel_loop3A_318, %parallel_loop3A_319] {strides = array<i32>} : memref<80x144xf32, #tpu.memory_space<vmem>>, vector<1x16xf32>,
          %parallel_loop3A_321 = vector.shape_cast %parallel_loop3A_320 : vector<1x16xf32> to vector<16xf32>
          %parallel_loop3A_322 = vector.shape_cast %parallel_loop3A_317 : vector<16xf32> to vector<1x16xf32>
          tpu.vector_store %arg16[%parallel_loop3A_318, %parallel_loop3A_319], %parallel_loop3A_322 {strides = array<i32>} : memref<80x144xf32, #tpu.memory_space<vmem>>, vector<1x16xf32>,
          %parallel_loop3A_323 = arith.index_cast %parallel_loop3A_273 : i32 to index
          %parallel_loop3A_324 = arith.constant 16 : index
          %parallel_loop3A_325 = tpu.vector_load %arg11[%parallel_loop3A_323, %parallel_loop3A_324] {strides = array<i32>} : memref<80x64xi32, #tpu.memory_space<vmem>>, vector<1x16xi32>,
          %parallel_loop3A_326 = vector.shape_cast %parallel_loop3A_325 : vector<1x16xi32> to vector<16xi32>
          %parallel_loop3A_327 = arith.constant 16 : i32
          %parallel_loop3A_328 = vector.broadcast %parallel_loop3A_327 : i32 to vector<16xi32>
          %parallel_loop3A_329 = arith.shli %parallel_loop3A_326, %parallel_loop3A_328 : vector<16xi32>
          %parallel_loop3A_330 = tpu.bitcast %parallel_loop3A_329 : vector<16xi32> -> vector<16xf32>
          %parallel_loop3A_331 = arith.constant -65536 : i32
          %parallel_loop3A_332 = vector.broadcast %parallel_loop3A_331 : i32 to vector<16xi32>
          %parallel_loop3A_333 = arith.andi %parallel_loop3A_326, %parallel_loop3A_332 : vector<16xi32>
          %parallel_loop3A_334 = tpu.bitcast %parallel_loop3A_333 : vector<16xi32> -> vector<16xf32>
          %parallel_loop3A_335 = arith.mulf %parallel_loop3A_330, %parallel_loop3A_298 : vector<16xf32>
          %parallel_loop3A_336 = arith.index_cast %parallel_loop3A_273 : i32 to index
          %parallel_loop3A_337 = arith.constant 32 : index
          %parallel_loop3A_338 = tpu.vector_load %arg16[%parallel_loop3A_336, %parallel_loop3A_337] {strides = array<i32>} : memref<80x144xf32, #tpu.memory_space<vmem>>, vector<1x16xf32>,
          %parallel_loop3A_339 = vector.shape_cast %parallel_loop3A_338 : vector<1x16xf32> to vector<16xf32>
          %parallel_loop3A_340 = vector.shape_cast %parallel_loop3A_335 : vector<16xf32> to vector<1x16xf32>
          tpu.vector_store %arg16[%parallel_loop3A_336, %parallel_loop3A_337], %parallel_loop3A_340 {strides = array<i32>} : memref<80x144xf32, #tpu.memory_space<vmem>>, vector<1x16xf32>,
          %parallel_loop3A_341 = arith.mulf %parallel_loop3A_334, %parallel_loop3A_298 : vector<16xf32>
          %parallel_loop3A_342 = arith.index_cast %parallel_loop3A_273 : i32 to index
          %parallel_loop3A_343 = arith.constant 48 : index
          %parallel_loop3A_344 = tpu.vector_load %arg16[%parallel_loop3A_342, %parallel_loop3A_343] {strides = array<i32>} : memref<80x144xf32, #tpu.memory_space<vmem>>, vector<1x16xf32>,
          %parallel_loop3A_345 = vector.shape_cast %parallel_loop3A_344 : vector<1x16xf32> to vector<16xf32>
          %parallel_loop3A_346 = vector.shape_cast %parallel_loop3A_341 : vector<16xf32> to vector<1x16xf32>
          tpu.vector_store %arg16[%parallel_loop3A_342, %parallel_loop3A_343], %parallel_loop3A_346 {strides = array<i32>} : memref<80x144xf32, #tpu.memory_space<vmem>>, vector<1x16xf32>,
          %parallel_loop3A_347 = arith.index_cast %parallel_loop3A_273 : i32 to index
          %parallel_loop3A_348 = arith.constant 32 : index
          %parallel_loop3A_349 = tpu.vector_load %arg11[%parallel_loop3A_347, %parallel_loop3A_348] {strides = array<i32>} : memref<80x64xi32, #tpu.memory_space<vmem>>, vector<1x16xi32>,
          %parallel_loop3A_350 = vector.shape_cast %parallel_loop3A_349 : vector<1x16xi32> to vector<16xi32>
          %parallel_loop3A_351 = arith.constant 16 : i32
          %parallel_loop3A_352 = vector.broadcast %parallel_loop3A_351 : i32 to vector<16xi32>
          %parallel_loop3A_353 = arith.shli %parallel_loop3A_350, %parallel_loop3A_352 : vector<16xi32>
          %parallel_loop3A_354 = tpu.bitcast %parallel_loop3A_353 : vector<16xi32> -> vector<16xf32>
          %parallel_loop3A_355 = arith.constant -65536 : i32
          %parallel_loop3A_356 = vector.broadcast %parallel_loop3A_355 : i32 to vector<16xi32>
          %parallel_loop3A_357 = arith.andi %parallel_loop3A_350, %parallel_loop3A_356 : vector<16xi32>
          %parallel_loop3A_358 = tpu.bitcast %parallel_loop3A_357 : vector<16xi32> -> vector<16xf32>
          %parallel_loop3A_359 = arith.mulf %parallel_loop3A_354, %parallel_loop3A_298 : vector<16xf32>
          %parallel_loop3A_360 = arith.index_cast %parallel_loop3A_273 : i32 to index
          %parallel_loop3A_361 = arith.constant 64 : index
          %parallel_loop3A_362 = tpu.vector_load %arg16[%parallel_loop3A_360, %parallel_loop3A_361] {strides = array<i32>} : memref<80x144xf32, #tpu.memory_space<vmem>>, vector<1x16xf32>,
          %parallel_loop3A_363 = vector.shape_cast %parallel_loop3A_362 : vector<1x16xf32> to vector<16xf32>
          %parallel_loop3A_364 = vector.shape_cast %parallel_loop3A_359 : vector<16xf32> to vector<1x16xf32>
          tpu.vector_store %arg16[%parallel_loop3A_360, %parallel_loop3A_361], %parallel_loop3A_364 {strides = array<i32>} : memref<80x144xf32, #tpu.memory_space<vmem>>, vector<1x16xf32>,
          %parallel_loop3A_365 = arith.mulf %parallel_loop3A_358, %parallel_loop3A_298 : vector<16xf32>
          %parallel_loop3A_366 = arith.index_cast %parallel_loop3A_273 : i32 to index
          %parallel_loop3A_367 = arith.constant 80 : index
          %parallel_loop3A_368 = tpu.vector_load %arg16[%parallel_loop3A_366, %parallel_loop3A_367] {strides = array<i32>} : memref<80x144xf32, #tpu.memory_space<vmem>>, vector<1x16xf32>,
          %parallel_loop3A_369 = vector.shape_cast %parallel_loop3A_368 : vector<1x16xf32> to vector<16xf32>
          %parallel_loop3A_370 = vector.shape_cast %parallel_loop3A_365 : vector<16xf32> to vector<1x16xf32>
          tpu.vector_store %arg16[%parallel_loop3A_366, %parallel_loop3A_367], %parallel_loop3A_370 {strides = array<i32>} : memref<80x144xf32, #tpu.memory_space<vmem>>, vector<1x16xf32>,
          %parallel_loop3A_371 = arith.index_cast %parallel_loop3A_273 : i32 to index
          %parallel_loop3A_372 = arith.constant 48 : index
          %parallel_loop3A_373 = tpu.vector_load %arg11[%parallel_loop3A_371, %parallel_loop3A_372] {strides = array<i32>} : memref<80x64xi32, #tpu.memory_space<vmem>>, vector<1x16xi32>,
          %parallel_loop3A_374 = vector.shape_cast %parallel_loop3A_373 : vector<1x16xi32> to vector<16xi32>
          %parallel_loop3A_375 = arith.constant 16 : i32
          %parallel_loop3A_376 = vector.broadcast %parallel_loop3A_375 : i32 to vector<16xi32>
          %parallel_loop3A_377 = arith.shli %parallel_loop3A_374, %parallel_loop3A_376 : vector<16xi32>
          %parallel_loop3A_378 = tpu.bitcast %parallel_loop3A_377 : vector<16xi32> -> vector<16xf32>
          %parallel_loop3A_379 = arith.constant -65536 : i32
          %parallel_loop3A_380 = vector.broadcast %parallel_loop3A_379 : i32 to vector<16xi32>
          %parallel_loop3A_381 = arith.andi %parallel_loop3A_374, %parallel_loop3A_380 : vector<16xi32>
          %parallel_loop3A_382 = tpu.bitcast %parallel_loop3A_381 : vector<16xi32> -> vector<16xf32>
          %parallel_loop3A_383 = arith.mulf %parallel_loop3A_378, %parallel_loop3A_298 : vector<16xf32>
          %parallel_loop3A_384 = arith.index_cast %parallel_loop3A_273 : i32 to index
          %parallel_loop3A_385 = arith.constant 96 : index
          %parallel_loop3A_386 = tpu.vector_load %arg16[%parallel_loop3A_384, %parallel_loop3A_385] {strides = array<i32>} : memref<80x144xf32, #tpu.memory_space<vmem>>, vector<1x16xf32>,
          %parallel_loop3A_387 = vector.shape_cast %parallel_loop3A_386 : vector<1x16xf32> to vector<16xf32>
          %parallel_loop3A_388 = vector.shape_cast %parallel_loop3A_383 : vector<16xf32> to vector<1x16xf32>
          tpu.vector_store %arg16[%parallel_loop3A_384, %parallel_loop3A_385], %parallel_loop3A_388 {strides = array<i32>} : memref<80x144xf32, #tpu.memory_space<vmem>>, vector<1x16xf32>,
          %parallel_loop3A_389 = arith.mulf %parallel_loop3A_382, %parallel_loop3A_298 : vector<16xf32>
          %parallel_loop3A_390 = arith.index_cast %parallel_loop3A_273 : i32 to index
          %parallel_loop3A_391 = arith.constant 112 : index
          %parallel_loop3A_392 = tpu.vector_load %arg16[%parallel_loop3A_390, %parallel_loop3A_391] {strides = array<i32>} : memref<80x144xf32, #tpu.memory_space<vmem>>, vector<1x16xf32>,
          %parallel_loop3A_393 = vector.shape_cast %parallel_loop3A_392 : vector<1x16xf32> to vector<16xf32>
          %parallel_loop3A_394 = vector.shape_cast %parallel_loop3A_389 : vector<16xf32> to vector<1x16xf32>
          tpu.vector_store %arg16[%parallel_loop3A_390, %parallel_loop3A_391], %parallel_loop3A_394 {strides = array<i32>} : memref<80x144xf32, #tpu.memory_space<vmem>>, vector<1x16xf32>,
        } {sc.loop_unroll_factor = 4 : i64, sc.parallel_access}
        %dma_start3A_270 = arith.constant 0 : i32
        %dma_start3A_271 = arith.constant 0 : i32
        %dma_start3A_272 = tpu.memref_slice %arg22[%dma_start3A_270, %dma_start3A_271] : memref<10000x144xf32, #tpu.memory_space<vmem_shared>> -> memref<10000x144xf32, #tpu.memory_space<vmem_shared>>
        tpu.enqueue_indirect_dma source(%arg16 : memref<80x144xf32, #tpu.memory_space<vmem>>) target(%dma_start3A_272 : memref<10000x144xf32, #tpu.memory_space<vmem_shared>>) offsets(%arg9 : memref<80xi32, #tpu.memory_space<vmem>>) semaphore(%arg21 : memref<!tpu.dma_semaphore, #tpu.memory_space<semaphore_mem>>) {add = true}
      } else {
      }
      %scan3A_177 = arith.constant 0 : i32
      scf.yield %scan3A_177 : i32
    }
    %scan3A_68 = arith.constant 63 : i32
    %dma_wait3A_69 = arith.constant 0 : i32
    %dma_wait3A_70 = arith.constant 0 : i32
    %dma_wait3A_71 = tpu.memref_slice %arg22[%dma_wait3A_69, %dma_wait3A_70] : memref<10000x144xf32, #tpu.memory_space<vmem_shared>> -> memref<10000x144xf32, #tpu.memory_space<vmem_shared>>
    tpu.wait_indirect_dma semaphore(%arg21 : memref<!tpu.dma_semaphore, #tpu.memory_space<semaphore_mem>>) src(%arg16 : memref<80x144xf32, #tpu.memory_space<vmem>>) dst(%dma_wait3A_71 : memref<10000x144xf32, #tpu.memory_space<vmem_shared>>)
    %barrier3A_72 = arith.constant 0 : index
    tpu.barrier barrier_id(%barrier3A_72)
    %scan3A_73 = arith.constant 0 : i32
    %scan3A_74 = arith.constant 0 : i32
    %scan3A_75 = arith.constant 8 : i32
    %scan3A_76 = arith.addi %scan3A_74, %scan3A_75 : i32
    %scan3A_77 = arith.constant 1 : i32
    %scan3A_78 = scf.for %scan3A_80 = %scan3A_74 to %scan3A_76 step %scan3A_77 iter_args(%scan3A_81 = %scan3A_73) -> (i32)  : i32 {
      %mul3A_82 = arith.constant 640 : i32
      %mul3A_83 = arith.muli %arg1, %mul3A_82 : i32
      %mul3A_84 = arith.constant 80 : i32
      %mul3A_85 = arith.muli %scan3A_80, %mul3A_84 : i32
      %add3A_86 = arith.addi %mul3A_83, %mul3A_85 : i32
      %lt3A = arith.constant 10000 : i32
      %lt3A_87 = arith.cmpi slt, %add3A_86, %lt3A : i32
      %convert_element_type3A = arith.extui %lt3A_87 : i1 to i32
      %cond3A = arith.constant 0 : i32
      %cond3A_88 = arith.cmpi ne, %convert_element_type3A, %cond3A : i32
      scf.if %cond3A_88 {
        %mul3A_90 = arith.constant 640 : i32
        %mul3A_91 = arith.muli %arg1, %mul3A_90 : i32
        %mul3A_92 = arith.constant 80 : i32
        %mul3A_93 = arith.muli %scan3A_80, %mul3A_92 : i32
        %add3A_94 = arith.addi %mul3A_91, %mul3A_93 : i32
        %mul3A_95 = arith.constant 640 : i32
        %mul3A_96 = arith.muli %arg1, %mul3A_95 : i32
        %mul3A_97 = arith.constant 80 : i32
        %mul3A_98 = arith.muli %scan3A_80, %mul3A_97 : i32
        %add3A_99 = arith.addi %mul3A_96, %mul3A_98 : i32
        "tpu.region"() ({
          %run_scoped3A = tpu.sem_alloc : memref<!tpu.dma_semaphore, #tpu.memory_space<semaphore_mem>>
          %dma_start3A_100 = arith.constant 0 : i32
          %dma_start3A_101 = tpu.memref_slice %arg6[%arg0, %add3A_99, %dma_start3A_100] : memref<2x10000x144xf32, #tpu.memory_space<hbm>> -> memref<1x80x144xf32, #tpu.memory_space<hbm>>
          %dma_start3A_102 = tpu.memref_squeeze %dma_start3A_101 : memref<1x80x144xf32, #tpu.memory_space<hbm>> -> memref<80x144xf32, #tpu.memory_space<hbm>>
          %dma_start3A_103 = arith.constant 0 : i32
          %dma_start3A_104 = tpu.memref_slice %arg22[%add3A_94, %dma_start3A_103] : memref<10000x144xf32, #tpu.memory_space<vmem_shared>> -> memref<80x144xf32, #tpu.memory_space<vmem_shared>>
          tpu.enqueue_dma source(%dma_start3A_104 : memref<80x144xf32, #tpu.memory_space<vmem_shared>>) target(%dma_start3A_102 : memref<80x144xf32, #tpu.memory_space<hbm>>) target_semaphore(%run_scoped3A : memref<!tpu.dma_semaphore, #tpu.memory_space<semaphore_mem>>)
          %dma_wait3A_105 = arith.constant 0 : i32
          %dma_wait3A_106 = tpu.memref_slice %arg6[%arg0, %add3A_99, %dma_wait3A_105] : memref<2x10000x144xf32, #tpu.memory_space<hbm>> -> memref<1x80x144xf32, #tpu.memory_space<hbm>>
          %dma_wait3A_107 = tpu.memref_squeeze %dma_wait3A_106 : memref<1x80x144xf32, #tpu.memory_space<hbm>> -> memref<80x144xf32, #tpu.memory_space<hbm>>
          %dma_wait3A_108 = arith.constant 0 : i32
          %dma_wait3A_109 = tpu.memref_slice %arg22[%add3A_94, %dma_wait3A_108] : memref<10000x144xf32, #tpu.memory_space<vmem_shared>> -> memref<80x144xf32, #tpu.memory_space<vmem_shared>>
          tpu.wait_dma2 semaphore(%run_scoped3A : memref<!tpu.dma_semaphore, #tpu.memory_space<semaphore_mem>>) src(%dma_wait3A_109 : memref<80x144xf32, #tpu.memory_space<vmem_shared>>) dst(%dma_wait3A_107 : memref<80x144xf32, #tpu.memory_space<hbm>>)
          tpu.yield
        }) : () -> ()
      } else {
      }
      %scan3A_89 = arith.constant 0 : i32
      scf.yield %scan3A_89 : i32
    }
    %scan3A_79 = arith.constant 8 : i32
    return
  }
}

#map = affine_map<(d0, d1) -> (0, 0)>
#map1 = affine_map<(d0, d1) -> (0, 0, 0)>
module attributes {stable_mosaic.version = 14 : i64} {
  func.func @edge_pass(%arg0: i32, %arg1: i32, %arg2: memref<10000x32xi32, #tpu.memory_space<hbm>>, %arg3: memref<10000x16xf32, #tpu.memory_space<hbm>>, %arg4: memref<10000x16xf32, #tpu.memory_space<hbm>>, %arg5: memref<8000x80xi32, #tpu.memory_space<hbm>>, %arg6: memref<2x10000x80xf32, #tpu.memory_space<hbm>>, %arg7: memref<2x80xi32, #tpu.memory_space<vmem>>, %arg8: memref<2x80xi32, #tpu.memory_space<vmem>>, %arg9: memref<80xi32, #tpu.memory_space<vmem>>, %arg10: memref<80x32xi32, #tpu.memory_space<vmem>>, %arg11: memref<80x32xi32, #tpu.memory_space<vmem>>, %arg12: memref<80x16xf32, #tpu.memory_space<vmem>>, %arg13: memref<80x16xf32, #tpu.memory_space<vmem>>, %arg14: memref<80x16xf32, #tpu.memory_space<vmem>>, %arg15: memref<80x16xf32, #tpu.memory_space<vmem>>, %arg16: memref<80x80xf32, #tpu.memory_space<vmem>>, %arg17: memref<!tpu.dma_semaphore, #tpu.memory_space<semaphore_mem>>, %arg18: memref<!tpu.dma_semaphore, #tpu.memory_space<semaphore_mem>>, %arg19: memref<!tpu.dma_semaphore, #tpu.memory_space<semaphore_mem>>, %arg20: memref<!tpu.dma_semaphore, #tpu.memory_space<semaphore_mem>>, %arg21: memref<!tpu.dma_semaphore, #tpu.memory_space<semaphore_mem>>, %arg22: memref<10000x80xf32, #tpu.memory_space<vmem_shared>>) attributes {dimension_semantics = [#tpu.dimension_semantics<core_parallel>, #tpu.dimension_semantics<subcore_parallel>], iteration_bounds = array<i64: 2, 16>, scalar_prefetch = 0 : i64, scratch_operands = 16 : i64, tpu.core_type = #tpu.core_type<sc_vector_subcore>, window_params = [{transform_indices = #map}, {transform_indices = #map}, {transform_indices = #map}, {transform_indices = #map}, {transform_indices = #map1}]} {
    %mul3A = arith.constant 16 : i32
    %mul3A_0 = arith.muli %arg0, %mul3A : i32
    %add3A = arith.addi %mul3A_0, %arg1 : i32
    %mul3A_1 = arith.constant 125 : i32
    %mul3A_2 = arith.muli %add3A, %mul3A_1 : i32
    %broadcast_in_dim3A = arith.constant 0.000000e+00 : f32
    %broadcast_in_dim3A_3 = vector.broadcast %broadcast_in_dim3A : f32 to vector<16xf32>
    %scan3A = arith.constant 0 : i32
    %scan3A_4 = arith.constant 0 : i32
    %scan3A_5 = arith.constant 80 : i32
    %scan3A_6 = arith.addi %scan3A_4, %scan3A_5 : i32
    %scan3A_7 = arith.constant 1 : i32
    %scan3A_8 = scf.for %scan3A_80 = %scan3A_4 to %scan3A_6 step %scan3A_7 iter_args(%scan3A_81 = %scan3A) -> (i32)  : i32 {
      %swap3A = arith.index_cast %scan3A_80 : i32 to index
      %swap3A_82 = arith.constant 0 : index
      %swap3A_83 = tpu.vector_load %arg16[%swap3A, %swap3A_82] {strides = array<i32>} : memref<80x80xf32, #tpu.memory_space<vmem>>, vector<1x16xf32>,
      %swap3A_84 = vector.shape_cast %swap3A_83 : vector<1x16xf32> to vector<16xf32>
      %swap3A_85 = vector.shape_cast %broadcast_in_dim3A_3 : vector<16xf32> to vector<1x16xf32>
      tpu.vector_store %arg16[%swap3A, %swap3A_82], %swap3A_85 {strides = array<i32>} : memref<80x80xf32, #tpu.memory_space<vmem>>, vector<1x16xf32>,
      %swap3A_86 = arith.index_cast %scan3A_80 : i32 to index
      %swap3A_87 = arith.constant 16 : index
      %swap3A_88 = tpu.vector_load %arg16[%swap3A_86, %swap3A_87] {strides = array<i32>} : memref<80x80xf32, #tpu.memory_space<vmem>>, vector<1x16xf32>,
      %swap3A_89 = vector.shape_cast %swap3A_88 : vector<1x16xf32> to vector<16xf32>
      %swap3A_90 = vector.shape_cast %broadcast_in_dim3A_3 : vector<16xf32> to vector<1x16xf32>
      tpu.vector_store %arg16[%swap3A_86, %swap3A_87], %swap3A_90 {strides = array<i32>} : memref<80x80xf32, #tpu.memory_space<vmem>>, vector<1x16xf32>,
      %swap3A_91 = arith.index_cast %scan3A_80 : i32 to index
      %swap3A_92 = arith.constant 32 : index
      %swap3A_93 = tpu.vector_load %arg16[%swap3A_91, %swap3A_92] {strides = array<i32>} : memref<80x80xf32, #tpu.memory_space<vmem>>, vector<1x16xf32>,
      %swap3A_94 = vector.shape_cast %swap3A_93 : vector<1x16xf32> to vector<16xf32>
      %swap3A_95 = vector.shape_cast %broadcast_in_dim3A_3 : vector<16xf32> to vector<1x16xf32>
      tpu.vector_store %arg16[%swap3A_91, %swap3A_92], %swap3A_95 {strides = array<i32>} : memref<80x80xf32, #tpu.memory_space<vmem>>, vector<1x16xf32>,
      %swap3A_96 = arith.index_cast %scan3A_80 : i32 to index
      %swap3A_97 = arith.constant 48 : index
      %swap3A_98 = tpu.vector_load %arg16[%swap3A_96, %swap3A_97] {strides = array<i32>} : memref<80x80xf32, #tpu.memory_space<vmem>>, vector<1x16xf32>,
      %swap3A_99 = vector.shape_cast %swap3A_98 : vector<1x16xf32> to vector<16xf32>
      %swap3A_100 = vector.shape_cast %broadcast_in_dim3A_3 : vector<16xf32> to vector<1x16xf32>
      tpu.vector_store %arg16[%swap3A_96, %swap3A_97], %swap3A_100 {strides = array<i32>} : memref<80x80xf32, #tpu.memory_space<vmem>>, vector<1x16xf32>,
      %swap3A_101 = arith.index_cast %scan3A_80 : i32 to index
      %swap3A_102 = arith.constant 64 : index
      %swap3A_103 = tpu.vector_load %arg16[%swap3A_101, %swap3A_102] {strides = array<i32>} : memref<80x80xf32, #tpu.memory_space<vmem>>, vector<1x16xf32>,
      %swap3A_104 = vector.shape_cast %swap3A_103 : vector<1x16xf32> to vector<16xf32>
      %swap3A_105 = vector.shape_cast %broadcast_in_dim3A_3 : vector<16xf32> to vector<1x16xf32>
      tpu.vector_store %arg16[%swap3A_101, %swap3A_102], %swap3A_105 {strides = array<i32>} : memref<80x80xf32, #tpu.memory_space<vmem>>, vector<1x16xf32>,
      %scan3A_106 = arith.constant 0 : i32
      scf.yield %scan3A_106 : i32
    }
    %scan3A_9 = arith.constant 80 : i32
    %scan3A_10 = arith.constant 0 : i32
    %scan3A_11 = arith.constant 0 : i32
    %scan3A_12 = arith.constant 8 : i32
    %scan3A_13 = arith.addi %scan3A_11, %scan3A_12 : i32
    %scan3A_14 = arith.constant 1 : i32
    %scan3A_15 = scf.for %scan3A_80 = %scan3A_11 to %scan3A_13 step %scan3A_14 iter_args(%scan3A_81 = %scan3A_10) -> (i32)  : i32 {
      %mul3A_82 = arith.constant 640 : i32
      %mul3A_83 = arith.muli %arg1, %mul3A_82 : i32
      %mul3A_84 = arith.constant 80 : i32
      %mul3A_85 = arith.muli %scan3A_80, %mul3A_84 : i32
      %add3A_86 = arith.addi %mul3A_83, %mul3A_85 : i32
      %lt3A = arith.constant 10000 : i32
      %lt3A_87 = arith.cmpi slt, %add3A_86, %lt3A : i32
      %convert_element_type3A = arith.extui %lt3A_87 : i1 to i32
      %cond3A = arith.constant 0 : i32
      %cond3A_88 = arith.cmpi ne, %convert_element_type3A, %cond3A : i32
      scf.if %cond3A_88 {
        %mul3A_90 = arith.constant 640 : i32
        %mul3A_91 = arith.muli %arg1, %mul3A_90 : i32
        %mul3A_92 = arith.constant 80 : i32
        %mul3A_93 = arith.muli %scan3A_80, %mul3A_92 : i32
        %add3A_94 = arith.addi %mul3A_91, %mul3A_93 : i32
        "tpu.region"() ({
          %run_scoped3A = tpu.sem_alloc : memref<!tpu.dma_semaphore, #tpu.memory_space<semaphore_mem>>
          %dma_start3A_95 = arith.constant 0 : i32
          %dma_start3A_96 = tpu.memref_slice %arg22[%add3A_94, %dma_start3A_95] : memref<10000x80xf32, #tpu.memory_space<vmem_shared>> -> memref<80x80xf32, #tpu.memory_space<vmem_shared>>
          %dma_start3A_97 = arith.constant 0 : i32
          %dma_start3A_98 = tpu.memref_slice %arg22[%add3A_94, %dma_start3A_97] : memref<10000x80xf32, #tpu.memory_space<vmem_shared>> -> memref<80x80xf32, #tpu.memory_space<vmem_shared>>
          tpu.enqueue_dma source(%arg16 : memref<80x80xf32, #tpu.memory_space<vmem>>) target(%dma_start3A_98 : memref<80x80xf32, #tpu.memory_space<vmem_shared>>) target_semaphore(%run_scoped3A : memref<!tpu.dma_semaphore, #tpu.memory_space<semaphore_mem>>)
          %dma_wait3A_99 = arith.constant 0 : i32
          %dma_wait3A_100 = tpu.memref_slice %arg22[%add3A_94, %dma_wait3A_99] : memref<10000x80xf32, #tpu.memory_space<vmem_shared>> -> memref<80x80xf32, #tpu.memory_space<vmem_shared>>
          %dma_wait3A_101 = arith.constant 0 : i32
          %dma_wait3A_102 = tpu.memref_slice %arg22[%add3A_94, %dma_wait3A_101] : memref<10000x80xf32, #tpu.memory_space<vmem_shared>> -> memref<80x80xf32, #tpu.memory_space<vmem_shared>>
          tpu.wait_dma2 semaphore(%run_scoped3A : memref<!tpu.dma_semaphore, #tpu.memory_space<semaphore_mem>>) src(%arg16 : memref<80x80xf32, #tpu.memory_space<vmem>>) dst(%dma_wait3A_102 : memref<80x80xf32, #tpu.memory_space<vmem_shared>>)
          tpu.yield
        }) : () -> ()
      } else {
      }
      %scan3A_89 = arith.constant 0 : i32
      scf.yield %scan3A_89 : i32
    }
    %scan3A_16 = arith.constant 8 : i32
    %barrier3A = arith.constant 0 : index
    tpu.barrier barrier_id(%barrier3A)
    %iota3A = tpu.iota {dimensions = array<i32: 0>} : vector<16xi32>
    %div3A = arith.constant 8 : i32
    %div3A_17 = vector.broadcast %div3A : i32 to vector<16xi32>
    %div3A_18 = arith.divsi %iota3A, %div3A_17 : vector<16xi32>
    %add3A_19 = arith.constant 0 : i32
    %add3A_20 = arith.addi %mul3A_2, %add3A_19 : i32
    %mul3A_21 = arith.constant 2 : i32
    %mul3A_22 = arith.muli %mul3A_21, %add3A_20 : i32
    %dma_start3A = arith.constant 0 : i32
    %dma_start3A_23 = tpu.memref_slice %arg5[%mul3A_22, %dma_start3A] : memref<8000x80xi32, #tpu.memory_space<hbm>> -> memref<2x80xi32, #tpu.memory_space<hbm>>
    %dma_start3A_24 = arith.constant 0 : i32
    %dma_start3A_25 = tpu.memref_slice %arg5[%mul3A_22, %dma_start3A_24] : memref<8000x80xi32, #tpu.memory_space<hbm>> -> memref<2x80xi32, #tpu.memory_space<hbm>>
    tpu.enqueue_dma source(%dma_start3A_25 : memref<2x80xi32, #tpu.memory_space<hbm>>) target(%arg7 : memref<2x80xi32, #tpu.memory_space<vmem>>) target_semaphore(%arg17 : memref<!tpu.dma_semaphore, #tpu.memory_space<semaphore_mem>>)
    %add3A_26 = arith.constant 1 : i32
    %add3A_27 = arith.addi %mul3A_2, %add3A_26 : i32
    %mul3A_28 = arith.constant 2 : i32
    %mul3A_29 = arith.muli %mul3A_28, %add3A_27 : i32
    %dma_start3A_30 = arith.constant 0 : i32
    %dma_start3A_31 = tpu.memref_slice %arg5[%mul3A_29, %dma_start3A_30] : memref<8000x80xi32, #tpu.memory_space<hbm>> -> memref<2x80xi32, #tpu.memory_space<hbm>>
    %dma_start3A_32 = arith.constant 0 : i32
    %dma_start3A_33 = tpu.memref_slice %arg5[%mul3A_29, %dma_start3A_32] : memref<8000x80xi32, #tpu.memory_space<hbm>> -> memref<2x80xi32, #tpu.memory_space<hbm>>
    tpu.enqueue_dma source(%dma_start3A_33 : memref<2x80xi32, #tpu.memory_space<hbm>>) target(%arg8 : memref<2x80xi32, #tpu.memory_space<vmem>>) target_semaphore(%arg18 : memref<!tpu.dma_semaphore, #tpu.memory_space<semaphore_mem>>)
    %add3A_34 = arith.constant 0 : i32
    %add3A_35 = arith.addi %mul3A_2, %add3A_34 : i32
    %mul3A_36 = arith.constant 2 : i32
    %mul3A_37 = arith.muli %mul3A_36, %add3A_35 : i32
    %dma_wait3A = arith.constant 0 : i32
    %dma_wait3A_38 = tpu.memref_slice %arg5[%mul3A_37, %dma_wait3A] : memref<8000x80xi32, #tpu.memory_space<hbm>> -> memref<2x80xi32, #tpu.memory_space<hbm>>
    %dma_wait3A_39 = arith.constant 0 : i32
    %dma_wait3A_40 = tpu.memref_slice %arg5[%mul3A_37, %dma_wait3A_39] : memref<8000x80xi32, #tpu.memory_space<hbm>> -> memref<2x80xi32, #tpu.memory_space<hbm>>
    tpu.wait_dma2 semaphore(%arg17 : memref<!tpu.dma_semaphore, #tpu.memory_space<semaphore_mem>>) src(%dma_wait3A_40 : memref<2x80xi32, #tpu.memory_space<hbm>>) dst(%arg7 : memref<2x80xi32, #tpu.memory_space<vmem>>)
    %dma_start3A_41 = arith.constant 0 : i32
    %dma_start3A_42 = arith.constant 0 : i32
    %dma_start3A_43 = tpu.memref_slice %arg7[%dma_start3A_41, %dma_start3A_42] : memref<2x80xi32, #tpu.memory_space<vmem>> -> memref<1x80xi32, #tpu.memory_space<vmem>>
    %dma_start3A_44 = tpu.memref_squeeze %dma_start3A_43 : memref<1x80xi32, #tpu.memory_space<vmem>> -> memref<80xi32, #tpu.memory_space<vmem>>
    %dma_start3A_45 = arith.constant 0 : i32
    %dma_start3A_46 = arith.constant 0 : i32
    %dma_start3A_47 = tpu.memref_slice %arg2[%dma_start3A_45, %dma_start3A_46] : memref<10000x32xi32, #tpu.memory_space<hbm>> -> memref<10000x32xi32, #tpu.memory_space<hbm>>
    tpu.enqueue_indirect_dma source(%dma_start3A_47 : memref<10000x32xi32, #tpu.memory_space<hbm>>) target(%arg10 : memref<80x32xi32, #tpu.memory_space<vmem>>) offsets(%dma_start3A_44 : memref<80xi32, #tpu.memory_space<vmem>>) semaphore(%arg19 : memref<!tpu.dma_semaphore, #tpu.memory_space<semaphore_mem>>)
    %dma_start3A_48 = arith.constant 0 : i32
    %dma_start3A_49 = arith.constant 0 : i32
    %dma_start3A_50 = tpu.memref_slice %arg7[%dma_start3A_48, %dma_start3A_49] : memref<2x80xi32, #tpu.memory_space<vmem>> -> memref<1x80xi32, #tpu.memory_space<vmem>>
    %dma_start3A_51 = tpu.memref_squeeze %dma_start3A_50 : memref<1x80xi32, #tpu.memory_space<vmem>> -> memref<80xi32, #tpu.memory_space<vmem>>
    %dma_start3A_52 = arith.constant 0 : i32
    %dma_start3A_53 = arith.constant 0 : i32
    %dma_start3A_54 = tpu.memref_slice %arg3[%dma_start3A_52, %dma_start3A_53] : memref<10000x16xf32, #tpu.memory_space<hbm>> -> memref<10000x16xf32, #tpu.memory_space<hbm>>
    tpu.enqueue_indirect_dma source(%dma_start3A_54 : memref<10000x16xf32, #tpu.memory_space<hbm>>) target(%arg12 : memref<80x16xf32, #tpu.memory_space<vmem>>) offsets(%dma_start3A_51 : memref<80xi32, #tpu.memory_space<vmem>>) semaphore(%arg19 : memref<!tpu.dma_semaphore, #tpu.memory_space<semaphore_mem>>)
    %dma_start3A_55 = arith.constant 1 : i32
    %dma_start3A_56 = arith.constant 0 : i32
    %dma_start3A_57 = tpu.memref_slice %arg7[%dma_start3A_55, %dma_start3A_56] : memref<2x80xi32, #tpu.memory_space<vmem>> -> memref<1x80xi32, #tpu.memory_space<vmem>>
    %dma_start3A_58 = tpu.memref_squeeze %dma_start3A_57 : memref<1x80xi32, #tpu.memory_space<vmem>> -> memref<80xi32, #tpu.memory_space<vmem>>
    %dma_start3A_59 = arith.constant 0 : i32
    %dma_start3A_60 = arith.constant 0 : i32
    %dma_start3A_61 = tpu.memref_slice %arg4[%dma_start3A_59, %dma_start3A_60] : memref<10000x16xf32, #tpu.memory_space<hbm>> -> memref<10000x16xf32, #tpu.memory_space<hbm>>
    tpu.enqueue_indirect_dma source(%dma_start3A_61 : memref<10000x16xf32, #tpu.memory_space<hbm>>) target(%arg14 : memref<80x16xf32, #tpu.memory_space<vmem>>) offsets(%dma_start3A_58 : memref<80xi32, #tpu.memory_space<vmem>>) semaphore(%arg19 : memref<!tpu.dma_semaphore, #tpu.memory_space<semaphore_mem>>)
    %scan3A_62 = arith.constant 0 : i32
    %scan3A_63 = arith.constant 0 : i32
    %scan3A_64 = arith.constant 63 : i32
    %scan3A_65 = arith.addi %scan3A_63, %scan3A_64 : i32
    %scan3A_66 = arith.constant 1 : i32
    %scan3A_67 = scf.for %scan3A_80 = %scan3A_63 to %scan3A_65 step %scan3A_66 iter_args(%scan3A_81 = %scan3A_62) -> (i32)  : i32 {
      %mul3A_82 = arith.constant 2 : i32
      %mul3A_83 = arith.muli %mul3A_82, %scan3A_80 : i32
      %dma_wait3A_84 = arith.constant 0 : i32
      %dma_wait3A_85 = arith.constant 0 : i32
      %dma_wait3A_86 = tpu.memref_slice %arg7[%dma_wait3A_84, %dma_wait3A_85] : memref<2x80xi32, #tpu.memory_space<vmem>> -> memref<1x80xi32, #tpu.memory_space<vmem>>
      %dma_wait3A_87 = tpu.memref_squeeze %dma_wait3A_86 : memref<1x80xi32, #tpu.memory_space<vmem>> -> memref<80xi32, #tpu.memory_space<vmem>>
      %dma_wait3A_88 = arith.constant 0 : i32
      %dma_wait3A_89 = arith.constant 0 : i32
      %dma_wait3A_90 = tpu.memref_slice %arg2[%dma_wait3A_88, %dma_wait3A_89] : memref<10000x32xi32, #tpu.memory_space<hbm>> -> memref<10000x32xi32, #tpu.memory_space<hbm>>
      tpu.wait_indirect_dma semaphore(%arg19 : memref<!tpu.dma_semaphore, #tpu.memory_space<semaphore_mem>>) src(%dma_wait3A_90 : memref<10000x32xi32, #tpu.memory_space<hbm>>) dst(%arg10 : memref<80x32xi32, #tpu.memory_space<vmem>>)
      %dma_wait3A_91 = arith.constant 0 : i32
      %dma_wait3A_92 = arith.constant 0 : i32
      %dma_wait3A_93 = tpu.memref_slice %arg7[%dma_wait3A_91, %dma_wait3A_92] : memref<2x80xi32, #tpu.memory_space<vmem>> -> memref<1x80xi32, #tpu.memory_space<vmem>>
      %dma_wait3A_94 = tpu.memref_squeeze %dma_wait3A_93 : memref<1x80xi32, #tpu.memory_space<vmem>> -> memref<80xi32, #tpu.memory_space<vmem>>
      %dma_wait3A_95 = arith.constant 0 : i32
      %dma_wait3A_96 = arith.constant 0 : i32
      %dma_wait3A_97 = tpu.memref_slice %arg3[%dma_wait3A_95, %dma_wait3A_96] : memref<10000x16xf32, #tpu.memory_space<hbm>> -> memref<10000x16xf32, #tpu.memory_space<hbm>>
      tpu.wait_indirect_dma semaphore(%arg19 : memref<!tpu.dma_semaphore, #tpu.memory_space<semaphore_mem>>) src(%dma_wait3A_97 : memref<10000x16xf32, #tpu.memory_space<hbm>>) dst(%arg12 : memref<80x16xf32, #tpu.memory_space<vmem>>)
      %dma_wait3A_98 = arith.constant 1 : i32
      %dma_wait3A_99 = arith.constant 0 : i32
      %dma_wait3A_100 = tpu.memref_slice %arg7[%dma_wait3A_98, %dma_wait3A_99] : memref<2x80xi32, #tpu.memory_space<vmem>> -> memref<1x80xi32, #tpu.memory_space<vmem>>
      %dma_wait3A_101 = tpu.memref_squeeze %dma_wait3A_100 : memref<1x80xi32, #tpu.memory_space<vmem>> -> memref<80xi32, #tpu.memory_space<vmem>>
      %dma_wait3A_102 = arith.constant 0 : i32
      %dma_wait3A_103 = arith.constant 0 : i32
      %dma_wait3A_104 = tpu.memref_slice %arg4[%dma_wait3A_102, %dma_wait3A_103] : memref<10000x16xf32, #tpu.memory_space<hbm>> -> memref<10000x16xf32, #tpu.memory_space<hbm>>
      tpu.wait_indirect_dma semaphore(%arg19 : memref<!tpu.dma_semaphore, #tpu.memory_space<semaphore_mem>>) src(%dma_wait3A_104 : memref<10000x16xf32, #tpu.memory_space<hbm>>) dst(%arg14 : memref<80x16xf32, #tpu.memory_space<vmem>>)
      %ge3A = arith.constant 1 : i32
      %ge3A_105 = arith.cmpi sge, %mul3A_83, %ge3A : i32
      %convert_element_type3A = arith.extui %ge3A_105 : i1 to i32
      %cond3A = arith.constant 0 : i32
      %cond3A_106 = arith.cmpi ne, %convert_element_type3A, %cond3A : i32
      scf.if %cond3A_106 {
        %dma_wait3A_178 = arith.constant 0 : i32
        %dma_wait3A_179 = arith.constant 0 : i32
        %dma_wait3A_180 = tpu.memref_slice %arg22[%dma_wait3A_178, %dma_wait3A_179] : memref<10000x80xf32, #tpu.memory_space<vmem_shared>> -> memref<10000x80xf32, #tpu.memory_space<vmem_shared>>
        tpu.wait_indirect_dma semaphore(%arg21 : memref<!tpu.dma_semaphore, #tpu.memory_space<semaphore_mem>>) src(%arg16 : memref<80x80xf32, #tpu.memory_space<vmem>>) dst(%dma_wait3A_180 : memref<10000x80xf32, #tpu.memory_space<vmem_shared>>)
      } else {
      }
      %get3A = arith.constant 1 : i32
      %get3A_107 = arith.index_cast %get3A : i32 to index
      %get3A_108 = arith.constant 0 : index
      %get3A_109 = tpu.vector_load %arg7[%get3A_107, %get3A_108] {strides = array<i32>} : memref<2x80xi32, #tpu.memory_space<vmem>>, vector<1x16xi32>,
      %get3A_110 = vector.shape_cast %get3A_109 : vector<1x16xi32> to vector<16xi32>
      %swap3A = arith.constant 0 : index
      %swap3A_111 = tpu.vector_load %arg9[%swap3A] {strides = array<i32>} : memref<80xi32, #tpu.memory_space<vmem>>, vector<16xi32>,
      %swap3A_112 = vector.shape_cast %swap3A_111 : vector<16xi32> to vector<16xi32>
      %swap3A_113 = vector.shape_cast %get3A_110 : vector<16xi32> to vector<16xi32>
      tpu.vector_store %arg9[%swap3A], %swap3A_113 {strides = array<i32>} : memref<80xi32, #tpu.memory_space<vmem>>, vector<16xi32>,
      %get3A_114 = arith.constant 1 : i32
      %get3A_115 = arith.index_cast %get3A_114 : i32 to index
      %get3A_116 = arith.constant 16 : index
      %get3A_117 = tpu.vector_load %arg7[%get3A_115, %get3A_116] {strides = array<i32>} : memref<2x80xi32, #tpu.memory_space<vmem>>, vector<1x16xi32>,
      %get3A_118 = vector.shape_cast %get3A_117 : vector<1x16xi32> to vector<16xi32>
      %swap3A_119 = arith.constant 16 : index
      %swap3A_120 = tpu.vector_load %arg9[%swap3A_119] {strides = array<i32>} : memref<80xi32, #tpu.memory_space<vmem>>, vector<16xi32>,
      %swap3A_121 = vector.shape_cast %swap3A_120 : vector<16xi32> to vector<16xi32>
      %swap3A_122 = vector.shape_cast %get3A_118 : vector<16xi32> to vector<16xi32>
      tpu.vector_store %arg9[%swap3A_119], %swap3A_122 {strides = array<i32>} : memref<80xi32, #tpu.memory_space<vmem>>, vector<16xi32>,
      %get3A_123 = arith.constant 1 : i32
      %get3A_124 = arith.index_cast %get3A_123 : i32 to index
      %get3A_125 = arith.constant 32 : index
      %get3A_126 = tpu.vector_load %arg7[%get3A_124, %get3A_125] {strides = array<i32>} : memref<2x80xi32, #tpu.memory_space<vmem>>, vector<1x16xi32>,
      %get3A_127 = vector.shape_cast %get3A_126 : vector<1x16xi32> to vector<16xi32>
      %swap3A_128 = arith.constant 32 : index
      %swap3A_129 = tpu.vector_load %arg9[%swap3A_128] {strides = array<i32>} : memref<80xi32, #tpu.memory_space<vmem>>, vector<16xi32>,
      %swap3A_130 = vector.shape_cast %swap3A_129 : vector<16xi32> to vector<16xi32>
      %swap3A_131 = vector.shape_cast %get3A_127 : vector<16xi32> to vector<16xi32>
      tpu.vector_store %arg9[%swap3A_128], %swap3A_131 {strides = array<i32>} : memref<80xi32, #tpu.memory_space<vmem>>, vector<16xi32>,
      %get3A_132 = arith.constant 1 : i32
      %get3A_133 = arith.index_cast %get3A_132 : i32 to index
      %get3A_134 = arith.constant 48 : index
      %get3A_135 = tpu.vector_load %arg7[%get3A_133, %get3A_134] {strides = array<i32>} : memref<2x80xi32, #tpu.memory_space<vmem>>, vector<1x16xi32>,
      %get3A_136 = vector.shape_cast %get3A_135 : vector<1x16xi32> to vector<16xi32>
      %swap3A_137 = arith.constant 48 : index
      %swap3A_138 = tpu.vector_load %arg9[%swap3A_137] {strides = array<i32>} : memref<80xi32, #tpu.memory_space<vmem>>, vector<16xi32>,
      %swap3A_139 = vector.shape_cast %swap3A_138 : vector<16xi32> to vector<16xi32>
      %swap3A_140 = vector.shape_cast %get3A_136 : vector<16xi32> to vector<16xi32>
      tpu.vector_store %arg9[%swap3A_137], %swap3A_140 {strides = array<i32>} : memref<80xi32, #tpu.memory_space<vmem>>, vector<16xi32>,
      %get3A_141 = arith.constant 1 : i32
      %get3A_142 = arith.index_cast %get3A_141 : i32 to index
      %get3A_143 = arith.constant 64 : index
      %get3A_144 = tpu.vector_load %arg7[%get3A_142, %get3A_143] {strides = array<i32>} : memref<2x80xi32, #tpu.memory_space<vmem>>, vector<1x16xi32>,
      %get3A_145 = vector.shape_cast %get3A_144 : vector<1x16xi32> to vector<16xi32>
      %swap3A_146 = arith.constant 64 : index
      %swap3A_147 = tpu.vector_load %arg9[%swap3A_146] {strides = array<i32>} : memref<80xi32, #tpu.memory_space<vmem>>, vector<16xi32>,
      %swap3A_148 = vector.shape_cast %swap3A_147 : vector<16xi32> to vector<16xi32>
      %swap3A_149 = vector.shape_cast %get3A_145 : vector<16xi32> to vector<16xi32>
      tpu.vector_store %arg9[%swap3A_146], %swap3A_149 {strides = array<i32>} : memref<80xi32, #tpu.memory_space<vmem>>, vector<16xi32>,
      %add3A_150 = arith.constant 2 : i32
      %add3A_151 = arith.addi %mul3A_83, %add3A_150 : i32
      %lt3A = arith.constant 125 : i32
      %lt3A_152 = arith.cmpi slt, %add3A_151, %lt3A : i32
      %convert_element_type3A_153 = arith.extui %lt3A_152 : i1 to i32
      %cond3A_154 = arith.constant 0 : i32
      %cond3A_155 = arith.cmpi ne, %convert_element_type3A_153, %cond3A_154 : i32
      scf.if %cond3A_155 {
        %add3A_178 = arith.constant 2 : i32
        %add3A_179 = arith.addi %mul3A_83, %add3A_178 : i32
        %add3A_180 = arith.addi %mul3A_2, %add3A_179 : i32
        %mul3A_181 = arith.constant 2 : i32
        %mul3A_182 = arith.muli %mul3A_181, %add3A_180 : i32
        %dma_start3A_183 = arith.constant 0 : i32
        %dma_start3A_184 = tpu.memref_slice %arg5[%mul3A_182, %dma_start3A_183] : memref<8000x80xi32, #tpu.memory_space<hbm>> -> memref<2x80xi32, #tpu.memory_space<hbm>>
        %dma_start3A_185 = arith.constant 0 : i32
        %dma_start3A_186 = tpu.memref_slice %arg5[%mul3A_182, %dma_start3A_185] : memref<8000x80xi32, #tpu.memory_space<hbm>> -> memref<2x80xi32, #tpu.memory_space<hbm>>
        tpu.enqueue_dma source(%dma_start3A_186 : memref<2x80xi32, #tpu.memory_space<hbm>>) target(%arg7 : memref<2x80xi32, #tpu.memory_space<vmem>>) target_semaphore(%arg17 : memref<!tpu.dma_semaphore, #tpu.memory_space<semaphore_mem>>)
      } else {
      }
      %add3A_156 = arith.constant 1 : i32
      %add3A_157 = arith.addi %mul3A_83, %add3A_156 : i32
      %lt3A_158 = arith.constant 125 : i32
      %lt3A_159 = arith.cmpi slt, %add3A_157, %lt3A_158 : i32
      %convert_element_type3A_160 = arith.extui %lt3A_159 : i1 to i32
      %cond3A_161 = arith.constant 0 : i32
      %cond3A_162 = arith.cmpi ne, %convert_element_type3A_160, %cond3A_161 : i32
      scf.if %cond3A_162 {
        %add3A_178 = arith.constant 1 : i32
        %add3A_179 = arith.addi %mul3A_83, %add3A_178 : i32
        %add3A_180 = arith.addi %mul3A_2, %add3A_179 : i32
        %mul3A_181 = arith.constant 2 : i32
        %mul3A_182 = arith.muli %mul3A_181, %add3A_180 : i32
        %dma_wait3A_183 = arith.constant 0 : i32
        %dma_wait3A_184 = tpu.memref_slice %arg5[%mul3A_182, %dma_wait3A_183] : memref<8000x80xi32, #tpu.memory_space<hbm>> -> memref<2x80xi32, #tpu.memory_space<hbm>>
        %dma_wait3A_185 = arith.constant 0 : i32
        %dma_wait3A_186 = tpu.memref_slice %arg5[%mul3A_182, %dma_wait3A_185] : memref<8000x80xi32, #tpu.memory_space<hbm>> -> memref<2x80xi32, #tpu.memory_space<hbm>>
        tpu.wait_dma2 semaphore(%arg18 : memref<!tpu.dma_semaphore, #tpu.memory_space<semaphore_mem>>) src(%dma_wait3A_186 : memref<2x80xi32, #tpu.memory_space<hbm>>) dst(%arg8 : memref<2x80xi32, #tpu.memory_space<vmem>>)
        %dma_start3A_187 = arith.constant 0 : i32
        %dma_start3A_188 = arith.constant 0 : i32
        %dma_start3A_189 = tpu.memref_slice %arg8[%dma_start3A_187, %dma_start3A_188] : memref<2x80xi32, #tpu.memory_space<vmem>> -> memref<1x80xi32, #tpu.memory_space<vmem>>
        %dma_start3A_190 = tpu.memref_squeeze %dma_start3A_189 : memref<1x80xi32, #tpu.memory_space<vmem>> -> memref<80xi32, #tpu.memory_space<vmem>>
        %dma_start3A_191 = arith.constant 0 : i32
        %dma_start3A_192 = arith.constant 0 : i32
        %dma_start3A_193 = tpu.memref_slice %arg2[%dma_start3A_191, %dma_start3A_192] : memref<10000x32xi32, #tpu.memory_space<hbm>> -> memref<10000x32xi32, #tpu.memory_space<hbm>>
        tpu.enqueue_indirect_dma source(%dma_start3A_193 : memref<10000x32xi32, #tpu.memory_space<hbm>>) target(%arg11 : memref<80x32xi32, #tpu.memory_space<vmem>>) offsets(%dma_start3A_190 : memref<80xi32, #tpu.memory_space<vmem>>) semaphore(%arg20 : memref<!tpu.dma_semaphore, #tpu.memory_space<semaphore_mem>>)
        %dma_start3A_194 = arith.constant 0 : i32
        %dma_start3A_195 = arith.constant 0 : i32
        %dma_start3A_196 = tpu.memref_slice %arg8[%dma_start3A_194, %dma_start3A_195] : memref<2x80xi32, #tpu.memory_space<vmem>> -> memref<1x80xi32, #tpu.memory_space<vmem>>
        %dma_start3A_197 = tpu.memref_squeeze %dma_start3A_196 : memref<1x80xi32, #tpu.memory_space<vmem>> -> memref<80xi32, #tpu.memory_space<vmem>>
        %dma_start3A_198 = arith.constant 0 : i32
        %dma_start3A_199 = arith.constant 0 : i32
        %dma_start3A_200 = tpu.memref_slice %arg3[%dma_start3A_198, %dma_start3A_199] : memref<10000x16xf32, #tpu.memory_space<hbm>> -> memref<10000x16xf32, #tpu.memory_space<hbm>>
        tpu.enqueue_indirect_dma source(%dma_start3A_200 : memref<10000x16xf32, #tpu.memory_space<hbm>>) target(%arg13 : memref<80x16xf32, #tpu.memory_space<vmem>>) offsets(%dma_start3A_197 : memref<80xi32, #tpu.memory_space<vmem>>) semaphore(%arg20 : memref<!tpu.dma_semaphore, #tpu.memory_space<semaphore_mem>>)
        %dma_start3A_201 = arith.constant 1 : i32
        %dma_start3A_202 = arith.constant 0 : i32
        %dma_start3A_203 = tpu.memref_slice %arg8[%dma_start3A_201, %dma_start3A_202] : memref<2x80xi32, #tpu.memory_space<vmem>> -> memref<1x80xi32, #tpu.memory_space<vmem>>
        %dma_start3A_204 = tpu.memref_squeeze %dma_start3A_203 : memref<1x80xi32, #tpu.memory_space<vmem>> -> memref<80xi32, #tpu.memory_space<vmem>>
        %dma_start3A_205 = arith.constant 0 : i32
        %dma_start3A_206 = arith.constant 0 : i32
        %dma_start3A_207 = tpu.memref_slice %arg4[%dma_start3A_205, %dma_start3A_206] : memref<10000x16xf32, #tpu.memory_space<hbm>> -> memref<10000x16xf32, #tpu.memory_space<hbm>>
        tpu.enqueue_indirect_dma source(%dma_start3A_207 : memref<10000x16xf32, #tpu.memory_space<hbm>>) target(%arg15 : memref<80x16xf32, #tpu.memory_space<vmem>>) offsets(%dma_start3A_204 : memref<80xi32, #tpu.memory_space<vmem>>) semaphore(%arg20 : memref<!tpu.dma_semaphore, #tpu.memory_space<semaphore_mem>>)
      } else {
      }
      %parallel_loop3A = arith.constant 0 : i32
      %parallel_loop3A_163 = arith.constant 80 : i32
      %parallel_loop3A_164 = arith.constant 1 : i32
      scf.for %parallel_loop3A_178 = %parallel_loop3A to %parallel_loop3A_163 step %parallel_loop3A_164  : i32 {
        %parallel_loop3A_179 = arith.index_cast %parallel_loop3A_178 : i32 to index
        %parallel_loop3A_180 = arith.constant 0 : index
        %parallel_loop3A_181 = tpu.vector_load %arg12[%parallel_loop3A_179, %parallel_loop3A_180] {strides = array<i32>} : memref<80x16xf32, #tpu.memory_space<vmem>>, vector<1x16xf32>,
        %parallel_loop3A_182 = vector.shape_cast %parallel_loop3A_181 : vector<1x16xf32> to vector<16xf32>
        %parallel_loop3A_183 = arith.index_cast %parallel_loop3A_178 : i32 to index
        %parallel_loop3A_184 = arith.constant 0 : index
        %parallel_loop3A_185 = tpu.vector_load %arg14[%parallel_loop3A_183, %parallel_loop3A_184] {strides = array<i32>} : memref<80x16xf32, #tpu.memory_space<vmem>>, vector<1x16xf32>,
        %parallel_loop3A_186 = vector.shape_cast %parallel_loop3A_185 : vector<1x16xf32> to vector<16xf32>
        %parallel_loop3A_187 = arith.addf %parallel_loop3A_182, %parallel_loop3A_186 : vector<16xf32>
        %parallel_loop3A_188 = arith.constant 2.000000e-01 : f32
        %parallel_loop3A_189 = vector.broadcast %parallel_loop3A_188 : f32 to vector<16xf32>
        %parallel_loop3A_190 = arith.mulf %parallel_loop3A_189, %parallel_loop3A_187 : vector<16xf32>
        %parallel_loop3A_191 = arith.maximumf %parallel_loop3A_187, %parallel_loop3A_190 : vector<16xf32>
        %parallel_loop3A_192 = math.exp %parallel_loop3A_191 : vector<16xf32>
        %parallel_loop3A_193 = arith.index_cast %parallel_loop3A_178 : i32 to index
        %parallel_loop3A_194 = arith.constant 64 : index
        %parallel_loop3A_195 = tpu.vector_load %arg16[%parallel_loop3A_193, %parallel_loop3A_194] {strides = array<i32>} : memref<80x80xf32, #tpu.memory_space<vmem>>, vector<1x16xf32>,
        %parallel_loop3A_196 = vector.shape_cast %parallel_loop3A_195 : vector<1x16xf32> to vector<16xf32>
        %parallel_loop3A_197 = vector.shape_cast %parallel_loop3A_192 : vector<16xf32> to vector<1x16xf32>
        tpu.vector_store %arg16[%parallel_loop3A_193, %parallel_loop3A_194], %parallel_loop3A_197 {strides = array<i32>} : memref<80x80xf32, #tpu.memory_space<vmem>>, vector<1x16xf32>,
        %parallel_loop3A_198 = arith.index_cast %parallel_loop3A_178 : i32 to index
        %parallel_loop3A_199 = arith.constant 0 : index
        %parallel_loop3A_200 = tpu.vector_load %arg10[%parallel_loop3A_198, %parallel_loop3A_199] {strides = array<i32>} : memref<80x32xi32, #tpu.memory_space<vmem>>, vector<1x16xi32>,
        %parallel_loop3A_201 = vector.shape_cast %parallel_loop3A_200 : vector<1x16xi32> to vector<16xi32>
        %parallel_loop3A_202 = arith.constant 16 : i32
        %parallel_loop3A_203 = vector.broadcast %parallel_loop3A_202 : i32 to vector<16xi32>
        %parallel_loop3A_204 = arith.shli %parallel_loop3A_201, %parallel_loop3A_203 : vector<16xi32>
        %parallel_loop3A_205 = tpu.bitcast %parallel_loop3A_204 : vector<16xi32> -> vector<16xf32>
        %parallel_loop3A_206 = arith.constant -65536 : i32
        %parallel_loop3A_207 = vector.broadcast %parallel_loop3A_206 : i32 to vector<16xi32>
        %parallel_loop3A_208 = arith.andi %parallel_loop3A_201, %parallel_loop3A_207 : vector<16xi32>
        %parallel_loop3A_209 = tpu.bitcast %parallel_loop3A_208 : vector<16xi32> -> vector<16xf32>
        %parallel_loop3A_210 = arith.constant 0 : i32
        %parallel_loop3A_211 = vector.broadcast %parallel_loop3A_210 : i32 to vector<16xi32>
        %parallel_loop3A_212 = arith.addi %div3A_18, %parallel_loop3A_211 : vector<16xi32>
        %parallel_loop3A_213 = vector.shape_cast %parallel_loop3A_212 : vector<16xi32> to vector<16x1xi32>
        %parallel_loop3A_214 = vector.shape_cast %parallel_loop3A_213 : vector<16x1xi32> to vector<16xi32>
        %parallel_loop3A_215 = tpu.dynamic_gather %parallel_loop3A_192[%parallel_loop3A_214] in [0] : vector<16xf32>, vector<16xi32> -> vector<16xf32>
        %parallel_loop3A_216 = arith.constant 0 : i32
        %parallel_loop3A_217 = vector.broadcast %parallel_loop3A_216 : i32 to vector<16xi32>
        %parallel_loop3A_218 = arith.addi %div3A_18, %parallel_loop3A_217 : vector<16xi32>
        %parallel_loop3A_219 = arith.constant 2 : i32
        %parallel_loop3A_220 = vector.broadcast %parallel_loop3A_219 : i32 to vector<16xi32>
        %parallel_loop3A_221 = arith.addi %parallel_loop3A_218, %parallel_loop3A_220 : vector<16xi32>
        %parallel_loop3A_222 = vector.shape_cast %parallel_loop3A_221 : vector<16xi32> to vector<16x1xi32>
        %parallel_loop3A_223 = vector.shape_cast %parallel_loop3A_222 : vector<16x1xi32> to vector<16xi32>
        %parallel_loop3A_224 = tpu.dynamic_gather %parallel_loop3A_192[%parallel_loop3A_223] in [0] : vector<16xf32>, vector<16xi32> -> vector<16xf32>
        %parallel_loop3A_225 = arith.mulf %parallel_loop3A_205, %parallel_loop3A_215 : vector<16xf32>
        %parallel_loop3A_226 = arith.index_cast %parallel_loop3A_178 : i32 to index
        %parallel_loop3A_227 = arith.constant 0 : index
        %parallel_loop3A_228 = tpu.vector_load %arg16[%parallel_loop3A_226, %parallel_loop3A_227] {strides = array<i32>} : memref<80x80xf32, #tpu.memory_space<vmem>>, vector<1x16xf32>,
        %parallel_loop3A_229 = vector.shape_cast %parallel_loop3A_228 : vector<1x16xf32> to vector<16xf32>
        %parallel_loop3A_230 = vector.shape_cast %parallel_loop3A_225 : vector<16xf32> to vector<1x16xf32>
        tpu.vector_store %arg16[%parallel_loop3A_226, %parallel_loop3A_227], %parallel_loop3A_230 {strides = array<i32>} : memref<80x80xf32, #tpu.memory_space<vmem>>, vector<1x16xf32>,
        %parallel_loop3A_231 = arith.mulf %parallel_loop3A_209, %parallel_loop3A_224 : vector<16xf32>
        %parallel_loop3A_232 = arith.index_cast %parallel_loop3A_178 : i32 to index
        %parallel_loop3A_233 = arith.constant 16 : index
        %parallel_loop3A_234 = tpu.vector_load %arg16[%parallel_loop3A_232, %parallel_loop3A_233] {strides = array<i32>} : memref<80x80xf32, #tpu.memory_space<vmem>>, vector<1x16xf32>,
        %parallel_loop3A_235 = vector.shape_cast %parallel_loop3A_234 : vector<1x16xf32> to vector<16xf32>
        %parallel_loop3A_236 = vector.shape_cast %parallel_loop3A_231 : vector<16xf32> to vector<1x16xf32>
        tpu.vector_store %arg16[%parallel_loop3A_232, %parallel_loop3A_233], %parallel_loop3A_236 {strides = array<i32>} : memref<80x80xf32, #tpu.memory_space<vmem>>, vector<1x16xf32>,
        %parallel_loop3A_237 = arith.index_cast %parallel_loop3A_178 : i32 to index
        %parallel_loop3A_238 = arith.constant 16 : index
        %parallel_loop3A_239 = tpu.vector_load %arg10[%parallel_loop3A_237, %parallel_loop3A_238] {strides = array<i32>} : memref<80x32xi32, #tpu.memory_space<vmem>>, vector<1x16xi32>,
        %parallel_loop3A_240 = vector.shape_cast %parallel_loop3A_239 : vector<1x16xi32> to vector<16xi32>
        %parallel_loop3A_241 = arith.constant 16 : i32
        %parallel_loop3A_242 = vector.broadcast %parallel_loop3A_241 : i32 to vector<16xi32>
        %parallel_loop3A_243 = arith.shli %parallel_loop3A_240, %parallel_loop3A_242 : vector<16xi32>
        %parallel_loop3A_244 = tpu.bitcast %parallel_loop3A_243 : vector<16xi32> -> vector<16xf32>
        %parallel_loop3A_245 = arith.constant -65536 : i32
        %parallel_loop3A_246 = vector.broadcast %parallel_loop3A_245 : i32 to vector<16xi32>
        %parallel_loop3A_247 = arith.andi %parallel_loop3A_240, %parallel_loop3A_246 : vector<16xi32>
        %parallel_loop3A_248 = tpu.bitcast %parallel_loop3A_247 : vector<16xi32> -> vector<16xf32>
        %parallel_loop3A_249 = arith.constant 4 : i32
        %parallel_loop3A_250 = vector.broadcast %parallel_loop3A_249 : i32 to vector<16xi32>
        %parallel_loop3A_251 = arith.addi %div3A_18, %parallel_loop3A_250 : vector<16xi32>
        %parallel_loop3A_252 = vector.shape_cast %parallel_loop3A_251 : vector<16xi32> to vector<16x1xi32>
        %parallel_loop3A_253 = vector.shape_cast %parallel_loop3A_252 : vector<16x1xi32> to vector<16xi32>
        %parallel_loop3A_254 = tpu.dynamic_gather %parallel_loop3A_192[%parallel_loop3A_253] in [0] : vector<16xf32>, vector<16xi32> -> vector<16xf32>
        %parallel_loop3A_255 = arith.constant 4 : i32
        %parallel_loop3A_256 = vector.broadcast %parallel_loop3A_255 : i32 to vector<16xi32>
        %parallel_loop3A_257 = arith.addi %div3A_18, %parallel_loop3A_256 : vector<16xi32>
        %parallel_loop3A_258 = arith.constant 2 : i32
        %parallel_loop3A_259 = vector.broadcast %parallel_loop3A_258 : i32 to vector<16xi32>
        %parallel_loop3A_260 = arith.addi %parallel_loop3A_257, %parallel_loop3A_259 : vector<16xi32>
        %parallel_loop3A_261 = vector.shape_cast %parallel_loop3A_260 : vector<16xi32> to vector<16x1xi32>
        %parallel_loop3A_262 = vector.shape_cast %parallel_loop3A_261 : vector<16x1xi32> to vector<16xi32>
        %parallel_loop3A_263 = tpu.dynamic_gather %parallel_loop3A_192[%parallel_loop3A_262] in [0] : vector<16xf32>, vector<16xi32> -> vector<16xf32>
        %parallel_loop3A_264 = arith.mulf %parallel_loop3A_244, %parallel_loop3A_254 : vector<16xf32>
        %parallel_loop3A_265 = arith.index_cast %parallel_loop3A_178 : i32 to index
        %parallel_loop3A_266 = arith.constant 32 : index
        %parallel_loop3A_267 = tpu.vector_load %arg16[%parallel_loop3A_265, %parallel_loop3A_266] {strides = array<i32>} : memref<80x80xf32, #tpu.memory_space<vmem>>, vector<1x16xf32>,
        %parallel_loop3A_268 = vector.shape_cast %parallel_loop3A_267 : vector<1x16xf32> to vector<16xf32>
        %parallel_loop3A_269 = vector.shape_cast %parallel_loop3A_264 : vector<16xf32> to vector<1x16xf32>
        tpu.vector_store %arg16[%parallel_loop3A_265, %parallel_loop3A_266], %parallel_loop3A_269 {strides = array<i32>} : memref<80x80xf32, #tpu.memory_space<vmem>>, vector<1x16xf32>,
        %parallel_loop3A_270 = arith.mulf %parallel_loop3A_248, %parallel_loop3A_263 : vector<16xf32>
        %parallel_loop3A_271 = arith.index_cast %parallel_loop3A_178 : i32 to index
        %parallel_loop3A_272 = arith.constant 48 : index
        %parallel_loop3A_273 = tpu.vector_load %arg16[%parallel_loop3A_271, %parallel_loop3A_272] {strides = array<i32>} : memref<80x80xf32, #tpu.memory_space<vmem>>, vector<1x16xf32>,
        %parallel_loop3A_274 = vector.shape_cast %parallel_loop3A_273 : vector<1x16xf32> to vector<16xf32>
        %parallel_loop3A_275 = vector.shape_cast %parallel_loop3A_270 : vector<16xf32> to vector<1x16xf32>
        tpu.vector_store %arg16[%parallel_loop3A_271, %parallel_loop3A_272], %parallel_loop3A_275 {strides = array<i32>} : memref<80x80xf32, #tpu.memory_space<vmem>>, vector<1x16xf32>,
      } {sc.loop_unroll_factor = 4 : i64, sc.parallel_access}
      %dma_start3A_165 = arith.constant 0 : i32
      %dma_start3A_166 = arith.constant 0 : i32
      %dma_start3A_167 = tpu.memref_slice %arg22[%dma_start3A_165, %dma_start3A_166] : memref<10000x80xf32, #tpu.memory_space<vmem_shared>> -> memref<10000x80xf32, #tpu.memory_space<vmem_shared>>
      tpu.enqueue_indirect_dma source(%arg16 : memref<80x80xf32, #tpu.memory_space<vmem>>) target(%dma_start3A_167 : memref<10000x80xf32, #tpu.memory_space<vmem_shared>>) offsets(%arg9 : memref<80xi32, #tpu.memory_space<vmem>>) semaphore(%arg21 : memref<!tpu.dma_semaphore, #tpu.memory_space<semaphore_mem>>) {add = true}
      %mul3A_168 = arith.constant 2 : i32
      %mul3A_169 = arith.muli %mul3A_168, %scan3A_80 : i32
      %add3A_170 = arith.constant 1 : i32
      %add3A_171 = arith.addi %mul3A_169, %add3A_170 : i32
      %lt3A_172 = arith.constant 125 : i32
      %lt3A_173 = arith.cmpi slt, %add3A_171, %lt3A_172 : i32
      %convert_element_type3A_174 = arith.extui %lt3A_173 : i1 to i32
      %cond3A_175 = arith.constant 0 : i32
      %cond3A_176 = arith.cmpi ne, %convert_element_type3A_174, %cond3A_175 : i32
      scf.if %cond3A_176 {
        %mul3A_178 = arith.constant 2 : i32
        %mul3A_179 = arith.muli %mul3A_178, %scan3A_80 : i32
        %add3A_180 = arith.constant 1 : i32
        %add3A_181 = arith.addi %mul3A_179, %add3A_180 : i32
        %dma_wait3A_182 = arith.constant 0 : i32
        %dma_wait3A_183 = arith.constant 0 : i32
        %dma_wait3A_184 = tpu.memref_slice %arg8[%dma_wait3A_182, %dma_wait3A_183] : memref<2x80xi32, #tpu.memory_space<vmem>> -> memref<1x80xi32, #tpu.memory_space<vmem>>
        %dma_wait3A_185 = tpu.memref_squeeze %dma_wait3A_184 : memref<1x80xi32, #tpu.memory_space<vmem>> -> memref<80xi32, #tpu.memory_space<vmem>>
        %dma_wait3A_186 = arith.constant 0 : i32
        %dma_wait3A_187 = arith.constant 0 : i32
        %dma_wait3A_188 = tpu.memref_slice %arg2[%dma_wait3A_186, %dma_wait3A_187] : memref<10000x32xi32, #tpu.memory_space<hbm>> -> memref<10000x32xi32, #tpu.memory_space<hbm>>
        tpu.wait_indirect_dma semaphore(%arg20 : memref<!tpu.dma_semaphore, #tpu.memory_space<semaphore_mem>>) src(%dma_wait3A_188 : memref<10000x32xi32, #tpu.memory_space<hbm>>) dst(%arg11 : memref<80x32xi32, #tpu.memory_space<vmem>>)
        %dma_wait3A_189 = arith.constant 0 : i32
        %dma_wait3A_190 = arith.constant 0 : i32
        %dma_wait3A_191 = tpu.memref_slice %arg8[%dma_wait3A_189, %dma_wait3A_190] : memref<2x80xi32, #tpu.memory_space<vmem>> -> memref<1x80xi32, #tpu.memory_space<vmem>>
        %dma_wait3A_192 = tpu.memref_squeeze %dma_wait3A_191 : memref<1x80xi32, #tpu.memory_space<vmem>> -> memref<80xi32, #tpu.memory_space<vmem>>
        %dma_wait3A_193 = arith.constant 0 : i32
        %dma_wait3A_194 = arith.constant 0 : i32
        %dma_wait3A_195 = tpu.memref_slice %arg3[%dma_wait3A_193, %dma_wait3A_194] : memref<10000x16xf32, #tpu.memory_space<hbm>> -> memref<10000x16xf32, #tpu.memory_space<hbm>>
        tpu.wait_indirect_dma semaphore(%arg20 : memref<!tpu.dma_semaphore, #tpu.memory_space<semaphore_mem>>) src(%dma_wait3A_195 : memref<10000x16xf32, #tpu.memory_space<hbm>>) dst(%arg13 : memref<80x16xf32, #tpu.memory_space<vmem>>)
        %dma_wait3A_196 = arith.constant 1 : i32
        %dma_wait3A_197 = arith.constant 0 : i32
        %dma_wait3A_198 = tpu.memref_slice %arg8[%dma_wait3A_196, %dma_wait3A_197] : memref<2x80xi32, #tpu.memory_space<vmem>> -> memref<1x80xi32, #tpu.memory_space<vmem>>
        %dma_wait3A_199 = tpu.memref_squeeze %dma_wait3A_198 : memref<1x80xi32, #tpu.memory_space<vmem>> -> memref<80xi32, #tpu.memory_space<vmem>>
        %dma_wait3A_200 = arith.constant 0 : i32
        %dma_wait3A_201 = arith.constant 0 : i32
        %dma_wait3A_202 = tpu.memref_slice %arg4[%dma_wait3A_200, %dma_wait3A_201] : memref<10000x16xf32, #tpu.memory_space<hbm>> -> memref<10000x16xf32, #tpu.memory_space<hbm>>
        tpu.wait_indirect_dma semaphore(%arg20 : memref<!tpu.dma_semaphore, #tpu.memory_space<semaphore_mem>>) src(%dma_wait3A_202 : memref<10000x16xf32, #tpu.memory_space<hbm>>) dst(%arg15 : memref<80x16xf32, #tpu.memory_space<vmem>>)
        %ge3A_203 = arith.constant 1 : i32
        %ge3A_204 = arith.cmpi sge, %add3A_181, %ge3A_203 : i32
        %convert_element_type3A_205 = arith.extui %ge3A_204 : i1 to i32
        %cond3A_206 = arith.constant 0 : i32
        %cond3A_207 = arith.cmpi ne, %convert_element_type3A_205, %cond3A_206 : i32
        scf.if %cond3A_207 {
          %dma_wait3A_273 = arith.constant 0 : i32
          %dma_wait3A_274 = arith.constant 0 : i32
          %dma_wait3A_275 = tpu.memref_slice %arg22[%dma_wait3A_273, %dma_wait3A_274] : memref<10000x80xf32, #tpu.memory_space<vmem_shared>> -> memref<10000x80xf32, #tpu.memory_space<vmem_shared>>
          tpu.wait_indirect_dma semaphore(%arg21 : memref<!tpu.dma_semaphore, #tpu.memory_space<semaphore_mem>>) src(%arg16 : memref<80x80xf32, #tpu.memory_space<vmem>>) dst(%dma_wait3A_275 : memref<10000x80xf32, #tpu.memory_space<vmem_shared>>)
        } else {
        }
        %get3A_208 = arith.constant 1 : i32
        %get3A_209 = arith.index_cast %get3A_208 : i32 to index
        %get3A_210 = arith.constant 0 : index
        %get3A_211 = tpu.vector_load %arg8[%get3A_209, %get3A_210] {strides = array<i32>} : memref<2x80xi32, #tpu.memory_space<vmem>>, vector<1x16xi32>,
        %get3A_212 = vector.shape_cast %get3A_211 : vector<1x16xi32> to vector<16xi32>
        %swap3A_213 = arith.constant 0 : index
        %swap3A_214 = tpu.vector_load %arg9[%swap3A_213] {strides = array<i32>} : memref<80xi32, #tpu.memory_space<vmem>>, vector<16xi32>,
        %swap3A_215 = vector.shape_cast %swap3A_214 : vector<16xi32> to vector<16xi32>
        %swap3A_216 = vector.shape_cast %get3A_212 : vector<16xi32> to vector<16xi32>
        tpu.vector_store %arg9[%swap3A_213], %swap3A_216 {strides = array<i32>} : memref<80xi32, #tpu.memory_space<vmem>>, vector<16xi32>,
        %get3A_217 = arith.constant 1 : i32
        %get3A_218 = arith.index_cast %get3A_217 : i32 to index
        %get3A_219 = arith.constant 16 : index
        %get3A_220 = tpu.vector_load %arg8[%get3A_218, %get3A_219] {strides = array<i32>} : memref<2x80xi32, #tpu.memory_space<vmem>>, vector<1x16xi32>,
        %get3A_221 = vector.shape_cast %get3A_220 : vector<1x16xi32> to vector<16xi32>
        %swap3A_222 = arith.constant 16 : index
        %swap3A_223 = tpu.vector_load %arg9[%swap3A_222] {strides = array<i32>} : memref<80xi32, #tpu.memory_space<vmem>>, vector<16xi32>,
        %swap3A_224 = vector.shape_cast %swap3A_223 : vector<16xi32> to vector<16xi32>
        %swap3A_225 = vector.shape_cast %get3A_221 : vector<16xi32> to vector<16xi32>
        tpu.vector_store %arg9[%swap3A_222], %swap3A_225 {strides = array<i32>} : memref<80xi32, #tpu.memory_space<vmem>>, vector<16xi32>,
        %get3A_226 = arith.constant 1 : i32
        %get3A_227 = arith.index_cast %get3A_226 : i32 to index
        %get3A_228 = arith.constant 32 : index
        %get3A_229 = tpu.vector_load %arg8[%get3A_227, %get3A_228] {strides = array<i32>} : memref<2x80xi32, #tpu.memory_space<vmem>>, vector<1x16xi32>,
        %get3A_230 = vector.shape_cast %get3A_229 : vector<1x16xi32> to vector<16xi32>
        %swap3A_231 = arith.constant 32 : index
        %swap3A_232 = tpu.vector_load %arg9[%swap3A_231] {strides = array<i32>} : memref<80xi32, #tpu.memory_space<vmem>>, vector<16xi32>,
        %swap3A_233 = vector.shape_cast %swap3A_232 : vector<16xi32> to vector<16xi32>
        %swap3A_234 = vector.shape_cast %get3A_230 : vector<16xi32> to vector<16xi32>
        tpu.vector_store %arg9[%swap3A_231], %swap3A_234 {strides = array<i32>} : memref<80xi32, #tpu.memory_space<vmem>>, vector<16xi32>,
        %get3A_235 = arith.constant 1 : i32
        %get3A_236 = arith.index_cast %get3A_235 : i32 to index
        %get3A_237 = arith.constant 48 : index
        %get3A_238 = tpu.vector_load %arg8[%get3A_236, %get3A_237] {strides = array<i32>} : memref<2x80xi32, #tpu.memory_space<vmem>>, vector<1x16xi32>,
        %get3A_239 = vector.shape_cast %get3A_238 : vector<1x16xi32> to vector<16xi32>
        %swap3A_240 = arith.constant 48 : index
        %swap3A_241 = tpu.vector_load %arg9[%swap3A_240] {strides = array<i32>} : memref<80xi32, #tpu.memory_space<vmem>>, vector<16xi32>,
        %swap3A_242 = vector.shape_cast %swap3A_241 : vector<16xi32> to vector<16xi32>
        %swap3A_243 = vector.shape_cast %get3A_239 : vector<16xi32> to vector<16xi32>
        tpu.vector_store %arg9[%swap3A_240], %swap3A_243 {strides = array<i32>} : memref<80xi32, #tpu.memory_space<vmem>>, vector<16xi32>,
        %get3A_244 = arith.constant 1 : i32
        %get3A_245 = arith.index_cast %get3A_244 : i32 to index
        %get3A_246 = arith.constant 64 : index
        %get3A_247 = tpu.vector_load %arg8[%get3A_245, %get3A_246] {strides = array<i32>} : memref<2x80xi32, #tpu.memory_space<vmem>>, vector<1x16xi32>,
        %get3A_248 = vector.shape_cast %get3A_247 : vector<1x16xi32> to vector<16xi32>
        %swap3A_249 = arith.constant 64 : index
        %swap3A_250 = tpu.vector_load %arg9[%swap3A_249] {strides = array<i32>} : memref<80xi32, #tpu.memory_space<vmem>>, vector<16xi32>,
        %swap3A_251 = vector.shape_cast %swap3A_250 : vector<16xi32> to vector<16xi32>
        %swap3A_252 = vector.shape_cast %get3A_248 : vector<16xi32> to vector<16xi32>
        tpu.vector_store %arg9[%swap3A_249], %swap3A_252 {strides = array<i32>} : memref<80xi32, #tpu.memory_space<vmem>>, vector<16xi32>,
        %add3A_253 = arith.constant 2 : i32
        %add3A_254 = arith.addi %add3A_181, %add3A_253 : i32
        %lt3A_255 = arith.constant 125 : i32
        %lt3A_256 = arith.cmpi slt, %add3A_254, %lt3A_255 : i32
        %convert_element_type3A_257 = arith.extui %lt3A_256 : i1 to i32
        %cond3A_258 = arith.constant 0 : i32
        %cond3A_259 = arith.cmpi ne, %convert_element_type3A_257, %cond3A_258 : i32
        scf.if %cond3A_259 {
          %add3A_273 = arith.constant 2 : i32
          %add3A_274 = arith.addi %add3A_181, %add3A_273 : i32
          %add3A_275 = arith.addi %mul3A_2, %add3A_274 : i32
          %mul3A_276 = arith.constant 2 : i32
          %mul3A_277 = arith.muli %mul3A_276, %add3A_275 : i32
          %dma_start3A_278 = arith.constant 0 : i32
          %dma_start3A_279 = tpu.memref_slice %arg5[%mul3A_277, %dma_start3A_278] : memref<8000x80xi32, #tpu.memory_space<hbm>> -> memref<2x80xi32, #tpu.memory_space<hbm>>
          %dma_start3A_280 = arith.constant 0 : i32
          %dma_start3A_281 = tpu.memref_slice %arg5[%mul3A_277, %dma_start3A_280] : memref<8000x80xi32, #tpu.memory_space<hbm>> -> memref<2x80xi32, #tpu.memory_space<hbm>>
          tpu.enqueue_dma source(%dma_start3A_281 : memref<2x80xi32, #tpu.memory_space<hbm>>) target(%arg8 : memref<2x80xi32, #tpu.memory_space<vmem>>) target_semaphore(%arg18 : memref<!tpu.dma_semaphore, #tpu.memory_space<semaphore_mem>>)
        } else {
        }
        %add3A_260 = arith.constant 1 : i32
        %add3A_261 = arith.addi %add3A_181, %add3A_260 : i32
        %lt3A_262 = arith.constant 125 : i32
        %lt3A_263 = arith.cmpi slt, %add3A_261, %lt3A_262 : i32
        %convert_element_type3A_264 = arith.extui %lt3A_263 : i1 to i32
        %cond3A_265 = arith.constant 0 : i32
        %cond3A_266 = arith.cmpi ne, %convert_element_type3A_264, %cond3A_265 : i32
        scf.if %cond3A_266 {
          %add3A_273 = arith.constant 1 : i32
          %add3A_274 = arith.addi %add3A_181, %add3A_273 : i32
          %add3A_275 = arith.addi %mul3A_2, %add3A_274 : i32
          %mul3A_276 = arith.constant 2 : i32
          %mul3A_277 = arith.muli %mul3A_276, %add3A_275 : i32
          %dma_wait3A_278 = arith.constant 0 : i32
          %dma_wait3A_279 = tpu.memref_slice %arg5[%mul3A_277, %dma_wait3A_278] : memref<8000x80xi32, #tpu.memory_space<hbm>> -> memref<2x80xi32, #tpu.memory_space<hbm>>
          %dma_wait3A_280 = arith.constant 0 : i32
          %dma_wait3A_281 = tpu.memref_slice %arg5[%mul3A_277, %dma_wait3A_280] : memref<8000x80xi32, #tpu.memory_space<hbm>> -> memref<2x80xi32, #tpu.memory_space<hbm>>
          tpu.wait_dma2 semaphore(%arg17 : memref<!tpu.dma_semaphore, #tpu.memory_space<semaphore_mem>>) src(%dma_wait3A_281 : memref<2x80xi32, #tpu.memory_space<hbm>>) dst(%arg7 : memref<2x80xi32, #tpu.memory_space<vmem>>)
          %dma_start3A_282 = arith.constant 0 : i32
          %dma_start3A_283 = arith.constant 0 : i32
          %dma_start3A_284 = tpu.memref_slice %arg7[%dma_start3A_282, %dma_start3A_283] : memref<2x80xi32, #tpu.memory_space<vmem>> -> memref<1x80xi32, #tpu.memory_space<vmem>>
          %dma_start3A_285 = tpu.memref_squeeze %dma_start3A_284 : memref<1x80xi32, #tpu.memory_space<vmem>> -> memref<80xi32, #tpu.memory_space<vmem>>
          %dma_start3A_286 = arith.constant 0 : i32
          %dma_start3A_287 = arith.constant 0 : i32
          %dma_start3A_288 = tpu.memref_slice %arg2[%dma_start3A_286, %dma_start3A_287] : memref<10000x32xi32, #tpu.memory_space<hbm>> -> memref<10000x32xi32, #tpu.memory_space<hbm>>
          tpu.enqueue_indirect_dma source(%dma_start3A_288 : memref<10000x32xi32, #tpu.memory_space<hbm>>) target(%arg10 : memref<80x32xi32, #tpu.memory_space<vmem>>) offsets(%dma_start3A_285 : memref<80xi32, #tpu.memory_space<vmem>>) semaphore(%arg19 : memref<!tpu.dma_semaphore, #tpu.memory_space<semaphore_mem>>)
          %dma_start3A_289 = arith.constant 0 : i32
          %dma_start3A_290 = arith.constant 0 : i32
          %dma_start3A_291 = tpu.memref_slice %arg7[%dma_start3A_289, %dma_start3A_290] : memref<2x80xi32, #tpu.memory_space<vmem>> -> memref<1x80xi32, #tpu.memory_space<vmem>>
          %dma_start3A_292 = tpu.memref_squeeze %dma_start3A_291 : memref<1x80xi32, #tpu.memory_space<vmem>> -> memref<80xi32, #tpu.memory_space<vmem>>
          %dma_start3A_293 = arith.constant 0 : i32
          %dma_start3A_294 = arith.constant 0 : i32
          %dma_start3A_295 = tpu.memref_slice %arg3[%dma_start3A_293, %dma_start3A_294] : memref<10000x16xf32, #tpu.memory_space<hbm>> -> memref<10000x16xf32, #tpu.memory_space<hbm>>
          tpu.enqueue_indirect_dma source(%dma_start3A_295 : memref<10000x16xf32, #tpu.memory_space<hbm>>) target(%arg12 : memref<80x16xf32, #tpu.memory_space<vmem>>) offsets(%dma_start3A_292 : memref<80xi32, #tpu.memory_space<vmem>>) semaphore(%arg19 : memref<!tpu.dma_semaphore, #tpu.memory_space<semaphore_mem>>)
          %dma_start3A_296 = arith.constant 1 : i32
          %dma_start3A_297 = arith.constant 0 : i32
          %dma_start3A_298 = tpu.memref_slice %arg7[%dma_start3A_296, %dma_start3A_297] : memref<2x80xi32, #tpu.memory_space<vmem>> -> memref<1x80xi32, #tpu.memory_space<vmem>>
          %dma_start3A_299 = tpu.memref_squeeze %dma_start3A_298 : memref<1x80xi32, #tpu.memory_space<vmem>> -> memref<80xi32, #tpu.memory_space<vmem>>
          %dma_start3A_300 = arith.constant 0 : i32
          %dma_start3A_301 = arith.constant 0 : i32
          %dma_start3A_302 = tpu.memref_slice %arg4[%dma_start3A_300, %dma_start3A_301] : memref<10000x16xf32, #tpu.memory_space<hbm>> -> memref<10000x16xf32, #tpu.memory_space<hbm>>
          tpu.enqueue_indirect_dma source(%dma_start3A_302 : memref<10000x16xf32, #tpu.memory_space<hbm>>) target(%arg14 : memref<80x16xf32, #tpu.memory_space<vmem>>) offsets(%dma_start3A_299 : memref<80xi32, #tpu.memory_space<vmem>>) semaphore(%arg19 : memref<!tpu.dma_semaphore, #tpu.memory_space<semaphore_mem>>)
        } else {
        }
        %parallel_loop3A_267 = arith.constant 0 : i32
        %parallel_loop3A_268 = arith.constant 80 : i32
        %parallel_loop3A_269 = arith.constant 1 : i32
        scf.for %parallel_loop3A_273 = %parallel_loop3A_267 to %parallel_loop3A_268 step %parallel_loop3A_269  : i32 {
          %parallel_loop3A_274 = arith.index_cast %parallel_loop3A_273 : i32 to index
          %parallel_loop3A_275 = arith.constant 0 : index
          %parallel_loop3A_276 = tpu.vector_load %arg13[%parallel_loop3A_274, %parallel_loop3A_275] {strides = array<i32>} : memref<80x16xf32, #tpu.memory_space<vmem>>, vector<1x16xf32>,
          %parallel_loop3A_277 = vector.shape_cast %parallel_loop3A_276 : vector<1x16xf32> to vector<16xf32>
          %parallel_loop3A_278 = arith.index_cast %parallel_loop3A_273 : i32 to index
          %parallel_loop3A_279 = arith.constant 0 : index
          %parallel_loop3A_280 = tpu.vector_load %arg15[%parallel_loop3A_278, %parallel_loop3A_279] {strides = array<i32>} : memref<80x16xf32, #tpu.memory_space<vmem>>, vector<1x16xf32>,
          %parallel_loop3A_281 = vector.shape_cast %parallel_loop3A_280 : vector<1x16xf32> to vector<16xf32>
          %parallel_loop3A_282 = arith.addf %parallel_loop3A_277, %parallel_loop3A_281 : vector<16xf32>
          %parallel_loop3A_283 = arith.constant 2.000000e-01 : f32
          %parallel_loop3A_284 = vector.broadcast %parallel_loop3A_283 : f32 to vector<16xf32>
          %parallel_loop3A_285 = arith.mulf %parallel_loop3A_284, %parallel_loop3A_282 : vector<16xf32>
          %parallel_loop3A_286 = arith.maximumf %parallel_loop3A_282, %parallel_loop3A_285 : vector<16xf32>
          %parallel_loop3A_287 = math.exp %parallel_loop3A_286 : vector<16xf32>
          %parallel_loop3A_288 = arith.index_cast %parallel_loop3A_273 : i32 to index
          %parallel_loop3A_289 = arith.constant 64 : index
          %parallel_loop3A_290 = tpu.vector_load %arg16[%parallel_loop3A_288, %parallel_loop3A_289] {strides = array<i32>} : memref<80x80xf32, #tpu.memory_space<vmem>>, vector<1x16xf32>,
          %parallel_loop3A_291 = vector.shape_cast %parallel_loop3A_290 : vector<1x16xf32> to vector<16xf32>
          %parallel_loop3A_292 = vector.shape_cast %parallel_loop3A_287 : vector<16xf32> to vector<1x16xf32>
          tpu.vector_store %arg16[%parallel_loop3A_288, %parallel_loop3A_289], %parallel_loop3A_292 {strides = array<i32>} : memref<80x80xf32, #tpu.memory_space<vmem>>, vector<1x16xf32>,
          %parallel_loop3A_293 = arith.index_cast %parallel_loop3A_273 : i32 to index
          %parallel_loop3A_294 = arith.constant 0 : index
          %parallel_loop3A_295 = tpu.vector_load %arg11[%parallel_loop3A_293, %parallel_loop3A_294] {strides = array<i32>} : memref<80x32xi32, #tpu.memory_space<vmem>>, vector<1x16xi32>,
          %parallel_loop3A_296 = vector.shape_cast %parallel_loop3A_295 : vector<1x16xi32> to vector<16xi32>
          %parallel_loop3A_297 = arith.constant 16 : i32
          %parallel_loop3A_298 = vector.broadcast %parallel_loop3A_297 : i32 to vector<16xi32>
          %parallel_loop3A_299 = arith.shli %parallel_loop3A_296, %parallel_loop3A_298 : vector<16xi32>
          %parallel_loop3A_300 = tpu.bitcast %parallel_loop3A_299 : vector<16xi32> -> vector<16xf32>
          %parallel_loop3A_301 = arith.constant -65536 : i32
          %parallel_loop3A_302 = vector.broadcast %parallel_loop3A_301 : i32 to vector<16xi32>
          %parallel_loop3A_303 = arith.andi %parallel_loop3A_296, %parallel_loop3A_302 : vector<16xi32>
          %parallel_loop3A_304 = tpu.bitcast %parallel_loop3A_303 : vector<16xi32> -> vector<16xf32>
          %parallel_loop3A_305 = arith.constant 0 : i32
          %parallel_loop3A_306 = vector.broadcast %parallel_loop3A_305 : i32 to vector<16xi32>
          %parallel_loop3A_307 = arith.addi %div3A_18, %parallel_loop3A_306 : vector<16xi32>
          %parallel_loop3A_308 = vector.shape_cast %parallel_loop3A_307 : vector<16xi32> to vector<16x1xi32>
          %parallel_loop3A_309 = vector.shape_cast %parallel_loop3A_308 : vector<16x1xi32> to vector<16xi32>
          %parallel_loop3A_310 = tpu.dynamic_gather %parallel_loop3A_287[%parallel_loop3A_309] in [0] : vector<16xf32>, vector<16xi32> -> vector<16xf32>
          %parallel_loop3A_311 = arith.constant 0 : i32
          %parallel_loop3A_312 = vector.broadcast %parallel_loop3A_311 : i32 to vector<16xi32>
          %parallel_loop3A_313 = arith.addi %div3A_18, %parallel_loop3A_312 : vector<16xi32>
          %parallel_loop3A_314 = arith.constant 2 : i32
          %parallel_loop3A_315 = vector.broadcast %parallel_loop3A_314 : i32 to vector<16xi32>
          %parallel_loop3A_316 = arith.addi %parallel_loop3A_313, %parallel_loop3A_315 : vector<16xi32>
          %parallel_loop3A_317 = vector.shape_cast %parallel_loop3A_316 : vector<16xi32> to vector<16x1xi32>
          %parallel_loop3A_318 = vector.shape_cast %parallel_loop3A_317 : vector<16x1xi32> to vector<16xi32>
          %parallel_loop3A_319 = tpu.dynamic_gather %parallel_loop3A_287[%parallel_loop3A_318] in [0] : vector<16xf32>, vector<16xi32> -> vector<16xf32>
          %parallel_loop3A_320 = arith.mulf %parallel_loop3A_300, %parallel_loop3A_310 : vector<16xf32>
          %parallel_loop3A_321 = arith.index_cast %parallel_loop3A_273 : i32 to index
          %parallel_loop3A_322 = arith.constant 0 : index
          %parallel_loop3A_323 = tpu.vector_load %arg16[%parallel_loop3A_321, %parallel_loop3A_322] {strides = array<i32>} : memref<80x80xf32, #tpu.memory_space<vmem>>, vector<1x16xf32>,
          %parallel_loop3A_324 = vector.shape_cast %parallel_loop3A_323 : vector<1x16xf32> to vector<16xf32>
          %parallel_loop3A_325 = vector.shape_cast %parallel_loop3A_320 : vector<16xf32> to vector<1x16xf32>
          tpu.vector_store %arg16[%parallel_loop3A_321, %parallel_loop3A_322], %parallel_loop3A_325 {strides = array<i32>} : memref<80x80xf32, #tpu.memory_space<vmem>>, vector<1x16xf32>,
          %parallel_loop3A_326 = arith.mulf %parallel_loop3A_304, %parallel_loop3A_319 : vector<16xf32>
          %parallel_loop3A_327 = arith.index_cast %parallel_loop3A_273 : i32 to index
          %parallel_loop3A_328 = arith.constant 16 : index
          %parallel_loop3A_329 = tpu.vector_load %arg16[%parallel_loop3A_327, %parallel_loop3A_328] {strides = array<i32>} : memref<80x80xf32, #tpu.memory_space<vmem>>, vector<1x16xf32>,
          %parallel_loop3A_330 = vector.shape_cast %parallel_loop3A_329 : vector<1x16xf32> to vector<16xf32>
          %parallel_loop3A_331 = vector.shape_cast %parallel_loop3A_326 : vector<16xf32> to vector<1x16xf32>
          tpu.vector_store %arg16[%parallel_loop3A_327, %parallel_loop3A_328], %parallel_loop3A_331 {strides = array<i32>} : memref<80x80xf32, #tpu.memory_space<vmem>>, vector<1x16xf32>,
          %parallel_loop3A_332 = arith.index_cast %parallel_loop3A_273 : i32 to index
          %parallel_loop3A_333 = arith.constant 16 : index
          %parallel_loop3A_334 = tpu.vector_load %arg11[%parallel_loop3A_332, %parallel_loop3A_333] {strides = array<i32>} : memref<80x32xi32, #tpu.memory_space<vmem>>, vector<1x16xi32>,
          %parallel_loop3A_335 = vector.shape_cast %parallel_loop3A_334 : vector<1x16xi32> to vector<16xi32>
          %parallel_loop3A_336 = arith.constant 16 : i32
          %parallel_loop3A_337 = vector.broadcast %parallel_loop3A_336 : i32 to vector<16xi32>
          %parallel_loop3A_338 = arith.shli %parallel_loop3A_335, %parallel_loop3A_337 : vector<16xi32>
          %parallel_loop3A_339 = tpu.bitcast %parallel_loop3A_338 : vector<16xi32> -> vector<16xf32>
          %parallel_loop3A_340 = arith.constant -65536 : i32
          %parallel_loop3A_341 = vector.broadcast %parallel_loop3A_340 : i32 to vector<16xi32>
          %parallel_loop3A_342 = arith.andi %parallel_loop3A_335, %parallel_loop3A_341 : vector<16xi32>
          %parallel_loop3A_343 = tpu.bitcast %parallel_loop3A_342 : vector<16xi32> -> vector<16xf32>
          %parallel_loop3A_344 = arith.constant 4 : i32
          %parallel_loop3A_345 = vector.broadcast %parallel_loop3A_344 : i32 to vector<16xi32>
          %parallel_loop3A_346 = arith.addi %div3A_18, %parallel_loop3A_345 : vector<16xi32>
          %parallel_loop3A_347 = vector.shape_cast %parallel_loop3A_346 : vector<16xi32> to vector<16x1xi32>
          %parallel_loop3A_348 = vector.shape_cast %parallel_loop3A_347 : vector<16x1xi32> to vector<16xi32>
          %parallel_loop3A_349 = tpu.dynamic_gather %parallel_loop3A_287[%parallel_loop3A_348] in [0] : vector<16xf32>, vector<16xi32> -> vector<16xf32>
          %parallel_loop3A_350 = arith.constant 4 : i32
          %parallel_loop3A_351 = vector.broadcast %parallel_loop3A_350 : i32 to vector<16xi32>
          %parallel_loop3A_352 = arith.addi %div3A_18, %parallel_loop3A_351 : vector<16xi32>
          %parallel_loop3A_353 = arith.constant 2 : i32
          %parallel_loop3A_354 = vector.broadcast %parallel_loop3A_353 : i32 to vector<16xi32>
          %parallel_loop3A_355 = arith.addi %parallel_loop3A_352, %parallel_loop3A_354 : vector<16xi32>
          %parallel_loop3A_356 = vector.shape_cast %parallel_loop3A_355 : vector<16xi32> to vector<16x1xi32>
          %parallel_loop3A_357 = vector.shape_cast %parallel_loop3A_356 : vector<16x1xi32> to vector<16xi32>
          %parallel_loop3A_358 = tpu.dynamic_gather %parallel_loop3A_287[%parallel_loop3A_357] in [0] : vector<16xf32>, vector<16xi32> -> vector<16xf32>
          %parallel_loop3A_359 = arith.mulf %parallel_loop3A_339, %parallel_loop3A_349 : vector<16xf32>
          %parallel_loop3A_360 = arith.index_cast %parallel_loop3A_273 : i32 to index
          %parallel_loop3A_361 = arith.constant 32 : index
          %parallel_loop3A_362 = tpu.vector_load %arg16[%parallel_loop3A_360, %parallel_loop3A_361] {strides = array<i32>} : memref<80x80xf32, #tpu.memory_space<vmem>>, vector<1x16xf32>,
          %parallel_loop3A_363 = vector.shape_cast %parallel_loop3A_362 : vector<1x16xf32> to vector<16xf32>
          %parallel_loop3A_364 = vector.shape_cast %parallel_loop3A_359 : vector<16xf32> to vector<1x16xf32>
          tpu.vector_store %arg16[%parallel_loop3A_360, %parallel_loop3A_361], %parallel_loop3A_364 {strides = array<i32>} : memref<80x80xf32, #tpu.memory_space<vmem>>, vector<1x16xf32>,
          %parallel_loop3A_365 = arith.mulf %parallel_loop3A_343, %parallel_loop3A_358 : vector<16xf32>
          %parallel_loop3A_366 = arith.index_cast %parallel_loop3A_273 : i32 to index
          %parallel_loop3A_367 = arith.constant 48 : index
          %parallel_loop3A_368 = tpu.vector_load %arg16[%parallel_loop3A_366, %parallel_loop3A_367] {strides = array<i32>} : memref<80x80xf32, #tpu.memory_space<vmem>>, vector<1x16xf32>,
          %parallel_loop3A_369 = vector.shape_cast %parallel_loop3A_368 : vector<1x16xf32> to vector<16xf32>
          %parallel_loop3A_370 = vector.shape_cast %parallel_loop3A_365 : vector<16xf32> to vector<1x16xf32>
          tpu.vector_store %arg16[%parallel_loop3A_366, %parallel_loop3A_367], %parallel_loop3A_370 {strides = array<i32>} : memref<80x80xf32, #tpu.memory_space<vmem>>, vector<1x16xf32>,
        } {sc.loop_unroll_factor = 4 : i64, sc.parallel_access}
        %dma_start3A_270 = arith.constant 0 : i32
        %dma_start3A_271 = arith.constant 0 : i32
        %dma_start3A_272 = tpu.memref_slice %arg22[%dma_start3A_270, %dma_start3A_271] : memref<10000x80xf32, #tpu.memory_space<vmem_shared>> -> memref<10000x80xf32, #tpu.memory_space<vmem_shared>>
        tpu.enqueue_indirect_dma source(%arg16 : memref<80x80xf32, #tpu.memory_space<vmem>>) target(%dma_start3A_272 : memref<10000x80xf32, #tpu.memory_space<vmem_shared>>) offsets(%arg9 : memref<80xi32, #tpu.memory_space<vmem>>) semaphore(%arg21 : memref<!tpu.dma_semaphore, #tpu.memory_space<semaphore_mem>>) {add = true}
      } else {
      }
      %scan3A_177 = arith.constant 0 : i32
      scf.yield %scan3A_177 : i32
    }
    %scan3A_68 = arith.constant 63 : i32
    %dma_wait3A_69 = arith.constant 0 : i32
    %dma_wait3A_70 = arith.constant 0 : i32
    %dma_wait3A_71 = tpu.memref_slice %arg22[%dma_wait3A_69, %dma_wait3A_70] : memref<10000x80xf32, #tpu.memory_space<vmem_shared>> -> memref<10000x80xf32, #tpu.memory_space<vmem_shared>>
    tpu.wait_indirect_dma semaphore(%arg21 : memref<!tpu.dma_semaphore, #tpu.memory_space<semaphore_mem>>) src(%arg16 : memref<80x80xf32, #tpu.memory_space<vmem>>) dst(%dma_wait3A_71 : memref<10000x80xf32, #tpu.memory_space<vmem_shared>>)
    %barrier3A_72 = arith.constant 0 : index
    tpu.barrier barrier_id(%barrier3A_72)
    %scan3A_73 = arith.constant 0 : i32
    %scan3A_74 = arith.constant 0 : i32
    %scan3A_75 = arith.constant 8 : i32
    %scan3A_76 = arith.addi %scan3A_74, %scan3A_75 : i32
    %scan3A_77 = arith.constant 1 : i32
    %scan3A_78 = scf.for %scan3A_80 = %scan3A_74 to %scan3A_76 step %scan3A_77 iter_args(%scan3A_81 = %scan3A_73) -> (i32)  : i32 {
      %mul3A_82 = arith.constant 640 : i32
      %mul3A_83 = arith.muli %arg1, %mul3A_82 : i32
      %mul3A_84 = arith.constant 80 : i32
      %mul3A_85 = arith.muli %scan3A_80, %mul3A_84 : i32
      %add3A_86 = arith.addi %mul3A_83, %mul3A_85 : i32
      %lt3A = arith.constant 10000 : i32
      %lt3A_87 = arith.cmpi slt, %add3A_86, %lt3A : i32
      %convert_element_type3A = arith.extui %lt3A_87 : i1 to i32
      %cond3A = arith.constant 0 : i32
      %cond3A_88 = arith.cmpi ne, %convert_element_type3A, %cond3A : i32
      scf.if %cond3A_88 {
        %mul3A_90 = arith.constant 640 : i32
        %mul3A_91 = arith.muli %arg1, %mul3A_90 : i32
        %mul3A_92 = arith.constant 80 : i32
        %mul3A_93 = arith.muli %scan3A_80, %mul3A_92 : i32
        %add3A_94 = arith.addi %mul3A_91, %mul3A_93 : i32
        %mul3A_95 = arith.constant 640 : i32
        %mul3A_96 = arith.muli %arg1, %mul3A_95 : i32
        %mul3A_97 = arith.constant 80 : i32
        %mul3A_98 = arith.muli %scan3A_80, %mul3A_97 : i32
        %add3A_99 = arith.addi %mul3A_96, %mul3A_98 : i32
        "tpu.region"() ({
          %run_scoped3A = tpu.sem_alloc : memref<!tpu.dma_semaphore, #tpu.memory_space<semaphore_mem>>
          %dma_start3A_100 = arith.constant 0 : i32
          %dma_start3A_101 = tpu.memref_slice %arg6[%arg0, %add3A_99, %dma_start3A_100] : memref<2x10000x80xf32, #tpu.memory_space<hbm>> -> memref<1x80x80xf32, #tpu.memory_space<hbm>>
          %dma_start3A_102 = tpu.memref_squeeze %dma_start3A_101 : memref<1x80x80xf32, #tpu.memory_space<hbm>> -> memref<80x80xf32, #tpu.memory_space<hbm>>
          %dma_start3A_103 = arith.constant 0 : i32
          %dma_start3A_104 = tpu.memref_slice %arg22[%add3A_94, %dma_start3A_103] : memref<10000x80xf32, #tpu.memory_space<vmem_shared>> -> memref<80x80xf32, #tpu.memory_space<vmem_shared>>
          tpu.enqueue_dma source(%dma_start3A_104 : memref<80x80xf32, #tpu.memory_space<vmem_shared>>) target(%dma_start3A_102 : memref<80x80xf32, #tpu.memory_space<hbm>>) target_semaphore(%run_scoped3A : memref<!tpu.dma_semaphore, #tpu.memory_space<semaphore_mem>>)
          %dma_wait3A_105 = arith.constant 0 : i32
          %dma_wait3A_106 = tpu.memref_slice %arg6[%arg0, %add3A_99, %dma_wait3A_105] : memref<2x10000x80xf32, #tpu.memory_space<hbm>> -> memref<1x80x80xf32, #tpu.memory_space<hbm>>
          %dma_wait3A_107 = tpu.memref_squeeze %dma_wait3A_106 : memref<1x80x80xf32, #tpu.memory_space<hbm>> -> memref<80x80xf32, #tpu.memory_space<hbm>>
          %dma_wait3A_108 = arith.constant 0 : i32
          %dma_wait3A_109 = tpu.memref_slice %arg22[%add3A_94, %dma_wait3A_108] : memref<10000x80xf32, #tpu.memory_space<vmem_shared>> -> memref<80x80xf32, #tpu.memory_space<vmem_shared>>
          tpu.wait_dma2 semaphore(%run_scoped3A : memref<!tpu.dma_semaphore, #tpu.memory_space<semaphore_mem>>) src(%dma_wait3A_109 : memref<80x80xf32, #tpu.memory_space<vmem_shared>>) dst(%dma_wait3A_107 : memref<80x80xf32, #tpu.memory_space<hbm>>)
          tpu.yield
        }) : () -> ()
      } else {
      }
      %scan3A_89 = arith.constant 0 : i32
      scf.yield %scan3A_89 : i32
    }
    %scan3A_79 = arith.constant 8 : i32
    return
  }
}

module attributes {stable_mosaic.version = 14 : i64} {
  func.func @body(%arg0: i32, %arg1: memref<2000x128xf32, #tpu.memory_space<vmem>>, %arg2: memref<128x64xf32, #tpu.memory_space<vmem>>, %arg3: memref<64x8xf32, #tpu.memory_space<vmem>>, %arg4: memref<64x8xf32, #tpu.memory_space<vmem>>, %arg5: memref<64x64xf32, #tpu.memory_space<vmem>>, %arg6: memref<2000x64xf32, #tpu.memory_space<vmem>>, %arg7: memref<2000x64xbf16, #tpu.memory_space<vmem>>, %arg8: memref<2000x16xf32, #tpu.memory_space<vmem>>, %arg9: memref<2000x16xf32, #tpu.memory_space<vmem>>) attributes {dimension_semantics = [#tpu.dimension_semantics<arbitrary>], iteration_bounds = array<i64: 5>, scalar_prefetch = 0 : i64, scratch_operands = 0 : i64, tpu.core_type = #tpu.core_type<tc>, window_params = [{transform_indices = @transform_0, window_bounds = array<i64: 2000, 128>}, {pipeline_mode = #tpu.pipeline_mode<synchronous>, transform_indices = @transform_1, window_bounds = array<i64: 128, 64>}, {pipeline_mode = #tpu.pipeline_mode<synchronous>, transform_indices = @transform_2, window_bounds = array<i64: 64, 8>}, {pipeline_mode = #tpu.pipeline_mode<synchronous>, transform_indices = @transform_3, window_bounds = array<i64: 64, 8>}, {pipeline_mode = #tpu.pipeline_mode<synchronous>, transform_indices = @transform_4, window_bounds = array<i64: 64, 64>}, {transform_indices = @transform_5, window_bounds = array<i64: 2000, 64>}, {transform_indices = @transform_6, window_bounds = array<i64: 2000, 64>}, {transform_indices = @transform_7, window_bounds = array<i64: 2000, 16>}, {transform_indices = @transform_8, window_bounds = array<i64: 2000, 16>}]} {
    %get3A = arith.constant 0 : index
    %get3A_0 = arith.constant 0 : index
    %get3A_1 = vector.load %arg1[%get3A, %get3A_0] : memref<2000x128xf32, #tpu.memory_space<vmem>>, vector<2000x128xf32>
    %get3A_2 = arith.constant 0 : index
    %get3A_3 = arith.constant 0 : index
    %get3A_4 = vector.load %arg2[%get3A_2, %get3A_3] : memref<128x64xf32, #tpu.memory_space<vmem>>, vector<128x64xf32>
    %dot_general3A = arith.constant dense<0.000000e+00> : vector<2000x64xf32>
    %dot_general3A_5 = tpu.matmul %get3A_1, %get3A_4, %dot_general3A {dimension_numbers = #tpu.dot_dimension_numbers<[1], [0], [0], [1], [0, 0, 1, 1], [], []>, transpose_lhs_hint = false} : vector<2000x128xf32>, vector<128x64xf32>, vector<2000x64xf32> -> vector<2000x64xf32>
    %swap3A = arith.constant 0 : index
    %swap3A_6 = arith.constant 0 : index
    %swap3A_7 = vector.load %arg6[%swap3A, %swap3A_6] : memref<2000x64xf32, #tpu.memory_space<vmem>>, vector<2000x64xf32>
    tpu.vector_store %arg6[%swap3A, %swap3A_6], %dot_general3A_5 {strides = array<i32>} : memref<2000x64xf32, #tpu.memory_space<vmem>>, vector<2000x64xf32>,
    %get3A_8 = arith.constant 0 : index
    %get3A_9 = arith.constant 0 : index
    %get3A_10 = vector.load %arg5[%get3A_8, %get3A_9] : memref<64x64xf32, #tpu.memory_space<vmem>>, vector<64x64xf32>
    %dot_general3A_11 = arith.constant dense<0.000000e+00> : vector<2000x64xf32>
    %dot_general3A_12 = tpu.matmul %dot_general3A_5, %get3A_10, %dot_general3A_11 {dimension_numbers = #tpu.dot_dimension_numbers<[1], [0], [0], [1], [0, 0, 1, 1], [], []>, transpose_lhs_hint = false} : vector<2000x64xf32>, vector<64x64xf32>, vector<2000x64xf32> -> vector<2000x64xf32>
    %convert_element_type3A = arith.truncf %dot_general3A_12 : vector<2000x64xf32> to vector<2000x64xbf16>
    %swap3A_13 = arith.constant 0 : index
    %swap3A_14 = arith.constant 0 : index
    %swap3A_15 = vector.load %arg7[%swap3A_13, %swap3A_14] : memref<2000x64xbf16, #tpu.memory_space<vmem>>, vector<2000x64xbf16>
    tpu.vector_store %arg7[%swap3A_13, %swap3A_14], %convert_element_type3A {strides = array<i32>} : memref<2000x64xbf16, #tpu.memory_space<vmem>>, vector<2000x64xbf16>,
    %broadcast_in_dim3A = arith.constant 0.000000e+00 : f32
    %broadcast_in_dim3A_16 = vector.broadcast %broadcast_in_dim3A : f32 to vector<2000x8xf32>
    %get3A_17 = arith.constant 0 : index
    %get3A_18 = arith.constant 0 : index
    %get3A_19 = vector.load %arg3[%get3A_17, %get3A_18] : memref<64x8xf32, #tpu.memory_space<vmem>>, vector<64x8xf32>
    %dot_general3A_20 = arith.constant dense<0.000000e+00> : vector<2000x8xf32>
    %dot_general3A_21 = tpu.matmul %dot_general3A_5, %get3A_19, %dot_general3A_20 {dimension_numbers = #tpu.dot_dimension_numbers<[1], [0], [0], [1], [0, 0, 1, 1], [], []>, transpose_lhs_hint = false} : vector<2000x64xf32>, vector<64x8xf32>, vector<2000x8xf32> -> vector<2000x8xf32>
    %concatenate3A = tpu.concatenate %dot_general3A_21, %broadcast_in_dim3A_16 in 1 : vector<2000x8xf32>, vector<2000x8xf32> -> vector<2000x16xf32>
    %swap3A_22 = arith.constant 0 : index
    %swap3A_23 = arith.constant 0 : index
    %swap3A_24 = vector.load %arg8[%swap3A_22, %swap3A_23] : memref<2000x16xf32, #tpu.memory_space<vmem>>, vector<2000x16xf32>
    tpu.vector_store %arg8[%swap3A_22, %swap3A_23], %concatenate3A {strides = array<i32>} : memref<2000x16xf32, #tpu.memory_space<vmem>>, vector<2000x16xf32>,
    %get3A_25 = arith.constant 0 : index
    %get3A_26 = arith.constant 0 : index
    %get3A_27 = vector.load %arg4[%get3A_25, %get3A_26] : memref<64x8xf32, #tpu.memory_space<vmem>>, vector<64x8xf32>
    %dot_general3A_28 = arith.constant dense<0.000000e+00> : vector<2000x8xf32>
    %dot_general3A_29 = tpu.matmul %dot_general3A_5, %get3A_27, %dot_general3A_28 {dimension_numbers = #tpu.dot_dimension_numbers<[1], [0], [0], [1], [0, 0, 1, 1], [], []>, transpose_lhs_hint = false} : vector<2000x64xf32>, vector<64x8xf32>, vector<2000x8xf32> -> vector<2000x8xf32>
    %concatenate3A_30 = tpu.concatenate %dot_general3A_29, %broadcast_in_dim3A_16 in 1 : vector<2000x8xf32>, vector<2000x8xf32> -> vector<2000x16xf32>
    %swap3A_31 = arith.constant 0 : index
    %swap3A_32 = arith.constant 0 : index
    %swap3A_33 = vector.load %arg9[%swap3A_31, %swap3A_32] : memref<2000x16xf32, #tpu.memory_space<vmem>>, vector<2000x16xf32>
    tpu.vector_store %arg9[%swap3A_31, %swap3A_32], %concatenate3A_30 {strides = array<i32>} : memref<2000x16xf32, #tpu.memory_space<vmem>>, vector<2000x16xf32>,
    return
  }
  func.func @transform_0(%arg0: i32) -> (i32, i32) {
    %c0_i32 = arith.constant 0 : i32
    %c0_i32_0 = arith.constant 0 : i32
    return %arg0, %c0_i32 : i32, i32
  }
  func.func @transform_1(%arg0: i32) -> (i32, i32) {
    %c0_i32 = arith.constant 0 : i32
    %c0_i32_0 = arith.constant 0 : i32
    %c0_i32_1 = arith.constant 0 : i32
    return %c0_i32, %c0_i32_0 : i32, i32
  }
  func.func @transform_2(%arg0: i32) -> (i32, i32) {
    %c0_i32 = arith.constant 0 : i32
    %c0_i32_0 = arith.constant 0 : i32
    %c0_i32_1 = arith.constant 0 : i32
    return %c0_i32, %c0_i32_0 : i32, i32
  }
  func.func @transform_3(%arg0: i32) -> (i32, i32) {
    %c0_i32 = arith.constant 0 : i32
    %c0_i32_0 = arith.constant 0 : i32
    %c0_i32_1 = arith.constant 0 : i32
    return %c0_i32, %c0_i32_0 : i32, i32
  }
  func.func @transform_4(%arg0: i32) -> (i32, i32) {
    %c0_i32 = arith.constant 0 : i32
    %c0_i32_0 = arith.constant 0 : i32
    %c0_i32_1 = arith.constant 0 : i32
    return %c0_i32, %c0_i32_0 : i32, i32
  }
  func.func @transform_5(%arg0: i32) -> (i32, i32) {
    %c0_i32 = arith.constant 0 : i32
    %c0_i32_0 = arith.constant 0 : i32
    return %arg0, %c0_i32 : i32, i32
  }
  func.func @transform_6(%arg0: i32) -> (i32, i32) {
    %c0_i32 = arith.constant 0 : i32
    %c0_i32_0 = arith.constant 0 : i32
    return %arg0, %c0_i32 : i32, i32
  }
  func.func @transform_7(%arg0: i32) -> (i32, i32) {
    %c0_i32 = arith.constant 0 : i32
    %c0_i32_0 = arith.constant 0 : i32
    return %arg0, %c0_i32 : i32, i32
  }
  func.func @transform_8(%arg0: i32) -> (i32, i32) {
    %c0_i32 = arith.constant 0 : i32
    %c0_i32_0 = arith.constant 0 : i32
    return %arg0, %c0_i32 : i32, i32
  }
}

module attributes {stable_mosaic.version = 14 : i64} {
  func.func @body(%arg0: i32, %arg1: memref<2x2000x80xf32, #tpu.memory_space<vmem>>, %arg2: memref<2000x64xf32, #tpu.memory_space<vmem>>, %arg3: memref<2000x16xf32, #tpu.memory_space<vmem>>, %arg4: memref<2000x16xf32, #tpu.memory_space<vmem>>, %arg5: memref<64xf32, #tpu.memory_space<vmem>>, %arg6: memref<64x128xf32, #tpu.memory_space<vmem>>, %arg7: memref<128x1xf32, #tpu.memory_space<vmem>>, %arg8: memref<128x1xf32, #tpu.memory_space<vmem>>, %arg9: memref<128x128xf32, #tpu.memory_space<vmem>>, %arg10: memref<2000x128xf32, #tpu.memory_space<vmem>>, %arg11: memref<2000x128xbf16, #tpu.memory_space<vmem>>, %arg12: memref<2000x16xf32, #tpu.memory_space<vmem>>, %arg13: memref<2000x16xf32, #tpu.memory_space<vmem>>) attributes {dimension_semantics = [#tpu.dimension_semantics<arbitrary>], iteration_bounds = array<i64: 5>, scalar_prefetch = 0 : i64, scratch_operands = 0 : i64, tpu.core_type = #tpu.core_type<tc>, window_params = [{transform_indices = @transform_0, window_bounds = array<i64: 2, 2000, 80>}, {transform_indices = @transform_1, window_bounds = array<i64: 2000, 64>}, {transform_indices = @transform_2, window_bounds = array<i64: 2000, 16>}, {transform_indices = @transform_3, window_bounds = array<i64: 2000, 16>}, {pipeline_mode = #tpu.pipeline_mode<synchronous>, transform_indices = @transform_4, window_bounds = array<i64: 64>}, {pipeline_mode = #tpu.pipeline_mode<synchronous>, transform_indices = @transform_5, window_bounds = array<i64: 64, 128>}, {pipeline_mode = #tpu.pipeline_mode<synchronous>, transform_indices = @transform_6, window_bounds = array<i64: 128, 1>}, {pipeline_mode = #tpu.pipeline_mode<synchronous>, transform_indices = @transform_7, window_bounds = array<i64: 128, 1>}, {pipeline_mode = #tpu.pipeline_mode<synchronous>, transform_indices = @transform_8, window_bounds = array<i64: 128, 128>}, {transform_indices = @transform_9, window_bounds = array<i64: 2000, 128>}, {transform_indices = @transform_10, window_bounds = array<i64: 2000, 128>}, {transform_indices = @transform_11, window_bounds = array<i64: 2000, 16>}, {transform_indices = @transform_12, window_bounds = array<i64: 2000, 16>}]} {
    %get3A = arith.constant 0 : index
    %get3A_0 = arith.constant 0 : index
    %get3A_1 = arith.constant 0 : index
    %get3A_2 = vector.load %arg1[%get3A, %get3A_0, %get3A_1] : memref<2x2000x80xf32, #tpu.memory_space<vmem>>, vector<1x2000x80xf32>
    %get3A_3 = vector.shape_cast %get3A_2 : vector<1x2000x80xf32> to vector<2000x80xf32>
    %get3A_4 = arith.constant 1 : index
    %get3A_5 = arith.constant 0 : index
    %get3A_6 = arith.constant 0 : index
    %get3A_7 = vector.load %arg1[%get3A_4, %get3A_5, %get3A_6] : memref<2x2000x80xf32, #tpu.memory_space<vmem>>, vector<1x2000x80xf32>
    %get3A_8 = vector.shape_cast %get3A_7 : vector<1x2000x80xf32> to vector<2000x80xf32>
    %add3A = arith.addf %get3A_3, %get3A_8 : vector<2000x80xf32>
    %get3A_9 = arith.constant 0 : index
    %get3A_10 = arith.constant 0 : index
    %get3A_11 = vector.load %arg2[%get3A_9, %get3A_10] : memref<2000x64xf32, #tpu.memory_space<vmem>>, vector<2000x64xf32>
    %get3A_12 = arith.constant 0 : index
    %get3A_13 = arith.constant 0 : index
    %get3A_14 = vector.load %arg3[%get3A_12, %get3A_13] : memref<2000x16xf32, #tpu.memory_space<vmem>>, vector<2000x16xf32>
    %slice3A = vector.extract_strided_slice %get3A_14 {offsets = [0, 0], sizes = [2000, 8], strides = [1, 1]} : vector<2000x16xf32> to vector<2000x8xf32>
    %get3A_15 = arith.constant 0 : index
    %get3A_16 = arith.constant 0 : index
    %get3A_17 = vector.load %arg4[%get3A_15, %get3A_16] : memref<2000x16xf32, #tpu.memory_space<vmem>>, vector<2000x16xf32>
    %slice3A_18 = vector.extract_strided_slice %get3A_17 {offsets = [0, 0], sizes = [2000, 8], strides = [1, 1]} : vector<2000x16xf32> to vector<2000x8xf32>
    %add3A_19 = arith.addf %slice3A, %slice3A_18 : vector<2000x8xf32>
    %ge3A = arith.constant 0.000000e+00 : f32
    %ge3A_20 = vector.broadcast %ge3A : f32 to vector<2000x8xf32>
    %ge3A_21 = arith.cmpf oge, %add3A_19, %ge3A_20 : vector<2000x8xf32>
    %mul3A = arith.constant 2.000000e-01 : f32
    %mul3A_22 = vector.broadcast %mul3A : f32 to vector<2000x8xf32>
    %mul3A_23 = arith.mulf %mul3A_22, %add3A_19 : vector<2000x8xf32>
    %select_n3A = arith.select %ge3A_21, %add3A_19, %mul3A_23 : vector<2000x8xi1>, vector<2000x8xf32>
    %exp3A = math.exp %select_n3A : vector<2000x8xf32>
    %slice3A_24 = vector.extract_strided_slice %add3A {offsets = [0, 64], sizes = [2000, 8], strides = [1, 1]} : vector<2000x80xf32> to vector<2000x8xf32>
    %add3A_25 = arith.addf %slice3A_24, %exp3A : vector<2000x8xf32>
    %add3A_26 = arith.constant 1.000000e-16 : f32
    %add3A_27 = vector.broadcast %add3A_26 : f32 to vector<2000x8xf32>
    %add3A_28 = arith.addf %add3A_25, %add3A_27 : vector<2000x8xf32>
    %slice3A_29 = vector.extract_strided_slice %add3A {offsets = [0, 0], sizes = [2000, 64], strides = [1, 1]} : vector<2000x80xf32> to vector<2000x64xf32>
    %broadcast_in_dim3A = vector.shape_cast %exp3A : vector<2000x8xf32> to vector<2000x8x1xf32>
    %broadcast_in_dim3A_30 = vector.broadcast %broadcast_in_dim3A : vector<2000x8x1xf32> to vector<2000x8x8xf32>
    %reshape3A = vector.shape_cast %broadcast_in_dim3A_30 : vector<2000x8x8xf32> to vector<2000x64xf32>
    %mul3A_31 = arith.mulf %reshape3A, %get3A_11 : vector<2000x64xf32>
    %add3A_32 = arith.addf %slice3A_29, %mul3A_31 : vector<2000x64xf32>
    %broadcast_in_dim3A_33 = vector.shape_cast %add3A_28 : vector<2000x8xf32> to vector<2000x8x1xf32>
    %broadcast_in_dim3A_34 = vector.broadcast %broadcast_in_dim3A_33 : vector<2000x8x1xf32> to vector<2000x8x8xf32>
    %reshape3A_35 = vector.shape_cast %broadcast_in_dim3A_34 : vector<2000x8x8xf32> to vector<2000x64xf32>
    %div3A = arith.divf %add3A_32, %reshape3A_35 : vector<2000x64xf32>
    %get3A_36 = arith.constant 0 : index
    %get3A_37 = vector.load %arg5[%get3A_36] : memref<64xf32, #tpu.memory_space<vmem>>, vector<64xf32>
    %broadcast_in_dim3A_38 = vector.shape_cast %get3A_37 : vector<64xf32> to vector<1x64xf32>
    %add3A_39 = vector.broadcast %broadcast_in_dim3A_38 : vector<1x64xf32> to vector<2000x64xf32>
    %add3A_40 = arith.addf %div3A, %add3A_39 : vector<2000x64xf32>
    %gt3A = arith.constant 0.000000e+00 : f32
    %gt3A_41 = vector.broadcast %gt3A : f32 to vector<2000x64xf32>
    %gt3A_42 = arith.cmpf ogt, %add3A_40, %gt3A_41 : vector<2000x64xf32>
    %exp3A_43 = math.exp %add3A_40 : vector<2000x64xf32>
    %sub3A = arith.constant 1.000000e+00 : f32
    %sub3A_44 = vector.broadcast %sub3A : f32 to vector<2000x64xf32>
    %sub3A_45 = arith.subf %exp3A_43, %sub3A_44 : vector<2000x64xf32>
    %select_n3A_46 = arith.select %gt3A_42, %add3A_40, %sub3A_45 : vector<2000x64xi1>, vector<2000x64xf32>
    %get3A_47 = arith.constant 0 : index
    %get3A_48 = arith.constant 0 : index
    %get3A_49 = vector.load %arg6[%get3A_47, %get3A_48] : memref<64x128xf32, #tpu.memory_space<vmem>>, vector<64x128xf32>
    %dot_general3A = arith.constant dense<0.000000e+00> : vector<2000x128xf32>
    %dot_general3A_50 = tpu.matmul %select_n3A_46, %get3A_49, %dot_general3A {dimension_numbers = #tpu.dot_dimension_numbers<[1], [0], [0], [1], [0, 0, 1, 1], [], []>, transpose_lhs_hint = false} : vector<2000x64xf32>, vector<64x128xf32>, vector<2000x128xf32> -> vector<2000x128xf32>
    %swap3A = arith.constant 0 : index
    %swap3A_51 = arith.constant 0 : index
    %swap3A_52 = vector.load %arg10[%swap3A, %swap3A_51] : memref<2000x128xf32, #tpu.memory_space<vmem>>, vector<2000x128xf32>
    tpu.vector_store %arg10[%swap3A, %swap3A_51], %dot_general3A_50 {strides = array<i32>} : memref<2000x128xf32, #tpu.memory_space<vmem>>, vector<2000x128xf32>,
    %get3A_53 = arith.constant 0 : index
    %get3A_54 = arith.constant 0 : index
    %get3A_55 = vector.load %arg9[%get3A_53, %get3A_54] : memref<128x128xf32, #tpu.memory_space<vmem>>, vector<128x128xf32>
    %dot_general3A_56 = arith.constant dense<0.000000e+00> : vector<2000x128xf32>
    %dot_general3A_57 = tpu.matmul %dot_general3A_50, %get3A_55, %dot_general3A_56 {dimension_numbers = #tpu.dot_dimension_numbers<[1], [0], [0], [1], [0, 0, 1, 1], [], []>, transpose_lhs_hint = false} : vector<2000x128xf32>, vector<128x128xf32>, vector<2000x128xf32> -> vector<2000x128xf32>
    %convert_element_type3A = arith.truncf %dot_general3A_57 : vector<2000x128xf32> to vector<2000x128xbf16>
    %swap3A_58 = arith.constant 0 : index
    %swap3A_59 = arith.constant 0 : index
    %swap3A_60 = vector.load %arg11[%swap3A_58, %swap3A_59] : memref<2000x128xbf16, #tpu.memory_space<vmem>>, vector<2000x128xbf16>
    tpu.vector_store %arg11[%swap3A_58, %swap3A_59], %convert_element_type3A {strides = array<i32>} : memref<2000x128xbf16, #tpu.memory_space<vmem>>, vector<2000x128xbf16>,
    %get3A_61 = arith.constant 0 : index
    %get3A_62 = arith.constant 0 : index
    %get3A_63 = vector.load %arg7[%get3A_61, %get3A_62] : memref<128x1xf32, #tpu.memory_space<vmem>>, vector<128x1xf32>
    %dot_general3A_64 = arith.constant dense<0.000000e+00> : vector<2000x1xf32>
    %dot_general3A_65 = tpu.matmul %dot_general3A_50, %get3A_63, %dot_general3A_64 {dimension_numbers = #tpu.dot_dimension_numbers<[1], [0], [0], [1], [0, 0, 1, 1], [], []>, transpose_lhs_hint = false} : vector<2000x128xf32>, vector<128x1xf32>, vector<2000x1xf32> -> vector<2000x1xf32>
    %get3A_66 = arith.constant 0 : index
    %get3A_67 = arith.constant 0 : index
    %get3A_68 = vector.load %arg8[%get3A_66, %get3A_67] : memref<128x1xf32, #tpu.memory_space<vmem>>, vector<128x1xf32>
    %dot_general3A_69 = arith.constant dense<0.000000e+00> : vector<2000x1xf32>
    %dot_general3A_70 = tpu.matmul %dot_general3A_50, %get3A_68, %dot_general3A_69 {dimension_numbers = #tpu.dot_dimension_numbers<[1], [0], [0], [1], [0, 0, 1, 1], [], []>, transpose_lhs_hint = false} : vector<2000x128xf32>, vector<128x1xf32>, vector<2000x1xf32> -> vector<2000x1xf32>
    %broadcast_in_dim3A_71 = arith.constant 0.000000e+00 : f32
    %broadcast_in_dim3A_72 = vector.broadcast %broadcast_in_dim3A_71 : f32 to vector<2000x8xf32>
    %broadcast_in_dim3A_73 = vector.shape_cast %dot_general3A_65 : vector<2000x1xf32> to vector<2000x1x1xf32>
    %broadcast_in_dim3A_74 = vector.broadcast %broadcast_in_dim3A_73 : vector<2000x1x1xf32> to vector<2000x1x8xf32>
    %reshape3A_75 = vector.shape_cast %broadcast_in_dim3A_74 : vector<2000x1x8xf32> to vector<2000x8xf32>
    %concatenate3A = tpu.concatenate %reshape3A_75, %broadcast_in_dim3A_72 in 1 : vector<2000x8xf32>, vector<2000x8xf32> -> vector<2000x16xf32>
    %swap3A_76 = arith.constant 0 : index
    %swap3A_77 = arith.constant 0 : index
    %swap3A_78 = vector.load %arg12[%swap3A_76, %swap3A_77] : memref<2000x16xf32, #tpu.memory_space<vmem>>, vector<2000x16xf32>
    tpu.vector_store %arg12[%swap3A_76, %swap3A_77], %concatenate3A {strides = array<i32>} : memref<2000x16xf32, #tpu.memory_space<vmem>>, vector<2000x16xf32>,
    %broadcast_in_dim3A_79 = vector.shape_cast %dot_general3A_70 : vector<2000x1xf32> to vector<2000x1x1xf32>
    %broadcast_in_dim3A_80 = vector.broadcast %broadcast_in_dim3A_79 : vector<2000x1x1xf32> to vector<2000x1x8xf32>
    %reshape3A_81 = vector.shape_cast %broadcast_in_dim3A_80 : vector<2000x1x8xf32> to vector<2000x8xf32>
    %concatenate3A_82 = tpu.concatenate %reshape3A_81, %broadcast_in_dim3A_72 in 1 : vector<2000x8xf32>, vector<2000x8xf32> -> vector<2000x16xf32>
    %swap3A_83 = arith.constant 0 : index
    %swap3A_84 = arith.constant 0 : index
    %swap3A_85 = vector.load %arg13[%swap3A_83, %swap3A_84] : memref<2000x16xf32, #tpu.memory_space<vmem>>, vector<2000x16xf32>
    tpu.vector_store %arg13[%swap3A_83, %swap3A_84], %concatenate3A_82 {strides = array<i32>} : memref<2000x16xf32, #tpu.memory_space<vmem>>, vector<2000x16xf32>,
    return
  }
  func.func @transform_0(%arg0: i32) -> (i32, i32, i32) {
    %c0_i32 = arith.constant 0 : i32
    %c0_i32_0 = arith.constant 0 : i32
    %c0_i32_1 = arith.constant 0 : i32
    return %c0_i32, %arg0, %c0_i32_0 : i32, i32, i32
  }
  func.func @transform_1(%arg0: i32) -> (i32, i32) {
    %c0_i32 = arith.constant 0 : i32
    %c0_i32_0 = arith.constant 0 : i32
    return %arg0, %c0_i32 : i32, i32
  }
  func.func @transform_2(%arg0: i32) -> (i32, i32) {
    %c0_i32 = arith.constant 0 : i32
    %c0_i32_0 = arith.constant 0 : i32
    return %arg0, %c0_i32 : i32, i32
  }
  func.func @transform_3(%arg0: i32) -> (i32, i32) {
    %c0_i32 = arith.constant 0 : i32
    %c0_i32_0 = arith.constant 0 : i32
    return %arg0, %c0_i32 : i32, i32
  }
  func.func @transform_4(%arg0: i32) -> i32 {
    %c0_i32 = arith.constant 0 : i32
    %c0_i32_0 = arith.constant 0 : i32
    return %c0_i32 : i32
  }
  func.func @transform_5(%arg0: i32) -> (i32, i32) {
    %c0_i32 = arith.constant 0 : i32
    %c0_i32_0 = arith.constant 0 : i32
    %c0_i32_1 = arith.constant 0 : i32
    return %c0_i32, %c0_i32_0 : i32, i32
  }
  func.func @transform_6(%arg0: i32) -> (i32, i32) {
    %c0_i32 = arith.constant 0 : i32
    %c0_i32_0 = arith.constant 0 : i32
    %c0_i32_1 = arith.constant 0 : i32
    return %c0_i32, %c0_i32_0 : i32, i32
  }
  func.func @transform_7(%arg0: i32) -> (i32, i32) {
    %c0_i32 = arith.constant 0 : i32
    %c0_i32_0 = arith.constant 0 : i32
    %c0_i32_1 = arith.constant 0 : i32
    return %c0_i32, %c0_i32_0 : i32, i32
  }
  func.func @transform_8(%arg0: i32) -> (i32, i32) {
    %c0_i32 = arith.constant 0 : i32
    %c0_i32_0 = arith.constant 0 : i32
    %c0_i32_1 = arith.constant 0 : i32
    return %c0_i32, %c0_i32_0 : i32, i32
  }
  func.func @transform_9(%arg0: i32) -> (i32, i32) {
    %c0_i32 = arith.constant 0 : i32
    %c0_i32_0 = arith.constant 0 : i32
    return %arg0, %c0_i32 : i32, i32
  }
  func.func @transform_10(%arg0: i32) -> (i32, i32) {
    %c0_i32 = arith.constant 0 : i32
    %c0_i32_0 = arith.constant 0 : i32
    return %arg0, %c0_i32 : i32, i32
  }
  func.func @transform_11(%arg0: i32) -> (i32, i32) {
    %c0_i32 = arith.constant 0 : i32
    %c0_i32_0 = arith.constant 0 : i32
    return %arg0, %c0_i32 : i32, i32
  }
  func.func @transform_12(%arg0: i32) -> (i32, i32) {
    %c0_i32 = arith.constant 0 : i32
    %c0_i32_0 = arith.constant 0 : i32
    return %arg0, %c0_i32 : i32, i32
  }
}

module attributes {stable_mosaic.version = 14 : i64} {
  func.func @body(%arg0: i32, %arg1: memref<2x2000x144xf32, #tpu.memory_space<vmem>>, %arg2: memref<2000x128xf32, #tpu.memory_space<vmem>>, %arg3: memref<2000x16xf32, #tpu.memory_space<vmem>>, %arg4: memref<2000x16xf32, #tpu.memory_space<vmem>>, %arg5: memref<128xf32, #tpu.memory_space<vmem>>, %arg6: memref<2000x128xf32, #tpu.memory_space<vmem>>) attributes {dimension_semantics = [#tpu.dimension_semantics<arbitrary>], iteration_bounds = array<i64: 5>, scalar_prefetch = 0 : i64, scratch_operands = 0 : i64, tpu.core_type = #tpu.core_type<tc>, window_params = [{transform_indices = @transform_0, window_bounds = array<i64: 2, 2000, 144>}, {transform_indices = @transform_1, window_bounds = array<i64: 2000, 128>}, {transform_indices = @transform_2, window_bounds = array<i64: 2000, 16>}, {transform_indices = @transform_3, window_bounds = array<i64: 2000, 16>}, {pipeline_mode = #tpu.pipeline_mode<synchronous>, transform_indices = @transform_4, window_bounds = array<i64: 128>}, {transform_indices = @transform_5, window_bounds = array<i64: 2000, 128>}]} {
    %get3A = arith.constant 0 : index
    %get3A_0 = arith.constant 0 : index
    %get3A_1 = arith.constant 0 : index
    %get3A_2 = vector.load %arg1[%get3A, %get3A_0, %get3A_1] : memref<2x2000x144xf32, #tpu.memory_space<vmem>>, vector<1x2000x144xf32>
    %get3A_3 = vector.shape_cast %get3A_2 : vector<1x2000x144xf32> to vector<2000x144xf32>
    %get3A_4 = arith.constant 1 : index
    %get3A_5 = arith.constant 0 : index
    %get3A_6 = arith.constant 0 : index
    %get3A_7 = vector.load %arg1[%get3A_4, %get3A_5, %get3A_6] : memref<2x2000x144xf32, #tpu.memory_space<vmem>>, vector<1x2000x144xf32>
    %get3A_8 = vector.shape_cast %get3A_7 : vector<1x2000x144xf32> to vector<2000x144xf32>
    %add3A = arith.addf %get3A_3, %get3A_8 : vector<2000x144xf32>
    %get3A_9 = arith.constant 0 : index
    %get3A_10 = arith.constant 0 : index
    %get3A_11 = vector.load %arg2[%get3A_9, %get3A_10] : memref<2000x128xf32, #tpu.memory_space<vmem>>, vector<2000x128xf32>
    %get3A_12 = arith.constant 0 : index
    %get3A_13 = arith.constant 0 : index
    %get3A_14 = vector.load %arg3[%get3A_12, %get3A_13] : memref<2000x16xf32, #tpu.memory_space<vmem>>, vector<2000x16xf32>
    %slice3A = vector.extract_strided_slice %get3A_14 {offsets = [0, 0], sizes = [2000, 1], strides = [1, 1]} : vector<2000x16xf32> to vector<2000x1xf32>
    %get3A_15 = arith.constant 0 : index
    %get3A_16 = arith.constant 0 : index
    %get3A_17 = vector.load %arg4[%get3A_15, %get3A_16] : memref<2000x16xf32, #tpu.memory_space<vmem>>, vector<2000x16xf32>
    %slice3A_18 = vector.extract_strided_slice %get3A_17 {offsets = [0, 0], sizes = [2000, 1], strides = [1, 1]} : vector<2000x16xf32> to vector<2000x1xf32>
    %add3A_19 = arith.addf %slice3A, %slice3A_18 : vector<2000x1xf32>
    %ge3A = arith.constant 0.000000e+00 : f32
    %ge3A_20 = vector.broadcast %ge3A : f32 to vector<2000x1xf32>
    %ge3A_21 = arith.cmpf oge, %add3A_19, %ge3A_20 : vector<2000x1xf32>
    %mul3A = arith.constant 2.000000e-01 : f32
    %mul3A_22 = vector.broadcast %mul3A : f32 to vector<2000x1xf32>
    %mul3A_23 = arith.mulf %mul3A_22, %add3A_19 : vector<2000x1xf32>
    %select_n3A = arith.select %ge3A_21, %add3A_19, %mul3A_23 : vector<2000x1xi1>, vector<2000x1xf32>
    %exp3A = math.exp %select_n3A : vector<2000x1xf32>
    %slice3A_24 = vector.extract_strided_slice %add3A {offsets = [0, 128], sizes = [2000, 1], strides = [1, 1]} : vector<2000x144xf32> to vector<2000x1xf32>
    %add3A_25 = arith.addf %slice3A_24, %exp3A : vector<2000x1xf32>
    %add3A_26 = arith.constant 1.000000e-16 : f32
    %add3A_27 = vector.broadcast %add3A_26 : f32 to vector<2000x1xf32>
    %add3A_28 = arith.addf %add3A_25, %add3A_27 : vector<2000x1xf32>
    %slice3A_29 = vector.extract_strided_slice %add3A {offsets = [0, 0], sizes = [2000, 128], strides = [1, 1]} : vector<2000x144xf32> to vector<2000x128xf32>
    %mul3A_30 = vector.broadcast %exp3A : vector<2000x1xf32> to vector<2000x128xf32>
    %mul3A_31 = arith.mulf %mul3A_30, %get3A_11 : vector<2000x128xf32>
    %add3A_32 = arith.addf %slice3A_29, %mul3A_31 : vector<2000x128xf32>
    %div3A = vector.broadcast %add3A_28 : vector<2000x1xf32> to vector<2000x128xf32>
    %div3A_33 = arith.divf %add3A_32, %div3A : vector<2000x128xf32>
    %get3A_34 = arith.constant 0 : index
    %get3A_35 = vector.load %arg5[%get3A_34] : memref<128xf32, #tpu.memory_space<vmem>>, vector<128xf32>
    %broadcast_in_dim3A = vector.shape_cast %get3A_35 : vector<128xf32> to vector<1x128xf32>
    %add3A_36 = vector.broadcast %broadcast_in_dim3A : vector<1x128xf32> to vector<2000x128xf32>
    %add3A_37 = arith.addf %div3A_33, %add3A_36 : vector<2000x128xf32>
    %swap3A = arith.constant 0 : index
    %swap3A_38 = arith.constant 0 : index
    %swap3A_39 = vector.load %arg6[%swap3A, %swap3A_38] : memref<2000x128xf32, #tpu.memory_space<vmem>>, vector<2000x128xf32>
    tpu.vector_store %arg6[%swap3A, %swap3A_38], %add3A_37 {strides = array<i32>} : memref<2000x128xf32, #tpu.memory_space<vmem>>, vector<2000x128xf32>,
    return
  }
  func.func @transform_0(%arg0: i32) -> (i32, i32, i32) {
    %c0_i32 = arith.constant 0 : i32
    %c0_i32_0 = arith.constant 0 : i32
    %c0_i32_1 = arith.constant 0 : i32
    return %c0_i32, %arg0, %c0_i32_0 : i32, i32, i32
  }
  func.func @transform_1(%arg0: i32) -> (i32, i32) {
    %c0_i32 = arith.constant 0 : i32
    %c0_i32_0 = arith.constant 0 : i32
    return %arg0, %c0_i32 : i32, i32
  }
  func.func @transform_2(%arg0: i32) -> (i32, i32) {
    %c0_i32 = arith.constant 0 : i32
    %c0_i32_0 = arith.constant 0 : i32
    return %arg0, %c0_i32 : i32, i32
  }
  func.func @transform_3(%arg0: i32) -> (i32, i32) {
    %c0_i32 = arith.constant 0 : i32
    %c0_i32_0 = arith.constant 0 : i32
    return %arg0, %c0_i32 : i32, i32
  }
  func.func @transform_4(%arg0: i32) -> i32 {
    %c0_i32 = arith.constant 0 : i32
    %c0_i32_0 = arith.constant 0 : i32
    return %c0_i32 : i32
  }
  func.func @transform_5(%arg0: i32) -> (i32, i32) {
    %c0_i32 = arith.constant 0 : i32
    %c0_i32_0 = arith.constant 0 : i32
    return %arg0, %c0_i32 : i32, i32
  }
}

</mosaic_0001>

<sc_bundles>
// kernel: kernel.10.cloned.1.call-start
scs
__scs_entry_jumppad:
0x0: {  	(pc) =	sbr.rel $0x88, $3  }
0x1: {  	(tag) =	ssettag $0x0;
	lr =	simm.s32 $0x1  }
0x2: {  	[smem:$0x3F97] =	sst lr;
	_ =	strace $0xD0000000  }
0x3: {  	_ = 	snop  }
0x4: {  	_ = 	snop  }
0x5: {  	_ = 	snop  }
0x6: {  	_ = 	snop  }
0x7: {  	_ = 	snop  }
__scs_overlays_trampoline_lowered:
0x8: {  	[smem:$0x3FA6] =	sst s0  }
0x9: {  	[smem:$0x3FA7] =	sst s1  }
0xa: {  	[smem:$0x3FA8] =	sst s2  }
0xb: {  	[smem:$0x3FA9] =	sst s3  }
0xc: {  	[smem:$0x3FAA] =	sst s4  }
0xd: {  	[smem:$0x3FAB] =	sst s5  }
0xe: {  	[smem:$0x3FAC] =	sst s6  }
0xf: {  	[smem:$0x3FAD] =	sst s7  }
0x10: {  	[smem:$0x3FAE] =	sst s8  }
0x11: {  	[smem:$0x3FAF] =	sst s9;
	s0 =	simm.s32 @!p0 $0x0  }
0x12: {  	s1 =	sld [smem:$0x3F95];
	s0 =	simm.s32 @p0 $0x1  }
0x13: {  	[smem:$0x3FB0] =	sst s0;
	s0 =	simm.s32 @!p1 $0x0  }
0x14: {  	s2 =	sld [smem:$0x3F94];
	s0 =	simm.s32 @p1 $0x1  }
0x15: {  	[smem:$0x3FB1] =	sst s0;
	s0 =	simm.s32 @!p2 $0x0  }
0x16: {  	s3 =	sld [smem:$0x3FDB];
	s0 =	simm.s32 @p2 $0x1  }
0x17: {  	s4 =	simm.s32 $0x1BF5;
	[smem:$0x3FB3] =	sst s0  }
0x18: {  	s0 =	sld [smem:$0x3F96];
	_ =	swait.ge [sflag:s4], $0x0  }
0x19: {  	s7 =	sld [smem:$0x3F97]  }
0x1a: {  	s8 =	sadd.s32 $0xFFFFE003, lr  }
0x1b: {  	s9 =	sadd.s32 $0xFFFFFEF7, lr;
	s5 =	simm.s32 $0xFFFFFFFF;
	p2 =	slt.u32 s8, $0xFFFFF086  }
0x1c: {  	p1 =	slt.u32 s9, $0xF7A;
	s5 =	simm.s32 @!p2 $0x0  }
0x1d: {  	s5 =	simm.s32 @p1 $0x1;
	p0 =	seq.s32 s7, s2  }
0x1e: {  	s7 =	smul.u32 @!p0 $0xF7A, s2;
	p2 =	seq.s32 @!p0 s5, $0x0  }
0x1f: {  	s9 =	smul.u32 $0xF7A, s1;
	s8 =	simm.s32 @!p0 $0x1BF5;
	p2 =	por !p2, p0  }
0x20: {  	[sflag:s8] =	ssyncset.s32 @!p0 $0xFFFFF086;
	s6 =	sadd.s32 @!p0 s3, s7;
	s7 =	simm.s32 @!p0 $0x108  }
0x21: {  	s3 =	sadd.s32 s3, s9;
	s6 =	sadd.s32 @!p0 $0x88, s6;
	s7 =	simm.s32 @p2 $0x1082  }
0x22: {  	[simem:s7], [sflag:s8] =	dma.local @!p0 [hbm:s6], $0xF7A  }
0x23: {  	s9 =	sor.u32 $0xD0000000, s2;
	s6 =	simm.s32 $0x108;
	_ =	swait.ge @!p0 [sflag:s8], $0x0  }
0x24: {  	s3 =	sadd.s32 $0x88, s3;
	s6 =	simm.s32 @!p1 $0x1082;
	[sflag:s4] =	ssyncset.s32 $0xFFFFF086  }
0x25: {  	[simem:s6], [sflag:s4] =	dma.local [hbm:s3], $0xF7A  }
0x26: {  	[smem:$0x3F97] =	sst s1;
	(tag) =	ssettag s2;
	_ =	strace s9  }
0x27: {  	s1 =	sld [smem:$0x3FA7]  }
0x28: {  	s2 =	sld [smem:$0x3FA8]  }
0x29: {  	s4 =	sld [smem:$0x3FAA]  }
0x2a: {  	p0 =	seq.s32 s5, $0x0;
	s5 =	sld [smem:$0x3FAB]  }
0x2b: {  	s6 =	sld [smem:$0x3FAC]  }
0x2c: {  	s7 =	sld [smem:$0x3FAD]  }
0x2d: {  	s3 =	simm.s32 $0x108;
	s8 =	sld [smem:$0x3FAE]  }
0x2e: {  	s3 =	simm.s32 @!p0 $0x1082;
	s9 =	sld [smem:$0x3FAF]  }
0x2f: {  	lr =	sadd.s32 s0, s3;
	s0 =	sld [smem:$0x3FA6]  }
0x30: {  	s3 =	sld [smem:$0x3FA9]  }
0x31: {  	[smem:$0x3FB2] =	sst s10  }
0x32: {  	s10 =	sld [smem:$0x3FB0];
	_ =	sdelay $0x3  }
0x33: {  	p0 =	seq.s32 s10, $0x1;
	s10 =	sld [smem:$0x3FB2];
	_ =	sdelay $0x3  }
0x34: {  	[smem:$0x3FB2] =	sst s10  }
0x35: {  	s10 =	sld [smem:$0x3FB1];
	_ =	sdelay $0x3  }
0x36: {  	p1 =	seq.s32 s10, $0x1;
	s10 =	sld [smem:$0x3FB2];
	_ =	sdelay $0x3  }
0x37: {  	[smem:$0x3FB2] =	sst s10  }
0x38: {  	s10 =	sld [smem:$0x3FB3]  }
0x39: {  	_ = 	snop;
	(pc) =	sbr.ind lr, $3  }
0x3a: {  	_ = 	snop  }
0x3b: {  	_ = 	snop  }
0x3c: {  	p2 =	seq.s32 s10, $0x1;
	s10 =	sld [smem:$0x3FB2]  }
0x3d: {  	_ =	shalt  }
0x3e: {  	_ =	shalt  }
0x3f: {  	_ =	shalt  }
0x40: {  	_ =	shalt  }
0x41: {  	_ =	shalt  }
0x42: {  	_ =	shalt  }
0x43: {  	_ =	shalt  }
0x44: {  	_ =	shalt  }
0x45: {  	_ =	shalt  }
0x46: {  	_ =	shalt  }
0x47: {  	_ =	shalt  }
0x48: {  	_ =	shalt  }
0x49: {  	_ =	shalt  }
0x4a: {  	_ =	shalt  }
0x4b: {  	_ =	shalt  }
0x4c: {  	_ =	shalt  }
0x4d: {  	_ =	shalt  }
0x4e: {  	_ =	shalt  }
0x4f: {  	_ =	shalt  }
0x50: {  	_ =	shalt  }
0x51: {  	_ =	shalt  }
0x52: {  	_ =	shalt  }
0x53: {  	_ =	shalt  }
0x54: {  	_ =	shalt  }
0x55: {  	_ =	shalt  }
0x56: {  	_ =	shalt  }
0x57: {  	_ =	shalt  }
0x58: {  	_ =	shalt  }
0x59: {  	_ =	shalt  }
0x5a: {  	_ =	shalt  }
0x5b: {  	_ =	shalt  }
0x5c: {  	_ =	shalt  }
0x5d: {  	_ =	shalt  }
0x5e: {  	_ =	shalt  }
0x5f: {  	_ =	shalt  }
0x60: {  	_ =	shalt  }
0x61: {  	_ =	shalt  }
0x62: {  	_ =	shalt  }
0x63: {  	_ =	shalt  }
0x64: {  	_ =	shalt  }
0x65: {  	_ =	shalt  }
0x66: {  	_ =	shalt  }
0x67: {  	_ =	shalt  }
0x68: {  	_ =	shalt  }
0x69: {  	_ =	shalt  }
0x6a: {  	_ =	shalt  }
0x6b: {  	_ =	shalt  }
0x6c: {  	_ =	shalt  }
0x6d: {  	_ =	shalt  }
0x6e: {  	_ =	shalt  }
0x6f: {  	_ =	shalt  }
0x70: {  	_ =	shalt  }
0x71: {  	_ =	shalt  }
0x72: {  	_ =	shalt  }
0x73: {  	_ =	shalt  }
0x74: {  	_ =	shalt  }
0x75: {  	_ =	shalt  }
0x76: {  	_ =	shalt  }
0x77: {  	_ =	shalt  }
0x78: {  	_ =	shalt  }
0x79: {  	_ =	shalt  }
0x7a: {  	_ =	shalt  }
0x7b: {  	_ =	shalt  }
0x7c: {  	_ =	shalt  }
0x7d: {  	_ =	shalt  }
0x7e: {  	_ =	shalt  }
0x7f: {  	_ =	shalt  }
0x80: {  	_ =	shalt  }
0x81: {  	_ =	shalt  }
0x82: {  	_ =	shalt  }
0x83: {  	_ =	shalt  }
0x84: {  	_ =	shalt  }
0x85: {  	_ =	shalt  }
0x86: {  	_ =	shalt  }
0x87: {  	_ =	shalt  }
.Lfunc_end0:
.L_simem_size_0:
called_computation.1_lowered:
.L_overlay_start_0:
0x88: {  	s2 =	sld [smem:$0x3FD9]  }
0x89: {  	s3 =	sld [smem:$0x3FFE];
	_ =	sdelay $0x1  }
0x8a: {  	s1 =	srdreg.scid  }
0x8b: {  	s0 =	sand.u32 $0x1, s1  }
0x8c: {  	s17 =	sshll.u32 s0, $0xA;
	s2 =	sadd.s32 s3, s2  }
0x8d: {  	s2 =	sadd.s32 s2, s17  }
0x8e: {  	[smem:$0x3FBE] =	sst s2  }
0x8f: {  	_ = 	snop  }
0x90: {  	s2 =	sld [smem:$0x3FD0];
	(tm) =	ssettm $0x1  }
0x91: {  	s18 =	sld [smem:$0x3FFB];
	_ =	sdelay $0x3  }
0x92: {  	_ =	strace s18  }
0x93: {  	s3 =	sld [smem:$0x3FFC];
	_ =	sdelay $0x3  }
0x94: {  	_ =	strace s3  }
0x95: {  	s3 =	sld [smem:$0x3FFD];
	_ =	sdelay $0x3  }
0x96: {  	_ =	strace s3  }
0x97: {  	_ =	strace $0x8FFFFFFF  }
0x98: {  	s19 =	sld [smem:$0x3FDB];
	_ =	sdelay $0x1  }
0x99: {  	s4 =	simm.s32 $_scs_section_size  }
0x9a: {  	s5 =	simm.s32 $_size__tile_overlayer_lowered;
	s6 =	simm.s32 $_tile_overlayer_lowered  }
0x9b: {  	s22 =	simm.s32 $0x1BFF;
	s21 =	sshll.u32 s6, $0x1;
	s3 =	sadd.s32 s4, s19  }
0x9c: {  	s7 =	simm.s32 $0x0;
	s20 =	sshll.u32 s5, $0x1;
	s5 =	sadd.s32 s21, s3  }
0x9d: {  	[timem:s7], [sflag:s22] =	dma.local [hbm:s5], s20  }
0x9e: {  	_ =	swait.ge [sflag:s22], s20  }
0x9f: {  	s4 =	ssub.s32 $0x0, s20;
	[sflag:s22] =	ssyncset.done $0x0  }
0xa0: {  	[sflag:s22] =	ssyncadd.s32 s4;
	_ =	sdelay $0x1  }
0xa1: {  	s23 =	simm.s32 $0x1B8B  }
0xa2: {  	_ =	swait.ge [sflag:s23], $0x1  }
0xa3: {  	[sflag:s23] =	ssyncset.done $0x0  }
0xa4: {  	s25 =	simm.s32 $0x1B8E;
	s24 =	sld [smem:$0x3FFE];
	[sflag:s23] =	ssyncadd.s32 $0xFFFFFFFF  }
0xa5: {  	s26 =	simm.s32 $execute0_lowered;
	[smem:$0x3FD2] =	sst s25  }
0xa6: {  	s5 =	sshll.u32 s26, $0x1;
	_ =	strace $0x80000049;
	[dreg:$0x1] =	wrdreg $0xFFFFFFFF  }
0xa7: {  	s28 =	simm.s32 $_size_execute0_lowered;
	s3 =	sadd.s32 s3, s5;
	[dreg:$0x0] =	wrdreg $0x0  }
0xa8: {  	s5 =	sshll.u32 s28, $0x1;
	[dreg:$0x2] =	wrdreg s3  }
0xa9: {  	[dreg:$0x3] =	wrdreg s5  }
0xaa: {  	[dreg:$0x4] =	wrdreg $0xC0  }
0xab: {  	_ =	task [dreg:s7], $0x5FFFF  }
0xac: {  	[dreg:$0x1] =	wrdreg $0xFFFFFFFF  }
0xad: {  	[dreg:$0x0] =	wrdreg $0x60  }
0xae: {  	[dreg:$0x2] =	wrdreg s2  }
0xaf: {  	[dreg:$0x3] =	wrdreg s24  }
0xb0: {  	[dreg:$0x4] =	wrdreg $0x6A900  }
0xb1: {  	[dreg:$0x5] =	wrdreg $0x9  }
0xb2: {  	_ =	task.clear_ibuf [dreg:s7], $0x6FFFF;
	_ =	strace $0x90000049  }
0xb3: {  	s29 =	simm.s32 $0x9;
	_ =	strace $0x8000004B  }
0xb4: {  	_ =	swait.ge [sflag:s29], $0x1  }
0xb5: {  	[sflag:s29] =	ssyncadd.s32 $0xFFFFFFFF  }
0xb6: {  	_ =	strace $0x9000004B  }
0xb7: {  	_ =	sfence  }
0xb8: {  	s30 =	sld [smem:$0x0];
	_ =	sdelay $0x2  }
0xb9: {  	s31 =	sshll.u32 s1, $0xD;
	s1 =	sshrl.u32 s1, $0x2  }
0xba: {  	s3 =	sand.u32 $0x4000, s31;
	s1 =	sadd.s32 s1, s30  }
0xbb: {  	s0 =	sor.u32 s3, s0;
	s1 =	sshll.u32 s1, $0x11  }
0xbc: {  	s0 =	sor.u32 s1, s0  }
0xbd: {  	s0 =	sadd.s32 $0x8F2B, s0  }
0xbe: {  	[sflag:s0] =	ssyncadd.remote.s32 $0x1  }
0xbf: {  	_ =	sfence.sel $0xFFFF  }
0xc0: {  	[dreg:$0x0] =	wrdreg $0xFFFFFFFF;
	(pc) =	sbr.abs _section_cstart, $3  }
0xc1: {  	[dreg:$0x1] =	wrdreg $0xFFFFFFFF  }
0xc2: {  	_ =	task.clear_ibuf [dreg:s7], $0x2FFFF;
	_ =	strace $0x9FFFFFFF  }
0xc3: {  	(tm) =	ssettm $0x7FFFFFFF  }
tec
execute0_lowered:
.L_overlay_start_1:
0x0: {  	(tag) =	ssettag $0x1  }
0x1: {  	s1 =	rddreg [dreg:$0x0]  }
0x2: {  	s0 =	rddreg [dreg:$0x1]  }
0x3: {  	s2 =	rddreg [dreg:$0x2];
	s3 =	srdreg.scid  }
0x4: {  	s4 =	simm.s32 $0x0;
	s17 =	stileid.u32;
	s28 =	simm.s32 $0x0  }
0x5: {  	s3 =	sand.u32 $0x1, s3;
	[smem:$0x7FF] =	sst s4;
	s6 =	sadd.s32 $0x19800, s0  }
0x6: {  	s7 =	sadd.s32 $0xE00, s0;
	s13 =	smul.u32 $0x280, s17;
	s5 =	sshll.u32 s3, $0x4  }
0x7: {  	s18 =	sadd.s32 $0x1E800, s0;
	s24 =	smul.u32 $0x5A000, s17;
	s8 =	sor.u32 s17, s5  }
0x8: {  	p0 =	seq.s32 s17, $0xF;
	_ =	strace $0x8000004A;
	s9 =	smul.u32 $0x7D, s8  }
0x9: {  	s10 =	ssub.s32 $0x2, s3;
	[dreg:$0x4] =	wrdreg s18;
	s11 =	smul.u32 $0x4E20, s8  }
0xa: {  	s5 =	sadd.s32 $0x14800, s0;
	s20 =	sshrl.u32 s10, $0x1;
	s8 =	smul.u32 $0x9C4, s8  }
0xb: {  	s25 =	sor.u32 $0x50, s13;
	s0 =	ssub.s32 s10, s20;
	s10 =	smul.u32 $0x15F900, s3  }
0xc: {  	s14 =	sadd.s32 $0xA0, s13;
	s29 =	sshrl.u32 s24, $0x2;
	s26 =	smul.u32 $0x240, s25  }
0xd: {  	s16 =	sadd.s32 $0x2D000, s24;
	s15 =	smul.u32 $0x240, s14;
	s30 =	sadd.s32 s29, s2  }
0xe: {  	s19 =	sshrl.u32 s16, $0x2;
	s20 =	sadd.s32 $0x38400, s24;
	s25 =	smul.u32 $0x90, s25  }
0xf: {  	s0 =	smax.u32 s0, $0x1;
	[dreg:$0x8] =	wrdreg s30;
	s21 =	sshrl.u32 s11, $0x3  }
0x10: {  	s8 =	sadd.s32 s7, s8;
	s12 =	sadd.s32 $0x2, s9;
	s13 =	sadd.s32 $0x3, s9  }
0x11: {  	[dreg:$0x7] =	wrdreg s0;
	s31 =	sshrl.u32 s26, $0x2;
	s9 =	sshrl.u32 s15, $0x2  }
0x12: {  	s11 =	sadd.s32 $0x21C00, s24;
	s26 =	smul.u32 $0x90, s14;
	s3 =	sadd.s32 s25, s2  }
0x13: {  	[dreg:$0x5] =	wrdreg s8;
	s22 =	sadd.s32 s7, s21;
	s0 =	sadd.s32 s31, s2  }
0x14: {  	s15 =	sshrl.u32 s11, $0x2;
	s21 =	sshrl.u32 s20, $0x2;
	s31 =	sadd.s32 s10, s25  }
0x15: {  	s3 =	sshrl.u32 s3, $0x3;
	s23 =	sadd.s32 $0x14, s22;
	[dreg:$0x9] =	wrdreg s0  }
0x16: {  	s0 =	sadd.s32 s9, s2;
	s22 =	sadd.s32 $0x43800, s24;
	s9 =	smul.u32 $0x16800, s17  }
0x17: {  	s24 =	sadd.s32 $0x4EC00, s24;
	s14 =	sshrl.u32 s31, $0x3;
	[dreg:$0x19] =	wrdreg s3  }
0x18: {  	s8 =	sadd.s32 s26, s2;
	s17 =	simm.s32 $0x6;
	[dreg:$0x6] =	wrdreg s23  }
0x19: {  	[dreg:$0xa] =	wrdreg s0;
	s0 =	sadd.s32 s15, s2;
	s23 =	sshrl.u32 s22, $0x2  }
0x1a: {  	s15 =	sadd.s32 s10, s26;
	[dreg:$0xb] =	wrdreg s0;
	s0 =	sadd.s32 s19, s2  }
0x1b: {  	s29 =	sadd.s32 s10, s9;
	s16 =	sshrl.u32 s15, $0x3;
	s19 =	sadd.s32 $0x8700, s9  }
0x1c: {  	s26 =	sadd.s32 s9, s2;
	[dreg:$0xc] =	wrdreg s0;
	s0 =	sadd.s32 s21, s2  }
0x1d: {  	s30 =	sshrl.u32 s29, $0x3;
	s20 =	sadd.s32 s10, s19;
	s21 =	sadd.s32 $0xB400, s9  }
0x1e: {  	s11 =	sadd.s32 s19, s2;
	s29 =	sshrl.u32 s26, $0x3;
	[dreg:$0xd] =	wrdreg s0  }
0x1f: {  	s19 =	simm.s32 $0x50;
	s0 =	sadd.s32 s23, s2;
	[dreg:$0x18] =	wrdreg s29  }
0x20: {  	s31 =	sshrl.u32 s11, $0x3;
	[dreg:$0xe] =	wrdreg s0;
	s0 =	sshrl.u32 s24, $0x2  }
0x21: {  	s26 =	simm.s32 $0x4;
	[dreg:$0x1b] =	wrdreg s31;
	s0 =	sadd.s32 s0, s2  }
0x22: {  	s22 =	sadd.s32 s10, s21;
	[dreg:$0xf] =	wrdreg s0;
	s0 =	sadd.s32 s18, s30  }
0x23: {  	s23 =	sadd.s32 $0xE100, s9;
	s30 =	sshrl.u32 s8, $0x3;
	[dreg:$0x10] =	wrdreg s0  }
0x24: {  	s24 =	sadd.s32 s21, s2;
	s0 =	sadd.s32 s18, s14;
	[dreg:$0x1a] =	wrdreg s30  }
0x25: {  	s21 =	simm.s32 $0x2990;
	[dreg:$0x11] =	wrdreg s0;
	s0 =	sadd.s32 s18, s16  }
0x26: {  	s16 =	sadd.s32 s10, s23;
	[dreg:$0x12] =	wrdreg s0;
	s0 =	sshrl.u32 s20, $0x3  }
0x27: {  	s25 =	sshrl.u32 s16, $0x3;
	s16 =	sadd.s32 $0x10E00, s9;
	s9 =	sadd.s32 $0x13B00, s9  }
0x28: {  	s20 =	simm.s32 $0x190;
	s0 =	sadd.s32 s18, s0;
	s14 =	sadd.s32 s18, s25  }
0x29: {  	s9 =	simm.s32 @p0 $0x165300;
	s16 =	simm.s32 @p0 $0x162600;
	[dreg:$0x13] =	wrdreg s0  }
0x2a: {  	s25 =	simm.s32 $0x5;
	s0 =	sshrl.u32 s22, $0x3;
	[dreg:$0x15] =	wrdreg s14  }
.Ltmp0:
0x2b: {  	s14 =	sadd.s32 s23, s2;
	[dreg:$0x17] =	wrdreg s9;
	(pc) =	sbr.rel .LBB2_1-.Ltmp0, $4  }
0x2c: {  	[dreg:$0x16] =	wrdreg s16;
	s16 =	simm.s32 $0x3D90;
	s0 =	sadd.s32 s18, s0  }
0x2d: {  	s22 =	simm.s32 $0x3390;
	[dreg:$0x14] =	wrdreg s0;
	s0 =	sshrl.u32 s24, $0x3  }
0x2e: {  	s23 =	simm.s32 $0x3;
	[dreg:$0x1c] =	wrdreg s0;
	s0 =	sshrl.u32 @!p0 s14, $0x3  }
0x2f: {  	v0 =	vimm.f32 $0.0e+00;
	v1 =	vimm.s32 $0x0;
	s18 =	simm.s32 $0x1;
	s24 =	simm.s32 $0x140;
	[dreg:$0x1d] =	wrdreg s0  }
.LBB2_10:
0x30: {  	_ =	swait.ge [sflag:s25], $0x2D00  }
0x31: {  	[sflag:s25] =	ssyncset.done $0x0  }
0x32: {  	[sflag:s25] =	ssyncadd.s32 $0xFFFFD300  }
0x33: {  	s0 =	stileid.u32;
	[bflag:$0x0] =	sbarrier.arrive $0xFFFF  }
0x34: {  	s0 =	sshll.u32 s0, $0x6;
	s3 =	rddreg [dreg:$0x10]  }
0x35: {  	s0 =	sor.u32 $0x1C06, s0;
	s8 =	rddreg [dreg:$0x18]  }
0x36: {  	[hbm:s3], [sflag:s0] =	dma.local [spmem:s8], $0x5A0  }
0x37: {  	_ =	swait.ge [sflag:s17], $0x5A0  }
0x38: {  	[sflag:s17] =	ssyncset.done $0x0;
	s30 =	rddreg [dreg:$0x11]  }
0x39: {  	s31 =	rddreg [dreg:$0x19];
	[sflag:s17] =	ssyncadd.s32 $0xFFFFFA60  }
0x3a: {  	[hbm:s30], [sflag:s0] =	dma.local [spmem:s31], $0x5A0  }
0x3b: {  	_ =	swait.ge [sflag:s17], $0x5A0  }
0x3c: {  	[sflag:s17] =	ssyncset.done $0x0;
	s9 =	rddreg [dreg:$0x12]  }
0x3d: {  	s11 =	rddreg [dreg:$0x1a];
	[sflag:s17] =	ssyncadd.s32 $0xFFFFFA60  }
0x3e: {  	[hbm:s9], [sflag:s0] =	dma.local [spmem:s11], $0x5A0  }
0x3f: {  	_ =	swait.ge [sflag:s17], $0x5A0  }
0x40: {  	[sflag:s17] =	ssyncset.done $0x0;
	s14 =	rddreg [dreg:$0x13]  }
0x41: {  	s15 =	rddreg [dreg:$0x1b];
	[sflag:s17] =	ssyncadd.s32 $0xFFFFFA60  }
0x42: {  	[hbm:s14], [sflag:s0] =	dma.local [spmem:s15], $0x5A0  }
0x43: {  	_ =	swait.ge [sflag:s17], $0x5A0  }
0x44: {  	[sflag:s17] =	ssyncset.done $0x0;
	s29 =	rddreg [dreg:$0x14]  }
0x45: {  	s30 =	rddreg [dreg:$0x1c];
	[sflag:s17] =	ssyncadd.s32 $0xFFFFFA60  }
0x46: {  	[hbm:s29], [sflag:s0] =	dma.local [spmem:s30], $0x5A0  }
0x47: {  	_ =	swait.ge [sflag:s17], $0x5A0  }
0x48: {  	[sflag:s17] =	ssyncset.done $0x0;
	s3 =	rddreg [dreg:$0x15]  }
0x49: {  	s8 =	rddreg [dreg:$0x1d];
	[sflag:s17] =	ssyncadd.s32 $0xFFFFFA60  }
0x4a: {  	[hbm:s3], [sflag:s0] =	dma.local @!p0 [spmem:s8], $0x5A0  }
0x4b: {  	s3 =	simm.s32 @!p0 $0x6  }
0x4c: {  	_ =	swait.ge @!p0 [sflag:s3], $0x5A0  }
0x4d: {  	s9 =	rddreg [dreg:$0x16]  }
0x4e: {  	[sflag:s3] =	ssyncset.done @!p0 $0x0;
	s8 =	sadd.s32 @!p0 s10, s9  }
0x4f: {  	s11 =	rddreg [dreg:$0x4];
	s9 =	sadd.s32 @!p0 s9, s2;
	s8 =	sshrl.u32 @!p0 s8, $0x3  }
0x50: {  	[sflag:s3] =	ssyncadd.s32 @!p0 $0xFFFFFA60;
	s9 =	sshrl.u32 @!p0 s9, $0x3;
	s8 =	sadd.s32 @!p0 s11, s8  }
0x51: {  	[hbm:s8], [sflag:s0] =	dma.local @!p0 [spmem:s9], $0x5A0  }
0x52: {  	_ =	swait.ge @!p0 [sflag:s3], $0x5A0  }
0x53: {  	s9 =	rddreg [dreg:$0x17]  }
0x54: {  	s8 =	sadd.s32 @!p0 s10, s9  }
0x55: {  	[sflag:s3] =	ssyncset.done @!p0 $0x0;
	s9 =	sadd.s32 @!p0 s9, s2;
	s8 =	sshrl.u32 @!p0 s8, $0x3  }
0x56: {  	[sflag:s3] =	ssyncadd.s32 @!p0 $0xFFFFFA60;
	s9 =	sshrl.u32 @!p0 s9, $0x3;
	s8 =	sadd.s32 @!p0 s11, s8  }
0x57: {  	[hbm:s8], [sflag:s0] =	dma.local @!p0 [spmem:s9], $0x5A0  }
0x58: {  	_ =	swait.ge @!p0 [sflag:s3], $0x5A0  }
0x59: {  	s28 =	sadd.s32 $0x1, s28;
	s31 =	rddreg [dreg:$0x7]  }
0x5a: {  	p1 =	sne.s32 s28, s31  }
.Ltmp1:
0x5b: {  	_ = 	snop;
	(pc) =	sbr.rel @!p1 .LBB2_11-.Ltmp1, $3  }
0x5c: {  	_ =	sdelay $0x1  }
0x5d: {  	[sflag:s3] =	ssyncset.done @!p0 $0x0  }
0x5e: {  	[sflag:s3] =	ssyncadd.s32 @!p0 $0xFFFFFA60  }
.LBB2_1:
0x5f: {  	s0 =	simm.s32 $0x0;
	s3 =	simm.s32 $0x240  }
.LBB2_2:
0x60: {  	p1 =	sne.s32 s3, $0xB1C0;
	[tilespmem:s0+$0x3E10] =	vst v0  }
0x61: {  	[tilespmem:s0+$0x3D90] =	vst v0  }
0x62: {  	[tilespmem:s0+$0x3DA0] =	vst v0  }
0x63: {  	[tilespmem:s0+$0x3DB0] =	vst v0  }
.Ltmp2:
0x64: {  	[tilespmem:s0+$0x3DC0] =	vst v0;
	(pc) =	sbr.rel @p1 .LBB2_2-.Ltmp2, $4  }
0x65: {  	[tilespmem:s0+$0x3DD0] =	vst v0  }
0x66: {  	[tilespmem:s0+$0x3DE0] =	vst v0  }
0x67: {  	[tilespmem:s0+$0x3DF0] =	vst v0  }
0x68: {  	[tilespmem:s0+$0x3E00] =	vst v0;
	s0 =	sshra.s32 s3, $0x2;
	s3 =	sadd.s32 $0x240, s3  }
0x69: {  	[tilespmem:s0+$0x3E10] =	vst v0  }
0x6a: {  	[tilespmem:s0+$0x3D90] =	vst v0  }
0x6b: {  	[tilespmem:s0+$0x3DA0] =	vst v0  }
0x6c: {  	[tilespmem:s0+$0x3DB0] =	vst v0  }
0x6d: {  	[tilespmem:s0+$0x3DC0] =	vst v0  }
0x6e: {  	[tilespmem:s0+$0x3DD0] =	vst v0  }
0x6f: {  	[tilespmem:s0+$0x3DE0] =	vst v0  }
0x70: {  	[tilespmem:s0+$0x3DF0] =	vst v0  }
0x71: {  	[tilespmem:s0+$0x3E00] =	vst v0;
	s3 =	rddreg [dreg:$0x8]  }
0x72: {  	[spmem:s3] =	stream.linear.scatter [tilespmem:s16], [sflag:$0x6], $0x2D00, $0x38;
	[tilespmem:$0x1CA20] =	vst v63  }
0x73: {  	_ =	swait.ge [sflag:s17], $0x2D00  }
0x74: {  	[sflag:s17] =	ssyncset.done $0x0  }
0x75: {  	s8 =	rddreg [dreg:$0x9];
	[sflag:s17] =	ssyncadd.s32 $0xFFFFD300  }
0x76: {  	[spmem:s8] =	stream.linear.scatter [tilespmem:s16], [sflag:$0x6], $0x2D00, $0x38;
	[tilespmem:$0x1CA20] =	vst v63  }
0x77: {  	_ =	swait.ge [sflag:s17], $0x2D00  }
0x78: {  	[sflag:s17] =	ssyncset.done $0x0  }
0x79: {  	s9 =	rddreg [dreg:$0xa];
	[sflag:s17] =	ssyncadd.s32 $0xFFFFD300  }
0x7a: {  	[spmem:s9] =	stream.linear.scatter [tilespmem:s16], [sflag:$0x6], $0x2D00, $0x38;
	[tilespmem:$0x1CA20] =	vst v63  }
0x7b: {  	_ =	swait.ge [sflag:s17], $0x2D00  }
0x7c: {  	[sflag:s17] =	ssyncset.done $0x0  }
0x7d: {  	s11 =	rddreg [dreg:$0xb];
	[sflag:s17] =	ssyncadd.s32 $0xFFFFD300  }
0x7e: {  	[spmem:s11] =	stream.linear.scatter [tilespmem:s16], [sflag:$0x6], $0x2D00, $0x38;
	[tilespmem:$0x1CA20] =	vst v63  }
0x7f: {  	_ =	swait.ge [sflag:s17], $0x2D00  }
0x80: {  	[sflag:s17] =	ssyncset.done $0x0  }
0x81: {  	s14 =	rddreg [dreg:$0xc];
	[sflag:s17] =	ssyncadd.s32 $0xFFFFD300  }
0x82: {  	[spmem:s14] =	stream.linear.scatter [tilespmem:s16], [sflag:$0x6], $0x2D00, $0x38;
	[tilespmem:$0x1CA20] =	vst v63  }
0x83: {  	_ =	swait.ge [sflag:s17], $0x2D00  }
0x84: {  	[sflag:s17] =	ssyncset.done $0x0  }
0x85: {  	s0 =	simm.s32 @!p0 $0x3D90;
	s3 =	rddreg [dreg:$0xd];
	[sflag:s17] =	ssyncadd.s32 $0xFFFFD300  }
0x86: {  	[spmem:s3] =	stream.linear.scatter @!p0 [tilespmem:s0], [sflag:$0x6], $0x2D00, $0x38;
	[tilespmem:$0x1CA20] =	vst v63  }
0x87: {  	s3 =	simm.s32 @!p0 $0x6  }
0x88: {  	_ =	swait.ge @!p0 [sflag:s3], $0x2D00  }
0x89: {  	[sflag:s3] =	ssyncset.done @!p0 $0x0  }
0x8a: {  	s8 =	rddreg [dreg:$0xe];
	[sflag:s3] =	ssyncadd.s32 @!p0 $0xFFFFD300  }
0x8b: {  	[spmem:s8] =	stream.linear.scatter @!p0 [tilespmem:s0], [sflag:$0x6], $0x2D00, $0x38;
	[tilespmem:$0x1CA20] =	vst v63  }
0x8c: {  	_ =	swait.ge @!p0 [sflag:s3], $0x2D00  }
0x8d: {  	[sflag:s3] =	ssyncset.done @!p0 $0x0  }
0x8e: {  	s8 =	rddreg [dreg:$0xf];
	[sflag:s3] =	ssyncadd.s32 @!p0 $0xFFFFD300  }
0x8f: {  	[spmem:s8] =	stream.linear.scatter @!p0 [tilespmem:s0], [sflag:$0x6], $0x2D00, $0x38;
	[tilespmem:$0x1CA20] =	vst v63  }
0x90: {  	_ =	swait.ge @!p0 [sflag:s3], $0x2D00  }
0x91: {  	[sflag:s3] =	ssyncset.done @!p0 $0x0  }
0x92: {  	[sflag:s3] =	ssyncadd.s32 @!p0 $0xFFFFD300  }
0x93: {  	[bflag:$0x0] =	sbarrier.arrive $0xFFFF  }
0x94: {  	s29 =	simm.s32 $0x0;
	s15 =	rddreg [dreg:$0x5]  }
0x95: {  	[tilespmem:s29], [sflag:$0x1] =	stream.linear.gather [hbm4b:s15+s29], $0xA0, $0x38;
	[tilespmem:$0x1CA20] =	vst v63  }
0x96: {  	s31 =	simm.s32 $0xA0;
	s30 =	rddreg [dreg:$0x6]  }
0x97: {  	[tilespmem:s31], [sflag:$0x2] =	stream.linear.gather [hbm4b:s30+s29], $0xA0, $0x38;
	[tilespmem:$0x1CA20] =	vst v63  }
0x98: {  	_ =	swait.ge [sflag:s18], $0xA0  }
0x99: {  	[sflag:s18] =	ssyncset.done $0x0  }
0x9a: {  	[sflag:s18] =	ssyncadd.s32 $0xFFFFFF60  }
0x9b: {  	[tilespmem:s20], [sflag:$0x3] =	stream.indirect.gather [hbm4b:s1+s19], $0x40, s29, s19, $0xb8;
	[tilespmem:$0x1CA20] =	vst v63  }
0x9c: {  	_ = 	snop  }
0x9d: {  	[tilespmem:s21], [sflag:$0x3] =	stream.indirect.gather [hbm4b:s5+s19], $0x10, s29, s19, $0xb8;
	[tilespmem:$0x1CA20] =	vst v63  }
0x9e: {  	_ = 	snop  }
0x9f: {  	[tilespmem:s22], [sflag:$0x3] =	stream.indirect.gather [hbm4b:s6+s19], $0x10, s19, s19, $0xb8;
	[tilespmem:$0x1CA20] =	vst v63  }
.LBB2_4:
0xa0: {  	_ =	swait.ge [sflag:s23], $0x1400  }
0xa1: {  	[sflag:s23] =	ssyncset.done $0x0  }
0xa2: {  	[sflag:s23] =	ssyncadd.s32 $0xFFFFEC00  }
0xa3: {  	_ =	swait.ge [sflag:s23], $0x500  }
0xa4: {  	[sflag:s23] =	ssyncset.done $0x0  }
0xa5: {  	[sflag:s23] =	ssyncadd.s32 $0xFFFFFB00  }
0xa6: {  	_ =	swait.ge [sflag:s23], $0x500  }
0xa7: {  	p1 =	seq.s32 s29, $0x0;
	[sflag:s23] =	ssyncset.done $0x0  }
0xa8: {  	s0 =	simm.s32 @!p1 $0x5;
	[sflag:s23] =	ssyncadd.s32 $0xFFFFFB00  }
0xa9: {  	_ =	swait.ge @!p1 [sflag:s0], $0x2D00  }
0xaa: {  	[sflag:s0] =	ssyncset.done @!p1 $0x0  }
0xab: {  	[sflag:s0] =	ssyncadd.s32 @!p1 $0xFFFFD300  }
0xac: {  	v2 =	vld [tilespmem:$0x50]  }
0xad: {  	v3 =	vld [tilespmem:$0x60]  }
0xae: {  	v4 =	vld [tilespmem:$0x70]  }
0xaf: {  	v5 =	vld [tilespmem:$0x80]  }
0xb0: {  	v6 =	vld [tilespmem:$0x90]  }
0xb1: {  	s0 =	sshll.u32 s29, $0x1;
	p1 =	seq.s32 s29, $0x3E;
	[tilespmem:$0x140] =	vst v2  }
0xb2: {  	s3 =	sadd.s32 @!p1 s0, s12;
	[tilespmem:$0x150] =	vst v3  }
0xb3: {  	s3 =	smul.u32 @!p1 $0x14, s3;
	[tilespmem:$0x160] =	vst v4  }
0xb4: {  	[tilespmem:$0x170] =	vst v5  }
0xb5: {  	s8 =	simm.s32 @!p1 $0x0;
	s3 =	sadd.s32 @!p1 s7, s3;
	[tilespmem:$0x180] =	vst v6  }
0xb6: {  	[tilespmem:s8], [sflag:$0x1] =	stream.linear.gather @!p1 [hbm4b:s3+s8], $0xA0, $0x38;
	[tilespmem:$0x1CA20] =	vst v63  }
0xb7: {  	s3 =	simm.s32 @!p1 $0x2  }
0xb8: {  	_ =	swait.ge @!p1 [sflag:s3], $0xA0  }
0xb9: {  	s9 =	simm.s32 @!p1 $0x1590;
	[sflag:s3] =	ssyncset.done @!p1 $0x0  }
0xba: {  	s8 =	simm.s32 @!p1 $0xA0;
	[sflag:s3] =	ssyncadd.s32 @!p1 $0xFFFFFF60;
	s3 =	simm.s32 @!p1 $0x50  }
0xbb: {  	[tilespmem:s9], [sflag:$0x4] =	stream.indirect.gather @!p1 [hbm4b:s1+s3], $0x40, s8, s3, $0xb8;
	[tilespmem:$0x1CA20] =	vst v63  }
0xbc: {  	s9 =	simm.s32 @!p1 $0x2E90  }
0xbd: {  	[tilespmem:s9], [sflag:$0x4] =	stream.indirect.gather @!p1 [hbm4b:s5+s3], $0x10, s8, s3, $0xb8;
	[tilespmem:$0x1CA20] =	vst v63  }
0xbe: {  	s14 =	simm.s32 $0x29B0;
	s8 =	simm.s32 @!p1 $0xF0;
	s9 =	simm.s32 @!p1 $0x3890  }
0xbf: {  	[tilespmem:s9], [sflag:$0x4] =	stream.indirect.gather @!p1 [hbm4b:s6+s3], $0x10, s8, s3, $0xb8;
	[tilespmem:$0x1CA20] =	vst v63  }
0xc0: {  	s15 =	simm.s32 $0x33B0;
	v2 =	vld [tilespmem:s14+$0x10]  }
0xc1: {  	v3 =	vld [tilespmem:s15+$0x10];
	_ =	sdelay $0x3  }
0xc2: {  	v5 =	vld [tilespmem:s14+$0xFFFFFFF0]  }
0xc3: {  	v2 =	vadd.f32 v3, v2;
	v3 =	vld [tilespmem:s15+$0xFFFFFFF0]  }
0xc4: {  	v4 =	vld [tilespmem:s15+$0xFFFFFFE0]  }
0xc5: {  	v6 =	vld [tilespmem:s14+$0xFFFFFFE0];
	v7 =	vmul.f32 $2.000000030e-01, v2;
	_ =	sdelay $0x1  }
0xc6: {  	v2 =	vmax.f32 v2, v7  }
0xc7: {  	v2 =	vmul.f32 $1.442695020e+00, v2;
	v3 =	vadd.f32 v3, v5;
	_ =	sdelay $0x1  }
0xc8: {  	v4 =	vadd.f32 v4, v6;
	(erf) = vpow2.f32 v2;
	v2 =	vmul.f32 $2.000000030e-01, v3  }
0xc9: {  	v6 =	vld [tilespmem:s14+$0x0]  }
0xca: {  	v5 =	vmul.f32 $2.000000030e-01, v4;
	v2 =	vmax.f32 v3, v2;
	v3 =	vld [tilespmem:s15+$0x0];
	_ =	sdelay $0x1  }
0xcb: {  	v4 =	vmax.f32 v4, v5;
	v2 =	vmul.f32 $1.442695020e+00, v2  }
0xcc: {  	v4 =	vmul.f32 $1.442695020e+00, v4  }
0xcd: {  	(erf) = vpow2.f32 v2  }
0xce: {  	(erf) = vpow2.f32 v4;
	v2 =	vadd.f32 v3, v6;
	_ =	sdelay $0x1  }
0xcf: {  	s3 =	simm.s32 $0x3EB0;
	v3 =	vpop (erf);
	v4 =	vmul.f32 $2.000000030e-01, v2  }
0xd0: {  	s14 =	simm.s32 $0x210;
	[tilespmem:s3+$0x110] =	vst v3  }
0xd1: {  	v5 =	vld [tilespmem:s14+$0x40];
	v2 =	vmax.f32 v2, v4  }
0xd2: {  	v2 =	vmul.f32 $1.442695020e+00, v2;
	_ =	sdelay $0x1  }
0xd3: {  	s11 =	simm.s32 $0x33F0  }
0xd4: {  	s9 =	simm.s32 $0x29F0;
	v12 =	vld [tilespmem:s11+$0xFFFFFFE0];
	v8 =	vperm.xlane v3, v1;
	v4 =	vpop (erf)  }
0xd5: {  	v13 =	vld [tilespmem:s9+$0xFFFFFFF0];
	(erf) = vpow2.f32 v2;
	[tilespmem:s3+$0xFFFFFFF0] =	vst v4;
	v2 =	vpop (erf);
	v3 =	vshll.u32 v5, $0x10  }
0xd6: {  	v9 =	vld [tilespmem:s14+$0xFFFFFFC0];
	v5 =	vand.u32 $0xFFFF0000, v5;
	[tilespmem:s3+$0xFFFFFF60] =	vst v2;
	v3 =	vmul.f32 v3, v8  }
0xd7: {  	v5 =	vmul.f32 v5, v8;
	v10 =	vld [tilespmem:s14+$0xFFFFFF80]  }
0xd8: {  	[tilespmem:s3+$0x90] =	vst v3;
	v3 =	vld [tilespmem:s9+$0x10]  }
0xd9: {  	[tilespmem:s3+$0xA0] =	vst v5;
	v5 =	vld [tilespmem:s11+$0x10]  }
0xda: {  	v11 =	vld [tilespmem:s14+$0x50]  }
0xdb: {  	v15 =	vld [tilespmem:s9+$0x0];
	v6 =	vperm.xlane v4, v1  }
0xdc: {  	v17 =	vld [tilespmem:s11+$0x0];
	v7 =	vperm.xlane v2, v1;
	v2 =	vshll.u32 v9, $0x10  }
0xdd: {  	v14 =	vld [tilespmem:s11+$0xFFFFFFF0];
	v2 =	vmul.f32 v2, v6  }
0xde: {  	v16 =	vld [tilespmem:s9+$0xFFFFFFE0];
	v4 =	vpop (erf);
	v20 =	vshll.u32 v10, $0x10;
	v10 =	vand.u32 $0xFFFF0000, v10;
	v3 =	vadd.f32 v5, v3  }
0xdf: {  	v5 =	vperm.xlane v4, v1;
	[tilespmem:s3+$0x80] =	vst v4;
	v4 =	vand.u32 $0xFFFF0000, v9;
	v9 =	vshll.u32 v11, $0x10  }
0xe0: {  	v19 =	vld [tilespmem:s14+$0x0];
	v11 =	vand.u32 $0xFFFF0000, v11;
	v18 =	vmul.f32 $2.000000030e-01, v3;
	v9 =	vmul.f32 v9, v8  }
0xe1: {  	v15 =	vadd.f32 v17, v15;
	v10 =	vmul.f32 v10, v7;
	v11 =	vmul.f32 v11, v8  }
0xe2: {  	v4 =	vmul.f32 v4, v6;
	v3 =	vmax.f32 v3, v18;
	[tilespmem:s3+$0xB0] =	vst v9;
	v9 =	vadd.f32 v14, v13  }
0xe3: {  	v13 =	vmul.f32 v20, v7;
	[tilespmem:s3+$0xC0] =	vst v11;
	v11 =	vadd.f32 v12, v16;
	v3 =	vmul.f32 $1.442695020e+00, v3  }
0xe4: {  	[tilespmem:s3+$0xFFFFFEF0] =	vst v10;
	v10 =	vmul.f32 $2.000000030e-01, v15;
	v14 =	vmul.f32 $2.000000030e-01, v9  }
0xe5: {  	v12 =	vld [tilespmem:s14+$0x60];
	[tilespmem:s3+$0xFFFFFEE0] =	vst v13;
	v13 =	vmul.f32 $2.000000030e-01, v11;
	(erf) = vpow2.f32 v3;
	v3 =	vshll.u32 v19, $0x10  }
0xe6: {  	[tilespmem:s3+$0xFFFFFF70] =	vst v2;
	v9 =	vmax.f32 v9, v14;
	v2 =	vmul.f32 v3, v5;
	v3 =	vld [tilespmem:s14+$0xFFFFFF90]  }
0xe7: {  	[tilespmem:s3+$0xFFFFFF80] =	vst v4;
	v4 =	vmax.f32 v15, v10;
	v11 =	vmax.f32 v11, v13;
	v9 =	vmul.f32 $1.442695020e+00, v9  }
0xe8: {  	v4 =	vmul.f32 $1.442695020e+00, v4;
	v16 =	vand.u32 $0xFFFF0000, v19;
	v10 =	vmul.f32 $1.442695020e+00, v11  }
0xe9: {  	v13 =	vmul.f32 v16, v5;
	(erf) = vpow2.f32 v9  }
0xea: {  	v14 =	vshll.u32 v12, $0x10;
	[tilespmem:s3+$0x0] =	vst v2;
	v2 =	vand.u32 $0xFFFF0000, v12;
	(erf) = vpow2.f32 v10  }
0xeb: {  	v9 =	vmul.f32 v14, v8;
	(erf) = vpow2.f32 v4;
	v4 =	vshll.u32 v3, $0x10  }
0xec: {  	v11 =	vld [tilespmem:s14+$0xFFFFFFD0];
	[tilespmem:s3+$0x10] =	vst v13;
	v2 =	vmul.f32 v2, v8  }
0xed: {  	[tilespmem:s3+$0xD0] =	vst v9  }
0xee: {  	s9 =	simm.s32 $0x40F0;
	[tilespmem:s3+$0xE0] =	vst v2;
	v2 =	vmul.f32 v4, v7;
	v4 =	vpop (erf)  }
0xef: {  	s11 =	simm.s32 $0x310;
	v9 =	vld [tilespmem:s14+$0x10];
	[tilespmem:s9+$0x110] =	vst v4  }
0xf0: {  	v3 =	vand.u32 $0xFFFF0000, v3;
	[tilespmem:s3+$0xFFFFFF00] =	vst v2;
	v2 =	vld [tilespmem:s11+$0x40]  }
0xf1: {  	v10 =	vshll.u32 v11, $0x10;
	v3 =	vmul.f32 v3, v7;
	v11 =	vand.u32 $0xFFFF0000, v11  }
0xf2: {  	s30 =	simm.s32 $0x3430;
	v11 =	vmul.f32 v11, v6  }
0xf3: {  	v22 =	vld [tilespmem:s30+$0x10];
	s15 =	simm.s32 $0x2A30;
	v10 =	vmul.f32 v10, v6;
	[tilespmem:s3+$0xFFFFFF10] =	vst v3  }
0xf4: {  	v20 =	vld [tilespmem:s15+$0x10];
	[tilespmem:s3+$0xFFFFFFA0] =	vst v11;
	v11 =	vperm.xlane v4, v1;
	v12 =	vshll.u32 v9, $0x10  }
0xf5: {  	[tilespmem:s3+$0xFFFFFF90] =	vst v10;
	v13 =	vld [tilespmem:s14+$0xFFFFFFA0];
	v12 =	vmul.f32 v12, v5;
	v3 =	vpop (erf);
	v14 =	vshll.u32 v2, $0x10  }
0xf6: {  	v16 =	vld [tilespmem:s14+$0xFFFFFFE0];
	[tilespmem:s9+$0xFFFFFFF0] =	vst v3;
	v2 =	vand.u32 $0xFFFF0000, v2;
	v14 =	vmul.f32 v14, v11  }
0xf7: {  	v10 =	vld [tilespmem:s14+$0x70];
	v9 =	vand.u32 $0xFFFF0000, v9;
	[tilespmem:s3+$0x20] =	vst v12;
	v2 =	vmul.f32 v2, v11  }
0xf8: {  	v25 =	vld [tilespmem:s30+$0xFFFFFFF0];
	v9 =	vmul.f32 v9, v5;
	[tilespmem:s9+$0x90] =	vst v14  }
0xf9: {  	v17 =	vld [tilespmem:s11+$0xFFFFFFC0];
	[tilespmem:s9+$0xA0] =	vst v2  }
0xfa: {  	v20 =	vadd.f32 v22, v20;
	v4 =	vpop (erf);
	[tilespmem:s3+$0x30] =	vst v9;
	v21 =	vshll.u32 v13, $0x10;
	v13 =	vand.u32 $0xFFFF0000, v13;
	v18 =	vld [tilespmem:s11+$0x50]  }
0xfb: {  	v22 =	vld [tilespmem:s30+$0x0];
	v3 =	vperm.xlane v3, v1;
	[tilespmem:s9+$0xFFFFFF60] =	vst v4;
	v15 =	vpop (erf);
	v13 =	vmul.f32 v13, v7;
	v23 =	vshll.u32 v16, $0x10  }
0xfc: {  	v4 =	vperm.xlane v4, v1;
	[tilespmem:s9+$0x80] =	vst v15;
	v12 =	vld [tilespmem:s11+$0xFFFFFF80];
	v23 =	vmul.f32 v23, v6;
	v2 =	vand.u32 $0xFFFF0000, v10  }
0xfd: {  	v9 =	vld [tilespmem:s14+$0x20];
	[tilespmem:s3+$0xFFFFFF30] =	vst v13;
	v13 =	vmul.f32 $2.000000030e-01, v20;
	v19 =	vmul.f32 v2, v8  }
0xfe: {  	v14 =	vld [tilespmem:s11+$0x0];
	v2 =	vperm.xlane v15, v1;
	v15 =	vmul.f32 v21, v7;
	v26 =	vshll.u32 v17, $0x10  }
0xff: {  	[tilespmem:s3+$0xFFFFFFB0] =	vst v23;
	v21 =	vld [tilespmem:s15+$0xFFFFFFF0];
	v17 =	vand.u32 $0xFFFF0000, v17;
	v13 =	vmax.f32 v20, v13;
	v24 =	vshll.u32 v18, $0x10  }
0x100: {  	v17 =	vmul.f32 v17, v3;
	[tilespmem:s3+$0x100] =	vst v19;
	v19 =	vld [tilespmem:s30+$0xFFFFFFE0];
	v18 =	vand.u32 $0xFFFF0000, v18;
	v24 =	vmul.f32 v24, v11  }
0x101: {  	v27 =	vshll.u32 v12, $0x10;
	v13 =	vmul.f32 $1.442695020e+00, v13;
	[tilespmem:s3+$0xFFFFFF20] =	vst v15;
	v15 =	vld [tilespmem:s15+$0x0];
	v18 =	vmul.f32 v18, v11  }
0x102: {  	v12 =	vand.u32 $0xFFFF0000, v12;
	[tilespmem:s9+$0xB0] =	vst v24;
	v24 =	vmul.f32 v26, v3;
	v26 =	vmul.f32 v27, v4;
	v27 =	vld [tilespmem:s15+$0xFFFFFFE0]  }
0x103: {  	v16 =	vand.u32 $0xFFFF0000, v16;
	v10 =	vshll.u32 v10, $0x10;
	v12 =	vmul.f32 v12, v4;
	[tilespmem:s9+$0xC0] =	vst v18  }
0x104: {  	v8 =	vmul.f32 v10, v8;
	[tilespmem:s9+$0xFFFFFF80] =	vst v17;
	(erf) = vpow2.f32 v13;
	v21 =	vadd.f32 v25, v21;
	v25 =	vld [tilespmem:s11+$0x60]  }
0x105: {  	[tilespmem:s9+$0xFFFFFEF0] =	vst v12;
	v12 =	vmul.f32 v16, v6;
	v16 =	vshll.u32 v9, $0x10;
	v18 =	vshll.u32 v14, $0x10  }
0x106: {  	v9 =	vand.u32 $0xFFFF0000, v9;
	v14 =	vand.u32 $0xFFFF0000, v14;
	v18 =	vmul.f32 v18, v2;
	[tilespmem:s9+$0xFFFFFF70] =	vst v24  }
0x107: {  	v15 =	vadd.f32 v22, v15;
	v14 =	vmul.f32 v14, v2;
	[tilespmem:s9+$0xFFFFFEE0] =	vst v26;
	v19 =	vadd.f32 v19, v27  }
0x108: {  	v9 =	vmul.f32 v9, v5;
	v17 =	vmul.f32 $2.000000030e-01, v21;
	[tilespmem:s9+$0x0] =	vst v18  }
0x109: {  	v23 =	vmul.f32 $2.000000030e-01, v15;
	[tilespmem:s9+$0x10] =	vst v14;
	v14 =	vld [tilespmem:s11+$0xFFFFFF90];
	v13 =	vshll.u32 v25, $0x10;
	v18 =	vmul.f32 $2.000000030e-01, v19  }
0x10a: {  	[tilespmem:s3+$0xFFFFFFC0] =	vst v12;
	v17 =	vmax.f32 v21, v17;
	v22 =	vld [tilespmem:s11+$0xFFFFFFD0];
	v20 =	vand.u32 $0xFFFF0000, v25;
	v13 =	vmul.f32 v13, v11  }
0x10b: {  	[tilespmem:s3+$0x50] =	vst v9;
	v17 =	vmul.f32 $1.442695020e+00, v17;
	v21 =	vld [tilespmem:s11+$0x10];
	v20 =	vmul.f32 v20, v11;
	v18 =	vmax.f32 v19, v18  }
0x10c: {  	v16 =	vmul.f32 v16, v5;
	v9 =	vld [tilespmem:s14+$0xFFFFFFF0];
	v15 =	vmax.f32 v15, v23;
	[tilespmem:s9+$0xD0] =	vst v13;
	v18 =	vmul.f32 $1.442695020e+00, v18  }
0x10d: {  	v12 =	vmul.f32 $1.442695020e+00, v15;
	(erf) = vpow2.f32 v17;
	v13 =	vld [tilespmem:s14+$0xFFFFFFB0];
	[tilespmem:s9+$0xE0] =	vst v20  }
0x10e: {  	v10 =	vshll.u32 v14, $0x10;
	v14 =	vand.u32 $0xFFFF0000, v14;
	v17 =	vld [tilespmem:s11+$0x70];
	(erf) = vpow2.f32 v18  }
0x10f: {  	[tilespmem:s3+$0xF0] =	vst v8;
	v15 =	vshll.u32 v22, $0x10;
	v10 =	vmul.f32 v10, v4;
	(erf) = vpow2.f32 v12  }
0x110: {  	[tilespmem:s3+$0x40] =	vst v16;
	v16 =	vand.u32 $0xFFFF0000, v22;
	v8 =	vand.u32 $0xFFFF0000, v21;
	v14 =	vmul.f32 v14, v4  }
0x111: {  	v16 =	vmul.f32 v16, v3;
	v24 =	vmul.f32 v8, v2;
	v20 =	vpop (erf);
	[tilespmem:s9+$0xFFFFFF00] =	vst v10;
	v18 =	vshll.u32 v21, $0x10;
	v12 =	vld [tilespmem:s14+$0x30];
	s14 =	simm.s32 $0x4330  }
0x112: {  	s15 =	simm.s32 $0x410;
	v8 =	vand.u32 $0xFFFF0000, v9;
	v10 =	vmul.f32 v15, v3;
	v18 =	vmul.f32 v18, v2;
	[tilespmem:s14+$0x110] =	vst v20  }
0x113: {  	[tilespmem:s9+$0xFFFFFF10] =	vst v14;
	v19 =	vshll.u32 v13, $0x10;
	v13 =	vand.u32 $0xFFFF0000, v13;
	v15 =	vand.u32 $0xFFFF0000, v17;
	v21 =	vld [tilespmem:s15+$0x40]  }
0x114: {  	v23 =	vshll.u32 v9, $0x10;
	[tilespmem:s9+$0xFFFFFFA0] =	vst v16;
	v14 =	vmul.f32 v13, v7;
	v22 =	vmul.f32 v15, v11  }
0x115: {  	v25 =	vld [tilespmem:s11+$0xFFFFFFA0];
	[tilespmem:s9+$0xFFFFFF90] =	vst v10;
	v13 =	vmul.f32 v23, v6;
	v15 =	vmul.f32 v19, v7  }
0x116: {  	v9 =	vshll.u32 v12, $0x10;
	[tilespmem:s9+$0x100] =	vst v22;
	v7 =	vand.u32 $0xFFFF0000, v12;
	v12 =	vmul.f32 v8, v6;
	v8 =	vpop (erf)  }
0x117: {  	v16 =	vshll.u32 v17, $0x10;
	v19 =	vld [tilespmem:s11+$0xFFFFFFE0];
	v6 =	vperm.xlane v20, v1;
	v10 =	vmul.f32 v9, v5;
	[tilespmem:s14+$0xFFFFFFF0] =	vst v8;
	v17 =	vpop (erf)  }
0x118: {  	v9 =	vmul.f32 v7, v5;
	v5 =	vperm.xlane v8, v1;
	v20 =	vld [tilespmem:s15+$0xFFFFFFC0];
	v7 =	vshll.u32 v21, $0x10;
	[tilespmem:s14+$0xFFFFFF60] =	vst v17;
	v22 =	vpop (erf)  }
0x119: {  	v8 =	vperm.xlane v17, v1;
	v17 =	vand.u32 $0xFFFF0000, v21;
	v21 =	vmul.f32 v7, v6;
	v23 =	vld [tilespmem:s15+$0xFFFFFF80];
	[tilespmem:s14+$0x80] =	vst v22  }
0x11a: {  	[tilespmem:s9+$0x20] =	vst v18;
	v11 =	vmul.f32 v16, v11;
	v16 =	vmul.f32 v17, v6;
	v17 =	vshll.u32 v25, $0x10;
	v18 =	vld [tilespmem:s15+$0x0]  }
0x11b: {  	v7 =	vperm.xlane v22, v1;
	v22 =	vand.u32 $0xFFFF0000, v25;
	[tilespmem:s14+$0x90] =	vst v21;
	v26 =	vmul.f32 v17, v4  }
0x11c: {  	v21 =	vmul.f32 v22, v4;
	v17 =	vand.u32 $0xFFFF0000, v19;
	[tilespmem:s14+$0xA0] =	vst v16;
	v16 =	vshll.u32 v19, $0x10  }
0x11d: {  	[tilespmem:s9+$0x30] =	vst v24;
	v19 =	vshll.u32 v20, $0x10;
	v22 =	vand.u32 $0xFFFF0000, v20;
	v20 =	vld [tilespmem:s15+$0x50];
	v16 =	vmul.f32 v16, v3  }
0x11e: {  	s31 =	simm.s32 $0x8;
	s8 =	simm.s32 $0x2A70;
	v24 =	vmul.f32 v19, v5;
	[tilespmem:s9+$0xFFFFFF20] =	vst v26;
	v19 =	vld [tilespmem:s11+$0x20];
	v25 =	vshll.u32 v23, $0x10;
	v23 =	vand.u32 $0xFFFF0000, v23  }
.LBB2_5:
0x11f: {  	v26 =	vld [tilespmem:s8+$0x10];
	v25 =	vmul.f32 v25, v8;
	v27 =	vshll.u32 v18, $0x10;
	v18 =	vand.u32 $0xFFFF0000, v18;
	s30 =	sadd.s32 $0x40, s30;
	[tilespmem:s9+$0xFFFFFF30] =	vst v21  }
0x120: {  	v23 =	vmul.f32 v23, v8;
	v22 =	vmul.f32 v22, v5;
	v21 =	vld [tilespmem:s30+$0x10];
	[tilespmem:s14+$0xFFFFFF70] =	vst v24  }
0x121: {  	v18 =	vmul.f32 v18, v7;
	v24 =	vld [tilespmem:s30+$0xFFFFFFE0];
	[tilespmem:s14+$0xFFFFFEE0] =	vst v25;
	v25 =	vmul.f32 v27, v7  }
0x122: {  	v17 =	vmul.f32 v17, v3;
	v27 =	vld [tilespmem:s8+$0xFFFFFFF0];
	[tilespmem:s14+$0xFFFFFEF0] =	vst v23;
	v23 =	vshll.u32 v20, $0x10  }
0x123: {  	s31 =	sadd.s32 $0x4, s31;
	v20 =	vand.u32 $0xFFFF0000, v20;
	v28 =	vld [tilespmem:s30+$0xFFFFFFF0];
	[tilespmem:s14+$0xFFFFFF80] =	vst v22;
	v22 =	vmul.f32 v23, v6;
	v23 =	vshll.u32 v19, $0x10  }
0x124: {  	p2 =	slt.u32 s31, $0x4C;
	v20 =	vmul.f32 v20, v6;
	v19 =	vand.u32 $0xFFFF0000, v19;
	v29 =	vld [tilespmem:s8+$0x0];
	[tilespmem:s14+$0x0] =	vst v25;
	v23 =	vmul.f32 v23, v2  }
0x125: {  	v19 =	vmul.f32 v19, v2;
	v25 =	vld [tilespmem:s30+$0x0];
	v21 =	vadd.f32 v21, v26;
	[tilespmem:s14+$0xB0] =	vst v22  }
0x126: {  	v22 =	vld [tilespmem:s8+$0xFFFFFFE0];
	[tilespmem:s14+$0xC0] =	vst v20  }
0x127: {  	v20 =	vmul.f32 $2.000000030e-01, v21;
	[tilespmem:s14+$0x10] =	vst v18;
	v18 =	vld [tilespmem:s15+$0x60]  }
0x128: {  	v26 =	vadd.f32 v28, v27;
	v27 =	vld [tilespmem:s15+$0xFFFFFF90];
	[tilespmem:s9+$0xFFFFFFB0] =	vst v16  }
0x129: {  	v16 =	vmax.f32 v21, v20;
	v20 =	vld [tilespmem:s15+$0xFFFFFFD0];
	[tilespmem:s9+$0xFFFFFFC0] =	vst v17  }
0x12a: {  	v17 =	vmul.f32 $2.000000030e-01, v26;
	v21 =	vadd.f32 v25, v29;
	v16 =	vmul.f32 $1.442695020e+00, v16;
	v25 =	vld [tilespmem:s15+$0x10];
	[tilespmem:s9+$0x40] =	vst v23  }
0x12b: {  	v22 =	vadd.f32 v24, v22;
	v23 =	vld [tilespmem:s11+$0xFFFFFFB0];
	[tilespmem:s9+$0x50] =	vst v19  }
0x12c: {  	v19 =	vmul.f32 $2.000000030e-01, v21;
	(erf) = vpow2.f32 v16;
	v16 =	vshll.u32 v18, $0x10;
	v24 =	vld [tilespmem:s11+$0xFFFFFFF0];
	[tilespmem:s3+$0xFFFFFF40] =	vst v15  }
0x12d: {  	v18 =	vand.u32 $0xFFFF0000, v18;
	v15 =	vmul.f32 $2.000000030e-01, v22;
	v16 =	vmul.f32 v16, v6;
	v28 =	vld [tilespmem:s11+$0x30];
	[tilespmem:s3+$0xFFFFFF50] =	vst v14;
	s11 =	smov.u32 s15  }
0x12e: {  	v14 =	vmax.f32 v26, v17;
	v18 =	vmul.f32 v18, v6;
	v17 =	vmax.f32 v21, v19;
	[tilespmem:s3+$0xFFFFFFD0] =	vst v13  }
0x12f: {  	v14 =	vmul.f32 $1.442695020e+00, v14;
	v13 =	vmax.f32 v22, v15;
	v15 =	vmul.f32 $1.442695020e+00, v17;
	[tilespmem:s14+$0xD0] =	vst v16  }
0x130: {  	v16 =	vshll.u32 v27, $0x10;
	v17 =	vand.u32 $0xFFFF0000, v27;
	v13 =	vmul.f32 $1.442695020e+00, v13;
	[tilespmem:s14+$0xE0] =	vst v18  }
0x131: {  	v18 =	vand.u32 $0xFFFF0000, v20;
	(erf) = vpow2.f32 v14;
	v14 =	vshll.u32 v20, $0x10;
	v19 =	vld [tilespmem:s15+$0x70];
	[tilespmem:s3+$0xFFFFFFE0] =	vst v12  }
0x132: {  	v12 =	vshll.u32 v25, $0x10;
	(erf) = vpow2.f32 v13;
	v13 =	vand.u32 $0xFFFF0000, v25;
	[tilespmem:s3+$0x60] =	vst v10  }
0x133: {  	v10 =	vmul.f32 v16, v8;
	(erf) = vpow2.f32 v15;
	v15 =	vshll.u32 v23, $0x10;
	[tilespmem:s3+$0x70] =	vst v9;
	s3 =	smov.u32 s9;
	s9 =	smov.u32 s14  }
0x134: {  	v14 =	vmul.f32 v14, v5;
	v16 =	vand.u32 $0xFFFF0000, v23;
	v9 =	vmul.f32 v17, v8;
	[tilespmem:s3+$0xF0] =	vst v11  }
0x135: {  	v17 =	vmul.f32 v12, v7;
	s14 =	sadd.s32 $0x240, s14;
	v12 =	vshll.u32 v24, $0x10;
	v11 =	vpop (erf);
	[tilespmem:s9+$0xFFFFFF00] =	vst v10;
	v10 =	vmul.f32 v18, v5  }
0x136: {  	s15 =	sadd.s32 $0x100, s15;
	v23 =	vmul.f32 v13, v7;
	v18 =	vand.u32 $0xFFFF0000, v24;
	[tilespmem:s14+$0x110] =	vst v11;
	v13 =	vand.u32 $0xFFFF0000, v19  }
0x137: {  	v21 =	vshll.u32 v28, $0x10;
	v22 =	vand.u32 $0xFFFF0000, v28;
	v20 =	vld [tilespmem:s15+$0x40];
	[tilespmem:s9+$0xFFFFFF10] =	vst v9;
	v9 =	vmul.f32 v13, v6  }
0x138: {  	v15 =	vmul.f32 v15, v4;
	v19 =	vshll.u32 v19, $0x10;
	v24 =	vld [tilespmem:s11+$0xFFFFFFA0];
	[tilespmem:s9+$0xFFFFFF90] =	vst v14;
	v14 =	vmul.f32 v16, v4;
	v4 =	vmovc v8  }
0x139: {  	v13 =	vmul.f32 v12, v3;
	v12 =	vmul.f32 v18, v3;
	v3 =	vmov v5;
	[tilespmem:s9+$0x100] =	vst v9  }
0x13a: {  	v9 =	vmul.f32 v22, v2;
	v5 =	vpop (erf);
	[tilespmem:s9+$0xFFFFFFA0] =	vst v10;
	v10 =	vmul.f32 v21, v2;
	v2 =	vmov v7  }
0x13b: {  	v16 =	vperm.xlane v11, v1;
	[tilespmem:s14+$0xFFFFFFF0] =	vst v5;
	v5 =	vperm.xlane v5, v1;
	v7 =	vpop (erf);
	v22 =	vld [tilespmem:s11+$0xFFFFFFE0]  }
0x13c: {  	v11 =	vmul.f32 v19, v6;
	[tilespmem:s14+$0xFFFFFF60] =	vst v7;
	v8 =	vperm.xlane v7, v1;
	v25 =	vld [tilespmem:s15+$0xFFFFFFC0];
	v18 =	vshll.u32 v20, $0x10;
	v7 =	vpop (erf)  }
0x13d: {  	v6 =	vmovc v16;
	v20 =	vand.u32 $0xFFFF0000, v20;
	v19 =	vld [tilespmem:s15+$0xFFFFFF80];
	[tilespmem:s14+$0x80] =	vst v7;
	v7 =	vperm.xlane v7, v1;
	v21 =	vmul.f32 v18, v16  }
.Ltmp3:
0x13e: {  	v16 =	vmul.f32 v20, v6;
	v20 =	vshll.u32 v24, $0x10;
	v24 =	vand.u32 $0xFFFF0000, v24;
	v18 =	vld [tilespmem:s15+$0x0];
	[tilespmem:s9+$0x20] =	vst v17;
	(pc) =	sbr.rel @p2 .LBB2_5-.Ltmp3, $4  }
0x13f: {  	v26 =	vmul.f32 v20, v4;
	[tilespmem:s14+$0x90] =	vst v21;
	v21 =	vmul.f32 v24, v4  }
0x140: {  	[tilespmem:s14+$0xA0] =	vst v16;
	v16 =	vshll.u32 v22, $0x10;
	v17 =	vand.u32 $0xFFFF0000, v22  }
0x141: {  	v24 =	vshll.u32 v25, $0x10;
	v22 =	vand.u32 $0xFFFF0000, v25;
	v20 =	vld [tilespmem:s15+$0x50];
	v16 =	vmul.f32 v16, v3;
	[tilespmem:s9+$0x30] =	vst v23  }
0x142: {  	s8 =	sadd.s32 $0x40, s8;
	v25 =	vshll.u32 v19, $0x10;
	v23 =	vand.u32 $0xFFFF0000, v19;
	v24 =	vmul.f32 v24, v5;
	[tilespmem:s9+$0xFFFFFF20] =	vst v26;
	v19 =	vld [tilespmem:s11+$0x20]  }
0x143: {  	[tilespmem:s9+$0xFFFFFF30] =	vst v21  }
0x144: {  	[tilespmem:s9+$0xFFFFFFB0] =	vst v16  }
0x145: {  	[tilespmem:s3+$0xFFFFFF40] =	vst v15  }
0x146: {  	[tilespmem:s3+$0xFFFFFF50] =	vst v14  }
0x147: {  	[tilespmem:s3+$0xFFFFFFD0] =	vst v13  }
0x148: {  	[tilespmem:s3+$0xFFFFFFE0] =	vst v12  }
0x149: {  	[tilespmem:s3+$0x60] =	vst v10  }
0x14a: {  	v25 =	vmul.f32 v25, v8;
	[tilespmem:s3+$0x70] =	vst v9  }
0x14b: {  	v56 =	vmul.f32 v23, v8;
	v57 =	vshll.u32 v18, $0x10;
	[tilespmem:s9+$0xF0] =	vst v11  }
0x14c: {  	v60 =	vand.u32 $0xFFFF0000, v18;
	v23 =	vmul.f32 v57, v7;
	[tilespmem:s14+$0xFFFFFEE0] =	vst v25  }
0x14d: {  	v18 =	vmul.f32 v60, v7;
	[tilespmem:s14+$0xFFFFFEF0] =	vst v56;
	v58 =	vshll.u32 v20, $0x10  }
0x14e: {  	v59 =	vand.u32 $0xFFFF0000, v20;
	[tilespmem:s14+$0x0] =	vst v23;
	v23 =	vld [tilespmem:s15+$0xFFFFFF90];
	v21 =	vmul.f32 v58, v6  }
0x14f: {  	[tilespmem:s14+$0x10] =	vst v18;
	v20 =	vmul.f32 v59, v6  }
0x150: {  	v28 =	vld [tilespmem:s15+$0x10];
	[tilespmem:s14+$0xB0] =	vst v21  }
0x151: {  	v22 =	vmul.f32 v22, v5;
	[tilespmem:s14+$0xC0] =	vst v20  }
0x152: {  	v17 =	vmul.f32 v17, v3;
	[tilespmem:s14+$0xFFFFFF70] =	vst v24;
	v63 =	vand.u32 $0xFFFF0000, v19;
	v62 =	vld [tilespmem:s15+$0x60]  }
0x153: {  	[tilespmem:s14+$0xFFFFFF80] =	vst v22;
	v22 =	vmul.f32 v63, v2;
	v29 =	vshll.u32 v23, $0x10  }
0x154: {  	[tilespmem:s9+$0xFFFFFFC0] =	vst v17;
	v24 =	vld [tilespmem:s15+$0xFFFFFFD0];
	v17 =	vand.u32 $0xFFFF0000, v23;
	v13 =	vmul.f32 v29, v8  }
0x155: {  	[tilespmem:s9+$0x50] =	vst v22;
	v31 =	vmul.f32 v17, v8;
	v33 =	vshll.u32 v28, $0x10  }
0x156: {  	v34 =	vand.u32 $0xFFFF0000, v28;
	v35 =	vmul.f32 v33, v7;
	[tilespmem:s14+$0xFFFFFF00] =	vst v13  }
0x157: {  	v40 =	vld [tilespmem:s11+$0xFFFFFFB0];
	v12 =	vmul.f32 v34, v7;
	[tilespmem:s14+$0xFFFFFF10] =	vst v31;
	v25 =	vshll.u32 v62, $0x10  }
0x158: {  	v26 =	vand.u32 $0xFFFF0000, v62;
	v36 =	vld [tilespmem:s15+$0xFFFFFFA0];
	[tilespmem:s14+$0x20] =	vst v35;
	v27 =	vmul.f32 v25, v6  }
0x159: {  	v16 =	vand.u32 $0xFFFF0000, v24;
	[tilespmem:s14+$0x30] =	vst v12;
	v15 =	vmul.f32 v26, v6  }
0x15a: {  	v30 =	vshll.u32 v24, $0x10;
	v16 =	vmul.f32 v16, v5;
	v12 =	vld [tilespmem:s15+$0x20];
	[tilespmem:s14+$0xD0] =	vst v27  }
0x15b: {  	v61 =	vshll.u32 v19, $0x10;
	[tilespmem:s14+$0xE0] =	vst v15;
	v15 =	vmul.f32 v30, v5  }
0x15c: {  	v20 =	vmul.f32 v61, v2;
	v49 =	vand.u32 $0xFFFF0000, v40;
	[tilespmem:s14+$0xFFFFFFA0] =	vst v16;
	v32 =	vld [tilespmem:s15+$0x70]  }
0x15d: {  	v44 =	vld [tilespmem:s11+$0xFFFFFFF0];
	v51 =	vmul.f32 v49, v4;
	[tilespmem:s14+$0xFFFFFF90] =	vst v15;
	v39 =	vshll.u32 v36, $0x10  }
0x15e: {  	[tilespmem:s9+$0x40] =	vst v20;
	v41 =	vand.u32 $0xFFFF0000, v36;
	v15 =	vld [tilespmem:s15+$0xFFFFFFE0];
	v10 =	vmul.f32 v39, v8  }
0x15f: {  	[tilespmem:s9+$0xFFFFFF50] =	vst v51;
	v42 =	vmul.f32 v41, v8;
	v46 =	vshll.u32 v12, $0x10;
	v12 =	vand.u32 $0xFFFF0000, v12  }
0x160: {  	v12 =	vmul.f32 v12, v7;
	[tilespmem:s14+$0xFFFFFF20] =	vst v10  }
0x161: {  	[tilespmem:s14+$0xFFFFFF30] =	vst v42;
	v10 =	vmul.f32 v46, v7;
	v37 =	vand.u32 $0xFFFF0000, v32  }
0x162: {  	v50 =	vshll.u32 v44, $0x10;
	v53 =	vand.u32 $0xFFFF0000, v44;
	[tilespmem:s14+$0x50] =	vst v12;
	v38 =	vmul.f32 v37, v6  }
0x163: {  	v52 =	vld [tilespmem:s15+$0xFFFFFFB0];
	[tilespmem:s14+$0x40] =	vst v10;
	v10 =	vmul.f32 v50, v3;
	v3 =	vmul.f32 v53, v3;
	v43 =	vshll.u32 v15, $0x10  }
0x164: {  	v47 =	vld [tilespmem:s11+$0x30];
	v15 =	vand.u32 $0xFFFF0000, v15;
	[tilespmem:s14+$0x100] =	vst v38;
	v11 =	vmul.f32 v43, v5  }
0x165: {  	v45 =	vmul.f32 v15, v5;
	[tilespmem:s9+$0xFFFFFFE0] =	vst v3  }
0x166: {  	v57 =	vshll.u32 v32, $0x10;
	v58 =	vld [tilespmem:s15+$0x30];
	[tilespmem:s14+$0xFFFFFFB0] =	vst v11  }
0x167: {  	v48 =	vshll.u32 v40, $0x10;
	v3 =	vmul.f32 v57, v6;
	[tilespmem:s14+$0xFFFFFFC0] =	vst v45  }
0x168: {  	[tilespmem:s9+$0xFFFFFFD0] =	vst v10;
	v11 =	vmul.f32 v48, v4;
	v59 =	vshll.u32 v52, $0x10;
	v55 =	vld [tilespmem:s15+$0xFFFFFFF0]  }
0x169: {  	v54 =	vshll.u32 v47, $0x10;
	v56 =	vand.u32 $0xFFFF0000, v47;
	[tilespmem:s14+$0xF0] =	vst v3;
	v6 =	vmul.f32 v59, v8  }
0x16a: {  	[tilespmem:s9+$0xFFFFFF40] =	vst v11;
	v11 =	vmul.f32 v54, v2;
	v2 =	vmul.f32 v56, v2  }
0x16b: {  	v61 =	vshll.u32 v58, $0x10;
	[tilespmem:s14+$0xFFFFFF40] =	vst v6  }
0x16c: {  	v63 =	vmul.f32 v61, v7;
	[tilespmem:s9+$0x70] =	vst v2;
	v2 =	vand.u32 $0xFFFF0000, v52  }
0x16d: {  	[tilespmem:s9+$0x60] =	vst v11;
	v2 =	vmul.f32 v2, v8;
	v3 =	vshll.u32 v55, $0x10  }
0x16e: {  	[tilespmem:s14+$0x60] =	vst v63;
	v60 =	vand.u32 $0xFFFF0000, v55;
	v3 =	vmul.f32 v3, v5  }
.Ltmp4:
0x16f: {  	v62 =	vmul.f32 v60, v5;
	[tilespmem:s14+$0xFFFFFF50] =	vst v2;
	v2 =	vand.u32 $0xFFFF0000, v58;
	(pc) =	sbr.rel @p1 .LBB2_10-.Ltmp4, $4  }
0x170: {  	v2 =	vmul.f32 v2, v7;
	[tilespmem:s14+$0xFFFFFFD0] =	vst v3  }
0x171: {  	[tilespmem:s14+$0xFFFFFFE0] =	vst v62  }
0x172: {  	[tilespmem:s14+$0x70] =	vst v2  }
0x173: {  	[spmem:s2] =	stream.indirect.scatter.add.f32 [tilespmem:s16], [sflag:$0x5], $0x90, s24, s19, $0xb8;
	[tilespmem:$0x1CA20] =	vst v63  }
0x174: {  	_ =	swait.ge [sflag:s26], $0x1400  }
0x175: {  	[sflag:s26] =	ssyncset.done $0x0  }
0x176: {  	[sflag:s26] =	ssyncadd.s32 $0xFFFFEC00  }
0x177: {  	_ =	swait.ge [sflag:s26], $0x500  }
0x178: {  	[sflag:s26] =	ssyncset.done $0x0  }
0x179: {  	[sflag:s26] =	ssyncadd.s32 $0xFFFFFB00  }
0x17a: {  	_ =	swait.ge [sflag:s26], $0x500  }
0x17b: {  	[sflag:s26] =	ssyncset.done $0x0  }
0x17c: {  	[sflag:s26] =	ssyncadd.s32 $0xFFFFFB00  }
0x17d: {  	_ =	swait.ge [sflag:s25], $0x2D00  }
0x17e: {  	[sflag:s25] =	ssyncset.done $0x0  }
0x17f: {  	[sflag:s25] =	ssyncadd.s32 $0xFFFFD300  }
0x180: {  	v2 =	vld [tilespmem:$0xF0]  }
0x181: {  	v3 =	vld [tilespmem:$0x100]  }
0x182: {  	v4 =	vld [tilespmem:$0x110]  }
0x183: {  	v5 =	vld [tilespmem:$0x120]  }
0x184: {  	v6 =	vld [tilespmem:$0x130]  }
0x185: {  	p1 =	sgt.u32 s29, $0x3C;
	[tilespmem:$0x140] =	vst v2  }
0x186: {  	s0 =	sadd.s32 @!p1 s0, s13;
	[tilespmem:$0x150] =	vst v3  }
0x187: {  	s0 =	smul.u32 @!p1 $0x14, s0;
	[tilespmem:$0x160] =	vst v4  }
0x188: {  	[tilespmem:$0x170] =	vst v5  }
0x189: {  	s3 =	simm.s32 @!p1 $0x0;
	s8 =	simm.s32 @!p1 $0xA0;
	s0 =	sadd.s32 @!p1 s7, s0;
	[tilespmem:$0x180] =	vst v6  }
0x18a: {  	[tilespmem:s8], [sflag:$0x2] =	stream.linear.gather @!p1 [hbm4b:s0+s3], $0xA0, $0x38;
	[tilespmem:$0x1CA20] =	vst v63  }
0x18b: {  	_ =	swait.ge [sflag:s18], $0xA0  }
0x18c: {  	[sflag:s18] =	ssyncset.done $0x0  }
0x18d: {  	[sflag:s18] =	ssyncadd.s32 $0xFFFFFF60  }
0x18e: {  	[tilespmem:s20], [sflag:$0x3] =	stream.indirect.gather [hbm4b:s1+s19], $0x40, s4, s19, $0xb8;
	[tilespmem:$0x1CA20] =	vst v63  }
0x18f: {  	_ = 	snop  }
0x190: {  	[tilespmem:s21], [sflag:$0x3] =	stream.indirect.gather [hbm4b:s5+s19], $0x10, s4, s19, $0xb8;
	[tilespmem:$0x1CA20] =	vst v63  }
0x191: {  	s9 =	simm.s32 $0x2EB0  }
0x192: {  	[tilespmem:s22], [sflag:$0x3] =	stream.indirect.gather [hbm4b:s6+s19], $0x10, s19, s19, $0xb8;
	[tilespmem:$0x1CA20] =	vst v63  }
0x193: {  	s11 =	simm.s32 $0x38B0;
	v2 =	vld [tilespmem:s9+$0x10]  }
0x194: {  	v3 =	vld [tilespmem:s11+$0x10];
	_ =	sdelay $0x3  }
0x195: {  	v5 =	vld [tilespmem:s9+$0xFFFFFFF0]  }
0x196: {  	v2 =	vadd.f32 v3, v2;
	v3 =	vld [tilespmem:s11+$0xFFFFFFF0]  }
0x197: {  	v4 =	vld [tilespmem:s11+$0xFFFFFFE0]  }
0x198: {  	v6 =	vld [tilespmem:s9+$0xFFFFFFE0];
	v7 =	vmul.f32 $2.000000030e-01, v2;
	_ =	sdelay $0x1  }
0x199: {  	v2 =	vmax.f32 v2, v7  }
0x19a: {  	v2 =	vmul.f32 $1.442695020e+00, v2;
	v3 =	vadd.f32 v3, v5;
	_ =	sdelay $0x1  }
0x19b: {  	v4 =	vadd.f32 v4, v6;
	(erf) = vpow2.f32 v2;
	v2 =	vmul.f32 $2.000000030e-01, v3  }
0x19c: {  	v6 =	vld [tilespmem:s9+$0x0]  }
0x19d: {  	v5 =	vmul.f32 $2.000000030e-01, v4;
	v2 =	vmax.f32 v3, v2;
	v3 =	vld [tilespmem:s11+$0x0];
	_ =	sdelay $0x1  }
0x19e: {  	v4 =	vmax.f32 v4, v5;
	v2 =	vmul.f32 $1.442695020e+00, v2  }
0x19f: {  	v4 =	vmul.f32 $1.442695020e+00, v4  }
0x1a0: {  	(erf) = vpow2.f32 v2  }
0x1a1: {  	(erf) = vpow2.f32 v4;
	v2 =	vadd.f32 v3, v6;
	_ =	sdelay $0x1  }
0x1a2: {  	s0 =	simm.s32 $0x3EB0;
	v3 =	vpop (erf);
	v4 =	vmul.f32 $2.000000030e-01, v2  }
0x1a3: {  	s11 =	simm.s32 $0x1610;
	[tilespmem:s0+$0x110] =	vst v3  }
0x1a4: {  	v5 =	vld [tilespmem:s11+$0x40];
	v2 =	vmax.f32 v2, v4  }
0x1a5: {  	v2 =	vmul.f32 $1.442695020e+00, v2;
	_ =	sdelay $0x1  }
0x1a6: {  	s15 =	simm.s32 $0x38F0  }
0x1a7: {  	s14 =	simm.s32 $0x2EF0;
	v12 =	vld [tilespmem:s15+$0xFFFFFFE0];
	v8 =	vperm.xlane v3, v1;
	v4 =	vpop (erf)  }
0x1a8: {  	v13 =	vld [tilespmem:s14+$0xFFFFFFF0];
	(erf) = vpow2.f32 v2;
	[tilespmem:s0+$0xFFFFFFF0] =	vst v4;
	v2 =	vpop (erf);
	v3 =	vshll.u32 v5, $0x10  }
0x1a9: {  	v9 =	vld [tilespmem:s11+$0xFFFFFFC0];
	v5 =	vand.u32 $0xFFFF0000, v5;
	[tilespmem:s0+$0xFFFFFF60] =	vst v2;
	v3 =	vmul.f32 v3, v8  }
0x1aa: {  	v5 =	vmul.f32 v5, v8;
	v10 =	vld [tilespmem:s11+$0xFFFFFF80]  }
0x1ab: {  	[tilespmem:s0+$0x90] =	vst v3;
	v3 =	vld [tilespmem:s14+$0x10]  }
0x1ac: {  	[tilespmem:s0+$0xA0] =	vst v5;
	v5 =	vld [tilespmem:s15+$0x10]  }
0x1ad: {  	v11 =	vld [tilespmem:s11+$0x50]  }
0x1ae: {  	v15 =	vld [tilespmem:s14+$0x0];
	v6 =	vperm.xlane v4, v1  }
0x1af: {  	v17 =	vld [tilespmem:s15+$0x0];
	v7 =	vperm.xlane v2, v1;
	v2 =	vshll.u32 v9, $0x10  }
0x1b0: {  	v14 =	vld [tilespmem:s15+$0xFFFFFFF0];
	v2 =	vmul.f32 v2, v6  }
0x1b1: {  	v16 =	vld [tilespmem:s14+$0xFFFFFFE0];
	v4 =	vpop (erf);
	v20 =	vshll.u32 v10, $0x10;
	v10 =	vand.u32 $0xFFFF0000, v10;
	v3 =	vadd.f32 v5, v3  }
0x1b2: {  	v5 =	vperm.xlane v4, v1;
	[tilespmem:s0+$0x80] =	vst v4;
	v4 =	vand.u32 $0xFFFF0000, v9;
	v9 =	vshll.u32 v11, $0x10  }
0x1b3: {  	v19 =	vld [tilespmem:s11+$0x0];
	v11 =	vand.u32 $0xFFFF0000, v11;
	v18 =	vmul.f32 $2.000000030e-01, v3;
	v9 =	vmul.f32 v9, v8  }
0x1b4: {  	v15 =	vadd.f32 v17, v15;
	v10 =	vmul.f32 v10, v7;
	v11 =	vmul.f32 v11, v8  }
0x1b5: {  	v4 =	vmul.f32 v4, v6;
	v3 =	vmax.f32 v3, v18;
	[tilespmem:s0+$0xB0] =	vst v9;
	v9 =	vadd.f32 v14, v13  }
0x1b6: {  	v13 =	vmul.f32 v20, v7;
	[tilespmem:s0+$0xC0] =	vst v11;
	v11 =	vadd.f32 v12, v16;
	v3 =	vmul.f32 $1.442695020e+00, v3  }
0x1b7: {  	[tilespmem:s0+$0xFFFFFEF0] =	vst v10;
	v10 =	vmul.f32 $2.000000030e-01, v15;
	v14 =	vmul.f32 $2.000000030e-01, v9  }
0x1b8: {  	v12 =	vld [tilespmem:s11+$0x60];
	[tilespmem:s0+$0xFFFFFEE0] =	vst v13;
	v13 =	vmul.f32 $2.000000030e-01, v11;
	(erf) = vpow2.f32 v3;
	v3 =	vshll.u32 v19, $0x10  }
0x1b9: {  	[tilespmem:s0+$0xFFFFFF70] =	vst v2;
	v9 =	vmax.f32 v9, v14;
	v2 =	vmul.f32 v3, v5;
	v3 =	vld [tilespmem:s11+$0xFFFFFF90]  }
0x1ba: {  	[tilespmem:s0+$0xFFFFFF80] =	vst v4;
	v4 =	vmax.f32 v15, v10;
	v11 =	vmax.f32 v11, v13;
	v9 =	vmul.f32 $1.442695020e+00, v9  }
0x1bb: {  	v4 =	vmul.f32 $1.442695020e+00, v4;
	v16 =	vand.u32 $0xFFFF0000, v19;
	v10 =	vmul.f32 $1.442695020e+00, v11  }
0x1bc: {  	v13 =	vmul.f32 v16, v5;
	(erf) = vpow2.f32 v9  }
0x1bd: {  	v14 =	vshll.u32 v12, $0x10;
	[tilespmem:s0+$0x0] =	vst v2;
	v2 =	vand.u32 $0xFFFF0000, v12;
	(erf) = vpow2.f32 v10  }
0x1be: {  	v9 =	vmul.f32 v14, v8;
	(erf) = vpow2.f32 v4;
	v4 =	vshll.u32 v3, $0x10  }
0x1bf: {  	v11 =	vld [tilespmem:s11+$0xFFFFFFD0];
	[tilespmem:s0+$0x10] =	vst v13;
	v2 =	vmul.f32 v2, v8  }
0x1c0: {  	[tilespmem:s0+$0xD0] =	vst v9  }
0x1c1: {  	s3 =	simm.s32 $0x40F0;
	[tilespmem:s0+$0xE0] =	vst v2;
	v2 =	vmul.f32 v4, v7;
	v4 =	vpop (erf)  }
0x1c2: {  	s9 =	simm.s32 $0x1710;
	v9 =	vld [tilespmem:s11+$0x10];
	[tilespmem:s3+$0x110] =	vst v4  }
0x1c3: {  	v3 =	vand.u32 $0xFFFF0000, v3;
	[tilespmem:s0+$0xFFFFFF00] =	vst v2;
	v2 =	vld [tilespmem:s9+$0x40]  }
0x1c4: {  	v10 =	vshll.u32 v11, $0x10;
	v3 =	vmul.f32 v3, v7;
	v11 =	vand.u32 $0xFFFF0000, v11  }
0x1c5: {  	s15 =	simm.s32 $0x3930;
	v11 =	vmul.f32 v11, v6  }
0x1c6: {  	s31 =	simm.s32 $0x2F30;
	v22 =	vld [tilespmem:s15+$0x10];
	v10 =	vmul.f32 v10, v6;
	[tilespmem:s0+$0xFFFFFF10] =	vst v3  }
0x1c7: {  	v20 =	vld [tilespmem:s31+$0x10];
	[tilespmem:s0+$0xFFFFFFA0] =	vst v11;
	v11 =	vperm.xlane v4, v1;
	v12 =	vshll.u32 v9, $0x10  }
0x1c8: {  	[tilespmem:s0+$0xFFFFFF90] =	vst v10;
	v13 =	vld [tilespmem:s11+$0xFFFFFFA0];
	v12 =	vmul.f32 v12, v5;
	v3 =	vpop (erf);
	v14 =	vshll.u32 v2, $0x10  }
0x1c9: {  	v16 =	vld [tilespmem:s11+$0xFFFFFFE0];
	[tilespmem:s3+$0xFFFFFFF0] =	vst v3;
	v2 =	vand.u32 $0xFFFF0000, v2;
	v14 =	vmul.f32 v14, v11  }
0x1ca: {  	v10 =	vld [tilespmem:s11+$0x70];
	v9 =	vand.u32 $0xFFFF0000, v9;
	[tilespmem:s0+$0x20] =	vst v12;
	v2 =	vmul.f32 v2, v11  }
0x1cb: {  	v25 =	vld [tilespmem:s15+$0xFFFFFFF0];
	v9 =	vmul.f32 v9, v5;
	[tilespmem:s3+$0x90] =	vst v14  }
0x1cc: {  	v17 =	vld [tilespmem:s9+$0xFFFFFFC0];
	[tilespmem:s3+$0xA0] =	vst v2  }
0x1cd: {  	v20 =	vadd.f32 v22, v20;
	v4 =	vpop (erf);
	[tilespmem:s0+$0x30] =	vst v9;
	v21 =	vshll.u32 v13, $0x10;
	v13 =	vand.u32 $0xFFFF0000, v13;
	v18 =	vld [tilespmem:s9+$0x50]  }
0x1ce: {  	v22 =	vld [tilespmem:s15+$0x0];
	v3 =	vperm.xlane v3, v1;
	[tilespmem:s3+$0xFFFFFF60] =	vst v4;
	v15 =	vpop (erf);
	v13 =	vmul.f32 v13, v7;
	v23 =	vshll.u32 v16, $0x10  }
0x1cf: {  	v4 =	vperm.xlane v4, v1;
	[tilespmem:s3+$0x80] =	vst v15;
	v12 =	vld [tilespmem:s9+$0xFFFFFF80];
	v23 =	vmul.f32 v23, v6;
	v2 =	vand.u32 $0xFFFF0000, v10  }
0x1d0: {  	v9 =	vld [tilespmem:s11+$0x20];
	[tilespmem:s0+$0xFFFFFF30] =	vst v13;
	v13 =	vmul.f32 $2.000000030e-01, v20;
	v19 =	vmul.f32 v2, v8  }
0x1d1: {  	v14 =	vld [tilespmem:s9+$0x0];
	v2 =	vperm.xlane v15, v1;
	v15 =	vmul.f32 v21, v7;
	v26 =	vshll.u32 v17, $0x10  }
0x1d2: {  	[tilespmem:s0+$0xFFFFFFB0] =	vst v23;
	v21 =	vld [tilespmem:s31+$0xFFFFFFF0];
	v17 =	vand.u32 $0xFFFF0000, v17;
	v13 =	vmax.f32 v20, v13;
	v24 =	vshll.u32 v18, $0x10  }
0x1d3: {  	v17 =	vmul.f32 v17, v3;
	[tilespmem:s0+$0x100] =	vst v19;
	v19 =	vld [tilespmem:s15+$0xFFFFFFE0];
	v18 =	vand.u32 $0xFFFF0000, v18;
	v24 =	vmul.f32 v24, v11  }
0x1d4: {  	v27 =	vshll.u32 v12, $0x10;
	v13 =	vmul.f32 $1.442695020e+00, v13;
	[tilespmem:s0+$0xFFFFFF20] =	vst v15;
	v15 =	vld [tilespmem:s31+$0x0];
	v18 =	vmul.f32 v18, v11  }
0x1d5: {  	v12 =	vand.u32 $0xFFFF0000, v12;
	[tilespmem:s3+$0xB0] =	vst v24;
	v24 =	vmul.f32 v26, v3;
	v26 =	vmul.f32 v27, v4;
	v27 =	vld [tilespmem:s31+$0xFFFFFFE0]  }
0x1d6: {  	v16 =	vand.u32 $0xFFFF0000, v16;
	v10 =	vshll.u32 v10, $0x10;
	v12 =	vmul.f32 v12, v4;
	[tilespmem:s3+$0xC0] =	vst v18  }
0x1d7: {  	v8 =	vmul.f32 v10, v8;
	[tilespmem:s3+$0xFFFFFF80] =	vst v17;
	(erf) = vpow2.f32 v13;
	v21 =	vadd.f32 v25, v21;
	v25 =	vld [tilespmem:s9+$0x60]  }
0x1d8: {  	[tilespmem:s3+$0xFFFFFEF0] =	vst v12;
	v12 =	vmul.f32 v16, v6;
	v16 =	vshll.u32 v9, $0x10;
	v18 =	vshll.u32 v14, $0x10  }
0x1d9: {  	v9 =	vand.u32 $0xFFFF0000, v9;
	v14 =	vand.u32 $0xFFFF0000, v14;
	v18 =	vmul.f32 v18, v2;
	[tilespmem:s3+$0xFFFFFF70] =	vst v24  }
0x1da: {  	v15 =	vadd.f32 v22, v15;
	v14 =	vmul.f32 v14, v2;
	[tilespmem:s3+$0xFFFFFEE0] =	vst v26;
	v19 =	vadd.f32 v19, v27  }
0x1db: {  	v9 =	vmul.f32 v9, v5;
	v17 =	vmul.f32 $2.000000030e-01, v21;
	[tilespmem:s3+$0x0] =	vst v18  }
0x1dc: {  	v23 =	vmul.f32 $2.000000030e-01, v15;
	[tilespmem:s3+$0x10] =	vst v14;
	v14 =	vld [tilespmem:s9+$0xFFFFFF90];
	v13 =	vshll.u32 v25, $0x10;
	v18 =	vmul.f32 $2.000000030e-01, v19  }
0x1dd: {  	[tilespmem:s0+$0xFFFFFFC0] =	vst v12;
	v17 =	vmax.f32 v21, v17;
	v22 =	vld [tilespmem:s9+$0xFFFFFFD0];
	v20 =	vand.u32 $0xFFFF0000, v25;
	v13 =	vmul.f32 v13, v11  }
0x1de: {  	[tilespmem:s0+$0x50] =	vst v9;
	v17 =	vmul.f32 $1.442695020e+00, v17;
	v21 =	vld [tilespmem:s9+$0x10];
	v20 =	vmul.f32 v20, v11;
	v18 =	vmax.f32 v19, v18  }
0x1df: {  	v16 =	vmul.f32 v16, v5;
	v9 =	vld [tilespmem:s11+$0xFFFFFFF0];
	v15 =	vmax.f32 v15, v23;
	[tilespmem:s3+$0xD0] =	vst v13;
	v18 =	vmul.f32 $1.442695020e+00, v18  }
0x1e0: {  	v12 =	vmul.f32 $1.442695020e+00, v15;
	(erf) = vpow2.f32 v17;
	v13 =	vld [tilespmem:s11+$0xFFFFFFB0];
	[tilespmem:s3+$0xE0] =	vst v20  }
0x1e1: {  	v10 =	vshll.u32 v14, $0x10;
	v14 =	vand.u32 $0xFFFF0000, v14;
	v17 =	vld [tilespmem:s9+$0x70];
	(erf) = vpow2.f32 v18  }
0x1e2: {  	[tilespmem:s0+$0xF0] =	vst v8;
	v15 =	vshll.u32 v22, $0x10;
	v10 =	vmul.f32 v10, v4;
	(erf) = vpow2.f32 v12  }
0x1e3: {  	[tilespmem:s0+$0x40] =	vst v16;
	v16 =	vand.u32 $0xFFFF0000, v22;
	v8 =	vand.u32 $0xFFFF0000, v21;
	v14 =	vmul.f32 v14, v4  }
0x1e4: {  	v16 =	vmul.f32 v16, v3;
	v24 =	vmul.f32 v8, v2;
	v20 =	vpop (erf);
	[tilespmem:s3+$0xFFFFFF00] =	vst v10;
	v18 =	vshll.u32 v21, $0x10;
	v12 =	vld [tilespmem:s11+$0x30];
	s11 =	simm.s32 $0x4330  }
0x1e5: {  	s14 =	simm.s32 $0x1810;
	v8 =	vand.u32 $0xFFFF0000, v9;
	v10 =	vmul.f32 v15, v3;
	v18 =	vmul.f32 v18, v2;
	[tilespmem:s11+$0x110] =	vst v20  }
0x1e6: {  	[tilespmem:s3+$0xFFFFFF10] =	vst v14;
	v19 =	vshll.u32 v13, $0x10;
	v13 =	vand.u32 $0xFFFF0000, v13;
	v15 =	vand.u32 $0xFFFF0000, v17;
	v21 =	vld [tilespmem:s14+$0x40]  }
0x1e7: {  	v23 =	vshll.u32 v9, $0x10;
	[tilespmem:s3+$0xFFFFFFA0] =	vst v16;
	v14 =	vmul.f32 v13, v7;
	v22 =	vmul.f32 v15, v11  }
0x1e8: {  	v25 =	vld [tilespmem:s9+$0xFFFFFFA0];
	[tilespmem:s3+$0xFFFFFF90] =	vst v10;
	v13 =	vmul.f32 v23, v6;
	v15 =	vmul.f32 v19, v7  }
0x1e9: {  	v9 =	vshll.u32 v12, $0x10;
	[tilespmem:s3+$0x100] =	vst v22;
	v7 =	vand.u32 $0xFFFF0000, v12;
	v12 =	vmul.f32 v8, v6;
	v8 =	vpop (erf)  }
0x1ea: {  	v16 =	vshll.u32 v17, $0x10;
	v19 =	vld [tilespmem:s9+$0xFFFFFFE0];
	v6 =	vperm.xlane v20, v1;
	v10 =	vmul.f32 v9, v5;
	[tilespmem:s11+$0xFFFFFFF0] =	vst v8;
	v17 =	vpop (erf)  }
0x1eb: {  	v9 =	vmul.f32 v7, v5;
	v5 =	vperm.xlane v8, v1;
	v20 =	vld [tilespmem:s14+$0xFFFFFFC0];
	v7 =	vshll.u32 v21, $0x10;
	[tilespmem:s11+$0xFFFFFF60] =	vst v17;
	v22 =	vpop (erf)  }
0x1ec: {  	v8 =	vperm.xlane v17, v1;
	v17 =	vand.u32 $0xFFFF0000, v21;
	v21 =	vmul.f32 v7, v6;
	v23 =	vld [tilespmem:s14+$0xFFFFFF80];
	[tilespmem:s11+$0x80] =	vst v22  }
0x1ed: {  	[tilespmem:s3+$0x20] =	vst v18;
	v11 =	vmul.f32 v16, v11;
	v16 =	vmul.f32 v17, v6;
	v17 =	vshll.u32 v25, $0x10;
	v18 =	vld [tilespmem:s14+$0x0]  }
0x1ee: {  	v7 =	vperm.xlane v22, v1;
	v22 =	vand.u32 $0xFFFF0000, v25;
	[tilespmem:s11+$0x90] =	vst v21;
	v26 =	vmul.f32 v17, v4  }
0x1ef: {  	v21 =	vmul.f32 v22, v4;
	v17 =	vand.u32 $0xFFFF0000, v19;
	[tilespmem:s11+$0xA0] =	vst v16;
	v16 =	vshll.u32 v19, $0x10  }
0x1f0: {  	[tilespmem:s3+$0x30] =	vst v24;
	v19 =	vshll.u32 v20, $0x10;
	v22 =	vand.u32 $0xFFFF0000, v20;
	v20 =	vld [tilespmem:s14+$0x50];
	v16 =	vmul.f32 v16, v3  }
0x1f1: {  	s30 =	simm.s32 $0x8;
	s8 =	simm.s32 $0x2F70;
	v24 =	vmul.f32 v19, v5;
	[tilespmem:s3+$0xFFFFFF20] =	vst v26;
	v19 =	vld [tilespmem:s9+$0x20];
	v25 =	vshll.u32 v23, $0x10;
	v23 =	vand.u32 $0xFFFF0000, v23  }
.LBB2_8:
0x1f2: {  	v26 =	vld [tilespmem:s8+$0x10];
	v25 =	vmul.f32 v25, v8;
	v27 =	vshll.u32 v18, $0x10;
	v18 =	vand.u32 $0xFFFF0000, v18;
	s15 =	sadd.s32 $0x40, s15;
	[tilespmem:s3+$0xFFFFFF30] =	vst v21  }
0x1f3: {  	v23 =	vmul.f32 v23, v8;
	v22 =	vmul.f32 v22, v5;
	v21 =	vld [tilespmem:s15+$0x10];
	[tilespmem:s11+$0xFFFFFF70] =	vst v24  }
0x1f4: {  	v18 =	vmul.f32 v18, v7;
	v24 =	vld [tilespmem:s15+$0xFFFFFFE0];
	[tilespmem:s11+$0xFFFFFEE0] =	vst v25;
	v25 =	vmul.f32 v27, v7  }
0x1f5: {  	v17 =	vmul.f32 v17, v3;
	v27 =	vld [tilespmem:s8+$0xFFFFFFF0];
	[tilespmem:s11+$0xFFFFFEF0] =	vst v23;
	v23 =	vshll.u32 v20, $0x10  }
0x1f6: {  	s30 =	sadd.s32 $0x4, s30;
	v20 =	vand.u32 $0xFFFF0000, v20;
	v28 =	vld [tilespmem:s15+$0xFFFFFFF0];
	[tilespmem:s11+$0xFFFFFF80] =	vst v22;
	v22 =	vmul.f32 v23, v6;
	v23 =	vshll.u32 v19, $0x10  }
0x1f7: {  	p1 =	slt.u32 s30, $0x4C;
	v20 =	vmul.f32 v20, v6;
	v19 =	vand.u32 $0xFFFF0000, v19;
	v29 =	vld [tilespmem:s8+$0x0];
	[tilespmem:s11+$0x0] =	vst v25;
	v23 =	vmul.f32 v23, v2  }
0x1f8: {  	v19 =	vmul.f32 v19, v2;
	v25 =	vld [tilespmem:s15+$0x0];
	v21 =	vadd.f32 v21, v26;
	[tilespmem:s11+$0xB0] =	vst v22  }
0x1f9: {  	v22 =	vld [tilespmem:s8+$0xFFFFFFE0];
	[tilespmem:s11+$0xC0] =	vst v20  }
0x1fa: {  	v20 =	vmul.f32 $2.000000030e-01, v21;
	[tilespmem:s11+$0x10] =	vst v18;
	v18 =	vld [tilespmem:s14+$0x60]  }
0x1fb: {  	v26 =	vadd.f32 v28, v27;
	v27 =	vld [tilespmem:s14+$0xFFFFFF90];
	[tilespmem:s3+$0xFFFFFFB0] =	vst v16  }
0x1fc: {  	v16 =	vmax.f32 v21, v20;
	v20 =	vld [tilespmem:s14+$0xFFFFFFD0];
	[tilespmem:s3+$0xFFFFFFC0] =	vst v17  }
0x1fd: {  	v17 =	vmul.f32 $2.000000030e-01, v26;
	v21 =	vadd.f32 v25, v29;
	v16 =	vmul.f32 $1.442695020e+00, v16;
	v25 =	vld [tilespmem:s14+$0x10];
	[tilespmem:s3+$0x40] =	vst v23  }
0x1fe: {  	v22 =	vadd.f32 v24, v22;
	v23 =	vld [tilespmem:s9+$0xFFFFFFB0];
	[tilespmem:s3+$0x50] =	vst v19  }
0x1ff: {  	v19 =	vmul.f32 $2.000000030e-01, v21;
	(erf) = vpow2.f32 v16;
	v16 =	vshll.u32 v18, $0x10;
	v24 =	vld [tilespmem:s9+$0xFFFFFFF0];
	[tilespmem:s0+$0xFFFFFF40] =	vst v15  }
0x200: {  	v18 =	vand.u32 $0xFFFF0000, v18;
	v15 =	vmul.f32 $2.000000030e-01, v22;
	v16 =	vmul.f32 v16, v6;
	v28 =	vld [tilespmem:s9+$0x30];
	[tilespmem:s0+$0xFFFFFF50] =	vst v14;
	s9 =	smov.u32 s14  }
0x201: {  	v14 =	vmax.f32 v26, v17;
	v18 =	vmul.f32 v18, v6;
	v17 =	vmax.f32 v21, v19;
	[tilespmem:s0+$0xFFFFFFD0] =	vst v13  }
0x202: {  	v14 =	vmul.f32 $1.442695020e+00, v14;
	v13 =	vmax.f32 v22, v15;
	v15 =	vmul.f32 $1.442695020e+00, v17;
	[tilespmem:s11+$0xD0] =	vst v16  }
0x203: {  	v16 =	vshll.u32 v27, $0x10;
	v17 =	vand.u32 $0xFFFF0000, v27;
	v13 =	vmul.f32 $1.442695020e+00, v13;
	[tilespmem:s11+$0xE0] =	vst v18  }
0x204: {  	v18 =	vand.u32 $0xFFFF0000, v20;
	(erf) = vpow2.f32 v14;
	v14 =	vshll.u32 v20, $0x10;
	v19 =	vld [tilespmem:s14+$0x70];
	[tilespmem:s0+$0xFFFFFFE0] =	vst v12  }
0x205: {  	v12 =	vshll.u32 v25, $0x10;
	(erf) = vpow2.f32 v13;
	v13 =	vand.u32 $0xFFFF0000, v25;
	[tilespmem:s0+$0x60] =	vst v10  }
0x206: {  	v10 =	vmul.f32 v16, v8;
	(erf) = vpow2.f32 v15;
	v15 =	vshll.u32 v23, $0x10;
	[tilespmem:s0+$0x70] =	vst v9;
	s0 =	smov.u32 s3;
	s3 =	smov.u32 s11  }
0x207: {  	v14 =	vmul.f32 v14, v5;
	v16 =	vand.u32 $0xFFFF0000, v23;
	v9 =	vmul.f32 v17, v8;
	[tilespmem:s0+$0xF0] =	vst v11  }
0x208: {  	v17 =	vmul.f32 v12, v7;
	s11 =	sadd.s32 $0x240, s11;
	v12 =	vshll.u32 v24, $0x10;
	v11 =	vpop (erf);
	[tilespmem:s3+$0xFFFFFF00] =	vst v10;
	v10 =	vmul.f32 v18, v5  }
0x209: {  	s14 =	sadd.s32 $0x100, s14;
	v23 =	vmul.f32 v13, v7;
	v18 =	vand.u32 $0xFFFF0000, v24;
	[tilespmem:s11+$0x110] =	vst v11;
	v13 =	vand.u32 $0xFFFF0000, v19  }
0x20a: {  	v21 =	vshll.u32 v28, $0x10;
	v22 =	vand.u32 $0xFFFF0000, v28;
	v20 =	vld [tilespmem:s14+$0x40];
	[tilespmem:s3+$0xFFFFFF10] =	vst v9;
	v9 =	vmul.f32 v13, v6  }
0x20b: {  	v15 =	vmul.f32 v15, v4;
	v19 =	vshll.u32 v19, $0x10;
	v24 =	vld [tilespmem:s9+$0xFFFFFFA0];
	[tilespmem:s3+$0xFFFFFF90] =	vst v14;
	v14 =	vmul.f32 v16, v4;
	v4 =	vmovc v8  }
0x20c: {  	v13 =	vmul.f32 v12, v3;
	v12 =	vmul.f32 v18, v3;
	v3 =	vmov v5;
	[tilespmem:s3+$0x100] =	vst v9  }
0x20d: {  	v9 =	vmul.f32 v22, v2;
	v5 =	vpop (erf);
	[tilespmem:s3+$0xFFFFFFA0] =	vst v10;
	v10 =	vmul.f32 v21, v2;
	v2 =	vmov v7  }
0x20e: {  	v16 =	vperm.xlane v11, v1;
	[tilespmem:s11+$0xFFFFFFF0] =	vst v5;
	v5 =	vperm.xlane v5, v1;
	v7 =	vpop (erf);
	v22 =	vld [tilespmem:s9+$0xFFFFFFE0]  }
0x20f: {  	v11 =	vmul.f32 v19, v6;
	[tilespmem:s11+$0xFFFFFF60] =	vst v7;
	v8 =	vperm.xlane v7, v1;
	v25 =	vld [tilespmem:s14+$0xFFFFFFC0];
	v18 =	vshll.u32 v20, $0x10;
	v7 =	vpop (erf)  }
0x210: {  	v6 =	vmovc v16;
	v20 =	vand.u32 $0xFFFF0000, v20;
	v19 =	vld [tilespmem:s14+$0xFFFFFF80];
	[tilespmem:s11+$0x80] =	vst v7;
	v7 =	vperm.xlane v7, v1;
	v21 =	vmul.f32 v18, v16  }
.Ltmp5:
0x211: {  	v16 =	vmul.f32 v20, v6;
	v20 =	vshll.u32 v24, $0x10;
	v24 =	vand.u32 $0xFFFF0000, v24;
	v18 =	vld [tilespmem:s14+$0x0];
	[tilespmem:s3+$0x20] =	vst v17;
	(pc) =	sbr.rel @p1 .LBB2_8-.Ltmp5, $4  }
0x212: {  	v26 =	vmul.f32 v20, v4;
	[tilespmem:s11+$0x90] =	vst v21;
	v21 =	vmul.f32 v24, v4  }
0x213: {  	[tilespmem:s11+$0xA0] =	vst v16;
	v16 =	vshll.u32 v22, $0x10;
	v17 =	vand.u32 $0xFFFF0000, v22  }
0x214: {  	v24 =	vshll.u32 v25, $0x10;
	v22 =	vand.u32 $0xFFFF0000, v25;
	v20 =	vld [tilespmem:s14+$0x50];
	v16 =	vmul.f32 v16, v3;
	[tilespmem:s3+$0x30] =	vst v23  }
0x215: {  	s8 =	sadd.s32 $0x40, s8;
	v25 =	vshll.u32 v19, $0x10;
	v23 =	vand.u32 $0xFFFF0000, v19;
	v24 =	vmul.f32 v24, v5;
	[tilespmem:s3+$0xFFFFFF20] =	vst v26;
	v19 =	vld [tilespmem:s9+$0x20]  }
0x216: {  	[tilespmem:s3+$0xFFFFFF30] =	vst v21  }
0x217: {  	[tilespmem:s3+$0xFFFFFFB0] =	vst v16  }
0x218: {  	[tilespmem:s0+$0xFFFFFF40] =	vst v15  }
0x219: {  	[tilespmem:s0+$0xFFFFFF50] =	vst v14  }
0x21a: {  	[tilespmem:s0+$0xFFFFFFD0] =	vst v13  }
0x21b: {  	[tilespmem:s0+$0xFFFFFFE0] =	vst v12  }
0x21c: {  	[tilespmem:s0+$0x60] =	vst v10  }
0x21d: {  	v25 =	vmul.f32 v25, v8;
	[tilespmem:s0+$0x70] =	vst v9  }
0x21e: {  	v56 =	vmul.f32 v23, v8;
	v57 =	vshll.u32 v18, $0x10;
	[tilespmem:s3+$0xF0] =	vst v11  }
0x21f: {  	v60 =	vand.u32 $0xFFFF0000, v18;
	v23 =	vmul.f32 v57, v7;
	[tilespmem:s11+$0xFFFFFEE0] =	vst v25  }
0x220: {  	v18 =	vmul.f32 v60, v7;
	[tilespmem:s11+$0xFFFFFEF0] =	vst v56;
	v58 =	vshll.u32 v20, $0x10  }
0x221: {  	v59 =	vand.u32 $0xFFFF0000, v20;
	[tilespmem:s11+$0x0] =	vst v23;
	v23 =	vld [tilespmem:s14+$0xFFFFFF90];
	v21 =	vmul.f32 v58, v6  }
0x222: {  	[tilespmem:s11+$0x10] =	vst v18;
	v20 =	vmul.f32 v59, v6  }
0x223: {  	v28 =	vld [tilespmem:s14+$0x10];
	[tilespmem:s11+$0xB0] =	vst v21  }
0x224: {  	v22 =	vmul.f32 v22, v5;
	[tilespmem:s11+$0xC0] =	vst v20  }
0x225: {  	v17 =	vmul.f32 v17, v3;
	[tilespmem:s11+$0xFFFFFF70] =	vst v24;
	v63 =	vand.u32 $0xFFFF0000, v19;
	v62 =	vld [tilespmem:s14+$0x60]  }
0x226: {  	[tilespmem:s11+$0xFFFFFF80] =	vst v22;
	v22 =	vmul.f32 v63, v2;
	v29 =	vshll.u32 v23, $0x10  }
0x227: {  	[tilespmem:s3+$0xFFFFFFC0] =	vst v17;
	v24 =	vld [tilespmem:s14+$0xFFFFFFD0];
	v17 =	vand.u32 $0xFFFF0000, v23;
	v13 =	vmul.f32 v29, v8  }
0x228: {  	[tilespmem:s3+$0x50] =	vst v22;
	v31 =	vmul.f32 v17, v8;
	v33 =	vshll.u32 v28, $0x10  }
0x229: {  	v34 =	vand.u32 $0xFFFF0000, v28;
	v35 =	vmul.f32 v33, v7;
	[tilespmem:s11+$0xFFFFFF00] =	vst v13  }
0x22a: {  	v40 =	vld [tilespmem:s9+$0xFFFFFFB0];
	v12 =	vmul.f32 v34, v7;
	[tilespmem:s11+$0xFFFFFF10] =	vst v31;
	v25 =	vshll.u32 v62, $0x10  }
0x22b: {  	v26 =	vand.u32 $0xFFFF0000, v62;
	v36 =	vld [tilespmem:s14+$0xFFFFFFA0];
	[tilespmem:s11+$0x20] =	vst v35;
	v27 =	vmul.f32 v25, v6  }
0x22c: {  	v16 =	vand.u32 $0xFFFF0000, v24;
	[tilespmem:s11+$0x30] =	vst v12;
	v15 =	vmul.f32 v26, v6  }
0x22d: {  	v30 =	vshll.u32 v24, $0x10;
	v16 =	vmul.f32 v16, v5;
	v12 =	vld [tilespmem:s14+$0x20];
	[tilespmem:s11+$0xD0] =	vst v27  }
0x22e: {  	v61 =	vshll.u32 v19, $0x10;
	[tilespmem:s11+$0xE0] =	vst v15;
	v15 =	vmul.f32 v30, v5  }
0x22f: {  	v20 =	vmul.f32 v61, v2;
	v49 =	vand.u32 $0xFFFF0000, v40;
	[tilespmem:s11+$0xFFFFFFA0] =	vst v16;
	v32 =	vld [tilespmem:s14+$0x70]  }
0x230: {  	v44 =	vld [tilespmem:s9+$0xFFFFFFF0];
	v51 =	vmul.f32 v49, v4;
	[tilespmem:s11+$0xFFFFFF90] =	vst v15;
	v39 =	vshll.u32 v36, $0x10  }
0x231: {  	[tilespmem:s3+$0x40] =	vst v20;
	v41 =	vand.u32 $0xFFFF0000, v36;
	v15 =	vld [tilespmem:s14+$0xFFFFFFE0];
	v10 =	vmul.f32 v39, v8  }
0x232: {  	[tilespmem:s3+$0xFFFFFF50] =	vst v51;
	v42 =	vmul.f32 v41, v8;
	v46 =	vshll.u32 v12, $0x10;
	v12 =	vand.u32 $0xFFFF0000, v12  }
0x233: {  	v12 =	vmul.f32 v12, v7;
	[tilespmem:s11+$0xFFFFFF20] =	vst v10  }
0x234: {  	[tilespmem:s11+$0xFFFFFF30] =	vst v42;
	v10 =	vmul.f32 v46, v7;
	v37 =	vand.u32 $0xFFFF0000, v32  }
0x235: {  	v50 =	vshll.u32 v44, $0x10;
	v53 =	vand.u32 $0xFFFF0000, v44;
	[tilespmem:s11+$0x50] =	vst v12;
	v38 =	vmul.f32 v37, v6  }
0x236: {  	v52 =	vld [tilespmem:s14+$0xFFFFFFB0];
	[tilespmem:s11+$0x40] =	vst v10;
	v10 =	vmul.f32 v50, v3;
	v3 =	vmul.f32 v53, v3;
	v43 =	vshll.u32 v15, $0x10  }
0x237: {  	v47 =	vld [tilespmem:s9+$0x30];
	v15 =	vand.u32 $0xFFFF0000, v15;
	[tilespmem:s11+$0x100] =	vst v38;
	v11 =	vmul.f32 v43, v5  }
0x238: {  	v45 =	vmul.f32 v15, v5;
	[tilespmem:s3+$0xFFFFFFE0] =	vst v3  }
0x239: {  	v57 =	vshll.u32 v32, $0x10;
	v58 =	vld [tilespmem:s14+$0x30];
	[tilespmem:s11+$0xFFFFFFB0] =	vst v11  }
0x23a: {  	v48 =	vshll.u32 v40, $0x10;
	v3 =	vmul.f32 v57, v6;
	[tilespmem:s11+$0xFFFFFFC0] =	vst v45  }
0x23b: {  	[tilespmem:s3+$0xFFFFFFD0] =	vst v10;
	v11 =	vmul.f32 v48, v4;
	v59 =	vshll.u32 v52, $0x10;
	v55 =	vld [tilespmem:s14+$0xFFFFFFF0]  }
0x23c: {  	v54 =	vshll.u32 v47, $0x10;
	v56 =	vand.u32 $0xFFFF0000, v47;
	[tilespmem:s11+$0xF0] =	vst v3;
	v6 =	vmul.f32 v59, v8  }
0x23d: {  	[tilespmem:s3+$0xFFFFFF40] =	vst v11;
	v11 =	vmul.f32 v54, v2;
	v2 =	vmul.f32 v56, v2  }
0x23e: {  	v61 =	vshll.u32 v58, $0x10;
	[tilespmem:s11+$0xFFFFFF40] =	vst v6  }
0x23f: {  	v63 =	vmul.f32 v61, v7;
	[tilespmem:s3+$0x70] =	vst v2;
	v2 =	vand.u32 $0xFFFF0000, v52  }
0x240: {  	s29 =	sadd.s32 $0x1, s29;
	[tilespmem:s3+$0x60] =	vst v11;
	v2 =	vmul.f32 v2, v8;
	v3 =	vshll.u32 v55, $0x10  }
0x241: {  	p1 =	sne.s32 s29, $0x3F;
	[tilespmem:s11+$0x60] =	vst v63;
	v60 =	vand.u32 $0xFFFF0000, v55;
	v3 =	vmul.f32 v3, v5  }
.Ltmp6:
0x242: {  	v62 =	vmul.f32 v60, v5;
	[tilespmem:s11+$0xFFFFFF50] =	vst v2;
	v2 =	vand.u32 $0xFFFF0000, v58;
	(pc) =	sbr.rel @p1 .LBB2_4-.Ltmp6, $4  }
.Ltmp7:
0x243: {  	v2 =	vmul.f32 v2, v7;
	[tilespmem:s11+$0xFFFFFFD0] =	vst v3;
	(pc) =	sbr.rel @!p1 .LBB2_10-.Ltmp7, $4  }
0x244: {  	[tilespmem:s11+$0xFFFFFFE0] =	vst v62  }
0x245: {  	[tilespmem:s11+$0x70] =	vst v2  }
0x246: {  	[spmem:s2] =	stream.indirect.scatter.add.f32 [tilespmem:s16], [sflag:$0x5], $0x90, s24, s19, $0xb8;
	[tilespmem:$0x1CA20] =	vst v63  }
0x247: {  	_ = 	snop  }
.LBB2_11:
0x248: {  	_ =	sfence.sel $0x180000  }
0x249: {  	[bflag:$0x0] =	sbarrier.arrive $0xFFFF  }
0x24a: {  	_ =	strace $0x9000004A  }
0x24b: {  	s0 =	stileid.u32;
	[bflag:$0x2] =	sbarrier.arrive $0xFFFF  }
0x24c: {  	p0 =	sne.s32 s0, $0x0;
	s0 =	rddreg [dreg:$0x3]  }
0x24d: {  	s0 =	sadd.s32 @!p0 $0x100000, s0  }
0x24e: {  	[sflag:s0] =	ssyncadd.tile.s32 @!p0 $0x1;
	_ =	shalt  }
.Lfunc_end2:
_tile_overlayer_lowered:
.L_overlay_start_2:
0x24f: {  	(tag) =	ssettag $0x2  }
0x250: {  	s0 =	rddreg [dreg:$0x0];
	s2 =	stileid.u32  }
0x251: {  	s1 =	rddreg [dreg:$0x1];
	p0 =	sne.s32 s2, $0x0  }
0x252: {  	s3 =	rddreg [dreg:$0x2];
	[bflag:$0x3] =	sbarrier.arrive $0xFFFF;
	s2 =	simm.s32 @!p0 $0x1C06  }
0x253: {  	[timem:s3], [sflag:s2] =	dma.local @!p0 [hbm:s0], s1  }
0x254: {  	s0 =	simm.s32 @!p0 $0x6  }
0x255: {  	_ =	swait.ge @!p0 [sflag:s0], s1  }
0x256: {  	s1 =	ssub.s32 @!p0 $0x0, s1;
	[sflag:s0] =	ssyncset.done @!p0 $0x0  }
0x257: {  	[sflag:s0] =	ssyncadd.s32 @!p0 s1  }
0x258: {  	[bflag:$0x3] =	sbarrier.arrive $0xFFFF  }
0x259: {  	_ =	shalt  }

// kernel: kernel.7.cloned.1.call-start
scs
__scs_entry_jumppad:
0x0: {  	(pc) =	sbr.rel $0x88, $3  }
0x1: {  	(tag) =	ssettag $0x0;
	lr =	simm.s32 $0x1  }
0x2: {  	[smem:$0x3F97] =	sst lr;
	_ =	strace $0xD0000000  }
0x3: {  	_ = 	snop  }
0x4: {  	_ = 	snop  }
0x5: {  	_ = 	snop  }
0x6: {  	_ = 	snop  }
0x7: {  	_ = 	snop  }
__scs_overlays_trampoline_lowered:
0x8: {  	[smem:$0x3FA6] =	sst s0  }
0x9: {  	[smem:$0x3FA7] =	sst s1  }
0xa: {  	[smem:$0x3FA8] =	sst s2  }
0xb: {  	[smem:$0x3FA9] =	sst s3  }
0xc: {  	[smem:$0x3FAA] =	sst s4  }
0xd: {  	[smem:$0x3FAB] =	sst s5  }
0xe: {  	[smem:$0x3FAC] =	sst s6  }
0xf: {  	[smem:$0x3FAD] =	sst s7  }
0x10: {  	[smem:$0x3FAE] =	sst s8  }
0x11: {  	[smem:$0x3FAF] =	sst s9;
	s0 =	simm.s32 @!p0 $0x0  }
0x12: {  	s1 =	sld [smem:$0x3F95];
	s0 =	simm.s32 @p0 $0x1  }
0x13: {  	[smem:$0x3FB0] =	sst s0;
	s0 =	simm.s32 @!p1 $0x0  }
0x14: {  	s2 =	sld [smem:$0x3F94];
	s0 =	simm.s32 @p1 $0x1  }
0x15: {  	[smem:$0x3FB1] =	sst s0;
	s0 =	simm.s32 @!p2 $0x0  }
0x16: {  	s3 =	sld [smem:$0x3FDB];
	s0 =	simm.s32 @p2 $0x1  }
0x17: {  	s4 =	simm.s32 $0x1BF5;
	[smem:$0x3FB3] =	sst s0  }
0x18: {  	s0 =	sld [smem:$0x3F96];
	_ =	swait.ge [sflag:s4], $0x0  }
0x19: {  	s7 =	sld [smem:$0x3F97]  }
0x1a: {  	s8 =	sadd.s32 $0xFFFFE003, lr  }
0x1b: {  	s9 =	sadd.s32 $0xFFFFFEF7, lr;
	s5 =	simm.s32 $0xFFFFFFFF;
	p2 =	slt.u32 s8, $0xFFFFF086  }
0x1c: {  	p1 =	slt.u32 s9, $0xF7A;
	s5 =	simm.s32 @!p2 $0x0  }
0x1d: {  	s5 =	simm.s32 @p1 $0x1;
	p0 =	seq.s32 s7, s2  }
0x1e: {  	s7 =	smul.u32 @!p0 $0xF7A, s2;
	p2 =	seq.s32 @!p0 s5, $0x0  }
0x1f: {  	s9 =	smul.u32 $0xF7A, s1;
	s8 =	simm.s32 @!p0 $0x1BF5;
	p2 =	por !p2, p0  }
0x20: {  	[sflag:s8] =	ssyncset.s32 @!p0 $0xFFFFF086;
	s6 =	sadd.s32 @!p0 s3, s7;
	s7 =	simm.s32 @!p0 $0x108  }
0x21: {  	s3 =	sadd.s32 s3, s9;
	s6 =	sadd.s32 @!p0 $0x88, s6;
	s7 =	simm.s32 @p2 $0x1082  }
0x22: {  	[simem:s7], [sflag:s8] =	dma.local @!p0 [hbm:s6], $0xF7A  }
0x23: {  	s9 =	sor.u32 $0xD0000000, s2;
	s6 =	simm.s32 $0x108;
	_ =	swait.ge @!p0 [sflag:s8], $0x0  }
0x24: {  	s3 =	sadd.s32 $0x88, s3;
	s6 =	simm.s32 @!p1 $0x1082;
	[sflag:s4] =	ssyncset.s32 $0xFFFFF086  }
0x25: {  	[simem:s6], [sflag:s4] =	dma.local [hbm:s3], $0xF7A  }
0x26: {  	[smem:$0x3F97] =	sst s1;
	(tag) =	ssettag s2;
	_ =	strace s9  }
0x27: {  	s1 =	sld [smem:$0x3FA7]  }
0x28: {  	s2 =	sld [smem:$0x3FA8]  }
0x29: {  	s4 =	sld [smem:$0x3FAA]  }
0x2a: {  	p0 =	seq.s32 s5, $0x0;
	s5 =	sld [smem:$0x3FAB]  }
0x2b: {  	s6 =	sld [smem:$0x3FAC]  }
0x2c: {  	s7 =	sld [smem:$0x3FAD]  }
0x2d: {  	s3 =	simm.s32 $0x108;
	s8 =	sld [smem:$0x3FAE]  }
0x2e: {  	s3 =	simm.s32 @!p0 $0x1082;
	s9 =	sld [smem:$0x3FAF]  }
0x2f: {  	lr =	sadd.s32 s0, s3;
	s0 =	sld [smem:$0x3FA6]  }
0x30: {  	s3 =	sld [smem:$0x3FA9]  }
0x31: {  	[smem:$0x3FB2] =	sst s10  }
0x32: {  	s10 =	sld [smem:$0x3FB0];
	_ =	sdelay $0x3  }
0x33: {  	p0 =	seq.s32 s10, $0x1;
	s10 =	sld [smem:$0x3FB2];
	_ =	sdelay $0x3  }
0x34: {  	[smem:$0x3FB2] =	sst s10  }
0x35: {  	s10 =	sld [smem:$0x3FB1];
	_ =	sdelay $0x3  }
0x36: {  	p1 =	seq.s32 s10, $0x1;
	s10 =	sld [smem:$0x3FB2];
	_ =	sdelay $0x3  }
0x37: {  	[smem:$0x3FB2] =	sst s10  }
0x38: {  	s10 =	sld [smem:$0x3FB3]  }
0x39: {  	_ = 	snop;
	(pc) =	sbr.ind lr, $3  }
0x3a: {  	_ = 	snop  }
0x3b: {  	_ = 	snop  }
0x3c: {  	p2 =	seq.s32 s10, $0x1;
	s10 =	sld [smem:$0x3FB2]  }
0x3d: {  	_ =	shalt  }
0x3e: {  	_ =	shalt  }
0x3f: {  	_ =	shalt  }
0x40: {  	_ =	shalt  }
0x41: {  	_ =	shalt  }
0x42: {  	_ =	shalt  }
0x43: {  	_ =	shalt  }
0x44: {  	_ =	shalt  }
0x45: {  	_ =	shalt  }
0x46: {  	_ =	shalt  }
0x47: {  	_ =	shalt  }
0x48: {  	_ =	shalt  }
0x49: {  	_ =	shalt  }
0x4a: {  	_ =	shalt  }
0x4b: {  	_ =	shalt  }
0x4c: {  	_ =	shalt  }
0x4d: {  	_ =	shalt  }
0x4e: {  	_ =	shalt  }
0x4f: {  	_ =	shalt  }
0x50: {  	_ =	shalt  }
0x51: {  	_ =	shalt  }
0x52: {  	_ =	shalt  }
0x53: {  	_ =	shalt  }
0x54: {  	_ =	shalt  }
0x55: {  	_ =	shalt  }
0x56: {  	_ =	shalt  }
0x57: {  	_ =	shalt  }
0x58: {  	_ =	shalt  }
0x59: {  	_ =	shalt  }
0x5a: {  	_ =	shalt  }
0x5b: {  	_ =	shalt  }
0x5c: {  	_ =	shalt  }
0x5d: {  	_ =	shalt  }
0x5e: {  	_ =	shalt  }
0x5f: {  	_ =	shalt  }
0x60: {  	_ =	shalt  }
0x61: {  	_ =	shalt  }
0x62: {  	_ =	shalt  }
0x63: {  	_ =	shalt  }
0x64: {  	_ =	shalt  }
0x65: {  	_ =	shalt  }
0x66: {  	_ =	shalt  }
0x67: {  	_ =	shalt  }
0x68: {  	_ =	shalt  }
0x69: {  	_ =	shalt  }
0x6a: {  	_ =	shalt  }
0x6b: {  	_ =	shalt  }
0x6c: {  	_ =	shalt  }
0x6d: {  	_ =	shalt  }
0x6e: {  	_ =	shalt  }
0x6f: {  	_ =	shalt  }
0x70: {  	_ =	shalt  }
0x71: {  	_ =	shalt  }
0x72: {  	_ =	shalt  }
0x73: {  	_ =	shalt  }
0x74: {  	_ =	shalt  }
0x75: {  	_ =	shalt  }
0x76: {  	_ =	shalt  }
0x77: {  	_ =	shalt  }
0x78: {  	_ =	shalt  }
0x79: {  	_ =	shalt  }
0x7a: {  	_ =	shalt  }
0x7b: {  	_ =	shalt  }
0x7c: {  	_ =	shalt  }
0x7d: {  	_ =	shalt  }
0x7e: {  	_ =	shalt  }
0x7f: {  	_ =	shalt  }
0x80: {  	_ =	shalt  }
0x81: {  	_ =	shalt  }
0x82: {  	_ =	shalt  }
0x83: {  	_ =	shalt  }
0x84: {  	_ =	shalt  }
0x85: {  	_ =	shalt  }
0x86: {  	_ =	shalt  }
0x87: {  	_ =	shalt  }
.Lfunc_end0:
.L_simem_size_0:
called_computation_lowered:
.L_overlay_start_0:
0x88: {  	s2 =	sld [smem:$0x3FD9]  }
0x89: {  	s3 =	sld [smem:$0x3FFE];
	_ =	sdelay $0x1  }
0x8a: {  	s1 =	srdreg.scid  }
0x8b: {  	s0 =	sand.u32 $0x1, s1  }
0x8c: {  	s16 =	sshll.u32 s0, $0xA;
	s2 =	sadd.s32 s3, s2  }
0x8d: {  	s2 =	sadd.s32 s2, s16  }
0x8e: {  	[smem:$0x3FBE] =	sst s2  }
0x8f: {  	_ = 	snop  }
0x90: {  	(tm) =	ssettm $0x1  }
0x91: {  	s17 =	sld [smem:$0x3FFB];
	_ =	sdelay $0x3  }
0x92: {  	_ =	strace s17  }
0x93: {  	s2 =	sld [smem:$0x3FFC];
	_ =	sdelay $0x3  }
0x94: {  	_ =	strace s2  }
0x95: {  	s2 =	sld [smem:$0x3FFD];
	_ =	sdelay $0x3  }
0x96: {  	_ =	strace s2  }
0x97: {  	_ =	strace $0x8FFFFFFF  }
0x98: {  	s18 =	sld [smem:$0x3FDB];
	_ =	sdelay $0x1  }
0x99: {  	s19 =	simm.s32 $_scs_section_size  }
0x9a: {  	s4 =	simm.s32 $_size__tile_overlayer_lowered;
	s5 =	simm.s32 $_tile_overlayer_lowered  }
0x9b: {  	s22 =	simm.s32 $0x1BFF;
	s21 =	sshll.u32 s5, $0x1;
	s2 =	sadd.s32 s19, s18  }
0x9c: {  	s6 =	simm.s32 $0x0;
	s20 =	sshll.u32 s4, $0x1;
	s4 =	sadd.s32 s21, s2  }
0x9d: {  	[timem:s6], [sflag:s22] =	dma.local [hbm:s4], s20  }
0x9e: {  	_ =	swait.ge [sflag:s22], s20  }
0x9f: {  	s3 =	ssub.s32 $0x0, s20;
	[sflag:s22] =	ssyncset.done $0x0  }
0xa0: {  	[sflag:s22] =	ssyncadd.s32 s3;
	_ =	sdelay $0x1  }
0xa1: {  	s23 =	simm.s32 $0x1B8B  }
0xa2: {  	_ =	swait.ge [sflag:s23], $0x1  }
0xa3: {  	[sflag:s23] =	ssyncset.done $0x0  }
0xa4: {  	s25 =	simm.s32 $0x1B8E;
	s24 =	sld [smem:$0x3FFE];
	[sflag:s23] =	ssyncadd.s32 $0xFFFFFFFF  }
0xa5: {  	s26 =	simm.s32 $execute0_lowered;
	[smem:$0x3FD2] =	sst s25  }
0xa6: {  	s4 =	sshll.u32 s26, $0x1;
	_ =	strace $0x80000046;
	[dreg:$0x1] =	wrdreg $0xFFFFFFFF  }
0xa7: {  	s28 =	simm.s32 $_size_execute0_lowered;
	s2 =	sadd.s32 s2, s4;
	[dreg:$0x0] =	wrdreg $0x0  }
0xa8: {  	s4 =	sshll.u32 s28, $0x1;
	[dreg:$0x2] =	wrdreg s2  }
0xa9: {  	[dreg:$0x3] =	wrdreg s4  }
0xaa: {  	[dreg:$0x4] =	wrdreg $0xC0  }
0xab: {  	_ =	task [dreg:s6], $0x5FFFF  }
0xac: {  	[dreg:$0x1] =	wrdreg $0xFFFFFFFF  }
0xad: {  	[dreg:$0x0] =	wrdreg $0x60  }
0xae: {  	[dreg:$0x2] =	wrdreg s24  }
0xaf: {  	[dreg:$0x3] =	wrdreg $0x42900  }
0xb0: {  	[dreg:$0x4] =	wrdreg $0x9  }
0xb1: {  	_ =	task.clear_ibuf [dreg:s6], $0x5FFFF;
	_ =	strace $0x90000046  }
0xb2: {  	s29 =	simm.s32 $0x9;
	_ =	strace $0x80000048  }
0xb3: {  	_ =	swait.ge [sflag:s29], $0x1  }
0xb4: {  	[sflag:s29] =	ssyncadd.s32 $0xFFFFFFFF  }
0xb5: {  	_ =	strace $0x90000048  }
0xb6: {  	_ =	sfence  }
0xb7: {  	s30 =	sld [smem:$0x0];
	_ =	sdelay $0x2  }
0xb8: {  	s31 =	sshll.u32 s1, $0xD;
	s1 =	sshrl.u32 s1, $0x2  }
0xb9: {  	s3 =	sand.u32 $0x4000, s31;
	s1 =	sadd.s32 s1, s30  }
0xba: {  	s0 =	sor.u32 s3, s0;
	s1 =	sshll.u32 s1, $0x11  }
0xbb: {  	s0 =	sor.u32 s1, s0  }
0xbc: {  	s0 =	sadd.s32 $0x8F2B, s0  }
0xbd: {  	[sflag:s0] =	ssyncadd.remote.s32 $0x1  }
0xbe: {  	_ =	sfence.sel $0xFFFF  }
0xbf: {  	[dreg:$0x0] =	wrdreg $0xFFFFFFFF;
	(pc) =	sbr.abs _section_cstart, $3  }
0xc0: {  	[dreg:$0x1] =	wrdreg $0xFFFFFFFF  }
0xc1: {  	_ =	task.clear_ibuf [dreg:s6], $0x2FFFF;
	_ =	strace $0x9FFFFFFF  }
0xc2: {  	(tm) =	ssettm $0x7FFFFFFF  }
0xc3: {  	_ =	shalt  }
tec
execute0_lowered:
.L_overlay_start_1:
0x0: {  	(tag) =	ssettag $0x1  }
0x1: {  	s0 =	rddreg [dreg:$0x0]  }
0x2: {  	s1 =	rddreg [dreg:$0x1]  }
0x3: {  	s2 =	srdreg.scid;
	s3 =	simm.s32 $0x0;
	s16 =	stileid.u32  }
0x4: {  	s2 =	sand.u32 $0x1, s2;
	[smem:$0x7FF] =	sst s3;
	s4 =	sadd.s32 $0x6CC00, s0  }
0x5: {  	s6 =	sadd.s32 $0x67C00, s0;
	s7 =	sadd.s32 $0xE00, s0;
	s24 =	smul.u32 $0x280, s16  }
0x6: {  	s17 =	sadd.s32 $0x76A00, s0;
	s28 =	smul.u32 $0x32000, s16;
	p0 =	seq.s32 s16, $0xF  }
0x7: {  	s5 =	sshll.u32 s2, $0x4;
	_ =	strace $0x80000047;
	s10 =	ssub.s32 $0x2, s2  }
0x8: {  	s15 =	smul.u32 $0xC3500, s2;
	[dreg:$0x3] =	wrdreg s17;
	s8 =	sor.u32 s16, s5  }
0x9: {  	s5 =	sadd.s32 $0x62C00, s0;
	s23 =	sshrl.u32 s10, $0x1;
	s9 =	smul.u32 $0x7D, s8  }
0xa: {  	s29 =	sor.u32 $0x50, s24;
	s31 =	sshrl.u32 s28, $0x2;
	s11 =	smul.u32 $0x4E20, s8  }
0xb: {  	s19 =	sadd.s32 $0x12C00, s28;
	s21 =	sadd.s32 $0x19000, s28;
	s8 =	smul.u32 $0x9C4, s8  }
0xc: {  	s0 =	ssub.s32 s10, s23;
	s30 =	smul.u32 $0x140, s29;
	s10 =	sadd.s32 $0xA0, s24  }
0xd: {  	s20 =	sshrl.u32 s19, $0x2;
	s22 =	sshrl.u32 s21, $0x2;
	s29 =	smul.u32 $0x50, s29  }
0xe: {  	s23 =	sadd.s32 $0x1F400, s28;
	[dreg:$0x5] =	wrdreg s15;
	s14 =	smul.u32 $0x140, s10  }
0xf: {  	s0 =	smax.u32 s0, $0x1;
	s24 =	sshrl.u32 s23, $0x2;
	s11 =	sshrl.u32 s11, $0x3  }
0x10: {  	s8 =	sadd.s32 s7, s8;
	s12 =	sadd.s32 $0x2, s9;
	[dreg:$0x7] =	wrdreg s0  }
0x11: {  	s13 =	sadd.s32 $0x3, s9;
	s9 =	sadd.s32 s31, s1;
	[dreg:$0x4] =	wrdreg s8  }
0x12: {  	s2 =	sadd.s32 s29, s1;
	s25 =	sadd.s32 s7, s11;
	[dreg:$0x8] =	wrdreg s9  }
0x13: {  	s11 =	sshrl.u32 s30, $0x2;
	s18 =	sshrl.u32 s14, $0x2;
	s9 =	smul.u32 $0xC800, s16  }
0x14: {  	s30 =	smul.u32 $0x50, s10;
	s2 =	sshrl.u32 s2, $0x3;
	s16 =	simm.s32 $0x2990  }
0x15: {  	s26 =	sadd.s32 $0x14, s25;
	s0 =	sadd.s32 s11, s1;
	[dreg:$0x19] =	wrdreg s2  }
0x16: {  	s25 =	sadd.s32 $0x25800, s28;
	s28 =	sadd.s32 $0x2BC00, s28;
	[dreg:$0x6] =	wrdreg s26  }
0x17: {  	s11 =	sadd.s32 s15, s29;
	[dreg:$0x9] =	wrdreg s0;
	s0 =	sadd.s32 s18, s1  }
0x18: {  	s26 =	sshrl.u32 s25, $0x2;
	s31 =	sadd.s32 s15, s9;
	s14 =	sshrl.u32 s11, $0x3  }
0x19: {  	s18 =	sadd.s32 s15, s30;
	s8 =	sadd.s32 s30, s1;
	[dreg:$0xa] =	wrdreg s0  }
0x1a: {  	s0 =	sadd.s32 s20, s1;
	s10 =	sshrl.u32 s31, $0x3;
	s19 =	sshrl.u32 s18, $0x3  }
0x1b: {  	s20 =	sadd.s32 $0x4B00, s9;
	s30 =	sshrl.u32 s8, $0x3;
	[dreg:$0xb] =	wrdreg s0  }
0x1c: {  	s18 =	simm.s32 $0x1;
	s0 =	sadd.s32 s22, s1;
	[dreg:$0x1a] =	wrdreg s30  }
0x1d: {  	s21 =	sadd.s32 s15, s20;
	s22 =	sadd.s32 $0x6400, s9;
	[dreg:$0xc] =	wrdreg s0  }
0x1e: {  	s0 =	sadd.s32 s24, s1;
	s23 =	sadd.s32 s15, s22;
	s24 =	sadd.s32 $0x7D00, s9  }
0x1f: {  	[dreg:$0xd] =	wrdreg s0;
	s0 =	sadd.s32 s26, s1;
	s15 =	sadd.s32 s15, s24  }
0x20: {  	[dreg:$0xe] =	wrdreg s0;
	s0 =	sshrl.u32 s28, $0x2;
	s26 =	sshrl.u32 s15, $0x3  }
0x21: {  	s28 =	sadd.s32 s9, s1;
	s15 =	sadd.s32 $0x9600, s9;
	s0 =	sadd.s32 s0, s1  }
0x22: {  	s9 =	sadd.s32 $0xAF00, s9;
	s11 =	sadd.s32 s17, s26;
	[dreg:$0xf] =	wrdreg s0  }
0x23: {  	s8 =	simm.s32 $0x0;
	s9 =	simm.s32 @p0 $0xC6700;
	[dreg:$0x15] =	wrdreg s11  }
0x24: {  	s25 =	sadd.s32 s22, s1;
	s15 =	simm.s32 @p0 $0xC4E00;
	[dreg:$0x17] =	wrdreg s9  }
0x25: {  	s22 =	simm.s32 $0x1F90;
	s29 =	sshrl.u32 s28, $0x3;
	[dreg:$0x16] =	wrdreg s15  }
0x26: {  	s26 =	simm.s32 $0x4;
	s0 =	sadd.s32 s17, s10;
	[dreg:$0x18] =	wrdreg s29  }
0x27: {  	s10 =	sadd.s32 s20, s1;
	[dreg:$0x10] =	wrdreg s0;
	s0 =	sadd.s32 s17, s14  }
0x28: {  	s11 =	sadd.s32 s24, s1;
	[dreg:$0x11] =	wrdreg s0;
	s0 =	sadd.s32 s17, s19  }
0x29: {  	s20 =	simm.s32 $0x190;
	[dreg:$0x12] =	wrdreg s0;
	s0 =	sshrl.u32 s21, $0x3  }
0x2a: {  	s24 =	simm.s32 $0x140;
	s31 =	sshrl.u32 s10, $0x3;
	s0 =	sadd.s32 s17, s0  }
.Ltmp0:
0x2b: {  	[dreg:$0x13] =	wrdreg s0;
	s0 =	sshrl.u32 s23, $0x3;
	(pc) =	sbr.rel .LBB2_1-.Ltmp0, $4  }
0x2c: {  	[dreg:$0x1b] =	wrdreg s31;
	s19 =	simm.s32 $0x50;
	s0 =	sadd.s32 s17, s0  }
0x2d: {  	v1 =	vlaneseq.u32;
	s21 =	simm.s32 $0x1590;
	[dreg:$0x14] =	wrdreg s0;
	s0 =	sshrl.u32 s25, $0x3  }
0x2e: {  	v0 =	vimm.f32 $0.0e+00;
	v1 =	vshrl.u32 v1, $0x3;
	s23 =	simm.s32 $0x3;
	[dreg:$0x1c] =	wrdreg s0;
	s0 =	sshrl.u32 @!p0 s11, $0x3  }
0x2f: {  	v2 =	vor.u32 $0x2, v1;
	v3 =	vor.u32 $0x4, v1;
	v4 =	vor.u32 $0x6, v1;
	s17 =	simm.s32 $0x6;
	s25 =	simm.s32 $0x5;
	[dreg:$0x1d] =	wrdreg s0  }
.LBB2_10:
0x30: {  	_ =	swait.ge [sflag:s25], $0x1900  }
0x31: {  	[sflag:s25] =	ssyncset.done $0x0  }
0x32: {  	[sflag:s25] =	ssyncadd.s32 $0xFFFFE700  }
0x33: {  	s0 =	stileid.u32;
	[bflag:$0x0] =	sbarrier.arrive $0xFFFF  }
0x34: {  	s0 =	sshll.u32 s0, $0x6;
	s2 =	rddreg [dreg:$0x10]  }
0x35: {  	s0 =	sor.u32 $0x1C06, s0;
	s8 =	rddreg [dreg:$0x18]  }
0x36: {  	[hbm:s2], [sflag:s0] =	dma.local [spmem:s8], $0x320  }
0x37: {  	_ =	swait.ge [sflag:s17], $0x320  }
0x38: {  	[sflag:s17] =	ssyncset.done $0x0;
	s8 =	rddreg [dreg:$0x11]  }
0x39: {  	s9 =	rddreg [dreg:$0x19];
	[sflag:s17] =	ssyncadd.s32 $0xFFFFFCE0  }
0x3a: {  	[hbm:s8], [sflag:s0] =	dma.local [spmem:s9], $0x320  }
0x3b: {  	_ =	swait.ge [sflag:s17], $0x320  }
0x3c: {  	[sflag:s17] =	ssyncset.done $0x0;
	s10 =	rddreg [dreg:$0x12]  }
0x3d: {  	s11 =	rddreg [dreg:$0x1a];
	[sflag:s17] =	ssyncadd.s32 $0xFFFFFCE0  }
0x3e: {  	[hbm:s10], [sflag:s0] =	dma.local [spmem:s11], $0x320  }
0x3f: {  	_ =	swait.ge [sflag:s17], $0x320  }
0x40: {  	[sflag:s17] =	ssyncset.done $0x0;
	s14 =	rddreg [dreg:$0x13]  }
0x41: {  	s15 =	rddreg [dreg:$0x1b];
	[sflag:s17] =	ssyncadd.s32 $0xFFFFFCE0  }
0x42: {  	[hbm:s14], [sflag:s0] =	dma.local [spmem:s15], $0x320  }
0x43: {  	_ =	swait.ge [sflag:s17], $0x320  }
0x44: {  	[sflag:s17] =	ssyncset.done $0x0;
	s28 =	rddreg [dreg:$0x14]  }
0x45: {  	s29 =	rddreg [dreg:$0x1c];
	[sflag:s17] =	ssyncadd.s32 $0xFFFFFCE0  }
0x46: {  	[hbm:s28], [sflag:s0] =	dma.local [spmem:s29], $0x320  }
0x47: {  	_ =	swait.ge [sflag:s17], $0x320  }
0x48: {  	[sflag:s17] =	ssyncset.done $0x0;
	s2 =	rddreg [dreg:$0x15]  }
0x49: {  	s8 =	rddreg [dreg:$0x1d];
	[sflag:s17] =	ssyncadd.s32 $0xFFFFFCE0  }
0x4a: {  	[hbm:s2], [sflag:s0] =	dma.local @!p0 [spmem:s8], $0x320  }
0x4b: {  	s2 =	simm.s32 @!p0 $0x6  }
0x4c: {  	_ =	swait.ge @!p0 [sflag:s2], $0x320  }
0x4d: {  	s11 =	rddreg [dreg:$0x5]  }
0x4e: {  	s9 =	rddreg [dreg:$0x16]  }
0x4f: {  	[sflag:s2] =	ssyncset.done @!p0 $0x0;
	s8 =	sadd.s32 @!p0 s11, s9  }
0x50: {  	s10 =	rddreg [dreg:$0x3];
	s9 =	sadd.s32 @!p0 s9, s1;
	s8 =	sshrl.u32 @!p0 s8, $0x3  }
0x51: {  	[sflag:s2] =	ssyncadd.s32 @!p0 $0xFFFFFCE0;
	s9 =	sshrl.u32 @!p0 s9, $0x3;
	s8 =	sadd.s32 @!p0 s10, s8  }
0x52: {  	[hbm:s8], [sflag:s0] =	dma.local @!p0 [spmem:s9], $0x320  }
0x53: {  	_ =	swait.ge @!p0 [sflag:s2], $0x320  }
0x54: {  	s9 =	rddreg [dreg:$0x17]  }
0x55: {  	s8 =	sadd.s32 @!p0 s11, s9  }
0x56: {  	[sflag:s2] =	ssyncset.done @!p0 $0x0;
	s9 =	sadd.s32 @!p0 s9, s1;
	s8 =	sshrl.u32 @!p0 s8, $0x3  }
0x57: {  	[sflag:s2] =	ssyncadd.s32 @!p0 $0xFFFFFCE0;
	s9 =	sshrl.u32 @!p0 s9, $0x3;
	s8 =	sadd.s32 @!p0 s10, s8  }
0x58: {  	[hbm:s8], [sflag:s0] =	dma.local @!p0 [spmem:s9], $0x320  }
0x59: {  	_ =	swait.ge @!p0 [sflag:s2], $0x320  }
0x5a: {  	s30 =	rddreg [dreg:$0x1e]  }
0x5b: {  	s31 =	rddreg [dreg:$0x7];
	s8 =	sadd.s32 $0x1, s30  }
0x5c: {  	p1 =	sne.s32 s8, s31  }
.Ltmp1:
0x5d: {  	_ = 	snop;
	(pc) =	sbr.rel @!p1 .LBB2_11-.Ltmp1, $3  }
0x5e: {  	_ =	sdelay $0x1  }
0x5f: {  	[sflag:s2] =	ssyncset.done @!p0 $0x0  }
0x60: {  	[sflag:s2] =	ssyncadd.s32 @!p0 $0xFFFFFCE0  }
.LBB2_1:
0x61: {  	[dreg:$0x1e] =	wrdreg s8;
	s2 =	simm.s32 $0x140;
	s0 =	simm.s32 $0x0  }
.LBB2_2:
0x62: {  	p1 =	sne.s32 s2, $0x62C0;
	[tilespmem:s0+$0x29D0] =	vst v0;
	s8 =	smov.u32 s2;
	s2 =	sadd.s32 $0x140, s2  }
.Ltmp2:
0x63: {  	[tilespmem:s0+$0x29C0] =	vst v0;
	(pc) =	sbr.rel @p1 .LBB2_2-.Ltmp2, $4  }
0x64: {  	[tilespmem:s0+$0x29B0] =	vst v0  }
0x65: {  	[tilespmem:s0+$0x2990] =	vst v0  }
0x66: {  	[tilespmem:s0+$0x29A0] =	vst v0  }
0x67: {  	s0 =	sshra.s32 s8, $0x2  }
0x68: {  	[tilespmem:s0+$0x29D0] =	vst v0  }
0x69: {  	[tilespmem:s0+$0x29C0] =	vst v0  }
0x6a: {  	[tilespmem:s0+$0x29B0] =	vst v0  }
0x6b: {  	[tilespmem:s0+$0x2990] =	vst v0  }
0x6c: {  	[tilespmem:s0+$0x29A0] =	vst v0;
	s9 =	rddreg [dreg:$0x8]  }
0x6d: {  	[spmem:s9] =	stream.linear.scatter [tilespmem:s16], [sflag:$0x6], $0x1900, $0x38;
	[tilespmem:$0x105E0] =	vst v63  }
0x6e: {  	_ =	swait.ge [sflag:s17], $0x1900  }
0x6f: {  	[sflag:s17] =	ssyncset.done $0x0  }
0x70: {  	s10 =	rddreg [dreg:$0x9];
	[sflag:s17] =	ssyncadd.s32 $0xFFFFE700  }
0x71: {  	[spmem:s10] =	stream.linear.scatter [tilespmem:s16], [sflag:$0x6], $0x1900, $0x38;
	[tilespmem:$0x105E0] =	vst v63  }
0x72: {  	_ =	swait.ge [sflag:s17], $0x1900  }
0x73: {  	[sflag:s17] =	ssyncset.done $0x0  }
0x74: {  	s11 =	rddreg [dreg:$0xa];
	[sflag:s17] =	ssyncadd.s32 $0xFFFFE700  }
0x75: {  	[spmem:s11] =	stream.linear.scatter [tilespmem:s16], [sflag:$0x6], $0x1900, $0x38;
	[tilespmem:$0x105E0] =	vst v63  }
0x76: {  	_ =	swait.ge [sflag:s17], $0x1900  }
0x77: {  	[sflag:s17] =	ssyncset.done $0x0  }
0x78: {  	s14 =	rddreg [dreg:$0xb];
	[sflag:s17] =	ssyncadd.s32 $0xFFFFE700  }
0x79: {  	[spmem:s14] =	stream.linear.scatter [tilespmem:s16], [sflag:$0x6], $0x1900, $0x38;
	[tilespmem:$0x105E0] =	vst v63  }
0x7a: {  	_ =	swait.ge [sflag:s17], $0x1900  }
0x7b: {  	[sflag:s17] =	ssyncset.done $0x0  }
0x7c: {  	s15 =	rddreg [dreg:$0xc];
	[sflag:s17] =	ssyncadd.s32 $0xFFFFE700  }
0x7d: {  	[spmem:s15] =	stream.linear.scatter [tilespmem:s16], [sflag:$0x6], $0x1900, $0x38;
	[tilespmem:$0x105E0] =	vst v63  }
0x7e: {  	_ =	swait.ge [sflag:s17], $0x1900  }
0x7f: {  	[sflag:s17] =	ssyncset.done $0x0  }
0x80: {  	s0 =	simm.s32 @!p0 $0x2990;
	s2 =	rddreg [dreg:$0xd];
	[sflag:s17] =	ssyncadd.s32 $0xFFFFE700  }
0x81: {  	[spmem:s2] =	stream.linear.scatter @!p0 [tilespmem:s0], [sflag:$0x6], $0x1900, $0x38;
	[tilespmem:$0x105E0] =	vst v63  }
0x82: {  	s2 =	simm.s32 @!p0 $0x6  }
0x83: {  	_ =	swait.ge @!p0 [sflag:s2], $0x1900  }
0x84: {  	[sflag:s2] =	ssyncset.done @!p0 $0x0  }
0x85: {  	s8 =	rddreg [dreg:$0xe];
	[sflag:s2] =	ssyncadd.s32 @!p0 $0xFFFFE700  }
0x86: {  	[spmem:s8] =	stream.linear.scatter @!p0 [tilespmem:s0], [sflag:$0x6], $0x1900, $0x38;
	[tilespmem:$0x105E0] =	vst v63  }
0x87: {  	_ =	swait.ge @!p0 [sflag:s2], $0x1900  }
0x88: {  	[sflag:s2] =	ssyncset.done @!p0 $0x0  }
0x89: {  	s8 =	rddreg [dreg:$0xf];
	[sflag:s2] =	ssyncadd.s32 @!p0 $0xFFFFE700  }
0x8a: {  	[spmem:s8] =	stream.linear.scatter @!p0 [tilespmem:s0], [sflag:$0x6], $0x1900, $0x38;
	[tilespmem:$0x105E0] =	vst v63  }
0x8b: {  	_ =	swait.ge @!p0 [sflag:s2], $0x1900  }
0x8c: {  	[sflag:s2] =	ssyncset.done @!p0 $0x0  }
0x8d: {  	[sflag:s2] =	ssyncadd.s32 @!p0 $0xFFFFE700  }
0x8e: {  	[bflag:$0x0] =	sbarrier.arrive $0xFFFF  }
0x8f: {  	s29 =	simm.s32 $0x0;
	s28 =	rddreg [dreg:$0x4]  }
0x90: {  	[tilespmem:s29], [sflag:$0x1] =	stream.linear.gather [hbm4b:s28+s29], $0xA0, $0x38;
	[tilespmem:$0x105E0] =	vst v63  }
0x91: {  	s31 =	simm.s32 $0xA0;
	s30 =	rddreg [dreg:$0x6]  }
0x92: {  	[tilespmem:s31], [sflag:$0x2] =	stream.linear.gather [hbm4b:s30+s29], $0xA0, $0x38;
	[tilespmem:$0x105E0] =	vst v63  }
0x93: {  	_ =	swait.ge [sflag:s18], $0xA0  }
0x94: {  	[sflag:s18] =	ssyncset.done $0x0  }
0x95: {  	[sflag:s18] =	ssyncadd.s32 $0xFFFFFF60  }
0x96: {  	[tilespmem:s20], [sflag:$0x3] =	stream.indirect.gather [hbm4b:s4+s19], $0x20, s29, s19, $0xb8;
	[tilespmem:$0x105E0] =	vst v63  }
0x97: {  	_ = 	snop  }
0x98: {  	[tilespmem:s21], [sflag:$0x3] =	stream.indirect.gather [hbm4b:s5+s19], $0x10, s29, s19, $0xb8;
	[tilespmem:$0x105E0] =	vst v63  }
0x99: {  	_ = 	snop  }
0x9a: {  	[tilespmem:s22], [sflag:$0x3] =	stream.indirect.gather [hbm4b:s6+s19], $0x10, s19, s19, $0xb8;
	[tilespmem:$0x105E0] =	vst v63  }
.LBB2_4:
0x9b: {  	_ =	swait.ge [sflag:s23], $0xA00  }
0x9c: {  	[sflag:s23] =	ssyncset.done $0x0  }
0x9d: {  	[sflag:s23] =	ssyncadd.s32 $0xFFFFF600  }
0x9e: {  	_ =	swait.ge [sflag:s23], $0x500  }
0x9f: {  	[sflag:s23] =	ssyncset.done $0x0  }
0xa0: {  	[sflag:s23] =	ssyncadd.s32 $0xFFFFFB00  }
0xa1: {  	_ =	swait.ge [sflag:s23], $0x500  }
0xa2: {  	p1 =	seq.s32 s29, $0x0;
	[sflag:s23] =	ssyncset.done $0x0  }
0xa3: {  	s0 =	simm.s32 @!p1 $0x5;
	[sflag:s23] =	ssyncadd.s32 $0xFFFFFB00  }
0xa4: {  	_ =	swait.ge @!p1 [sflag:s0], $0x1900  }
0xa5: {  	[sflag:s0] =	ssyncset.done @!p1 $0x0  }
0xa6: {  	[sflag:s0] =	ssyncadd.s32 @!p1 $0xFFFFE700  }
0xa7: {  	v5 =	vld [tilespmem:$0x50]  }
0xa8: {  	v6 =	vld [tilespmem:$0x60]  }
0xa9: {  	v7 =	vld [tilespmem:$0x70]  }
0xaa: {  	v8 =	vld [tilespmem:$0x80]  }
0xab: {  	v9 =	vld [tilespmem:$0x90]  }
0xac: {  	s0 =	sshll.u32 s29, $0x1;
	p1 =	seq.s32 s29, $0x3E;
	[tilespmem:$0x140] =	vst v5  }
0xad: {  	s2 =	sadd.s32 @!p1 s0, s12;
	[tilespmem:$0x150] =	vst v6  }
0xae: {  	s2 =	smul.u32 @!p1 $0x14, s2;
	[tilespmem:$0x160] =	vst v7  }
0xaf: {  	[tilespmem:$0x170] =	vst v8  }
0xb0: {  	s8 =	simm.s32 @!p1 $0x0;
	s2 =	sadd.s32 @!p1 s7, s2;
	[tilespmem:$0x180] =	vst v9  }
0xb1: {  	[tilespmem:s8], [sflag:$0x1] =	stream.linear.gather @!p1 [hbm4b:s2+s8], $0xA0, $0x38;
	[tilespmem:$0x105E0] =	vst v63  }
0xb2: {  	s2 =	simm.s32 @!p1 $0x2  }
0xb3: {  	_ =	swait.ge @!p1 [sflag:s2], $0xA0  }
0xb4: {  	s9 =	simm.s32 @!p1 $0xB90;
	[sflag:s2] =	ssyncset.done @!p1 $0x0  }
0xb5: {  	s8 =	simm.s32 @!p1 $0xA0;
	[sflag:s2] =	ssyncadd.s32 @!p1 $0xFFFFFF60;
	s2 =	simm.s32 @!p1 $0x50  }
0xb6: {  	[tilespmem:s9], [sflag:$0x4] =	stream.indirect.gather @!p1 [hbm4b:s4+s2], $0x20, s8, s2, $0xb8;
	[tilespmem:$0x105E0] =	vst v63  }
0xb7: {  	s9 =	simm.s32 @!p1 $0x1A90  }
0xb8: {  	[tilespmem:s9], [sflag:$0x4] =	stream.indirect.gather @!p1 [hbm4b:s5+s2], $0x10, s8, s2, $0xb8;
	[tilespmem:$0x105E0] =	vst v63  }
0xb9: {  	s14 =	simm.s32 $0x1FB0;
	s8 =	simm.s32 @!p1 $0xF0;
	s9 =	simm.s32 @!p1 $0x2490  }
0xba: {  	[tilespmem:s9], [sflag:$0x4] =	stream.indirect.gather @!p1 [hbm4b:s6+s2], $0x10, s8, s2, $0xb8;
	[tilespmem:$0x105E0] =	vst v63  }
0xbb: {  	s15 =	simm.s32 $0x15B0;
	v5 =	vld [tilespmem:s14+$0x10]  }
0xbc: {  	v6 =	vld [tilespmem:s15+$0x10]  }
0xbd: {  	v7 =	vld [tilespmem:s14+$0xFFFFFFE0]  }
0xbe: {  	v8 =	vld [tilespmem:s15+$0xFFFFFFE0]  }
0xbf: {  	v9 =	vld [tilespmem:s14+$0x0]  }
0xc0: {  	v10 =	vld [tilespmem:s15+$0x0];
	_ =	sdelay $0x1  }
0xc1: {  	v5 =	vadd.f32 v5, v6  }
0xc2: {  	v11 =	vld [tilespmem:s15+$0xFFFFFFF0]  }
0xc3: {  	v6 =	vld [tilespmem:s14+$0xFFFFFFF0];
	v12 =	vmul.f32 $2.000000030e-01, v5  }
0xc4: {  	v7 =	vadd.f32 v7, v8;
	v8 =	vadd.f32 v9, v10  }
0xc5: {  	v5 =	vmax.f32 v5, v12  }
0xc6: {  	v10 =	vmul.f32 $2.000000030e-01, v8;
	v5 =	vmul.f32 $1.442695020e+00, v5  }
0xc7: {  	s10 =	simm.s32 $0x15F0;
	v9 =	vmul.f32 $2.000000030e-01, v7  }
0xc8: {  	v8 =	vmax.f32 v8, v10;
	v10 =	vld [tilespmem:s10+$0x10];
	v6 =	vadd.f32 v6, v11;
	(erf) = vpow2.f32 v5  }
0xc9: {  	s9 =	simm.s32 $0x1FF0;
	v12 =	vld [tilespmem:s10+$0x0];
	v5 =	vmax.f32 v7, v9  }
0xca: {  	v7 =	vld [tilespmem:s9+$0x10];
	v9 =	vmul.f32 $2.000000030e-01, v6;
	v5 =	vmul.f32 $1.442695020e+00, v5  }
0xcb: {  	v11 =	vld [tilespmem:s9+$0xFFFFFFE0]  }
0xcc: {  	v8 =	vmul.f32 $1.442695020e+00, v8;
	(erf) = vpow2.f32 v5;
	v5 =	vmax.f32 v6, v9;
	v6 =	vld [tilespmem:s10+$0xFFFFFFE0]  }
0xcd: {  	v9 =	vld [tilespmem:s9+$0x0];
	v5 =	vmul.f32 $1.442695020e+00, v5  }
0xce: {  	(erf) = vpow2.f32 v8  }
0xcf: {  	v13 =	vld [tilespmem:s9+$0xFFFFFFF0];
	(erf) = vpow2.f32 v5;
	v5 =	vadd.f32 v7, v10  }
0xd0: {  	v7 =	vld [tilespmem:s10+$0xFFFFFFF0]  }
0xd1: {  	v6 =	vadd.f32 v11, v6;
	v11 =	vmul.f32 $2.000000030e-01, v5;
	v10 =	vpop (erf)  }
0xd2: {  	v9 =	vadd.f32 v9, v12;
	v8 =	vperm.xlane v10, v4  }
0xd3: {  	v14 =	vperm.xlane v10, v2;
	v5 =	vmax.f32 v5, v11;
	v11 =	vmul.f32 $2.000000030e-01, v6  }
0xd4: {  	v12 =	vmul.f32 $2.000000030e-01, v9;
	v5 =	vmul.f32 $1.442695020e+00, v5  }
0xd5: {  	s11 =	simm.s32 $0x2030;
	s9 =	simm.s32 $0x2A30;
	v15 =	vperm.xlane v10, v1;
	v7 =	vadd.f32 v13, v7;
	v6 =	vmax.f32 v6, v11  }
0xd6: {  	v22 =	vld [tilespmem:s11+$0x10];
	s10 =	simm.s32 $0x1D0;
	[tilespmem:s9+$0x90] =	vst v10;
	v16 =	vpop (erf);
	v9 =	vmax.f32 v9, v12;
	v12 =	vperm.xlane v10, v3;
	(erf) = vpow2.f32 v5  }
0xd7: {  	v11 =	vld [tilespmem:s10+$0x20];
	v5 =	vmul.f32 $1.442695020e+00, v6;
	v6 =	vperm.xlane v16, v2  }
0xd8: {  	v25 =	vld [tilespmem:s11+$0xFFFFFFF0];
	[tilespmem:s9+$0xFFFFFFA0] =	vst v16;
	v13 =	vpop (erf);
	v18 =	vmul.f32 $2.000000030e-01, v7;
	v19 =	vperm.xlane v16, v1  }
0xd9: {  	v17 =	vld [tilespmem:s10+$0xFFFFFFC0];
	[tilespmem:s9+$0x40] =	vst v13;
	v26 =	vperm.xlane v13, v2;
	(erf) = vpow2.f32 v5  }
0xda: {  	s14 =	simm.s32 $0x1630;
	v20 =	vpop (erf);
	v21 =	vld [tilespmem:s10+$0x0];
	v5 =	vmul.f32 $1.442695020e+00, v9;
	v7 =	vmax.f32 v7, v18;
	v9 =	vperm.xlane v13, v1  }
0xdb: {  	v10 =	vld [tilespmem:s14+$0x10];
	v23 =	vperm.xlane v20, v2;
	v7 =	vmul.f32 $1.442695020e+00, v7  }
0xdc: {  	v30 =	vld [tilespmem:s11+$0x0];
	v24 =	vperm.xlane v20, v1;
	[tilespmem:s9+$0xFFFFFFF0] =	vst v20;
	(erf) = vpow2.f32 v5;
	v5 =	vshll.u32 v11, $0x10  }
0xdd: {  	v27 =	vld [tilespmem:s10+$0xFFFFFFE0];
	v11 =	vand.u32 $0xFFFF0000, v11;
	(erf) = vpow2.f32 v7;
	v5 =	vmul.f32 v5, v15  }
0xde: {  	v29 =	vld [tilespmem:s14+$0xFFFFFFE0];
	v11 =	vmul.f32 v11, v14;
	v7 =	vshll.u32 v17, $0x10;
	v17 =	vand.u32 $0xFFFF0000, v17  }
0xdf: {  	v15 =	vld [tilespmem:s14+$0xFFFFFFF0];
	v6 =	vmul.f32 v17, v6;
	v17 =	vshll.u32 v21, $0x10;
	v19 =	vmul.f32 v7, v19  }
0xe0: {  	v18 =	vld [tilespmem:s11+$0xFFFFFFE0];
	v14 =	vand.u32 $0xFFFF0000, v21;
	v21 =	vperm.xlane v16, v3;
	[tilespmem:s9+$0x60] =	vst v11;
	v11 =	vadd.f32 v22, v10  }
0xe1: {  	[tilespmem:s9+$0x50] =	vst v5;
	v16 =	vperm.xlane v16, v4;
	v17 =	vmul.f32 v17, v9;
	v9 =	vld [tilespmem:s14+$0x0]  }
0xe2: {  	v34 =	vld [tilespmem:s10+$0x30];
	v14 =	vmul.f32 v14, v26;
	v28 =	vpop (erf);
	v10 =	vshll.u32 v27, $0x10;
	v22 =	vmul.f32 $2.000000030e-01, v11  }
0xe3: {  	[tilespmem:s9+$0xFFFFFF70] =	vst v6;
	v6 =	vand.u32 $0xFFFF0000, v27;
	v5 =	vperm.xlane v28, v4;
	v31 =	vperm.xlane v28, v2  }
0xe4: {  	v32 =	vperm.xlane v28, v1;
	v15 =	vadd.f32 v25, v15;
	v6 =	vmul.f32 v6, v23;
	v7 =	vpop (erf)  }
0xe5: {  	v18 =	vadd.f32 v18, v29;
	[tilespmem:s9+$0xFFFFFF60] =	vst v19;
	v19 =	vmul.f32 v10, v24;
	v33 =	vperm.xlane v7, v2  }
0xe6: {  	s2 =	simm.s32 $0x2B70;
	v11 =	vmax.f32 v11, v22;
	v25 =	vperm.xlane v7, v1;
	[tilespmem:s9+$0xFFFFFFC0] =	vst v6;
	v6 =	vmul.f32 $2.000000030e-01, v15  }
0xe7: {  	s8 =	simm.s32 $0x250;
	[tilespmem:s2+$0x90] =	vst v28;
	v26 =	vld [tilespmem:s10+$0xFFFFFFD0];
	v23 =	vadd.f32 v30, v9;
	v9 =	vmul.f32 $1.442695020e+00, v11;
	v29 =	vshll.u32 v34, $0x10  }
0xe8: {  	v24 =	vld [tilespmem:s8+$0x20];
	v10 =	vpop (erf);
	v11 =	vmul.f32 $2.000000030e-01, v18;
	v30 =	vperm.xlane v20, v4;
	v34 =	vand.u32 $0xFFFF0000, v34  }
0xe9: {  	s15 =	simm.s32 $0x1670;
	v22 =	vpop (erf);
	v38 =	vperm.xlane v10, v1;
	v6 =	vmax.f32 v15, v6;
	v15 =	vperm.xlane v10, v2  }
0xea: {  	v57 =	vld [tilespmem:s15+$0x10];
	v62 =	vmul.f32 v34, v8;
	v27 =	vperm.xlane v22, v2  }
0xeb: {  	v44 =	vld [tilespmem:s15+$0xFFFFFFE0];
	[tilespmem:s2+$0xFFFFFFA0] =	vst v7;
	v37 =	vmul.f32 $2.000000030e-01, v23;
	v11 =	vmax.f32 v18, v11;
	(erf) = vpow2.f32 v9  }
0xec: {  	[tilespmem:s9+$0xFFFFFFB0] =	vst v19;
	v35 =	vld [tilespmem:s8+$0xFFFFFFC0];
	v9 =	vperm.xlane v28, v3;
	v18 =	vshll.u32 v26, $0x10;
	v28 =	vperm.xlane v20, v3  }
0xed: {  	s14 =	simm.s32 $0x2070;
	[tilespmem:s9+$0x10] =	vst v14;
	v56 =	vld [tilespmem:s10+$0xFFFFFFF0];
	v19 =	vperm.xlane v22, v1;
	v6 =	vmul.f32 $1.442695020e+00, v6;
	v36 =	vshll.u32 v24, $0x10  }
0xee: {  	v39 =	vld [tilespmem:s14+$0x10];
	[tilespmem:s2+$0x40] =	vst v10;
	v11 =	vmul.f32 $1.442695020e+00, v11;
	v18 =	vmul.f32 v18, v21;
	v24 =	vand.u32 $0xFFFF0000, v24  }
0xef: {  	[tilespmem:s9+$0x0] =	vst v17;
	v14 =	vld [tilespmem:s8+$0x0];
	v17 =	vmax.f32 v23, v37;
	v23 =	vperm.xlane v13, v4;
	v13 =	vperm.xlane v13, v3  }
0xf0: {  	v20 =	vld [tilespmem:s10+$0x10];
	v21 =	vmul.f32 v36, v32;
	v24 =	vmul.f32 v24, v31  }
0xf1: {  	v60 =	vld [tilespmem:s15+$0x0];
	[tilespmem:s2+$0xFFFFFFF0] =	vst v22;
	(erf) = vpow2.f32 v11;
	v11 =	vshll.u32 v35, $0x10;
	v35 =	vand.u32 $0xFFFF0000, v35  }
0xf2: {  	v58 =	vld [tilespmem:s8+$0xFFFFFFE0];
	v17 =	vmul.f32 $1.442695020e+00, v17;
	[tilespmem:s9+$0xFFFFFF80] =	vst v18;
	v31 =	vshll.u32 v56, $0x10;
	v33 =	vmul.f32 v35, v33  }
0xf3: {  	v41 =	vld [tilespmem:s14+$0xFFFFFFE0];
	v18 =	vmul.f32 v11, v25;
	[tilespmem:s2+$0x60] =	vst v24;
	v24 =	vadd.f32 v39, v57;
	v63 =	vmul.f32 v31, v28  }
0xf4: {  	v45 =	vld [tilespmem:s14+$0x0];
	v40 =	vshll.u32 v14, $0x10;
	v14 =	vand.u32 $0xFFFF0000, v14;
	(erf) = vpow2.f32 v17  }
0xf5: {  	[tilespmem:s9+$0x80] =	vst v62;
	v25 =	vshll.u32 v20, $0x10;
	v17 =	vperm.xlane v7, v3;
	v43 =	vand.u32 $0xFFFF0000, v20  }
0xf6: {  	(erf) = vpow2.f32 v6;
	[tilespmem:s2+$0xFFFFFF60] =	vst v18;
	v38 =	vmul.f32 v40, v38;
	v18 =	vand.u32 $0xFFFF0000, v26  }
0xf7: {  	v59 =	vld [tilespmem:s14+$0xFFFFFFF0];
	[tilespmem:s2+$0x50] =	vst v21;
	v25 =	vmul.f32 v25, v13;
	v26 =	vshll.u32 v58, $0x10;
	v16 =	vmul.f32 v18, v16  }
0xf8: {  	v21 =	vld [tilespmem:s15+$0xFFFFFFF0];
	v14 =	vmul.f32 v14, v15;
	v32 =	vmul.f32 v43, v23;
	v15 =	vadd.f32 v41, v44;
	[tilespmem:s2+$0xFFFFFF70] =	vst v33  }
0xf9: {  	v46 =	vld [tilespmem:s8+$0x30];
	v40 =	vadd.f32 v45, v60;
	v61 =	vmul.f32 v26, v19;
	v42 =	vpop (erf);
	[tilespmem:s9+$0xFFFFFF90] =	vst v16;
	v16 =	vmul.f32 $2.000000030e-01, v24  }
0xfa: {  	v19 =	vmul.f32 v29, v12;
	v23 =	vld [tilespmem:s8+$0xFFFFFFD0];
	v29 =	vand.u32 $0xFFFF0000, v58;
	[tilespmem:s9+$0x20] =	vst v25;
	v6 =	vperm.xlane v42, v4  }
0xfb: {  	[tilespmem:s2+$0x10] =	vst v14;
	v11 =	vperm.xlane v42, v2;
	v20 =	vperm.xlane v42, v1;
	v16 =	vmax.f32 v24, v16  }
0xfc: {  	s11 =	simm.s32 $0x2CB0;
	[tilespmem:s2+$0x0] =	vst v38;
	v24 =	vmul.f32 v29, v27;
	v27 =	vand.u32 $0xFFFF0000, v56;
	v29 =	vmul.f32 $2.000000030e-01, v15  }
0xfd: {  	s15 =	simm.s32 $0x2D0;
	v21 =	vadd.f32 v59, v21;
	[tilespmem:s11+$0x90] =	vst v42;
	v28 =	vmul.f32 $1.442695020e+00, v16;
	v36 =	vmul.f32 v27, v30  }
0xfe: {  	[tilespmem:s9+$0x70] =	vst v19;
	v19 =	vshll.u32 v46, $0x10;
	v25 =	vld [tilespmem:s15+$0x20];
	v13 =	vpop (erf);
	v16 =	vperm.xlane v22, v4;
	v30 =	vmul.f32 $2.000000030e-01, v40  }
0xff: {  	v37 =	vshll.u32 v23, $0x10;
	v22 =	vperm.xlane v22, v3;
	v18 =	vperm.xlane v13, v2;
	[tilespmem:s11+$0xFFFFFFA0] =	vst v13;
	v12 =	vpop (erf)  }
0x100: {  	v26 =	vperm.xlane v13, v1;
	v29 =	vmax.f32 v15, v29;
	v15 =	vperm.xlane v42, v3;
	v34 =	vld [tilespmem:s15+$0xFFFFFFC0];
	[tilespmem:s11+$0x40] =	vst v12  }
0x101: {  	[tilespmem:s2+$0xFFFFFFB0] =	vst v61;
	(erf) = vpow2.f32 v28;
	v39 =	vmul.f32 $1.442695020e+00, v29;
	v38 =	vmax.f32 v40, v30;
	v33 =	vld [tilespmem:s15+$0x0]  }
0x102: {  	s31 =	simm.s32 $0xC;
	s28 =	simm.s32 $0x16B0;
	v31 =	vld [tilespmem:s8+$0x10];
	[tilespmem:s2+$0xFFFFFFC0] =	vst v24;
	v28 =	vperm.xlane v10, v4;
	v29 =	vand.u32 $0xFFFF0000, v46;
	v8 =	vpop (erf);
	v27 =	vperm.xlane v12, v1  }
0x103: {  	s30 =	simm.s32 $0x350;
	s14 =	simm.s32 $0x2DF0;
	s10 =	simm.s32 $0x20B0;
	[tilespmem:s9+$0xFFFFFFD0] =	vst v63;
	v24 =	vld [tilespmem:s8+$0xFFFFFFF0];
	v14 =	vperm.xlane v8, v2;
	v35 =	vshll.u32 v25, $0x10;
	v30 =	vperm.xlane v8, v1  }
.LBB2_5:
0x104: {  	v40 =	vld [tilespmem:s10+$0x10];
	s31 =	sadd.s32 $0x4, s31;
	v41 =	vmul.f32 $2.000000030e-01, v21;
	v42 =	vperm.xlane v7, v4;
	[tilespmem:s9+$0x30] =	vst v32;
	v7 =	vmov v13;
	s8 =	smov.u32 s15;
	s15 =	smov.u32 s30  }
0x105: {  	v13 =	vshll.u32 v34, $0x10;
	v32 =	vperm.xlane v10, v3;
	v10 =	vmovc v12;
	v43 =	vld [tilespmem:s10+$0xFFFFFFE0];
	p2 =	slt.u32 s31, $0x4C;
	(erf) = vpow2.f32 v39;
	[tilespmem:s9+$0xFFFFFFE0] =	vst v36;
	s9 =	smov.u32 s2;
	s2 =	smov.u32 s11  }
0x106: {  	v17 =	vmul.f32 v37, v17;
	v36 =	vmul.f32 $1.442695020e+00, v38;
	s11 =	smov.u32 s14;
	v12 =	vld [tilespmem:s28+$0x10];
	[tilespmem:s2+$0xFFFFFFF0] =	vst v8;
	v38 =	vshll.u32 v33, $0x10  }
0x107: {  	v20 =	vmul.f32 v35, v20;
	v39 =	vperm.xlane v10, v2;
	v21 =	vmax.f32 v21, v41;
	v37 =	vld [tilespmem:s10+$0xFFFFFFF0]  }
0x108: {  	v34 =	vand.u32 $0xFFFF0000, v34;
	v33 =	vand.u32 $0xFFFF0000, v33;
	v21 =	vmul.f32 $1.442695020e+00, v21;
	[tilespmem:s9+$0xFFFFFF80] =	vst v17  }
0x109: {  	v34 =	vmul.f32 v34, v18;
	v18 =	vand.u32 $0xFFFF0000, v25;
	(erf) = vpow2.f32 v36;
	v35 =	vld [tilespmem:s8+$0xFFFFFFE0]  }
0x10a: {  	v13 =	vmul.f32 v13, v26;
	(erf) = vpow2.f32 v21;
	v41 =	vpop (erf);
	[tilespmem:s2+$0x50] =	vst v20;
	v20 =	vshll.u32 v31, $0x10  }
0x10b: {  	v25 =	vand.u32 $0xFFFF0000, v31;
	v17 =	vperm.xlane v7, v3;
	v21 =	vld [tilespmem:s28+$0xFFFFFFF0];
	[tilespmem:s14+$0x90] =	vst v41;
	v44 =	vperm.xlane v41, v4  }
0x10c: {  	v18 =	vmul.f32 v18, v11;
	v31 =	vshll.u32 v24, $0x10;
	v11 =	vperm.xlane v41, v2;
	v26 =	vld [tilespmem:s28+$0xFFFFFFE0];
	[tilespmem:s2+$0xFFFFFF60] =	vst v13  }
0x10d: {  	v23 =	vand.u32 $0xFFFF0000, v23;
	v38 =	vmul.f32 v38, v27;
	v27 =	vmul.f32 v20, v32;
	v36 =	vld [tilespmem:s10+$0x0]  }
0x10e: {  	v23 =	vmul.f32 v23, v42;
	v20 =	vperm.xlane v41, v1;
	v45 =	vld [tilespmem:s28+$0x0];
	v13 =	vpop (erf);
	v32 =	vshll.u32 v35, $0x10;
	[tilespmem:s2+$0x60] =	vst v18  }
0x10f: {  	v40 =	vadd.f32 v40, v12;
	v18 =	vperm.xlane v13, v2;
	v30 =	vmul.f32 v32, v30;
	v42 =	vld [tilespmem:s8+$0x30];
	[tilespmem:s9+$0x20] =	vst v27  }
0x110: {  	v27 =	vmul.f32 v33, v39;
	v32 =	vmul.f32 v25, v28;
	v21 =	vadd.f32 v37, v21;
	[tilespmem:s9+$0xFFFFFF90] =	vst v23  }
0x111: {  	v19 =	vmul.f32 v19, v9;
	v9 =	vmovc v15;
	v33 =	vmul.f32 $2.000000030e-01, v40;
	v28 =	vadd.f32 v43, v26;
	v25 =	vld [tilespmem:s30+$0x20];
	[tilespmem:s2+$0xFFFFFF70] =	vst v34  }
0x112: {  	v29 =	vmul.f32 v29, v5;
	v15 =	vand.u32 $0xFFFF0000, v35;
	v26 =	vperm.xlane v13, v1;
	[tilespmem:s14+$0xFFFFFFA0] =	vst v13;
	v12 =	vpop (erf);
	v23 =	vld [tilespmem:s8+$0xFFFFFFD0]  }
0x113: {  	v33 =	vmax.f32 v40, v33;
	v43 =	vadd.f32 v36, v45;
	v40 =	vpop (erf);
	v45 =	vmul.f32 v15, v14;
	[tilespmem:s2+$0x10] =	vst v27  }
0x114: {  	v5 =	vmovc v6;
	v46 =	vmul.f32 v31, v22;
	v15 =	vand.u32 $0xFFFF0000, v24;
	v14 =	vperm.xlane v40, v2;
	[tilespmem:s9+$0x70] =	vst v19  }
0x115: {  	v6 =	vmovc v44;
	v22 =	vmul.f32 $1.442695020e+00, v33;
	v19 =	vshll.u32 v42, $0x10;
	v36 =	vmul.f32 v15, v16;
	[tilespmem:s9+$0x80] =	vst v29  }
.Ltmp3:
0x116: {  	v15 =	vmul.f32 $2.000000030e-01, v28;
	v16 =	vperm.xlane v8, v4;
	v34 =	vld [tilespmem:s30+$0xFFFFFFC0];
	[tilespmem:s14+$0x40] =	vst v12;
	v35 =	vshll.u32 v25, $0x10;
	(pc) =	sbr.rel @p2 .LBB2_5-.Ltmp3, $4  }
0x117: {  	v27 =	vperm.xlane v12, v1;
	v24 =	vmul.f32 $2.000000030e-01, v43;
	v37 =	vshll.u32 v23, $0x10;
	[tilespmem:s2+$0x0] =	vst v38  }
0x118: {  	v28 =	vmax.f32 v28, v15;
	v15 =	vperm.xlane v41, v3;
	(erf) = vpow2.f32 v22;
	v33 =	vld [tilespmem:s30+$0x0];
	[tilespmem:s2+$0xFFFFFFB0] =	vst v30  }
0x119: {  	s14 =	sadd.s32 $0x140, s14;
	v39 =	vmul.f32 $1.442695020e+00, v28;
	v38 =	vmax.f32 v43, v24;
	v22 =	vperm.xlane v8, v3;
	v8 =	vmovc v40;
	[tilespmem:s2+$0xFFFFFFC0] =	vst v45;
	v31 =	vld [tilespmem:s8+$0x10]  }
0x11a: {  	s10 =	sadd.s32 $0x40, s10;
	s28 =	sadd.s32 $0x40, s28;
	v29 =	vand.u32 $0xFFFF0000, v42;
	v28 =	vperm.xlane v10, v4;
	s30 =	sadd.s32 $0x80, s30;
	v30 =	vperm.xlane v8, v1;
	v24 =	vld [tilespmem:s8+$0xFFFFFFF0];
	[tilespmem:s9+$0xFFFFFFD0] =	vst v46  }
0x11b: {  	[tilespmem:s9+$0x30] =	vst v32  }
0x11c: {  	[tilespmem:s9+$0xFFFFFFE0] =	vst v36;
	v17 =	vmul.f32 v37, v17  }
0x11d: {  	[tilespmem:s11+$0xFFFFFFF0] =	vst v8;
	v20 =	vmul.f32 v35, v20  }
0x11e: {  	v9 =	vmul.f32 v19, v9;
	[tilespmem:s2+$0xFFFFFF80] =	vst v17  }
0x11f: {  	(erf) = vpow2.f32 v39;
	v60 =	vshll.u32 v34, $0x10;
	v5 =	vmul.f32 v29, v5;
	[tilespmem:s11+$0x50] =	vst v20  }
0x120: {  	v59 =	vperm.xlane v7, v4;
	v62 =	vand.u32 $0xFFFF0000, v25;
	v63 =	vmul.f32 v60, v26;
	[tilespmem:s2+$0x70] =	vst v9  }
0x121: {  	v61 =	vmul.f32 $1.442695020e+00, v38;
	v38 =	vand.u32 $0xFFFF0000, v34;
	v11 =	vmul.f32 v62, v11;
	[tilespmem:s2+$0x80] =	vst v5  }
0x122: {  	v36 =	vand.u32 $0xFFFF0000, v23;
	v40 =	vperm.xlane v12, v2;
	v18 =	vmul.f32 v38, v18;
	[tilespmem:s11+$0xFFFFFF60] =	vst v63  }
0x123: {  	v39 =	vmul.f32 v36, v59;
	v42 =	vand.u32 $0xFFFF0000, v33;
	[tilespmem:s11+$0x60] =	vst v11  }
0x124: {  	v10 =	vperm.xlane v10, v3;
	v43 =	vld [tilespmem:s15+$0xFFFFFFE0];
	v44 =	vshll.u32 v33, $0x10;
	v17 =	vmul.f32 v42, v40;
	[tilespmem:s11+$0xFFFFFF70] =	vst v18  }
0x125: {  	v37 =	vmul.f32 $2.000000030e-01, v21;
	v35 =	vshll.u32 v31, $0x10;
	v45 =	vmul.f32 v44, v27;
	[tilespmem:s2+$0xFFFFFF90] =	vst v39  }
0x126: {  	v10 =	vmul.f32 v35, v10;
	[tilespmem:s11+$0x10] =	vst v17  }
0x127: {  	v41 =	vmax.f32 v21, v37;
	v49 =	vshll.u32 v24, $0x10;
	[tilespmem:s11+$0x0] =	vst v45  }
0x128: {  	v47 =	vld [tilespmem:s15+$0xFFFFFFD0];
	v54 =	vand.u32 $0xFFFF0000, v24;
	v52 =	vmul.f32 v49, v22;
	v7 =	vpop (erf);
	(erf) = vpow2.f32 v61;
	[tilespmem:s2+$0x20] =	vst v10  }
0x129: {  	v9 =	vmul.f32 v54, v16;
	v10 =	vmul.f32 $1.442695020e+00, v41;
	v46 =	vshll.u32 v43, $0x10;
	v56 =	vld [tilespmem:s15+$0x10];
	[tilespmem:s14+$0x90] =	vst v7  }
0x12a: {  	v48 =	vand.u32 $0xFFFF0000, v43;
	v5 =	vmul.f32 v46, v30;
	[tilespmem:s2+$0xFFFFFFD0] =	vst v52  }
0x12b: {  	v14 =	vmul.f32 v48, v14;
	[tilespmem:s2+$0xFFFFFFE0] =	vst v9;
	v50 =	vld [tilespmem:s30+$0x20];
	v11 =	vpop (erf);
	(erf) = vpow2.f32 v10  }
0x12c: {  	v55 =	vperm.xlane v13, v3;
	v51 =	vand.u32 $0xFFFF0000, v31;
	[tilespmem:s11+$0xFFFFFFB0] =	vst v5  }
0x12d: {  	v26 =	vperm.xlane v12, v3;
	v5 =	vmul.f32 v51, v28;
	[tilespmem:s11+$0xFFFFFFC0] =	vst v14;
	v58 =	vshll.u32 v47, $0x10  }
0x12e: {  	v28 =	vld [tilespmem:s15+$0x30];
	[tilespmem:s14+$0xFFFFFFA0] =	vst v11;
	v60 =	vmul.f32 v58, v55;
	v30 =	vshll.u32 v56, $0x10  }
0x12f: {  	v57 =	vperm.xlane v7, v1;
	v53 =	vld [tilespmem:s30+$0xFFFFFFC0];
	[tilespmem:s2+$0x30] =	vst v5;
	v32 =	vmul.f32 v30, v26  }
0x130: {  	v61 =	vperm.xlane v7, v2;
	[tilespmem:s11+$0xFFFFFF80] =	vst v60;
	v59 =	vshll.u32 v50, $0x10  }
0x131: {  	v27 =	vand.u32 $0xFFFF0000, v50;
	v18 =	vmul.f32 v59, v57;
	[tilespmem:s11+$0x20] =	vst v32;
	v17 =	vpop (erf)  }
0x132: {  	v29 =	vperm.xlane v13, v4;
	v9 =	vmul.f32 v27, v61;
	[tilespmem:s14+$0x40] =	vst v17  }
0x133: {  	v44 =	vperm.xlane v8, v3;
	v5 =	vperm.xlane v11, v1;
	v40 =	vand.u32 $0xFFFF0000, v28;
	[tilespmem:s14+$0x50] =	vst v18;
	v62 =	vld [tilespmem:s30+$0x0]  }
0x134: {  	v31 =	vperm.xlane v11, v2;
	v6 =	vmul.f32 v40, v6;
	v63 =	vshll.u32 v53, $0x10;
	[tilespmem:s14+$0x60] =	vst v9;
	v22 =	vpop (erf)  }
0x135: {  	v46 =	vperm.xlane v12, v4;
	v19 =	vand.u32 $0xFFFF0000, v53;
	v5 =	vmul.f32 v63, v5;
	[tilespmem:s14+$0xFFFFFFF0] =	vst v22  }
0x136: {  	v48 =	vand.u32 $0xFFFF0000, v56;
	v33 =	vperm.xlane v17, v2;
	v14 =	vmul.f32 v19, v31;
	[tilespmem:s11+$0x80] =	vst v6;
	v34 =	vld [tilespmem:s30+$0xFFFFFFE0]  }
0x137: {  	v6 =	vperm.xlane v8, v4;
	v8 =	vmul.f32 v48, v46;
	[tilespmem:s14+$0xFFFFFF60] =	vst v5;
	v5 =	vand.u32 $0xFFFF0000, v47  }
0x138: {  	v37 =	vld [tilespmem:s15+$0xFFFFFFF0];
	v35 =	vperm.xlane v17, v1;
	[tilespmem:s14+$0xFFFFFF70] =	vst v14;
	v5 =	vmul.f32 v5, v29;
	v36 =	vand.u32 $0xFFFF0000, v62  }
0x139: {  	v49 =	vld [tilespmem:s30+$0x30];
	[tilespmem:s11+$0x30] =	vst v8;
	v38 =	vshll.u32 v62, $0x10;
	v13 =	vmul.f32 v36, v33  }
0x13a: {  	v39 =	vperm.xlane v22, v1;
	[tilespmem:s11+$0xFFFFFF90] =	vst v5;
	v5 =	vshll.u32 v28, $0x10;
	v9 =	vmul.f32 v38, v35  }
0x13b: {  	v41 =	vperm.xlane v22, v2;
	v43 =	vld [tilespmem:s30+$0xFFFFFFD0];
	v5 =	vmul.f32 v5, v15;
	[tilespmem:s14+$0x10] =	vst v13;
	v42 =	vshll.u32 v34, $0x10  }
0x13c: {  	[tilespmem:s14+$0x0] =	vst v9;
	v45 =	vand.u32 $0xFFFF0000, v34;
	v14 =	vmul.f32 v42, v39  }
0x13d: {  	v56 =	vperm.xlane v7, v3;
	v10 =	vand.u32 $0xFFFF0000, v37;
	[tilespmem:s11+$0x70] =	vst v5;
	v13 =	vmul.f32 v45, v41  }
0x13e: {  	v50 =	vperm.xlane v11, v3;
	v6 =	vmul.f32 v10, v6;
	v57 =	vshll.u32 v49, $0x10;
	v5 =	vld [tilespmem:s30+$0x10];
	[tilespmem:s14+$0xFFFFFFB0] =	vst v14  }
0x13f: {  	v11 =	vperm.xlane v11, v4;
	v47 =	vshll.u32 v37, $0x10;
	v60 =	vmul.f32 v57, v56;
	[tilespmem:s14+$0xFFFFFFC0] =	vst v13  }
0x140: {  	[tilespmem:s11+$0xFFFFFFE0] =	vst v6;
	v9 =	vmul.f32 v47, v44;
	v6 =	vand.u32 $0xFFFF0000, v43;
	v52 =	vld [tilespmem:s30+$0xFFFFFFF0]  }
0x141: {  	v7 =	vperm.xlane v7, v4;
	v51 =	vshll.u32 v43, $0x10;
	[tilespmem:s14+$0x70] =	vst v60;
	v6 =	vmul.f32 v6, v11  }
0x142: {  	v53 =	vperm.xlane v17, v3;
	v59 =	vand.u32 $0xFFFF0000, v49;
	v54 =	vmul.f32 v51, v50;
	[tilespmem:s11+$0xFFFFFFD0] =	vst v9  }
0x143: {  	v61 =	vperm.xlane v17, v4;
	[tilespmem:s14+$0xFFFFFF90] =	vst v6;
	v6 =	vmul.f32 v59, v7;
	v55 =	vshll.u32 v5, $0x10  }
0x144: {  	v58 =	vperm.xlane v22, v3;
	[tilespmem:s14+$0xFFFFFF80] =	vst v54;
	v5 =	vand.u32 $0xFFFF0000, v5;
	v9 =	vmul.f32 v55, v53  }
0x145: {  	v7 =	vperm.xlane v22, v4;
	[tilespmem:s14+$0x80] =	vst v6;
	v5 =	vmul.f32 v5, v61;
	v62 =	vshll.u32 v52, $0x10  }
.Ltmp4:
0x146: {  	[tilespmem:s14+$0x20] =	vst v9;
	v63 =	vand.u32 $0xFFFF0000, v52;
	v8 =	vmul.f32 v62, v58;
	(pc) =	sbr.rel @p1 .LBB2_10-.Ltmp4, $4  }
0x147: {  	[tilespmem:s14+$0x30] =	vst v5;
	v6 =	vmul.f32 v63, v7  }
0x148: {  	[tilespmem:s14+$0xFFFFFFD0] =	vst v8  }
0x149: {  	[tilespmem:s14+$0xFFFFFFE0] =	vst v6  }
0x14a: {  	[spmem:s1] =	stream.indirect.scatter.add.f32 [tilespmem:s16], [sflag:$0x5], $0x50, s24, s19, $0xb8;
	[tilespmem:$0x105E0] =	vst v63  }
0x14b: {  	_ =	swait.ge [sflag:s26], $0xA00  }
0x14c: {  	[sflag:s26] =	ssyncset.done $0x0  }
0x14d: {  	[sflag:s26] =	ssyncadd.s32 $0xFFFFF600  }
0x14e: {  	_ =	swait.ge [sflag:s26], $0x500  }
0x14f: {  	[sflag:s26] =	ssyncset.done $0x0  }
0x150: {  	[sflag:s26] =	ssyncadd.s32 $0xFFFFFB00  }
0x151: {  	_ =	swait.ge [sflag:s26], $0x500  }
0x152: {  	[sflag:s26] =	ssyncset.done $0x0  }
0x153: {  	[sflag:s26] =	ssyncadd.s32 $0xFFFFFB00  }
0x154: {  	_ =	swait.ge [sflag:s25], $0x1900  }
0x155: {  	[sflag:s25] =	ssyncset.done $0x0  }
0x156: {  	[sflag:s25] =	ssyncadd.s32 $0xFFFFE700  }
0x157: {  	v5 =	vld [tilespmem:$0xF0]  }
0x158: {  	v6 =	vld [tilespmem:$0x100]  }
0x159: {  	v7 =	vld [tilespmem:$0x110]  }
0x15a: {  	v8 =	vld [tilespmem:$0x120]  }
0x15b: {  	v9 =	vld [tilespmem:$0x130]  }
0x15c: {  	p1 =	sgt.u32 s29, $0x3C;
	[tilespmem:$0x140] =	vst v5  }
0x15d: {  	s0 =	sadd.s32 @!p1 s0, s13;
	[tilespmem:$0x150] =	vst v6  }
0x15e: {  	s0 =	smul.u32 @!p1 $0x14, s0;
	[tilespmem:$0x160] =	vst v7  }
0x15f: {  	[tilespmem:$0x170] =	vst v8  }
0x160: {  	s2 =	simm.s32 @!p1 $0x0;
	s8 =	simm.s32 @!p1 $0xA0;
	s0 =	sadd.s32 @!p1 s7, s0;
	[tilespmem:$0x180] =	vst v9  }
0x161: {  	[tilespmem:s8], [sflag:$0x2] =	stream.linear.gather @!p1 [hbm4b:s0+s2], $0xA0, $0x38;
	[tilespmem:$0x105E0] =	vst v63  }
0x162: {  	_ =	swait.ge [sflag:s18], $0xA0  }
0x163: {  	[sflag:s18] =	ssyncset.done $0x0  }
0x164: {  	[sflag:s18] =	ssyncadd.s32 $0xFFFFFF60  }
0x165: {  	[tilespmem:s20], [sflag:$0x3] =	stream.indirect.gather [hbm4b:s4+s19], $0x20, s3, s19, $0xb8;
	[tilespmem:$0x105E0] =	vst v63  }
0x166: {  	_ = 	snop  }
0x167: {  	[tilespmem:s21], [sflag:$0x3] =	stream.indirect.gather [hbm4b:s5+s19], $0x10, s3, s19, $0xb8;
	[tilespmem:$0x105E0] =	vst v63  }
0x168: {  	s8 =	simm.s32 $0x24B0  }
0x169: {  	[tilespmem:s22], [sflag:$0x3] =	stream.indirect.gather [hbm4b:s6+s19], $0x10, s19, s19, $0xb8;
	[tilespmem:$0x105E0] =	vst v63  }
0x16a: {  	s9 =	simm.s32 $0x1AB0;
	v5 =	vld [tilespmem:s8+$0x10]  }
0x16b: {  	v6 =	vld [tilespmem:s9+$0x10]  }
0x16c: {  	v7 =	vld [tilespmem:s8+$0xFFFFFFE0]  }
0x16d: {  	v8 =	vld [tilespmem:s9+$0xFFFFFFE0]  }
0x16e: {  	v9 =	vld [tilespmem:s8+$0x0]  }
0x16f: {  	v10 =	vld [tilespmem:s9+$0x0];
	_ =	sdelay $0x1  }
0x170: {  	v5 =	vadd.f32 v5, v6  }
0x171: {  	v11 =	vld [tilespmem:s9+$0xFFFFFFF0]  }
0x172: {  	v6 =	vld [tilespmem:s8+$0xFFFFFFF0];
	v12 =	vmul.f32 $2.000000030e-01, v5  }
0x173: {  	v7 =	vadd.f32 v7, v8;
	v8 =	vadd.f32 v9, v10  }
0x174: {  	v5 =	vmax.f32 v5, v12  }
0x175: {  	v10 =	vmul.f32 $2.000000030e-01, v8;
	v5 =	vmul.f32 $1.442695020e+00, v5  }
0x176: {  	s11 =	simm.s32 $0x1AF0;
	v9 =	vmul.f32 $2.000000030e-01, v7  }
0x177: {  	v8 =	vmax.f32 v8, v10;
	v10 =	vld [tilespmem:s11+$0x10];
	v6 =	vadd.f32 v6, v11;
	(erf) = vpow2.f32 v5  }
0x178: {  	s10 =	simm.s32 $0x24F0;
	v12 =	vld [tilespmem:s11+$0x0];
	v5 =	vmax.f32 v7, v9  }
0x179: {  	v7 =	vld [tilespmem:s10+$0x10];
	v9 =	vmul.f32 $2.000000030e-01, v6;
	v5 =	vmul.f32 $1.442695020e+00, v5  }
0x17a: {  	v11 =	vld [tilespmem:s10+$0xFFFFFFE0]  }
0x17b: {  	v8 =	vmul.f32 $1.442695020e+00, v8;
	(erf) = vpow2.f32 v5;
	v5 =	vmax.f32 v6, v9;
	v6 =	vld [tilespmem:s11+$0xFFFFFFE0]  }
0x17c: {  	v9 =	vld [tilespmem:s10+$0x0];
	v5 =	vmul.f32 $1.442695020e+00, v5  }
0x17d: {  	(erf) = vpow2.f32 v8  }
0x17e: {  	v13 =	vld [tilespmem:s10+$0xFFFFFFF0];
	(erf) = vpow2.f32 v5;
	v5 =	vadd.f32 v7, v10  }
0x17f: {  	v7 =	vld [tilespmem:s11+$0xFFFFFFF0]  }
0x180: {  	v6 =	vadd.f32 v11, v6;
	v11 =	vmul.f32 $2.000000030e-01, v5;
	v10 =	vpop (erf)  }
0x181: {  	v9 =	vadd.f32 v9, v12;
	v8 =	vperm.xlane v10, v4  }
0x182: {  	v14 =	vperm.xlane v10, v2;
	v5 =	vmax.f32 v5, v11;
	v11 =	vmul.f32 $2.000000030e-01, v6  }
0x183: {  	v12 =	vmul.f32 $2.000000030e-01, v9;
	v5 =	vmul.f32 $1.442695020e+00, v5  }
0x184: {  	s14 =	simm.s32 $0x2530;
	s2 =	simm.s32 $0x2A30;
	v15 =	vperm.xlane v10, v1;
	v7 =	vadd.f32 v13, v7;
	v6 =	vmax.f32 v6, v11  }
0x185: {  	s9 =	simm.s32 $0xBD0;
	v22 =	vld [tilespmem:s14+$0x10];
	[tilespmem:s2+$0x90] =	vst v10;
	v16 =	vpop (erf);
	v9 =	vmax.f32 v9, v12;
	v12 =	vperm.xlane v10, v3;
	(erf) = vpow2.f32 v5  }
0x186: {  	v11 =	vld [tilespmem:s9+$0x20];
	v5 =	vmul.f32 $1.442695020e+00, v6;
	v6 =	vperm.xlane v16, v2  }
0x187: {  	v25 =	vld [tilespmem:s14+$0xFFFFFFF0];
	[tilespmem:s2+$0xFFFFFFA0] =	vst v16;
	v13 =	vpop (erf);
	v18 =	vmul.f32 $2.000000030e-01, v7;
	v19 =	vperm.xlane v16, v1  }
0x188: {  	v17 =	vld [tilespmem:s9+$0xFFFFFFC0];
	[tilespmem:s2+$0x40] =	vst v13;
	v26 =	vperm.xlane v13, v2;
	(erf) = vpow2.f32 v5  }
0x189: {  	s15 =	simm.s32 $0x1B30;
	v20 =	vpop (erf);
	v21 =	vld [tilespmem:s9+$0x0];
	v5 =	vmul.f32 $1.442695020e+00, v9;
	v7 =	vmax.f32 v7, v18;
	v9 =	vperm.xlane v13, v1  }
0x18a: {  	v10 =	vld [tilespmem:s15+$0x10];
	v23 =	vperm.xlane v20, v2;
	v7 =	vmul.f32 $1.442695020e+00, v7  }
0x18b: {  	v29 =	vld [tilespmem:s15+$0xFFFFFFE0];
	v24 =	vperm.xlane v20, v1;
	[tilespmem:s2+$0xFFFFFFF0] =	vst v20;
	(erf) = vpow2.f32 v5;
	v5 =	vshll.u32 v11, $0x10  }
0x18c: {  	v27 =	vld [tilespmem:s9+$0xFFFFFFE0];
	v11 =	vand.u32 $0xFFFF0000, v11;
	(erf) = vpow2.f32 v7;
	v5 =	vmul.f32 v5, v15  }
0x18d: {  	v30 =	vld [tilespmem:s14+$0x0];
	v11 =	vmul.f32 v11, v14;
	v7 =	vshll.u32 v17, $0x10;
	v17 =	vand.u32 $0xFFFF0000, v17  }
0x18e: {  	v15 =	vld [tilespmem:s15+$0xFFFFFFF0];
	v6 =	vmul.f32 v17, v6;
	v17 =	vshll.u32 v21, $0x10;
	v19 =	vmul.f32 v7, v19  }
0x18f: {  	v18 =	vld [tilespmem:s14+$0xFFFFFFE0];
	v14 =	vand.u32 $0xFFFF0000, v21;
	v21 =	vperm.xlane v16, v3;
	[tilespmem:s2+$0x60] =	vst v11;
	v11 =	vadd.f32 v22, v10  }
0x190: {  	[tilespmem:s2+$0x50] =	vst v5;
	v16 =	vperm.xlane v16, v4;
	v17 =	vmul.f32 v17, v9;
	v9 =	vld [tilespmem:s15+$0x0]  }
0x191: {  	v34 =	vld [tilespmem:s9+$0x30];
	v14 =	vmul.f32 v14, v26;
	v28 =	vpop (erf);
	v10 =	vshll.u32 v27, $0x10;
	v22 =	vmul.f32 $2.000000030e-01, v11  }
0x192: {  	[tilespmem:s2+$0xFFFFFF70] =	vst v6;
	v6 =	vand.u32 $0xFFFF0000, v27;
	v5 =	vperm.xlane v28, v4;
	v31 =	vperm.xlane v28, v2  }
0x193: {  	v32 =	vperm.xlane v28, v1;
	v15 =	vadd.f32 v25, v15;
	v6 =	vmul.f32 v6, v23;
	v7 =	vpop (erf)  }
0x194: {  	v18 =	vadd.f32 v18, v29;
	[tilespmem:s2+$0xFFFFFF60] =	vst v19;
	v19 =	vmul.f32 v10, v24;
	v33 =	vperm.xlane v7, v2  }
0x195: {  	s0 =	simm.s32 $0x2B70;
	v11 =	vmax.f32 v11, v22;
	v25 =	vperm.xlane v7, v1;
	[tilespmem:s2+$0xFFFFFFC0] =	vst v6;
	v6 =	vmul.f32 $2.000000030e-01, v15  }
0x196: {  	s31 =	simm.s32 $0xC50;
	[tilespmem:s0+$0x90] =	vst v28;
	v26 =	vld [tilespmem:s9+$0xFFFFFFD0];
	v23 =	vadd.f32 v30, v9;
	v9 =	vmul.f32 $1.442695020e+00, v11;
	v29 =	vshll.u32 v34, $0x10  }
0x197: {  	v24 =	vld [tilespmem:s31+$0x20];
	v10 =	vpop (erf);
	v11 =	vmul.f32 $2.000000030e-01, v18;
	v30 =	vperm.xlane v20, v4;
	v34 =	vand.u32 $0xFFFF0000, v34  }
0x198: {  	s10 =	simm.s32 $0x2570;
	v22 =	vpop (erf);
	v38 =	vperm.xlane v10, v1;
	v6 =	vmax.f32 v15, v6;
	v15 =	vperm.xlane v10, v2  }
0x199: {  	v39 =	vld [tilespmem:s10+$0x10];
	v62 =	vmul.f32 v34, v8;
	v27 =	vperm.xlane v22, v2  }
0x19a: {  	v41 =	vld [tilespmem:s10+$0xFFFFFFE0];
	[tilespmem:s0+$0xFFFFFFA0] =	vst v7;
	v37 =	vmul.f32 $2.000000030e-01, v23;
	v11 =	vmax.f32 v18, v11;
	(erf) = vpow2.f32 v9  }
0x19b: {  	[tilespmem:s2+$0xFFFFFFB0] =	vst v19;
	v35 =	vld [tilespmem:s31+$0xFFFFFFC0];
	v9 =	vperm.xlane v28, v3;
	v18 =	vshll.u32 v26, $0x10;
	v28 =	vperm.xlane v20, v3  }
0x19c: {  	s11 =	simm.s32 $0x1B70;
	[tilespmem:s2+$0x10] =	vst v14;
	v56 =	vld [tilespmem:s9+$0xFFFFFFF0];
	v19 =	vperm.xlane v22, v1;
	v6 =	vmul.f32 $1.442695020e+00, v6;
	v36 =	vshll.u32 v24, $0x10  }
0x19d: {  	v57 =	vld [tilespmem:s11+$0x10];
	[tilespmem:s0+$0x40] =	vst v10;
	v11 =	vmul.f32 $1.442695020e+00, v11;
	v18 =	vmul.f32 v18, v21;
	v24 =	vand.u32 $0xFFFF0000, v24  }
0x19e: {  	[tilespmem:s2+$0x0] =	vst v17;
	v14 =	vld [tilespmem:s31+$0x0];
	v17 =	vmax.f32 v23, v37;
	v23 =	vperm.xlane v13, v4;
	v13 =	vperm.xlane v13, v3  }
0x19f: {  	v20 =	vld [tilespmem:s9+$0x10];
	v21 =	vmul.f32 v36, v32;
	v24 =	vmul.f32 v24, v31  }
0x1a0: {  	v45 =	vld [tilespmem:s10+$0x0];
	[tilespmem:s0+$0xFFFFFFF0] =	vst v22;
	(erf) = vpow2.f32 v11;
	v11 =	vshll.u32 v35, $0x10;
	v35 =	vand.u32 $0xFFFF0000, v35  }
0x1a1: {  	v58 =	vld [tilespmem:s31+$0xFFFFFFE0];
	v17 =	vmul.f32 $1.442695020e+00, v17;
	[tilespmem:s2+$0xFFFFFF80] =	vst v18;
	v31 =	vshll.u32 v56, $0x10;
	v33 =	vmul.f32 v35, v33  }
0x1a2: {  	v44 =	vld [tilespmem:s11+$0xFFFFFFE0];
	v18 =	vmul.f32 v11, v25;
	[tilespmem:s0+$0x60] =	vst v24;
	v24 =	vadd.f32 v39, v57;
	v63 =	vmul.f32 v31, v28  }
0x1a3: {  	v60 =	vld [tilespmem:s11+$0x0];
	v40 =	vshll.u32 v14, $0x10;
	v14 =	vand.u32 $0xFFFF0000, v14;
	(erf) = vpow2.f32 v17  }
0x1a4: {  	[tilespmem:s2+$0x80] =	vst v62;
	v25 =	vshll.u32 v20, $0x10;
	v17 =	vperm.xlane v7, v3;
	v43 =	vand.u32 $0xFFFF0000, v20  }
0x1a5: {  	(erf) = vpow2.f32 v6;
	[tilespmem:s0+$0xFFFFFF60] =	vst v18;
	v38 =	vmul.f32 v40, v38;
	v18 =	vand.u32 $0xFFFF0000, v26  }
0x1a6: {  	v59 =	vld [tilespmem:s10+$0xFFFFFFF0];
	[tilespmem:s0+$0x50] =	vst v21;
	v25 =	vmul.f32 v25, v13;
	v26 =	vshll.u32 v58, $0x10;
	v16 =	vmul.f32 v18, v16  }
0x1a7: {  	v21 =	vld [tilespmem:s11+$0xFFFFFFF0];
	v14 =	vmul.f32 v14, v15;
	v32 =	vmul.f32 v43, v23;
	v15 =	vadd.f32 v41, v44;
	[tilespmem:s0+$0xFFFFFF70] =	vst v33  }
0x1a8: {  	v46 =	vld [tilespmem:s31+$0x30];
	v40 =	vadd.f32 v45, v60;
	v61 =	vmul.f32 v26, v19;
	v42 =	vpop (erf);
	[tilespmem:s2+$0xFFFFFF90] =	vst v16;
	v16 =	vmul.f32 $2.000000030e-01, v24  }
0x1a9: {  	v19 =	vmul.f32 v29, v12;
	v23 =	vld [tilespmem:s31+$0xFFFFFFD0];
	v29 =	vand.u32 $0xFFFF0000, v58;
	[tilespmem:s2+$0x20] =	vst v25;
	v6 =	vperm.xlane v42, v4  }
0x1aa: {  	[tilespmem:s0+$0x10] =	vst v14;
	v11 =	vperm.xlane v42, v2;
	v20 =	vperm.xlane v42, v1;
	v16 =	vmax.f32 v24, v16  }
0x1ab: {  	s9 =	simm.s32 $0x2CB0;
	[tilespmem:s0+$0x0] =	vst v38;
	v24 =	vmul.f32 v29, v27;
	v27 =	vand.u32 $0xFFFF0000, v56;
	v29 =	vmul.f32 $2.000000030e-01, v15  }
0x1ac: {  	s14 =	simm.s32 $0xCD0;
	v21 =	vadd.f32 v59, v21;
	[tilespmem:s9+$0x90] =	vst v42;
	v28 =	vmul.f32 $1.442695020e+00, v16;
	v36 =	vmul.f32 v27, v30  }
0x1ad: {  	[tilespmem:s2+$0x70] =	vst v19;
	v19 =	vshll.u32 v46, $0x10;
	v25 =	vld [tilespmem:s14+$0x20];
	v13 =	vpop (erf);
	v16 =	vperm.xlane v22, v4;
	v30 =	vmul.f32 $2.000000030e-01, v40  }
0x1ae: {  	v37 =	vshll.u32 v23, $0x10;
	v22 =	vperm.xlane v22, v3;
	v18 =	vperm.xlane v13, v2;
	[tilespmem:s9+$0xFFFFFFA0] =	vst v13;
	v12 =	vpop (erf)  }
0x1af: {  	v26 =	vperm.xlane v13, v1;
	v29 =	vmax.f32 v15, v29;
	v15 =	vperm.xlane v42, v3;
	v34 =	vld [tilespmem:s14+$0xFFFFFFC0];
	[tilespmem:s9+$0x40] =	vst v12  }
0x1b0: {  	[tilespmem:s0+$0xFFFFFFB0] =	vst v61;
	(erf) = vpow2.f32 v28;
	v39 =	vmul.f32 $1.442695020e+00, v29;
	v38 =	vmax.f32 v40, v30;
	v33 =	vld [tilespmem:s14+$0x0]  }
0x1b1: {  	s30 =	simm.s32 $0xC;
	s28 =	simm.s32 $0x1BB0;
	v31 =	vld [tilespmem:s31+$0x10];
	[tilespmem:s0+$0xFFFFFFC0] =	vst v24;
	v28 =	vperm.xlane v10, v4;
	v29 =	vand.u32 $0xFFFF0000, v46;
	v8 =	vpop (erf);
	v27 =	vperm.xlane v12, v1  }
0x1b2: {  	s10 =	simm.s32 $0x25B0;
	s15 =	simm.s32 $0xD50;
	s11 =	simm.s32 $0x2DF0;
	[tilespmem:s2+$0xFFFFFFD0] =	vst v63;
	v24 =	vld [tilespmem:s31+$0xFFFFFFF0];
	v14 =	vperm.xlane v8, v2;
	v35 =	vshll.u32 v25, $0x10;
	v30 =	vperm.xlane v8, v1  }
.LBB2_8:
0x1b3: {  	v40 =	vld [tilespmem:s10+$0x10];
	s30 =	sadd.s32 $0x4, s30;
	v41 =	vmul.f32 $2.000000030e-01, v21;
	v42 =	vperm.xlane v7, v4;
	[tilespmem:s2+$0x30] =	vst v32;
	v7 =	vmov v13;
	s8 =	smov.u32 s14;
	s14 =	smov.u32 s15  }
0x1b4: {  	v13 =	vshll.u32 v34, $0x10;
	v32 =	vperm.xlane v10, v3;
	v10 =	vmovc v12;
	v43 =	vld [tilespmem:s10+$0xFFFFFFE0];
	p1 =	slt.u32 s30, $0x4C;
	(erf) = vpow2.f32 v39;
	[tilespmem:s2+$0xFFFFFFE0] =	vst v36;
	s2 =	smov.u32 s0;
	s0 =	smov.u32 s9  }
0x1b5: {  	v17 =	vmul.f32 v37, v17;
	v36 =	vmul.f32 $1.442695020e+00, v38;
	s9 =	smov.u32 s11;
	v12 =	vld [tilespmem:s28+$0x10];
	[tilespmem:s0+$0xFFFFFFF0] =	vst v8;
	v38 =	vshll.u32 v33, $0x10  }
0x1b6: {  	v20 =	vmul.f32 v35, v20;
	v39 =	vperm.xlane v10, v2;
	v21 =	vmax.f32 v21, v41;
	v37 =	vld [tilespmem:s10+$0xFFFFFFF0]  }
0x1b7: {  	v34 =	vand.u32 $0xFFFF0000, v34;
	v33 =	vand.u32 $0xFFFF0000, v33;
	v21 =	vmul.f32 $1.442695020e+00, v21;
	[tilespmem:s2+$0xFFFFFF80] =	vst v17  }
0x1b8: {  	v34 =	vmul.f32 v34, v18;
	v18 =	vand.u32 $0xFFFF0000, v25;
	(erf) = vpow2.f32 v36;
	v35 =	vld [tilespmem:s8+$0xFFFFFFE0]  }
0x1b9: {  	v13 =	vmul.f32 v13, v26;
	(erf) = vpow2.f32 v21;
	v41 =	vpop (erf);
	[tilespmem:s0+$0x50] =	vst v20;
	v20 =	vshll.u32 v31, $0x10  }
0x1ba: {  	v25 =	vand.u32 $0xFFFF0000, v31;
	v17 =	vperm.xlane v7, v3;
	v21 =	vld [tilespmem:s28+$0xFFFFFFF0];
	[tilespmem:s11+$0x90] =	vst v41;
	v44 =	vperm.xlane v41, v4  }
0x1bb: {  	v18 =	vmul.f32 v18, v11;
	v31 =	vshll.u32 v24, $0x10;
	v11 =	vperm.xlane v41, v2;
	v26 =	vld [tilespmem:s28+$0xFFFFFFE0];
	[tilespmem:s0+$0xFFFFFF60] =	vst v13  }
0x1bc: {  	v23 =	vand.u32 $0xFFFF0000, v23;
	v38 =	vmul.f32 v38, v27;
	v27 =	vmul.f32 v20, v32;
	v36 =	vld [tilespmem:s10+$0x0]  }
0x1bd: {  	v23 =	vmul.f32 v23, v42;
	v20 =	vperm.xlane v41, v1;
	v45 =	vld [tilespmem:s28+$0x0];
	v13 =	vpop (erf);
	v32 =	vshll.u32 v35, $0x10;
	[tilespmem:s0+$0x60] =	vst v18  }
0x1be: {  	v40 =	vadd.f32 v40, v12;
	v18 =	vperm.xlane v13, v2;
	v30 =	vmul.f32 v32, v30;
	v42 =	vld [tilespmem:s8+$0x30];
	[tilespmem:s2+$0x20] =	vst v27  }
0x1bf: {  	v27 =	vmul.f32 v33, v39;
	v32 =	vmul.f32 v25, v28;
	v21 =	vadd.f32 v37, v21;
	[tilespmem:s2+$0xFFFFFF90] =	vst v23  }
0x1c0: {  	v19 =	vmul.f32 v19, v9;
	v9 =	vmovc v15;
	v33 =	vmul.f32 $2.000000030e-01, v40;
	v28 =	vadd.f32 v43, v26;
	v25 =	vld [tilespmem:s15+$0x20];
	[tilespmem:s0+$0xFFFFFF70] =	vst v34  }
0x1c1: {  	v29 =	vmul.f32 v29, v5;
	v15 =	vand.u32 $0xFFFF0000, v35;
	v26 =	vperm.xlane v13, v1;
	[tilespmem:s11+$0xFFFFFFA0] =	vst v13;
	v12 =	vpop (erf);
	v23 =	vld [tilespmem:s8+$0xFFFFFFD0]  }
0x1c2: {  	v33 =	vmax.f32 v40, v33;
	v43 =	vadd.f32 v36, v45;
	v40 =	vpop (erf);
	v45 =	vmul.f32 v15, v14;
	[tilespmem:s0+$0x10] =	vst v27  }
0x1c3: {  	v5 =	vmovc v6;
	v46 =	vmul.f32 v31, v22;
	v15 =	vand.u32 $0xFFFF0000, v24;
	v14 =	vperm.xlane v40, v2;
	[tilespmem:s2+$0x70] =	vst v19  }
0x1c4: {  	v6 =	vmovc v44;
	v22 =	vmul.f32 $1.442695020e+00, v33;
	v19 =	vshll.u32 v42, $0x10;
	v36 =	vmul.f32 v15, v16;
	[tilespmem:s2+$0x80] =	vst v29  }
.Ltmp5:
0x1c5: {  	v15 =	vmul.f32 $2.000000030e-01, v28;
	v16 =	vperm.xlane v8, v4;
	v34 =	vld [tilespmem:s15+$0xFFFFFFC0];
	[tilespmem:s11+$0x40] =	vst v12;
	v35 =	vshll.u32 v25, $0x10;
	(pc) =	sbr.rel @p1 .LBB2_8-.Ltmp5, $4  }
0x1c6: {  	v27 =	vperm.xlane v12, v1;
	v24 =	vmul.f32 $2.000000030e-01, v43;
	v37 =	vshll.u32 v23, $0x10;
	[tilespmem:s0+$0x0] =	vst v38  }
0x1c7: {  	v28 =	vmax.f32 v28, v15;
	v15 =	vperm.xlane v41, v3;
	(erf) = vpow2.f32 v22;
	v33 =	vld [tilespmem:s15+$0x0];
	[tilespmem:s0+$0xFFFFFFB0] =	vst v30  }
0x1c8: {  	s11 =	sadd.s32 $0x140, s11;
	v39 =	vmul.f32 $1.442695020e+00, v28;
	v38 =	vmax.f32 v43, v24;
	v22 =	vperm.xlane v8, v3;
	v8 =	vmovc v40;
	[tilespmem:s0+$0xFFFFFFC0] =	vst v45;
	v31 =	vld [tilespmem:s8+$0x10]  }
0x1c9: {  	s10 =	sadd.s32 $0x40, s10;
	s28 =	sadd.s32 $0x40, s28;
	v29 =	vand.u32 $0xFFFF0000, v42;
	v28 =	vperm.xlane v10, v4;
	s15 =	sadd.s32 $0x80, s15;
	v30 =	vperm.xlane v8, v1;
	v24 =	vld [tilespmem:s8+$0xFFFFFFF0];
	[tilespmem:s2+$0xFFFFFFD0] =	vst v46  }
0x1ca: {  	[tilespmem:s2+$0x30] =	vst v32  }
0x1cb: {  	[tilespmem:s2+$0xFFFFFFE0] =	vst v36;
	v17 =	vmul.f32 v37, v17  }
0x1cc: {  	[tilespmem:s9+$0xFFFFFFF0] =	vst v8;
	v20 =	vmul.f32 v35, v20  }
0x1cd: {  	v9 =	vmul.f32 v19, v9;
	[tilespmem:s0+$0xFFFFFF80] =	vst v17  }
0x1ce: {  	(erf) = vpow2.f32 v39;
	v60 =	vshll.u32 v34, $0x10;
	v5 =	vmul.f32 v29, v5;
	[tilespmem:s9+$0x50] =	vst v20  }
0x1cf: {  	v59 =	vperm.xlane v7, v4;
	v62 =	vand.u32 $0xFFFF0000, v25;
	v63 =	vmul.f32 v60, v26;
	[tilespmem:s0+$0x70] =	vst v9  }
0x1d0: {  	v61 =	vmul.f32 $1.442695020e+00, v38;
	v38 =	vand.u32 $0xFFFF0000, v34;
	v11 =	vmul.f32 v62, v11;
	[tilespmem:s0+$0x80] =	vst v5  }
0x1d1: {  	v36 =	vand.u32 $0xFFFF0000, v23;
	v40 =	vperm.xlane v12, v2;
	v18 =	vmul.f32 v38, v18;
	[tilespmem:s9+$0xFFFFFF60] =	vst v63  }
0x1d2: {  	v39 =	vmul.f32 v36, v59;
	v42 =	vand.u32 $0xFFFF0000, v33;
	[tilespmem:s9+$0x60] =	vst v11  }
0x1d3: {  	v10 =	vperm.xlane v10, v3;
	v43 =	vld [tilespmem:s14+$0xFFFFFFE0];
	v44 =	vshll.u32 v33, $0x10;
	v17 =	vmul.f32 v42, v40;
	[tilespmem:s9+$0xFFFFFF70] =	vst v18  }
0x1d4: {  	v37 =	vmul.f32 $2.000000030e-01, v21;
	v35 =	vshll.u32 v31, $0x10;
	v45 =	vmul.f32 v44, v27;
	[tilespmem:s0+$0xFFFFFF90] =	vst v39  }
0x1d5: {  	v10 =	vmul.f32 v35, v10;
	[tilespmem:s9+$0x10] =	vst v17  }
0x1d6: {  	v41 =	vmax.f32 v21, v37;
	v49 =	vshll.u32 v24, $0x10;
	[tilespmem:s9+$0x0] =	vst v45  }
0x1d7: {  	v47 =	vld [tilespmem:s14+$0xFFFFFFD0];
	v54 =	vand.u32 $0xFFFF0000, v24;
	v52 =	vmul.f32 v49, v22;
	v7 =	vpop (erf);
	(erf) = vpow2.f32 v61;
	[tilespmem:s0+$0x20] =	vst v10  }
0x1d8: {  	v9 =	vmul.f32 v54, v16;
	v10 =	vmul.f32 $1.442695020e+00, v41;
	v46 =	vshll.u32 v43, $0x10;
	v56 =	vld [tilespmem:s14+$0x10];
	[tilespmem:s11+$0x90] =	vst v7  }
0x1d9: {  	v48 =	vand.u32 $0xFFFF0000, v43;
	v5 =	vmul.f32 v46, v30;
	[tilespmem:s0+$0xFFFFFFD0] =	vst v52  }
0x1da: {  	v14 =	vmul.f32 v48, v14;
	[tilespmem:s0+$0xFFFFFFE0] =	vst v9;
	v50 =	vld [tilespmem:s15+$0x20];
	v11 =	vpop (erf);
	(erf) = vpow2.f32 v10  }
0x1db: {  	v55 =	vperm.xlane v13, v3;
	v51 =	vand.u32 $0xFFFF0000, v31;
	[tilespmem:s9+$0xFFFFFFB0] =	vst v5  }
0x1dc: {  	v26 =	vperm.xlane v12, v3;
	v5 =	vmul.f32 v51, v28;
	[tilespmem:s9+$0xFFFFFFC0] =	vst v14;
	v58 =	vshll.u32 v47, $0x10  }
0x1dd: {  	v28 =	vld [tilespmem:s14+$0x30];
	[tilespmem:s11+$0xFFFFFFA0] =	vst v11;
	v60 =	vmul.f32 v58, v55;
	v30 =	vshll.u32 v56, $0x10  }
0x1de: {  	v57 =	vperm.xlane v7, v1;
	v53 =	vld [tilespmem:s15+$0xFFFFFFC0];
	[tilespmem:s0+$0x30] =	vst v5;
	v32 =	vmul.f32 v30, v26  }
0x1df: {  	v61 =	vperm.xlane v7, v2;
	[tilespmem:s9+$0xFFFFFF80] =	vst v60;
	v59 =	vshll.u32 v50, $0x10  }
0x1e0: {  	v27 =	vand.u32 $0xFFFF0000, v50;
	v18 =	vmul.f32 v59, v57;
	[tilespmem:s9+$0x20] =	vst v32;
	v17 =	vpop (erf)  }
0x1e1: {  	v29 =	vperm.xlane v13, v4;
	v9 =	vmul.f32 v27, v61;
	[tilespmem:s11+$0x40] =	vst v17  }
0x1e2: {  	v44 =	vperm.xlane v8, v3;
	v5 =	vperm.xlane v11, v1;
	v40 =	vand.u32 $0xFFFF0000, v28;
	[tilespmem:s11+$0x50] =	vst v18;
	v62 =	vld [tilespmem:s15+$0x0]  }
0x1e3: {  	v31 =	vperm.xlane v11, v2;
	v6 =	vmul.f32 v40, v6;
	v63 =	vshll.u32 v53, $0x10;
	[tilespmem:s11+$0x60] =	vst v9;
	v22 =	vpop (erf)  }
0x1e4: {  	v46 =	vperm.xlane v12, v4;
	v19 =	vand.u32 $0xFFFF0000, v53;
	v5 =	vmul.f32 v63, v5;
	[tilespmem:s11+$0xFFFFFFF0] =	vst v22  }
0x1e5: {  	v48 =	vand.u32 $0xFFFF0000, v56;
	v33 =	vperm.xlane v17, v2;
	v14 =	vmul.f32 v19, v31;
	[tilespmem:s9+$0x80] =	vst v6;
	v34 =	vld [tilespmem:s15+$0xFFFFFFE0]  }
0x1e6: {  	v6 =	vperm.xlane v8, v4;
	v8 =	vmul.f32 v48, v46;
	[tilespmem:s11+$0xFFFFFF60] =	vst v5;
	v5 =	vand.u32 $0xFFFF0000, v47  }
0x1e7: {  	v37 =	vld [tilespmem:s14+$0xFFFFFFF0];
	v35 =	vperm.xlane v17, v1;
	[tilespmem:s11+$0xFFFFFF70] =	vst v14;
	v5 =	vmul.f32 v5, v29;
	v36 =	vand.u32 $0xFFFF0000, v62  }
0x1e8: {  	v49 =	vld [tilespmem:s15+$0x30];
	[tilespmem:s9+$0x30] =	vst v8;
	v38 =	vshll.u32 v62, $0x10;
	v13 =	vmul.f32 v36, v33  }
0x1e9: {  	v39 =	vperm.xlane v22, v1;
	[tilespmem:s9+$0xFFFFFF90] =	vst v5;
	v5 =	vshll.u32 v28, $0x10;
	v9 =	vmul.f32 v38, v35  }
0x1ea: {  	v41 =	vperm.xlane v22, v2;
	v43 =	vld [tilespmem:s15+$0xFFFFFFD0];
	v5 =	vmul.f32 v5, v15;
	[tilespmem:s11+$0x10] =	vst v13;
	v42 =	vshll.u32 v34, $0x10  }
0x1eb: {  	[tilespmem:s11+$0x0] =	vst v9;
	v45 =	vand.u32 $0xFFFF0000, v34;
	v14 =	vmul.f32 v42, v39  }
0x1ec: {  	v56 =	vperm.xlane v7, v3;
	v10 =	vand.u32 $0xFFFF0000, v37;
	[tilespmem:s9+$0x70] =	vst v5;
	v13 =	vmul.f32 v45, v41  }
0x1ed: {  	v50 =	vperm.xlane v11, v3;
	v6 =	vmul.f32 v10, v6;
	v57 =	vshll.u32 v49, $0x10;
	v5 =	vld [tilespmem:s15+$0x10];
	[tilespmem:s11+$0xFFFFFFB0] =	vst v14  }
0x1ee: {  	v11 =	vperm.xlane v11, v4;
	v47 =	vshll.u32 v37, $0x10;
	v60 =	vmul.f32 v57, v56;
	[tilespmem:s11+$0xFFFFFFC0] =	vst v13  }
0x1ef: {  	[tilespmem:s9+$0xFFFFFFE0] =	vst v6;
	v9 =	vmul.f32 v47, v44;
	v6 =	vand.u32 $0xFFFF0000, v43;
	v52 =	vld [tilespmem:s15+$0xFFFFFFF0]  }
0x1f0: {  	v7 =	vperm.xlane v7, v4;
	v51 =	vshll.u32 v43, $0x10;
	[tilespmem:s11+$0x70] =	vst v60;
	v6 =	vmul.f32 v6, v11  }
0x1f1: {  	v53 =	vperm.xlane v17, v3;
	v59 =	vand.u32 $0xFFFF0000, v49;
	v54 =	vmul.f32 v51, v50;
	[tilespmem:s9+$0xFFFFFFD0] =	vst v9  }
0x1f2: {  	v61 =	vperm.xlane v17, v4;
	[tilespmem:s11+$0xFFFFFF90] =	vst v6;
	v6 =	vmul.f32 v59, v7;
	v55 =	vshll.u32 v5, $0x10  }
0x1f3: {  	s29 =	sadd.s32 $0x1, s29;
	v58 =	vperm.xlane v22, v3;
	[tilespmem:s11+$0xFFFFFF80] =	vst v54;
	v5 =	vand.u32 $0xFFFF0000, v5;
	v9 =	vmul.f32 v55, v53  }
0x1f4: {  	p1 =	sne.s32 s29, $0x3F;
	v7 =	vperm.xlane v22, v4;
	[tilespmem:s11+$0x80] =	vst v6;
	v5 =	vmul.f32 v5, v61;
	v62 =	vshll.u32 v52, $0x10  }
.Ltmp6:
0x1f5: {  	[tilespmem:s11+$0x20] =	vst v9;
	v63 =	vand.u32 $0xFFFF0000, v52;
	v8 =	vmul.f32 v62, v58;
	(pc) =	sbr.rel @p1 .LBB2_4-.Ltmp6, $4  }
.Ltmp7:
0x1f6: {  	[tilespmem:s11+$0x30] =	vst v5;
	v6 =	vmul.f32 v63, v7;
	(pc) =	sbr.rel @!p1 .LBB2_10-.Ltmp7, $4  }
0x1f7: {  	[tilespmem:s11+$0xFFFFFFD0] =	vst v8  }
0x1f8: {  	[tilespmem:s11+$0xFFFFFFE0] =	vst v6  }
0x1f9: {  	[spmem:s1] =	stream.indirect.scatter.add.f32 [tilespmem:s16], [sflag:$0x5], $0x50, s24, s19, $0xb8;
	[tilespmem:$0x105E0] =	vst v63  }
0x1fa: {  	_ = 	snop  }
.LBB2_11:
0x1fb: {  	_ =	sfence.sel $0x180000  }
0x1fc: {  	[bflag:$0x0] =	sbarrier.arrive $0xFFFF  }
0x1fd: {  	_ =	strace $0x90000047  }
0x1fe: {  	s0 =	stileid.u32;
	[bflag:$0x2] =	sbarrier.arrive $0xFFFF  }
0x1ff: {  	p0 =	sne.s32 s0, $0x0;
	s0 =	rddreg [dreg:$0x2]  }
0x200: {  	s0 =	sadd.s32 @!p0 $0x100000, s0  }
0x201: {  	[sflag:s0] =	ssyncadd.tile.s32 @!p0 $0x1;
	_ =	shalt  }
.Lfunc_end2:
_tile_overlayer_lowered:
.L_overlay_start_2:
0x202: {  	(tag) =	ssettag $0x2  }
0x203: {  	s0 =	rddreg [dreg:$0x0];
	s2 =	stileid.u32  }
0x204: {  	s1 =	rddreg [dreg:$0x1];
	p0 =	sne.s32 s2, $0x0  }
0x205: {  	s3 =	rddreg [dreg:$0x2];
	[bflag:$0x3] =	sbarrier.arrive $0xFFFF;
	s2 =	simm.s32 @!p0 $0x1C06  }
0x206: {  	[timem:s3], [sflag:s2] =	dma.local @!p0 [hbm:s0], s1  }
0x207: {  	s0 =	simm.s32 @!p0 $0x6  }
0x208: {  	_ =	swait.ge @!p0 [sflag:s0], s1  }
0x209: {  	s1 =	ssub.s32 @!p0 $0x0, s1;
	[sflag:s0] =	ssyncset.done @!p0 $0x0  }
0x20a: {  	[sflag:s0] =	ssyncadd.s32 @!p0 s1  }
0x20b: {  	[bflag:$0x3] =	sbarrier.arrive $0xFFFF  }
0x20c: {  	_ =	shalt  }

</sc_bundles>
